<compile_context>
chip_gen: v7x
topology: tpu7x:2x2x1
jax: 0.10.2.dev20260603
libtpu: 0.0.44.dev20260713+nightly
codegen_flags: <defaults>
</compile_context>

<pallas_src>
import functools

import jax
import jax.numpy as jnp
from jax import lax
from jax.experimental import pallas as pl
from jax.experimental.pallas import tpu as pltpu
from jax.experimental.pallas import tpu_sc as plsc

BATCH = 16384
D = 128
NC = 2
NS = 16
NW = NC * NS
BPW = BATCH // NW
CH = 64
NCHUNK = BPW // CH

_mesh = plsc.VectorSubcoreMesh(core_axis_name="c", subcore_axis_name="s")


@functools.partial(
    pl.kernel,
    out_type=jax.ShapeDtypeStruct((BATCH,), jnp.float32),
    mesh=_mesh,
    compiler_params=pltpu.CompilerParams(needs_layout_passes=False),
    scratch_types=[
        pltpu.VMEM((BPW,), jnp.int32),
        pltpu.VMEM((BPW,), jnp.int32),
        pltpu.VMEM((CH, D), jnp.float32),
        pltpu.VMEM((CH, D), jnp.float32),
        pltpu.VMEM((CH, D), jnp.float32),
        pltpu.VMEM((CH, D), jnp.float32),
        pltpu.VMEM((BPW,), jnp.float32),
        pltpu.VMEM((BPW,), jnp.float32),
        pltpu.VMEM((BPW,), jnp.float32),
        pltpu.SemaphoreType.DMA,
        pltpu.SemaphoreType.DMA,
    ],
)
def _mf_kernel(user_hbm, mission_hbm, uemb_hbm, memb_hbm, ubias_hbm, mbias_hbm,
               out_hbm, uidx_v, midx_v, urows0_v, urows1_v, mrows0_v, mrows1_v,
               ub_v, mb_v, out_v, sem0, sem1):
    wid = lax.axis_index("s") * NC + lax.axis_index("c")
    base = wid * BPW

    pltpu.sync_copy(user_hbm.at[pl.ds(base, BPW)], uidx_v)
    pltpu.sync_copy(mission_hbm.at[pl.ds(base, BPW)], midx_v)

    lanes = lax.iota(jnp.int32, 16)
    perm8 = jnp.where(lanes < 8, 7 - lanes, 0)
    perm4 = jnp.where(lanes < 4, 3 - lanes, 0)
    perm2 = jnp.where(lanes < 2, 1 - lanes, 0)
    lane0 = lanes < 1
    urows = (urows0_v, urows1_v)
    mrows = (mrows0_v, mrows1_v)
    sems = (sem0, sem1)

    def shuf(v, perm):
        dnums = lax.GatherDimensionNumbers(
            offset_dims=(), collapsed_slice_dims=(0,), start_index_map=(0,))
        return lax.gather(v, perm.reshape(16, 1), dnums, (1,),
                          mode=lax.GatherScatterMode.PROMISE_IN_BOUNDS)

    def start(c):
        uix = uidx_v.at[pl.ds(c * CH, CH)]
        mix = midx_v.at[pl.ds(c * CH, CH)]
        s = sems[c % 2]
        return (
            pltpu.async_copy(uemb_hbm.at[uix], urows[c % 2], s),
            pltpu.async_copy(memb_hbm.at[mix], mrows[c % 2], s),
            pltpu.async_copy(ubias_hbm.at[uix], ub_v.at[pl.ds(c * CH, CH)], s),
            pltpu.async_copy(mbias_hbm.at[mix], mb_v.at[pl.ds(c * CH, CH)], s),
        )

    pending = start(0)
    for c in range(NCHUNK):
        nxt = start(c + 1) if c + 1 < NCHUNK else ()
        for cp in pending:
            cp.wait()
        pending = nxt
        urows_v = urows[c % 2]
        mrows_v = mrows[c % 2]

        def init_body(g, _, c=c):
            off = c * CH + g * 16
            out_v[pl.ds(off, 16)] = ub_v[pl.ds(off, 16)] + mb_v[pl.ds(off, 16)]
            return 0

        lax.fori_loop(0, CH // 16, init_body, 0)

        @plsc.parallel_loop(0, CH, unroll=4)
        def row_body(i, c=c, urows_v=urows_v, mrows_v=mrows_v):
            prods = [urows_v[i, pl.ds(j * 16, 16)] * mrows_v[i, pl.ds(j * 16, 16)]
                     for j in range(D // 16)]
            while len(prods) > 1:
                prods = [prods[k] + prods[k + 1] for k in range(0, len(prods), 2)]
            v = prods[0]
            v = v + lax.rev(v, (0,))
            v = v + shuf(v, perm8)
            v = v + shuf(v, perm4)
            v = v + shuf(v, perm2)
            oidx = jnp.zeros((16,), jnp.int32) + (c * CH + i)
            plsc.addupdate_scatter(out_v, [oidx], v, mask=lane0)

    pltpu.sync_copy(out_v, out_hbm.at[pl.ds(base, BPW)])


def kernel(user, mission, user_embedding, mission_embedding, user_bias, mission_bias):
    return _mf_kernel(user, mission, user_embedding, mission_embedding,
                      user_bias.reshape(-1), mission_bias.reshape(-1))

# --- scband reference (transcript-rebuilt; emitter-appended) ---
"""Pipeline reference for scband-mf-85100482003110 (READ-ONLY COPY).

The authoritative reference and input builder live on the scoring server;
editing this copy changes nothing except your own understanding.
"""

import jax, jax.numpy as jnp
import numpy as np

NUM_USERS = 100000
NUM_MISSIONS = 100000
EMBED_DIM = 128
BATCH = 16384

def _xavier_uniform(key, shape):
    fan_in, fan_out = shape[1], shape[0]
    limit = float(np.sqrt(6.0 / (fan_in + fan_out)))
    return jax.random.uniform(key, shape, dtype=jnp.float32, minval=-limit, maxval=limit)

def setup_inputs(seed: int = 0) -> dict:
    key = jax.random.key(seed)
    k_user, k_mission, k_ue, k_me = jax.random.split(key, 4)
    user = jax.random.randint(k_user, (BATCH,), 0, NUM_USERS, dtype=jnp.int64 if jax.config.jax_enable_x64 else jnp.int32).astype(jnp.int32)
    mission = jax.random.randint(k_mission, (BATCH,), 0, NUM_MISSIONS, dtype=jnp.int32)
    user_embedding = _xavier_uniform(k_ue, (NUM_USERS, EMBED_DIM))
    mission_embedding = _xavier_uniform(k_me, (NUM_MISSIONS, EMBED_DIM))
    user_bias = jnp.zeros((NUM_USERS, 1), dtype=jnp.float32)
    mission_bias = jnp.zeros((NUM_MISSIONS, 1), dtype=jnp.float32)
    return {
        'user': user,
        'mission': mission,
        'user_embedding': user_embedding,
        'mission_embedding': mission_embedding,
        'user_bias': user_bias,
        'mission_bias': mission_bias,
    }

def reference(user, mission, user_embedding, mission_embedding, user_bias, mission_bias):
    user_emb = jnp.take(user_embedding, user, axis=0)
    mission_emb = jnp.take(mission_embedding, mission, axis=0)
    ub = jnp.take(user_bias, user, axis=0)
    mb = jnp.take(mission_bias, mission, axis=0)
    dot = jnp.sum(user_emb * mission_emb, axis=1, keepdims=True) + ub + mb
    return jnp.squeeze(dot, axis=1)

if __name__ == "__main__":
    import jax
    _d = setup_inputs()
    print(jax.jit(kernel)(*tuple(_d.values())))

</pallas_src>

<mosaic_0001>
#map = affine_map<(d0, d1) -> (0)>
#map1 = affine_map<(d0, d1) -> (0, 0)>
module attributes {stable_mosaic.version = 14 : i64} {
  func.func @_mf_kernel(%arg0: i32, %arg1: i32, %arg2: memref<16384xi32, #tpu.memory_space<hbm>>, %arg3: memref<16384xi32, #tpu.memory_space<hbm>>, %arg4: memref<100000x128xf32, #tpu.memory_space<hbm>>, %arg5: memref<100000x128xf32, #tpu.memory_space<hbm>>, %arg6: memref<100000xf32, #tpu.memory_space<hbm>>, %arg7: memref<100000xf32, #tpu.memory_space<hbm>>, %arg8: memref<16384xf32, #tpu.memory_space<hbm>>, %arg9: memref<512xi32, #tpu.memory_space<vmem>>, %arg10: memref<512xi32, #tpu.memory_space<vmem>>, %arg11: memref<64x128xf32, #tpu.memory_space<vmem>>, %arg12: memref<64x128xf32, #tpu.memory_space<vmem>>, %arg13: memref<64x128xf32, #tpu.memory_space<vmem>>, %arg14: memref<64x128xf32, #tpu.memory_space<vmem>>, %arg15: memref<512xf32, #tpu.memory_space<vmem>>, %arg16: memref<512xf32, #tpu.memory_space<vmem>>, %arg17: memref<512xf32, #tpu.memory_space<vmem>>, %arg18: memref<!tpu.dma_semaphore, #tpu.memory_space<semaphore_mem>>, %arg19: memref<!tpu.dma_semaphore, #tpu.memory_space<semaphore_mem>>) attributes {dimension_semantics = [#tpu.dimension_semantics<core_parallel>, #tpu.dimension_semantics<subcore_parallel>], iteration_bounds = array<i64: 2, 16>, scalar_prefetch = 0 : i64, scratch_operands = 11 : i64, tpu.core_type = #tpu.core_type<sc_vector_subcore>, window_params = [{transform_indices = #map}, {transform_indices = #map}, {transform_indices = #map1}, {transform_indices = #map1}, {transform_indices = #map}, {transform_indices = #map}, {transform_indices = #map}]} {
    %mul3A = arith.constant 2 : i32
    %mul3A_0 = arith.muli %arg1, %mul3A : i32
    %add3A = arith.addi %mul3A_0, %arg0 : i32
    %mul3A_1 = arith.constant 512 : i32
    %mul3A_2 = arith.muli %add3A, %mul3A_1 : i32
    "tpu.region"() ({
      %run_scoped3A = tpu.sem_alloc : memref<!tpu.dma_semaphore, #tpu.memory_space<semaphore_mem>>
      %dma_start3A_456 = tpu.memref_slice %arg2[%mul3A_2] : memref<16384xi32, #tpu.memory_space<hbm>> -> memref<512xi32, #tpu.memory_space<hbm>>
      %dma_start3A_457 = tpu.memref_slice %arg2[%mul3A_2] : memref<16384xi32, #tpu.memory_space<hbm>> -> memref<512xi32, #tpu.memory_space<hbm>>
      tpu.enqueue_dma source(%dma_start3A_457 : memref<512xi32, #tpu.memory_space<hbm>>) target(%arg9 : memref<512xi32, #tpu.memory_space<vmem>>) target_semaphore(%run_scoped3A : memref<!tpu.dma_semaphore, #tpu.memory_space<semaphore_mem>>)
      %dma_wait3A_458 = tpu.memref_slice %arg2[%mul3A_2] : memref<16384xi32, #tpu.memory_space<hbm>> -> memref<512xi32, #tpu.memory_space<hbm>>
      %dma_wait3A_459 = tpu.memref_slice %arg2[%mul3A_2] : memref<16384xi32, #tpu.memory_space<hbm>> -> memref<512xi32, #tpu.memory_space<hbm>>
      tpu.wait_dma2 semaphore(%run_scoped3A : memref<!tpu.dma_semaphore, #tpu.memory_space<semaphore_mem>>) src(%dma_wait3A_459 : memref<512xi32, #tpu.memory_space<hbm>>) dst(%arg9 : memref<512xi32, #tpu.memory_space<vmem>>)
      tpu.yield
    }) : () -> ()
    "tpu.region"() ({
      %run_scoped3A = tpu.sem_alloc : memref<!tpu.dma_semaphore, #tpu.memory_space<semaphore_mem>>
      %dma_start3A_456 = tpu.memref_slice %arg3[%mul3A_2] : memref<16384xi32, #tpu.memory_space<hbm>> -> memref<512xi32, #tpu.memory_space<hbm>>
      %dma_start3A_457 = tpu.memref_slice %arg3[%mul3A_2] : memref<16384xi32, #tpu.memory_space<hbm>> -> memref<512xi32, #tpu.memory_space<hbm>>
      tpu.enqueue_dma source(%dma_start3A_457 : memref<512xi32, #tpu.memory_space<hbm>>) target(%arg10 : memref<512xi32, #tpu.memory_space<vmem>>) target_semaphore(%run_scoped3A : memref<!tpu.dma_semaphore, #tpu.memory_space<semaphore_mem>>)
      %dma_wait3A_458 = tpu.memref_slice %arg3[%mul3A_2] : memref<16384xi32, #tpu.memory_space<hbm>> -> memref<512xi32, #tpu.memory_space<hbm>>
      %dma_wait3A_459 = tpu.memref_slice %arg3[%mul3A_2] : memref<16384xi32, #tpu.memory_space<hbm>> -> memref<512xi32, #tpu.memory_space<hbm>>
      tpu.wait_dma2 semaphore(%run_scoped3A : memref<!tpu.dma_semaphore, #tpu.memory_space<semaphore_mem>>) src(%dma_wait3A_459 : memref<512xi32, #tpu.memory_space<hbm>>) dst(%arg10 : memref<512xi32, #tpu.memory_space<vmem>>)
      tpu.yield
    }) : () -> ()
    %iota3A = tpu.iota {dimensions = array<i32: 0>} : vector<16xi32>
    %lt3A = arith.constant 8 : i32
    %lt3A_3 = vector.broadcast %lt3A : i32 to vector<16xi32>
    %lt3A_4 = arith.cmpi slt, %iota3A, %lt3A_3 : vector<16xi32>
    %sub3A = arith.constant 7 : i32
    %sub3A_5 = vector.broadcast %sub3A : i32 to vector<16xi32>
    %sub3A_6 = arith.subi %sub3A_5, %iota3A : vector<16xi32>
    %jit3A = arith.constant 0 : i32
    %broadcast_in_dim3A = vector.broadcast %jit3A : i32 to vector<16xi32>
    %select_n3A = arith.select %lt3A_4, %sub3A_6, %broadcast_in_dim3A : vector<16xi1>, vector<16xi32>
    %lt3A_7 = arith.constant 4 : i32
    %lt3A_8 = vector.broadcast %lt3A_7 : i32 to vector<16xi32>
    %lt3A_9 = arith.cmpi slt, %iota3A, %lt3A_8 : vector<16xi32>
    %sub3A_10 = arith.constant 3 : i32
    %sub3A_11 = vector.broadcast %sub3A_10 : i32 to vector<16xi32>
    %sub3A_12 = arith.subi %sub3A_11, %iota3A : vector<16xi32>
    %jit3A_13 = arith.constant 0 : i32
    %broadcast_in_dim3A_14 = vector.broadcast %jit3A_13 : i32 to vector<16xi32>
    %select_n3A_15 = arith.select %lt3A_9, %sub3A_12, %broadcast_in_dim3A_14 : vector<16xi1>, vector<16xi32>
    %lt3A_16 = arith.constant 2 : i32
    %lt3A_17 = vector.broadcast %lt3A_16 : i32 to vector<16xi32>
    %lt3A_18 = arith.cmpi slt, %iota3A, %lt3A_17 : vector<16xi32>
    %sub3A_19 = arith.constant 1 : i32
    %sub3A_20 = vector.broadcast %sub3A_19 : i32 to vector<16xi32>
    %sub3A_21 = arith.subi %sub3A_20, %iota3A : vector<16xi32>
    %jit3A_22 = arith.constant 0 : i32
    %broadcast_in_dim3A_23 = vector.broadcast %jit3A_22 : i32 to vector<16xi32>
    %select_n3A_24 = arith.select %lt3A_18, %sub3A_21, %broadcast_in_dim3A_23 : vector<16xi1>, vector<16xi32>
    %lt3A_25 = arith.constant 1 : i32
    %lt3A_26 = vector.broadcast %lt3A_25 : i32 to vector<16xi32>
    %lt3A_27 = arith.cmpi slt, %iota3A, %lt3A_26 : vector<16xi32>
    %dma_start3A = arith.constant 0 : i32
    %dma_start3A_28 = tpu.memref_slice %arg9[%dma_start3A] : memref<512xi32, #tpu.memory_space<vmem>> -> memref<64xi32, #tpu.memory_space<vmem>>
    %dma_start3A_29 = arith.constant 0 : i32
    %dma_start3A_30 = arith.constant 0 : i32
    %dma_start3A_31 = tpu.memref_slice %arg4[%dma_start3A_29, %dma_start3A_30] : memref<100000x128xf32, #tpu.memory_space<hbm>> -> memref<100000x128xf32, #tpu.memory_space<hbm>>
    tpu.enqueue_indirect_dma source(%dma_start3A_31 : memref<100000x128xf32, #tpu.memory_space<hbm>>) target(%arg11 : memref<64x128xf32, #tpu.memory_space<vmem>>) offsets(%dma_start3A_28 : memref<64xi32, #tpu.memory_space<vmem>>) semaphore(%arg18 : memref<!tpu.dma_semaphore, #tpu.memory_space<semaphore_mem>>)
    %dma_start3A_32 = arith.constant 0 : i32
    %dma_start3A_33 = tpu.memref_slice %arg10[%dma_start3A_32] : memref<512xi32, #tpu.memory_space<vmem>> -> memref<64xi32, #tpu.memory_space<vmem>>
    %dma_start3A_34 = arith.constant 0 : i32
    %dma_start3A_35 = arith.constant 0 : i32
    %dma_start3A_36 = tpu.memref_slice %arg5[%dma_start3A_34, %dma_start3A_35] : memref<100000x128xf32, #tpu.memory_space<hbm>> -> memref<100000x128xf32, #tpu.memory_space<hbm>>
    tpu.enqueue_indirect_dma source(%dma_start3A_36 : memref<100000x128xf32, #tpu.memory_space<hbm>>) target(%arg13 : memref<64x128xf32, #tpu.memory_space<vmem>>) offsets(%dma_start3A_33 : memref<64xi32, #tpu.memory_space<vmem>>) semaphore(%arg18 : memref<!tpu.dma_semaphore, #tpu.memory_space<semaphore_mem>>)
    %dma_start3A_37 = arith.constant 0 : i32
    %dma_start3A_38 = tpu.memref_slice %arg15[%dma_start3A_37] : memref<512xf32, #tpu.memory_space<vmem>> -> memref<64xf32, #tpu.memory_space<vmem>>
    %dma_start3A_39 = arith.constant 0 : i32
    %dma_start3A_40 = tpu.memref_slice %arg9[%dma_start3A_39] : memref<512xi32, #tpu.memory_space<vmem>> -> memref<64xi32, #tpu.memory_space<vmem>>
    %dma_start3A_41 = arith.constant 0 : i32
    %dma_start3A_42 = tpu.memref_slice %arg6[%dma_start3A_41] : memref<100000xf32, #tpu.memory_space<hbm>> -> memref<100000xf32, #tpu.memory_space<hbm>>
    tpu.enqueue_indirect_dma source(%dma_start3A_42 : memref<100000xf32, #tpu.memory_space<hbm>>) target(%dma_start3A_38 : memref<64xf32, #tpu.memory_space<vmem>>) offsets(%dma_start3A_40 : memref<64xi32, #tpu.memory_space<vmem>>) semaphore(%arg18 : memref<!tpu.dma_semaphore, #tpu.memory_space<semaphore_mem>>)
    %dma_start3A_43 = arith.constant 0 : i32
    %dma_start3A_44 = tpu.memref_slice %arg16[%dma_start3A_43] : memref<512xf32, #tpu.memory_space<vmem>> -> memref<64xf32, #tpu.memory_space<vmem>>
    %dma_start3A_45 = arith.constant 0 : i32
    %dma_start3A_46 = tpu.memref_slice %arg10[%dma_start3A_45] : memref<512xi32, #tpu.memory_space<vmem>> -> memref<64xi32, #tpu.memory_space<vmem>>
    %dma_start3A_47 = arith.constant 0 : i32
    %dma_start3A_48 = tpu.memref_slice %arg7[%dma_start3A_47] : memref<100000xf32, #tpu.memory_space<hbm>> -> memref<100000xf32, #tpu.memory_space<hbm>>
    tpu.enqueue_indirect_dma source(%dma_start3A_48 : memref<100000xf32, #tpu.memory_space<hbm>>) target(%dma_start3A_44 : memref<64xf32, #tpu.memory_space<vmem>>) offsets(%dma_start3A_46 : memref<64xi32, #tpu.memory_space<vmem>>) semaphore(%arg18 : memref<!tpu.dma_semaphore, #tpu.memory_space<semaphore_mem>>)
    %dma_start3A_49 = arith.constant 64 : i32
    %dma_start3A_50 = tpu.memref_slice %arg9[%dma_start3A_49] : memref<512xi32, #tpu.memory_space<vmem>> -> memref<64xi32, #tpu.memory_space<vmem>>
    %dma_start3A_51 = arith.constant 0 : i32
    %dma_start3A_52 = arith.constant 0 : i32
    %dma_start3A_53 = tpu.memref_slice %arg4[%dma_start3A_51, %dma_start3A_52] : memref<100000x128xf32, #tpu.memory_space<hbm>> -> memref<100000x128xf32, #tpu.memory_space<hbm>>
    tpu.enqueue_indirect_dma source(%dma_start3A_53 : memref<100000x128xf32, #tpu.memory_space<hbm>>) target(%arg12 : memref<64x128xf32, #tpu.memory_space<vmem>>) offsets(%dma_start3A_50 : memref<64xi32, #tpu.memory_space<vmem>>) semaphore(%arg19 : memref<!tpu.dma_semaphore, #tpu.memory_space<semaphore_mem>>)
    %dma_start3A_54 = arith.constant 64 : i32
    %dma_start3A_55 = tpu.memref_slice %arg10[%dma_start3A_54] : memref<512xi32, #tpu.memory_space<vmem>> -> memref<64xi32, #tpu.memory_space<vmem>>
    %dma_start3A_56 = arith.constant 0 : i32
    %dma_start3A_57 = arith.constant 0 : i32
    %dma_start3A_58 = tpu.memref_slice %arg5[%dma_start3A_56, %dma_start3A_57] : memref<100000x128xf32, #tpu.memory_space<hbm>> -> memref<100000x128xf32, #tpu.memory_space<hbm>>
    tpu.enqueue_indirect_dma source(%dma_start3A_58 : memref<100000x128xf32, #tpu.memory_space<hbm>>) target(%arg14 : memref<64x128xf32, #tpu.memory_space<vmem>>) offsets(%dma_start3A_55 : memref<64xi32, #tpu.memory_space<vmem>>) semaphore(%arg19 : memref<!tpu.dma_semaphore, #tpu.memory_space<semaphore_mem>>)
    %dma_start3A_59 = arith.constant 64 : i32
    %dma_start3A_60 = tpu.memref_slice %arg15[%dma_start3A_59] : memref<512xf32, #tpu.memory_space<vmem>> -> memref<64xf32, #tpu.memory_space<vmem>>
    %dma_start3A_61 = arith.constant 64 : i32
    %dma_start3A_62 = tpu.memref_slice %arg9[%dma_start3A_61] : memref<512xi32, #tpu.memory_space<vmem>> -> memref<64xi32, #tpu.memory_space<vmem>>
    %dma_start3A_63 = arith.constant 0 : i32
    %dma_start3A_64 = tpu.memref_slice %arg6[%dma_start3A_63] : memref<100000xf32, #tpu.memory_space<hbm>> -> memref<100000xf32, #tpu.memory_space<hbm>>
    tpu.enqueue_indirect_dma source(%dma_start3A_64 : memref<100000xf32, #tpu.memory_space<hbm>>) target(%dma_start3A_60 : memref<64xf32, #tpu.memory_space<vmem>>) offsets(%dma_start3A_62 : memref<64xi32, #tpu.memory_space<vmem>>) semaphore(%arg19 : memref<!tpu.dma_semaphore, #tpu.memory_space<semaphore_mem>>)
    %dma_start3A_65 = arith.constant 64 : i32
    %dma_start3A_66 = tpu.memref_slice %arg16[%dma_start3A_65] : memref<512xf32, #tpu.memory_space<vmem>> -> memref<64xf32, #tpu.memory_space<vmem>>
    %dma_start3A_67 = arith.constant 64 : i32
    %dma_start3A_68 = tpu.memref_slice %arg10[%dma_start3A_67] : memref<512xi32, #tpu.memory_space<vmem>> -> memref<64xi32, #tpu.memory_space<vmem>>
    %dma_start3A_69 = arith.constant 0 : i32
    %dma_start3A_70 = tpu.memref_slice %arg7[%dma_start3A_69] : memref<100000xf32, #tpu.memory_space<hbm>> -> memref<100000xf32, #tpu.memory_space<hbm>>
    tpu.enqueue_indirect_dma source(%dma_start3A_70 : memref<100000xf32, #tpu.memory_space<hbm>>) target(%dma_start3A_66 : memref<64xf32, #tpu.memory_space<vmem>>) offsets(%dma_start3A_68 : memref<64xi32, #tpu.memory_space<vmem>>) semaphore(%arg19 : memref<!tpu.dma_semaphore, #tpu.memory_space<semaphore_mem>>)
    %dma_wait3A = arith.constant 0 : i32
    %dma_wait3A_71 = tpu.memref_slice %arg9[%dma_wait3A] : memref<512xi32, #tpu.memory_space<vmem>> -> memref<64xi32, #tpu.memory_space<vmem>>
    %dma_wait3A_72 = arith.constant 0 : i32
    %dma_wait3A_73 = arith.constant 0 : i32
    %dma_wait3A_74 = tpu.memref_slice %arg4[%dma_wait3A_72, %dma_wait3A_73] : memref<100000x128xf32, #tpu.memory_space<hbm>> -> memref<100000x128xf32, #tpu.memory_space<hbm>>
    tpu.wait_indirect_dma semaphore(%arg18 : memref<!tpu.dma_semaphore, #tpu.memory_space<semaphore_mem>>) src(%dma_wait3A_74 : memref<100000x128xf32, #tpu.memory_space<hbm>>) dst(%arg11 : memref<64x128xf32, #tpu.memory_space<vmem>>)
    %dma_wait3A_75 = arith.constant 0 : i32
    %dma_wait3A_76 = tpu.memref_slice %arg10[%dma_wait3A_75] : memref<512xi32, #tpu.memory_space<vmem>> -> memref<64xi32, #tpu.memory_space<vmem>>
    %dma_wait3A_77 = arith.constant 0 : i32
    %dma_wait3A_78 = arith.constant 0 : i32
    %dma_wait3A_79 = tpu.memref_slice %arg5[%dma_wait3A_77, %dma_wait3A_78] : memref<100000x128xf32, #tpu.memory_space<hbm>> -> memref<100000x128xf32, #tpu.memory_space<hbm>>
    tpu.wait_indirect_dma semaphore(%arg18 : memref<!tpu.dma_semaphore, #tpu.memory_space<semaphore_mem>>) src(%dma_wait3A_79 : memref<100000x128xf32, #tpu.memory_space<hbm>>) dst(%arg13 : memref<64x128xf32, #tpu.memory_space<vmem>>)
    %dma_wait3A_80 = arith.constant 0 : i32
    %dma_wait3A_81 = tpu.memref_slice %arg15[%dma_wait3A_80] : memref<512xf32, #tpu.memory_space<vmem>> -> memref<64xf32, #tpu.memory_space<vmem>>
    %dma_wait3A_82 = arith.constant 0 : i32
    %dma_wait3A_83 = tpu.memref_slice %arg9[%dma_wait3A_82] : memref<512xi32, #tpu.memory_space<vmem>> -> memref<64xi32, #tpu.memory_space<vmem>>
    %dma_wait3A_84 = arith.constant 0 : i32
    %dma_wait3A_85 = tpu.memref_slice %arg6[%dma_wait3A_84] : memref<100000xf32, #tpu.memory_space<hbm>> -> memref<100000xf32, #tpu.memory_space<hbm>>
    tpu.wait_indirect_dma semaphore(%arg18 : memref<!tpu.dma_semaphore, #tpu.memory_space<semaphore_mem>>) src(%dma_wait3A_85 : memref<100000xf32, #tpu.memory_space<hbm>>) dst(%dma_wait3A_81 : memref<64xf32, #tpu.memory_space<vmem>>)
    %dma_wait3A_86 = arith.constant 0 : i32
    %dma_wait3A_87 = tpu.memref_slice %arg16[%dma_wait3A_86] : memref<512xf32, #tpu.memory_space<vmem>> -> memref<64xf32, #tpu.memory_space<vmem>>
    %dma_wait3A_88 = arith.constant 0 : i32
    %dma_wait3A_89 = tpu.memref_slice %arg10[%dma_wait3A_88] : memref<512xi32, #tpu.memory_space<vmem>> -> memref<64xi32, #tpu.memory_space<vmem>>
    %dma_wait3A_90 = arith.constant 0 : i32
    %dma_wait3A_91 = tpu.memref_slice %arg7[%dma_wait3A_90] : memref<100000xf32, #tpu.memory_space<hbm>> -> memref<100000xf32, #tpu.memory_space<hbm>>
    tpu.wait_indirect_dma semaphore(%arg18 : memref<!tpu.dma_semaphore, #tpu.memory_space<semaphore_mem>>) src(%dma_wait3A_91 : memref<100000xf32, #tpu.memory_space<hbm>>) dst(%dma_wait3A_87 : memref<64xf32, #tpu.memory_space<vmem>>)
    %scan3A = arith.constant 0 : i32
    %scan3A_92 = arith.constant 0 : i32
    %scan3A_93 = arith.constant 4 : i32
    %scan3A_94 = arith.addi %scan3A_92, %scan3A_93 : i32
    %scan3A_95 = arith.constant 1 : i32
    %scan3A_96 = scf.for %scan3A_456 = %scan3A_92 to %scan3A_94 step %scan3A_95 iter_args(%scan3A_457 = %scan3A) -> (i32)  : i32 {
      %mul3A_458 = arith.constant 16 : i32
      %mul3A_459 = arith.muli %scan3A_456, %mul3A_458 : i32
      %add3A_460 = arith.constant 0 : i32
      %add3A_461 = arith.addi %add3A_460, %mul3A_459 : i32
      %get3A = arith.index_cast %add3A_461 : i32 to index
      %get3A_462 = tpu.vector_load %arg15[%get3A] {strides = array<i32>} : memref<512xf32, #tpu.memory_space<vmem>>, vector<16xf32>,
      %get3A_463 = arith.index_cast %add3A_461 : i32 to index
      %get3A_464 = tpu.vector_load %arg16[%get3A_463] {strides = array<i32>} : memref<512xf32, #tpu.memory_space<vmem>>, vector<16xf32>,
      %add3A_465 = arith.addf %get3A_462, %get3A_464 : vector<16xf32>
      %swap3A = arith.index_cast %add3A_461 : i32 to index
      %swap3A_466 = tpu.vector_load %arg17[%swap3A] {strides = array<i32>} : memref<512xf32, #tpu.memory_space<vmem>>, vector<16xf32>,
      tpu.vector_store %arg17[%swap3A], %add3A_465 {strides = array<i32>} : memref<512xf32, #tpu.memory_space<vmem>>, vector<16xf32>,
      %scan3A_467 = arith.constant 0 : i32
      scf.yield %scan3A_467 : i32
    }
    %scan3A_97 = arith.constant 4 : i32
    %parallel_loop3A = arith.constant 0 : i32
    %parallel_loop3A_98 = arith.constant 64 : i32
    %parallel_loop3A_99 = arith.constant 1 : i32
    scf.for %parallel_loop3A_456 = %parallel_loop3A to %parallel_loop3A_98 step %parallel_loop3A_99  : i32 {
      %parallel_loop3A_457 = arith.index_cast %parallel_loop3A_456 : i32 to index
      %parallel_loop3A_458 = arith.constant 0 : index
      %parallel_loop3A_459 = tpu.vector_load %arg11[%parallel_loop3A_457, %parallel_loop3A_458] {strides = array<i32>} : memref<64x128xf32, #tpu.memory_space<vmem>>, vector<16xf32>,
      %parallel_loop3A_460 = arith.index_cast %parallel_loop3A_456 : i32 to index
      %parallel_loop3A_461 = arith.constant 0 : index
      %parallel_loop3A_462 = tpu.vector_load %arg13[%parallel_loop3A_460, %parallel_loop3A_461] {strides = array<i32>} : memref<64x128xf32, #tpu.memory_space<vmem>>, vector<16xf32>,
      %parallel_loop3A_463 = arith.mulf %parallel_loop3A_459, %parallel_loop3A_462 : vector<16xf32>
      %parallel_loop3A_464 = arith.index_cast %parallel_loop3A_456 : i32 to index
      %parallel_loop3A_465 = arith.constant 16 : index
      %parallel_loop3A_466 = tpu.vector_load %arg11[%parallel_loop3A_464, %parallel_loop3A_465] {strides = array<i32>} : memref<64x128xf32, #tpu.memory_space<vmem>>, vector<16xf32>,
      %parallel_loop3A_467 = arith.index_cast %parallel_loop3A_456 : i32 to index
      %parallel_loop3A_468 = arith.constant 16 : index
      %parallel_loop3A_469 = tpu.vector_load %arg13[%parallel_loop3A_467, %parallel_loop3A_468] {strides = array<i32>} : memref<64x128xf32, #tpu.memory_space<vmem>>, vector<16xf32>,
      %parallel_loop3A_470 = arith.mulf %parallel_loop3A_466, %parallel_loop3A_469 : vector<16xf32>
      %parallel_loop3A_471 = arith.index_cast %parallel_loop3A_456 : i32 to index
      %parallel_loop3A_472 = arith.constant 32 : index
      %parallel_loop3A_473 = tpu.vector_load %arg11[%parallel_loop3A_471, %parallel_loop3A_472] {strides = array<i32>} : memref<64x128xf32, #tpu.memory_space<vmem>>, vector<16xf32>,
      %parallel_loop3A_474 = arith.index_cast %parallel_loop3A_456 : i32 to index
      %parallel_loop3A_475 = arith.constant 32 : index
      %parallel_loop3A_476 = tpu.vector_load %arg13[%parallel_loop3A_474, %parallel_loop3A_475] {strides = array<i32>} : memref<64x128xf32, #tpu.memory_space<vmem>>, vector<16xf32>,
      %parallel_loop3A_477 = arith.mulf %parallel_loop3A_473, %parallel_loop3A_476 : vector<16xf32>
      %parallel_loop3A_478 = arith.index_cast %parallel_loop3A_456 : i32 to index
      %parallel_loop3A_479 = arith.constant 48 : index
      %parallel_loop3A_480 = tpu.vector_load %arg11[%parallel_loop3A_478, %parallel_loop3A_479] {strides = array<i32>} : memref<64x128xf32, #tpu.memory_space<vmem>>, vector<16xf32>,
      %parallel_loop3A_481 = arith.index_cast %parallel_loop3A_456 : i32 to index
      %parallel_loop3A_482 = arith.constant 48 : index
      %parallel_loop3A_483 = tpu.vector_load %arg13[%parallel_loop3A_481, %parallel_loop3A_482] {strides = array<i32>} : memref<64x128xf32, #tpu.memory_space<vmem>>, vector<16xf32>,
      %parallel_loop3A_484 = arith.mulf %parallel_loop3A_480, %parallel_loop3A_483 : vector<16xf32>
      %parallel_loop3A_485 = arith.index_cast %parallel_loop3A_456 : i32 to index
      %parallel_loop3A_486 = arith.constant 64 : index
      %parallel_loop3A_487 = tpu.vector_load %arg11[%parallel_loop3A_485, %parallel_loop3A_486] {strides = array<i32>} : memref<64x128xf32, #tpu.memory_space<vmem>>, vector<16xf32>,
      %parallel_loop3A_488 = arith.index_cast %parallel_loop3A_456 : i32 to index
      %parallel_loop3A_489 = arith.constant 64 : index
      %parallel_loop3A_490 = tpu.vector_load %arg13[%parallel_loop3A_488, %parallel_loop3A_489] {strides = array<i32>} : memref<64x128xf32, #tpu.memory_space<vmem>>, vector<16xf32>,
      %parallel_loop3A_491 = arith.mulf %parallel_loop3A_487, %parallel_loop3A_490 : vector<16xf32>
      %parallel_loop3A_492 = arith.index_cast %parallel_loop3A_456 : i32 to index
      %parallel_loop3A_493 = arith.constant 80 : index
      %parallel_loop3A_494 = tpu.vector_load %arg11[%parallel_loop3A_492, %parallel_loop3A_493] {strides = array<i32>} : memref<64x128xf32, #tpu.memory_space<vmem>>, vector<16xf32>,
      %parallel_loop3A_495 = arith.index_cast %parallel_loop3A_456 : i32 to index
      %parallel_loop3A_496 = arith.constant 80 : index
      %parallel_loop3A_497 = tpu.vector_load %arg13[%parallel_loop3A_495, %parallel_loop3A_496] {strides = array<i32>} : memref<64x128xf32, #tpu.memory_space<vmem>>, vector<16xf32>,
      %parallel_loop3A_498 = arith.mulf %parallel_loop3A_494, %parallel_loop3A_497 : vector<16xf32>
      %parallel_loop3A_499 = arith.index_cast %parallel_loop3A_456 : i32 to index
      %parallel_loop3A_500 = arith.constant 96 : index
      %parallel_loop3A_501 = tpu.vector_load %arg11[%parallel_loop3A_499, %parallel_loop3A_500] {strides = array<i32>} : memref<64x128xf32, #tpu.memory_space<vmem>>, vector<16xf32>,
      %parallel_loop3A_502 = arith.index_cast %parallel_loop3A_456 : i32 to index
      %parallel_loop3A_503 = arith.constant 96 : index
      %parallel_loop3A_504 = tpu.vector_load %arg13[%parallel_loop3A_502, %parallel_loop3A_503] {strides = array<i32>} : memref<64x128xf32, #tpu.memory_space<vmem>>, vector<16xf32>,
      %parallel_loop3A_505 = arith.mulf %parallel_loop3A_501, %parallel_loop3A_504 : vector<16xf32>
      %parallel_loop3A_506 = arith.index_cast %parallel_loop3A_456 : i32 to index
      %parallel_loop3A_507 = arith.constant 112 : index
      %parallel_loop3A_508 = tpu.vector_load %arg11[%parallel_loop3A_506, %parallel_loop3A_507] {strides = array<i32>} : memref<64x128xf32, #tpu.memory_space<vmem>>, vector<16xf32>,
      %parallel_loop3A_509 = arith.index_cast %parallel_loop3A_456 : i32 to index
      %parallel_loop3A_510 = arith.constant 112 : index
      %parallel_loop3A_511 = tpu.vector_load %arg13[%parallel_loop3A_509, %parallel_loop3A_510] {strides = array<i32>} : memref<64x128xf32, #tpu.memory_space<vmem>>, vector<16xf32>,
      %parallel_loop3A_512 = arith.mulf %parallel_loop3A_508, %parallel_loop3A_511 : vector<16xf32>
      %parallel_loop3A_513 = arith.addf %parallel_loop3A_463, %parallel_loop3A_470 : vector<16xf32>
      %parallel_loop3A_514 = arith.addf %parallel_loop3A_477, %parallel_loop3A_484 : vector<16xf32>
      %parallel_loop3A_515 = arith.addf %parallel_loop3A_491, %parallel_loop3A_498 : vector<16xf32>
      %parallel_loop3A_516 = arith.addf %parallel_loop3A_505, %parallel_loop3A_512 : vector<16xf32>
      %parallel_loop3A_517 = arith.addf %parallel_loop3A_513, %parallel_loop3A_514 : vector<16xf32>
      %parallel_loop3A_518 = arith.addf %parallel_loop3A_515, %parallel_loop3A_516 : vector<16xf32>
      %parallel_loop3A_519 = arith.addf %parallel_loop3A_517, %parallel_loop3A_518 : vector<16xf32>
      %parallel_loop3A_520 = arith.constant 15 : i32
      %parallel_loop3A_521 = vector.broadcast %parallel_loop3A_520 : i32 to vector<16xi32>
      %parallel_loop3A_522 = tpu.iota {dimensions = array<i32: 0>} : vector<16xi32>
      %parallel_loop3A_523 = arith.subi %parallel_loop3A_521, %parallel_loop3A_522 : vector<16xi32>
      %parallel_loop3A_524 = tpu.dynamic_gather %parallel_loop3A_519[%parallel_loop3A_523] in [0] : vector<16xf32>, vector<16xi32> -> vector<16xf32>
      %parallel_loop3A_525 = arith.addf %parallel_loop3A_519, %parallel_loop3A_524 : vector<16xf32>
      %parallel_loop3A_526 = vector.shape_cast %select_n3A : vector<16xi32> to vector<16x1xi32>
      %parallel_loop3A_527 = vector.shape_cast %parallel_loop3A_526 : vector<16x1xi32> to vector<16xi32>
      %parallel_loop3A_528 = tpu.dynamic_gather %parallel_loop3A_525[%parallel_loop3A_527] in [0] : vector<16xf32>, vector<16xi32> -> vector<16xf32>
      %parallel_loop3A_529 = arith.addf %parallel_loop3A_525, %parallel_loop3A_528 : vector<16xf32>
      %parallel_loop3A_530 = vector.shape_cast %select_n3A_15 : vector<16xi32> to vector<16x1xi32>
      %parallel_loop3A_531 = vector.shape_cast %parallel_loop3A_530 : vector<16x1xi32> to vector<16xi32>
      %parallel_loop3A_532 = tpu.dynamic_gather %parallel_loop3A_529[%parallel_loop3A_531] in [0] : vector<16xf32>, vector<16xi32> -> vector<16xf32>
      %parallel_loop3A_533 = arith.addf %parallel_loop3A_529, %parallel_loop3A_532 : vector<16xf32>
      %parallel_loop3A_534 = vector.shape_cast %select_n3A_24 : vector<16xi32> to vector<16x1xi32>
      %parallel_loop3A_535 = vector.shape_cast %parallel_loop3A_534 : vector<16x1xi32> to vector<16xi32>
      %parallel_loop3A_536 = tpu.dynamic_gather %parallel_loop3A_533[%parallel_loop3A_535] in [0] : vector<16xf32>, vector<16xi32> -> vector<16xf32>
      %parallel_loop3A_537 = arith.addf %parallel_loop3A_533, %parallel_loop3A_536 : vector<16xf32>
      %parallel_loop3A_538 = arith.constant 0 : i32
      %parallel_loop3A_539 = vector.broadcast %parallel_loop3A_538 : i32 to vector<16xi32>
      %parallel_loop3A_540 = arith.constant 0 : i32
      %parallel_loop3A_541 = arith.addi %parallel_loop3A_540, %parallel_loop3A_456 : i32
      %parallel_loop3A_542 = vector.broadcast %parallel_loop3A_541 : i32 to vector<16xi32>
      %parallel_loop3A_543 = arith.addi %parallel_loop3A_539, %parallel_loop3A_542 : vector<16xi32>
      tpu.vector_store_idx %arg17[%parallel_loop3A_543], %parallel_loop3A_537 masked %lt3A_27 {add = true} : memref<512xf32, #tpu.memory_space<vmem>>[vector<16xi32>], vector<16xf32>, vector<16xi1>
    } {sc.loop_unroll_factor = 4 : i64, sc.parallel_access}
    %dma_start3A_100 = arith.constant 128 : i32
    %dma_start3A_101 = tpu.memref_slice %arg9[%dma_start3A_100] : memref<512xi32, #tpu.memory_space<vmem>> -> memref<64xi32, #tpu.memory_space<vmem>>
    %dma_start3A_102 = arith.constant 0 : i32
    %dma_start3A_103 = arith.constant 0 : i32
    %dma_start3A_104 = tpu.memref_slice %arg4[%dma_start3A_102, %dma_start3A_103] : memref<100000x128xf32, #tpu.memory_space<hbm>> -> memref<100000x128xf32, #tpu.memory_space<hbm>>
    tpu.enqueue_indirect_dma source(%dma_start3A_104 : memref<100000x128xf32, #tpu.memory_space<hbm>>) target(%arg11 : memref<64x128xf32, #tpu.memory_space<vmem>>) offsets(%dma_start3A_101 : memref<64xi32, #tpu.memory_space<vmem>>) semaphore(%arg18 : memref<!tpu.dma_semaphore, #tpu.memory_space<semaphore_mem>>)
    %dma_start3A_105 = arith.constant 128 : i32
    %dma_start3A_106 = tpu.memref_slice %arg10[%dma_start3A_105] : memref<512xi32, #tpu.memory_space<vmem>> -> memref<64xi32, #tpu.memory_space<vmem>>
    %dma_start3A_107 = arith.constant 0 : i32
    %dma_start3A_108 = arith.constant 0 : i32
    %dma_start3A_109 = tpu.memref_slice %arg5[%dma_start3A_107, %dma_start3A_108] : memref<100000x128xf32, #tpu.memory_space<hbm>> -> memref<100000x128xf32, #tpu.memory_space<hbm>>
    tpu.enqueue_indirect_dma source(%dma_start3A_109 : memref<100000x128xf32, #tpu.memory_space<hbm>>) target(%arg13 : memref<64x128xf32, #tpu.memory_space<vmem>>) offsets(%dma_start3A_106 : memref<64xi32, #tpu.memory_space<vmem>>) semaphore(%arg18 : memref<!tpu.dma_semaphore, #tpu.memory_space<semaphore_mem>>)
    %dma_start3A_110 = arith.constant 128 : i32
    %dma_start3A_111 = tpu.memref_slice %arg15[%dma_start3A_110] : memref<512xf32, #tpu.memory_space<vmem>> -> memref<64xf32, #tpu.memory_space<vmem>>
    %dma_start3A_112 = arith.constant 128 : i32
    %dma_start3A_113 = tpu.memref_slice %arg9[%dma_start3A_112] : memref<512xi32, #tpu.memory_space<vmem>> -> memref<64xi32, #tpu.memory_space<vmem>>
    %dma_start3A_114 = arith.constant 0 : i32
    %dma_start3A_115 = tpu.memref_slice %arg6[%dma_start3A_114] : memref<100000xf32, #tpu.memory_space<hbm>> -> memref<100000xf32, #tpu.memory_space<hbm>>
    tpu.enqueue_indirect_dma source(%dma_start3A_115 : memref<100000xf32, #tpu.memory_space<hbm>>) target(%dma_start3A_111 : memref<64xf32, #tpu.memory_space<vmem>>) offsets(%dma_start3A_113 : memref<64xi32, #tpu.memory_space<vmem>>) semaphore(%arg18 : memref<!tpu.dma_semaphore, #tpu.memory_space<semaphore_mem>>)
    %dma_start3A_116 = arith.constant 128 : i32
    %dma_start3A_117 = tpu.memref_slice %arg16[%dma_start3A_116] : memref<512xf32, #tpu.memory_space<vmem>> -> memref<64xf32, #tpu.memory_space<vmem>>
    %dma_start3A_118 = arith.constant 128 : i32
    %dma_start3A_119 = tpu.memref_slice %arg10[%dma_start3A_118] : memref<512xi32, #tpu.memory_space<vmem>> -> memref<64xi32, #tpu.memory_space<vmem>>
    %dma_start3A_120 = arith.constant 0 : i32
    %dma_start3A_121 = tpu.memref_slice %arg7[%dma_start3A_120] : memref<100000xf32, #tpu.memory_space<hbm>> -> memref<100000xf32, #tpu.memory_space<hbm>>
    tpu.enqueue_indirect_dma source(%dma_start3A_121 : memref<100000xf32, #tpu.memory_space<hbm>>) target(%dma_start3A_117 : memref<64xf32, #tpu.memory_space<vmem>>) offsets(%dma_start3A_119 : memref<64xi32, #tpu.memory_space<vmem>>) semaphore(%arg18 : memref<!tpu.dma_semaphore, #tpu.memory_space<semaphore_mem>>)
    %dma_wait3A_122 = arith.constant 64 : i32
    %dma_wait3A_123 = tpu.memref_slice %arg9[%dma_wait3A_122] : memref<512xi32, #tpu.memory_space<vmem>> -> memref<64xi32, #tpu.memory_space<vmem>>
    %dma_wait3A_124 = arith.constant 0 : i32
    %dma_wait3A_125 = arith.constant 0 : i32
    %dma_wait3A_126 = tpu.memref_slice %arg4[%dma_wait3A_124, %dma_wait3A_125] : memref<100000x128xf32, #tpu.memory_space<hbm>> -> memref<100000x128xf32, #tpu.memory_space<hbm>>
    tpu.wait_indirect_dma semaphore(%arg19 : memref<!tpu.dma_semaphore, #tpu.memory_space<semaphore_mem>>) src(%dma_wait3A_126 : memref<100000x128xf32, #tpu.memory_space<hbm>>) dst(%arg12 : memref<64x128xf32, #tpu.memory_space<vmem>>)
    %dma_wait3A_127 = arith.constant 64 : i32
    %dma_wait3A_128 = tpu.memref_slice %arg10[%dma_wait3A_127] : memref<512xi32, #tpu.memory_space<vmem>> -> memref<64xi32, #tpu.memory_space<vmem>>
    %dma_wait3A_129 = arith.constant 0 : i32
    %dma_wait3A_130 = arith.constant 0 : i32
    %dma_wait3A_131 = tpu.memref_slice %arg5[%dma_wait3A_129, %dma_wait3A_130] : memref<100000x128xf32, #tpu.memory_space<hbm>> -> memref<100000x128xf32, #tpu.memory_space<hbm>>
    tpu.wait_indirect_dma semaphore(%arg19 : memref<!tpu.dma_semaphore, #tpu.memory_space<semaphore_mem>>) src(%dma_wait3A_131 : memref<100000x128xf32, #tpu.memory_space<hbm>>) dst(%arg14 : memref<64x128xf32, #tpu.memory_space<vmem>>)
    %dma_wait3A_132 = arith.constant 64 : i32
    %dma_wait3A_133 = tpu.memref_slice %arg15[%dma_wait3A_132] : memref<512xf32, #tpu.memory_space<vmem>> -> memref<64xf32, #tpu.memory_space<vmem>>
    %dma_wait3A_134 = arith.constant 64 : i32
    %dma_wait3A_135 = tpu.memref_slice %arg9[%dma_wait3A_134] : memref<512xi32, #tpu.memory_space<vmem>> -> memref<64xi32, #tpu.memory_space<vmem>>
    %dma_wait3A_136 = arith.constant 0 : i32
    %dma_wait3A_137 = tpu.memref_slice %arg6[%dma_wait3A_136] : memref<100000xf32, #tpu.memory_space<hbm>> -> memref<100000xf32, #tpu.memory_space<hbm>>
    tpu.wait_indirect_dma semaphore(%arg19 : memref<!tpu.dma_semaphore, #tpu.memory_space<semaphore_mem>>) src(%dma_wait3A_137 : memref<100000xf32, #tpu.memory_space<hbm>>) dst(%dma_wait3A_133 : memref<64xf32, #tpu.memory_space<vmem>>)
    %dma_wait3A_138 = arith.constant 64 : i32
    %dma_wait3A_139 = tpu.memref_slice %arg16[%dma_wait3A_138] : memref<512xf32, #tpu.memory_space<vmem>> -> memref<64xf32, #tpu.memory_space<vmem>>
    %dma_wait3A_140 = arith.constant 64 : i32
    %dma_wait3A_141 = tpu.memref_slice %arg10[%dma_wait3A_140] : memref<512xi32, #tpu.memory_space<vmem>> -> memref<64xi32, #tpu.memory_space<vmem>>
    %dma_wait3A_142 = arith.constant 0 : i32
    %dma_wait3A_143 = tpu.memref_slice %arg7[%dma_wait3A_142] : memref<100000xf32, #tpu.memory_space<hbm>> -> memref<100000xf32, #tpu.memory_space<hbm>>
    tpu.wait_indirect_dma semaphore(%arg19 : memref<!tpu.dma_semaphore, #tpu.memory_space<semaphore_mem>>) src(%dma_wait3A_143 : memref<100000xf32, #tpu.memory_space<hbm>>) dst(%dma_wait3A_139 : memref<64xf32, #tpu.memory_space<vmem>>)
    %scan3A_144 = arith.constant 0 : i32
    %scan3A_145 = arith.constant 0 : i32
    %scan3A_146 = arith.constant 4 : i32
    %scan3A_147 = arith.addi %scan3A_145, %scan3A_146 : i32
    %scan3A_148 = arith.constant 1 : i32
    %scan3A_149 = scf.for %scan3A_456 = %scan3A_145 to %scan3A_147 step %scan3A_148 iter_args(%scan3A_457 = %scan3A_144) -> (i32)  : i32 {
      %mul3A_458 = arith.constant 16 : i32
      %mul3A_459 = arith.muli %scan3A_456, %mul3A_458 : i32
      %add3A_460 = arith.constant 64 : i32
      %add3A_461 = arith.addi %add3A_460, %mul3A_459 : i32
      %get3A = arith.index_cast %add3A_461 : i32 to index
      %get3A_462 = tpu.vector_load %arg15[%get3A] {strides = array<i32>} : memref<512xf32, #tpu.memory_space<vmem>>, vector<16xf32>,
      %get3A_463 = arith.index_cast %add3A_461 : i32 to index
      %get3A_464 = tpu.vector_load %arg16[%get3A_463] {strides = array<i32>} : memref<512xf32, #tpu.memory_space<vmem>>, vector<16xf32>,
      %add3A_465 = arith.addf %get3A_462, %get3A_464 : vector<16xf32>
      %swap3A = arith.index_cast %add3A_461 : i32 to index
      %swap3A_466 = tpu.vector_load %arg17[%swap3A] {strides = array<i32>} : memref<512xf32, #tpu.memory_space<vmem>>, vector<16xf32>,
      tpu.vector_store %arg17[%swap3A], %add3A_465 {strides = array<i32>} : memref<512xf32, #tpu.memory_space<vmem>>, vector<16xf32>,
      %scan3A_467 = arith.constant 0 : i32
      scf.yield %scan3A_467 : i32
    }
    %scan3A_150 = arith.constant 4 : i32
    %parallel_loop3A_151 = arith.constant 0 : i32
    %parallel_loop3A_152 = arith.constant 64 : i32
    %parallel_loop3A_153 = arith.constant 1 : i32
    scf.for %parallel_loop3A_456 = %parallel_loop3A_151 to %parallel_loop3A_152 step %parallel_loop3A_153  : i32 {
      %parallel_loop3A_457 = arith.index_cast %parallel_loop3A_456 : i32 to index
      %parallel_loop3A_458 = arith.constant 0 : index
      %parallel_loop3A_459 = tpu.vector_load %arg12[%parallel_loop3A_457, %parallel_loop3A_458] {strides = array<i32>} : memref<64x128xf32, #tpu.memory_space<vmem>>, vector<16xf32>,
      %parallel_loop3A_460 = arith.index_cast %parallel_loop3A_456 : i32 to index
      %parallel_loop3A_461 = arith.constant 0 : index
      %parallel_loop3A_462 = tpu.vector_load %arg14[%parallel_loop3A_460, %parallel_loop3A_461] {strides = array<i32>} : memref<64x128xf32, #tpu.memory_space<vmem>>, vector<16xf32>,
      %parallel_loop3A_463 = arith.mulf %parallel_loop3A_459, %parallel_loop3A_462 : vector<16xf32>
      %parallel_loop3A_464 = arith.index_cast %parallel_loop3A_456 : i32 to index
      %parallel_loop3A_465 = arith.constant 16 : index
      %parallel_loop3A_466 = tpu.vector_load %arg12[%parallel_loop3A_464, %parallel_loop3A_465] {strides = array<i32>} : memref<64x128xf32, #tpu.memory_space<vmem>>, vector<16xf32>,
      %parallel_loop3A_467 = arith.index_cast %parallel_loop3A_456 : i32 to index
      %parallel_loop3A_468 = arith.constant 16 : index
      %parallel_loop3A_469 = tpu.vector_load %arg14[%parallel_loop3A_467, %parallel_loop3A_468] {strides = array<i32>} : memref<64x128xf32, #tpu.memory_space<vmem>>, vector<16xf32>,
      %parallel_loop3A_470 = arith.mulf %parallel_loop3A_466, %parallel_loop3A_469 : vector<16xf32>
      %parallel_loop3A_471 = arith.index_cast %parallel_loop3A_456 : i32 to index
      %parallel_loop3A_472 = arith.constant 32 : index
      %parallel_loop3A_473 = tpu.vector_load %arg12[%parallel_loop3A_471, %parallel_loop3A_472] {strides = array<i32>} : memref<64x128xf32, #tpu.memory_space<vmem>>, vector<16xf32>,
      %parallel_loop3A_474 = arith.index_cast %parallel_loop3A_456 : i32 to index
      %parallel_loop3A_475 = arith.constant 32 : index
      %parallel_loop3A_476 = tpu.vector_load %arg14[%parallel_loop3A_474, %parallel_loop3A_475] {strides = array<i32>} : memref<64x128xf32, #tpu.memory_space<vmem>>, vector<16xf32>,
      %parallel_loop3A_477 = arith.mulf %parallel_loop3A_473, %parallel_loop3A_476 : vector<16xf32>
      %parallel_loop3A_478 = arith.index_cast %parallel_loop3A_456 : i32 to index
      %parallel_loop3A_479 = arith.constant 48 : index
      %parallel_loop3A_480 = tpu.vector_load %arg12[%parallel_loop3A_478, %parallel_loop3A_479] {strides = array<i32>} : memref<64x128xf32, #tpu.memory_space<vmem>>, vector<16xf32>,
      %parallel_loop3A_481 = arith.index_cast %parallel_loop3A_456 : i32 to index
      %parallel_loop3A_482 = arith.constant 48 : index
      %parallel_loop3A_483 = tpu.vector_load %arg14[%parallel_loop3A_481, %parallel_loop3A_482] {strides = array<i32>} : memref<64x128xf32, #tpu.memory_space<vmem>>, vector<16xf32>,
      %parallel_loop3A_484 = arith.mulf %parallel_loop3A_480, %parallel_loop3A_483 : vector<16xf32>
      %parallel_loop3A_485 = arith.index_cast %parallel_loop3A_456 : i32 to index
      %parallel_loop3A_486 = arith.constant 64 : index
      %parallel_loop3A_487 = tpu.vector_load %arg12[%parallel_loop3A_485, %parallel_loop3A_486] {strides = array<i32>} : memref<64x128xf32, #tpu.memory_space<vmem>>, vector<16xf32>,
      %parallel_loop3A_488 = arith.index_cast %parallel_loop3A_456 : i32 to index
      %parallel_loop3A_489 = arith.constant 64 : index
      %parallel_loop3A_490 = tpu.vector_load %arg14[%parallel_loop3A_488, %parallel_loop3A_489] {strides = array<i32>} : memref<64x128xf32, #tpu.memory_space<vmem>>, vector<16xf32>,
      %parallel_loop3A_491 = arith.mulf %parallel_loop3A_487, %parallel_loop3A_490 : vector<16xf32>
      %parallel_loop3A_492 = arith.index_cast %parallel_loop3A_456 : i32 to index
      %parallel_loop3A_493 = arith.constant 80 : index
      %parallel_loop3A_494 = tpu.vector_load %arg12[%parallel_loop3A_492, %parallel_loop3A_493] {strides = array<i32>} : memref<64x128xf32, #tpu.memory_space<vmem>>, vector<16xf32>,
      %parallel_loop3A_495 = arith.index_cast %parallel_loop3A_456 : i32 to index
      %parallel_loop3A_496 = arith.constant 80 : index
      %parallel_loop3A_497 = tpu.vector_load %arg14[%parallel_loop3A_495, %parallel_loop3A_496] {strides = array<i32>} : memref<64x128xf32, #tpu.memory_space<vmem>>, vector<16xf32>,
      %parallel_loop3A_498 = arith.mulf %parallel_loop3A_494, %parallel_loop3A_497 : vector<16xf32>
      %parallel_loop3A_499 = arith.index_cast %parallel_loop3A_456 : i32 to index
      %parallel_loop3A_500 = arith.constant 96 : index
      %parallel_loop3A_501 = tpu.vector_load %arg12[%parallel_loop3A_499, %parallel_loop3A_500] {strides = array<i32>} : memref<64x128xf32, #tpu.memory_space<vmem>>, vector<16xf32>,
      %parallel_loop3A_502 = arith.index_cast %parallel_loop3A_456 : i32 to index
      %parallel_loop3A_503 = arith.constant 96 : index
      %parallel_loop3A_504 = tpu.vector_load %arg14[%parallel_loop3A_502, %parallel_loop3A_503] {strides = array<i32>} : memref<64x128xf32, #tpu.memory_space<vmem>>, vector<16xf32>,
      %parallel_loop3A_505 = arith.mulf %parallel_loop3A_501, %parallel_loop3A_504 : vector<16xf32>
      %parallel_loop3A_506 = arith.index_cast %parallel_loop3A_456 : i32 to index
      %parallel_loop3A_507 = arith.constant 112 : index
      %parallel_loop3A_508 = tpu.vector_load %arg12[%parallel_loop3A_506, %parallel_loop3A_507] {strides = array<i32>} : memref<64x128xf32, #tpu.memory_space<vmem>>, vector<16xf32>,
      %parallel_loop3A_509 = arith.index_cast %parallel_loop3A_456 : i32 to index
      %parallel_loop3A_510 = arith.constant 112 : index
      %parallel_loop3A_511 = tpu.vector_load %arg14[%parallel_loop3A_509, %parallel_loop3A_510] {strides = array<i32>} : memref<64x128xf32, #tpu.memory_space<vmem>>, vector<16xf32>,
      %parallel_loop3A_512 = arith.mulf %parallel_loop3A_508, %parallel_loop3A_511 : vector<16xf32>
      %parallel_loop3A_513 = arith.addf %parallel_loop3A_463, %parallel_loop3A_470 : vector<16xf32>
      %parallel_loop3A_514 = arith.addf %parallel_loop3A_477, %parallel_loop3A_484 : vector<16xf32>
      %parallel_loop3A_515 = arith.addf %parallel_loop3A_491, %parallel_loop3A_498 : vector<16xf32>
      %parallel_loop3A_516 = arith.addf %parallel_loop3A_505, %parallel_loop3A_512 : vector<16xf32>
      %parallel_loop3A_517 = arith.addf %parallel_loop3A_513, %parallel_loop3A_514 : vector<16xf32>
      %parallel_loop3A_518 = arith.addf %parallel_loop3A_515, %parallel_loop3A_516 : vector<16xf32>
      %parallel_loop3A_519 = arith.addf %parallel_loop3A_517, %parallel_loop3A_518 : vector<16xf32>
      %parallel_loop3A_520 = arith.constant 15 : i32
      %parallel_loop3A_521 = vector.broadcast %parallel_loop3A_520 : i32 to vector<16xi32>
      %parallel_loop3A_522 = tpu.iota {dimensions = array<i32: 0>} : vector<16xi32>
      %parallel_loop3A_523 = arith.subi %parallel_loop3A_521, %parallel_loop3A_522 : vector<16xi32>
      %parallel_loop3A_524 = tpu.dynamic_gather %parallel_loop3A_519[%parallel_loop3A_523] in [0] : vector<16xf32>, vector<16xi32> -> vector<16xf32>
      %parallel_loop3A_525 = arith.addf %parallel_loop3A_519, %parallel_loop3A_524 : vector<16xf32>
      %parallel_loop3A_526 = vector.shape_cast %select_n3A : vector<16xi32> to vector<16x1xi32>
      %parallel_loop3A_527 = vector.shape_cast %parallel_loop3A_526 : vector<16x1xi32> to vector<16xi32>
      %parallel_loop3A_528 = tpu.dynamic_gather %parallel_loop3A_525[%parallel_loop3A_527] in [0] : vector<16xf32>, vector<16xi32> -> vector<16xf32>
      %parallel_loop3A_529 = arith.addf %parallel_loop3A_525, %parallel_loop3A_528 : vector<16xf32>
      %parallel_loop3A_530 = vector.shape_cast %select_n3A_15 : vector<16xi32> to vector<16x1xi32>
      %parallel_loop3A_531 = vector.shape_cast %parallel_loop3A_530 : vector<16x1xi32> to vector<16xi32>
      %parallel_loop3A_532 = tpu.dynamic_gather %parallel_loop3A_529[%parallel_loop3A_531] in [0] : vector<16xf32>, vector<16xi32> -> vector<16xf32>
      %parallel_loop3A_533 = arith.addf %parallel_loop3A_529, %parallel_loop3A_532 : vector<16xf32>
      %parallel_loop3A_534 = vector.shape_cast %select_n3A_24 : vector<16xi32> to vector<16x1xi32>
      %parallel_loop3A_535 = vector.shape_cast %parallel_loop3A_534 : vector<16x1xi32> to vector<16xi32>
      %parallel_loop3A_536 = tpu.dynamic_gather %parallel_loop3A_533[%parallel_loop3A_535] in [0] : vector<16xf32>, vector<16xi32> -> vector<16xf32>
      %parallel_loop3A_537 = arith.addf %parallel_loop3A_533, %parallel_loop3A_536 : vector<16xf32>
      %parallel_loop3A_538 = arith.constant 0 : i32
      %parallel_loop3A_539 = vector.broadcast %parallel_loop3A_538 : i32 to vector<16xi32>
      %parallel_loop3A_540 = arith.constant 64 : i32
      %parallel_loop3A_541 = arith.addi %parallel_loop3A_540, %parallel_loop3A_456 : i32
      %parallel_loop3A_542 = vector.broadcast %parallel_loop3A_541 : i32 to vector<16xi32>
      %parallel_loop3A_543 = arith.addi %parallel_loop3A_539, %parallel_loop3A_542 : vector<16xi32>
      tpu.vector_store_idx %arg17[%parallel_loop3A_543], %parallel_loop3A_537 masked %lt3A_27 {add = true} : memref<512xf32, #tpu.memory_space<vmem>>[vector<16xi32>], vector<16xf32>, vector<16xi1>
    } {sc.loop_unroll_factor = 4 : i64, sc.parallel_access}
    %dma_start3A_154 = arith.constant 192 : i32
    %dma_start3A_155 = tpu.memref_slice %arg9[%dma_start3A_154] : memref<512xi32, #tpu.memory_space<vmem>> -> memref<64xi32, #tpu.memory_space<vmem>>
    %dma_start3A_156 = arith.constant 0 : i32
    %dma_start3A_157 = arith.constant 0 : i32
    %dma_start3A_158 = tpu.memref_slice %arg4[%dma_start3A_156, %dma_start3A_157] : memref<100000x128xf32, #tpu.memory_space<hbm>> -> memref<100000x128xf32, #tpu.memory_space<hbm>>
    tpu.enqueue_indirect_dma source(%dma_start3A_158 : memref<100000x128xf32, #tpu.memory_space<hbm>>) target(%arg12 : memref<64x128xf32, #tpu.memory_space<vmem>>) offsets(%dma_start3A_155 : memref<64xi32, #tpu.memory_space<vmem>>) semaphore(%arg19 : memref<!tpu.dma_semaphore, #tpu.memory_space<semaphore_mem>>)
    %dma_start3A_159 = arith.constant 192 : i32
    %dma_start3A_160 = tpu.memref_slice %arg10[%dma_start3A_159] : memref<512xi32, #tpu.memory_space<vmem>> -> memref<64xi32, #tpu.memory_space<vmem>>
    %dma_start3A_161 = arith.constant 0 : i32
    %dma_start3A_162 = arith.constant 0 : i32
    %dma_start3A_163 = tpu.memref_slice %arg5[%dma_start3A_161, %dma_start3A_162] : memref<100000x128xf32, #tpu.memory_space<hbm>> -> memref<100000x128xf32, #tpu.memory_space<hbm>>
    tpu.enqueue_indirect_dma source(%dma_start3A_163 : memref<100000x128xf32, #tpu.memory_space<hbm>>) target(%arg14 : memref<64x128xf32, #tpu.memory_space<vmem>>) offsets(%dma_start3A_160 : memref<64xi32, #tpu.memory_space<vmem>>) semaphore(%arg19 : memref<!tpu.dma_semaphore, #tpu.memory_space<semaphore_mem>>)
    %dma_start3A_164 = arith.constant 192 : i32
    %dma_start3A_165 = tpu.memref_slice %arg15[%dma_start3A_164] : memref<512xf32, #tpu.memory_space<vmem>> -> memref<64xf32, #tpu.memory_space<vmem>>
    %dma_start3A_166 = arith.constant 192 : i32
    %dma_start3A_167 = tpu.memref_slice %arg9[%dma_start3A_166] : memref<512xi32, #tpu.memory_space<vmem>> -> memref<64xi32, #tpu.memory_space<vmem>>
    %dma_start3A_168 = arith.constant 0 : i32
    %dma_start3A_169 = tpu.memref_slice %arg6[%dma_start3A_168] : memref<100000xf32, #tpu.memory_space<hbm>> -> memref<100000xf32, #tpu.memory_space<hbm>>
    tpu.enqueue_indirect_dma source(%dma_start3A_169 : memref<100000xf32, #tpu.memory_space<hbm>>) target(%dma_start3A_165 : memref<64xf32, #tpu.memory_space<vmem>>) offsets(%dma_start3A_167 : memref<64xi32, #tpu.memory_space<vmem>>) semaphore(%arg19 : memref<!tpu.dma_semaphore, #tpu.memory_space<semaphore_mem>>)
    %dma_start3A_170 = arith.constant 192 : i32
    %dma_start3A_171 = tpu.memref_slice %arg16[%dma_start3A_170] : memref<512xf32, #tpu.memory_space<vmem>> -> memref<64xf32, #tpu.memory_space<vmem>>
    %dma_start3A_172 = arith.constant 192 : i32
    %dma_start3A_173 = tpu.memref_slice %arg10[%dma_start3A_172] : memref<512xi32, #tpu.memory_space<vmem>> -> memref<64xi32, #tpu.memory_space<vmem>>
    %dma_start3A_174 = arith.constant 0 : i32
    %dma_start3A_175 = tpu.memref_slice %arg7[%dma_start3A_174] : memref<100000xf32, #tpu.memory_space<hbm>> -> memref<100000xf32, #tpu.memory_space<hbm>>
    tpu.enqueue_indirect_dma source(%dma_start3A_175 : memref<100000xf32, #tpu.memory_space<hbm>>) target(%dma_start3A_171 : memref<64xf32, #tpu.memory_space<vmem>>) offsets(%dma_start3A_173 : memref<64xi32, #tpu.memory_space<vmem>>) semaphore(%arg19 : memref<!tpu.dma_semaphore, #tpu.memory_space<semaphore_mem>>)
    %dma_wait3A_176 = arith.constant 128 : i32
    %dma_wait3A_177 = tpu.memref_slice %arg9[%dma_wait3A_176] : memref<512xi32, #tpu.memory_space<vmem>> -> memref<64xi32, #tpu.memory_space<vmem>>
    %dma_wait3A_178 = arith.constant 0 : i32
    %dma_wait3A_179 = arith.constant 0 : i32
    %dma_wait3A_180 = tpu.memref_slice %arg4[%dma_wait3A_178, %dma_wait3A_179] : memref<100000x128xf32, #tpu.memory_space<hbm>> -> memref<100000x128xf32, #tpu.memory_space<hbm>>
    tpu.wait_indirect_dma semaphore(%arg18 : memref<!tpu.dma_semaphore, #tpu.memory_space<semaphore_mem>>) src(%dma_wait3A_180 : memref<100000x128xf32, #tpu.memory_space<hbm>>) dst(%arg11 : memref<64x128xf32, #tpu.memory_space<vmem>>)
    %dma_wait3A_181 = arith.constant 128 : i32
    %dma_wait3A_182 = tpu.memref_slice %arg10[%dma_wait3A_181] : memref<512xi32, #tpu.memory_space<vmem>> -> memref<64xi32, #tpu.memory_space<vmem>>
    %dma_wait3A_183 = arith.constant 0 : i32
    %dma_wait3A_184 = arith.constant 0 : i32
    %dma_wait3A_185 = tpu.memref_slice %arg5[%dma_wait3A_183, %dma_wait3A_184] : memref<100000x128xf32, #tpu.memory_space<hbm>> -> memref<100000x128xf32, #tpu.memory_space<hbm>>
    tpu.wait_indirect_dma semaphore(%arg18 : memref<!tpu.dma_semaphore, #tpu.memory_space<semaphore_mem>>) src(%dma_wait3A_185 : memref<100000x128xf32, #tpu.memory_space<hbm>>) dst(%arg13 : memref<64x128xf32, #tpu.memory_space<vmem>>)
    %dma_wait3A_186 = arith.constant 128 : i32
    %dma_wait3A_187 = tpu.memref_slice %arg15[%dma_wait3A_186] : memref<512xf32, #tpu.memory_space<vmem>> -> memref<64xf32, #tpu.memory_space<vmem>>
    %dma_wait3A_188 = arith.constant 128 : i32
    %dma_wait3A_189 = tpu.memref_slice %arg9[%dma_wait3A_188] : memref<512xi32, #tpu.memory_space<vmem>> -> memref<64xi32, #tpu.memory_space<vmem>>
    %dma_wait3A_190 = arith.constant 0 : i32
    %dma_wait3A_191 = tpu.memref_slice %arg6[%dma_wait3A_190] : memref<100000xf32, #tpu.memory_space<hbm>> -> memref<100000xf32, #tpu.memory_space<hbm>>
    tpu.wait_indirect_dma semaphore(%arg18 : memref<!tpu.dma_semaphore, #tpu.memory_space<semaphore_mem>>) src(%dma_wait3A_191 : memref<100000xf32, #tpu.memory_space<hbm>>) dst(%dma_wait3A_187 : memref<64xf32, #tpu.memory_space<vmem>>)
    %dma_wait3A_192 = arith.constant 128 : i32
    %dma_wait3A_193 = tpu.memref_slice %arg16[%dma_wait3A_192] : memref<512xf32, #tpu.memory_space<vmem>> -> memref<64xf32, #tpu.memory_space<vmem>>
    %dma_wait3A_194 = arith.constant 128 : i32
    %dma_wait3A_195 = tpu.memref_slice %arg10[%dma_wait3A_194] : memref<512xi32, #tpu.memory_space<vmem>> -> memref<64xi32, #tpu.memory_space<vmem>>
    %dma_wait3A_196 = arith.constant 0 : i32
    %dma_wait3A_197 = tpu.memref_slice %arg7[%dma_wait3A_196] : memref<100000xf32, #tpu.memory_space<hbm>> -> memref<100000xf32, #tpu.memory_space<hbm>>
    tpu.wait_indirect_dma semaphore(%arg18 : memref<!tpu.dma_semaphore, #tpu.memory_space<semaphore_mem>>) src(%dma_wait3A_197 : memref<100000xf32, #tpu.memory_space<hbm>>) dst(%dma_wait3A_193 : memref<64xf32, #tpu.memory_space<vmem>>)
    %scan3A_198 = arith.constant 0 : i32
    %scan3A_199 = arith.constant 0 : i32
    %scan3A_200 = arith.constant 4 : i32
    %scan3A_201 = arith.addi %scan3A_199, %scan3A_200 : i32
    %scan3A_202 = arith.constant 1 : i32
    %scan3A_203 = scf.for %scan3A_456 = %scan3A_199 to %scan3A_201 step %scan3A_202 iter_args(%scan3A_457 = %scan3A_198) -> (i32)  : i32 {
      %mul3A_458 = arith.constant 16 : i32
      %mul3A_459 = arith.muli %scan3A_456, %mul3A_458 : i32
      %add3A_460 = arith.constant 128 : i32
      %add3A_461 = arith.addi %add3A_460, %mul3A_459 : i32
      %get3A = arith.index_cast %add3A_461 : i32 to index
      %get3A_462 = tpu.vector_load %arg15[%get3A] {strides = array<i32>} : memref<512xf32, #tpu.memory_space<vmem>>, vector<16xf32>,
      %get3A_463 = arith.index_cast %add3A_461 : i32 to index
      %get3A_464 = tpu.vector_load %arg16[%get3A_463] {strides = array<i32>} : memref<512xf32, #tpu.memory_space<vmem>>, vector<16xf32>,
      %add3A_465 = arith.addf %get3A_462, %get3A_464 : vector<16xf32>
      %swap3A = arith.index_cast %add3A_461 : i32 to index
      %swap3A_466 = tpu.vector_load %arg17[%swap3A] {strides = array<i32>} : memref<512xf32, #tpu.memory_space<vmem>>, vector<16xf32>,
      tpu.vector_store %arg17[%swap3A], %add3A_465 {strides = array<i32>} : memref<512xf32, #tpu.memory_space<vmem>>, vector<16xf32>,
      %scan3A_467 = arith.constant 0 : i32
      scf.yield %scan3A_467 : i32
    }
    %scan3A_204 = arith.constant 4 : i32
    %parallel_loop3A_205 = arith.constant 0 : i32
    %parallel_loop3A_206 = arith.constant 64 : i32
    %parallel_loop3A_207 = arith.constant 1 : i32
    scf.for %parallel_loop3A_456 = %parallel_loop3A_205 to %parallel_loop3A_206 step %parallel_loop3A_207  : i32 {
      %parallel_loop3A_457 = arith.index_cast %parallel_loop3A_456 : i32 to index
      %parallel_loop3A_458 = arith.constant 0 : index
      %parallel_loop3A_459 = tpu.vector_load %arg11[%parallel_loop3A_457, %parallel_loop3A_458] {strides = array<i32>} : memref<64x128xf32, #tpu.memory_space<vmem>>, vector<16xf32>,
      %parallel_loop3A_460 = arith.index_cast %parallel_loop3A_456 : i32 to index
      %parallel_loop3A_461 = arith.constant 0 : index
      %parallel_loop3A_462 = tpu.vector_load %arg13[%parallel_loop3A_460, %parallel_loop3A_461] {strides = array<i32>} : memref<64x128xf32, #tpu.memory_space<vmem>>, vector<16xf32>,
      %parallel_loop3A_463 = arith.mulf %parallel_loop3A_459, %parallel_loop3A_462 : vector<16xf32>
      %parallel_loop3A_464 = arith.index_cast %parallel_loop3A_456 : i32 to index
      %parallel_loop3A_465 = arith.constant 16 : index
      %parallel_loop3A_466 = tpu.vector_load %arg11[%parallel_loop3A_464, %parallel_loop3A_465] {strides = array<i32>} : memref<64x128xf32, #tpu.memory_space<vmem>>, vector<16xf32>,
      %parallel_loop3A_467 = arith.index_cast %parallel_loop3A_456 : i32 to index
      %parallel_loop3A_468 = arith.constant 16 : index
      %parallel_loop3A_469 = tpu.vector_load %arg13[%parallel_loop3A_467, %parallel_loop3A_468] {strides = array<i32>} : memref<64x128xf32, #tpu.memory_space<vmem>>, vector<16xf32>,
      %parallel_loop3A_470 = arith.mulf %parallel_loop3A_466, %parallel_loop3A_469 : vector<16xf32>
      %parallel_loop3A_471 = arith.index_cast %parallel_loop3A_456 : i32 to index
      %parallel_loop3A_472 = arith.constant 32 : index
      %parallel_loop3A_473 = tpu.vector_load %arg11[%parallel_loop3A_471, %parallel_loop3A_472] {strides = array<i32>} : memref<64x128xf32, #tpu.memory_space<vmem>>, vector<16xf32>,
      %parallel_loop3A_474 = arith.index_cast %parallel_loop3A_456 : i32 to index
      %parallel_loop3A_475 = arith.constant 32 : index
      %parallel_loop3A_476 = tpu.vector_load %arg13[%parallel_loop3A_474, %parallel_loop3A_475] {strides = array<i32>} : memref<64x128xf32, #tpu.memory_space<vmem>>, vector<16xf32>,
      %parallel_loop3A_477 = arith.mulf %parallel_loop3A_473, %parallel_loop3A_476 : vector<16xf32>
      %parallel_loop3A_478 = arith.index_cast %parallel_loop3A_456 : i32 to index
      %parallel_loop3A_479 = arith.constant 48 : index
      %parallel_loop3A_480 = tpu.vector_load %arg11[%parallel_loop3A_478, %parallel_loop3A_479] {strides = array<i32>} : memref<64x128xf32, #tpu.memory_space<vmem>>, vector<16xf32>,
      %parallel_loop3A_481 = arith.index_cast %parallel_loop3A_456 : i32 to index
      %parallel_loop3A_482 = arith.constant 48 : index
      %parallel_loop3A_483 = tpu.vector_load %arg13[%parallel_loop3A_481, %parallel_loop3A_482] {strides = array<i32>} : memref<64x128xf32, #tpu.memory_space<vmem>>, vector<16xf32>,
      %parallel_loop3A_484 = arith.mulf %parallel_loop3A_480, %parallel_loop3A_483 : vector<16xf32>
      %parallel_loop3A_485 = arith.index_cast %parallel_loop3A_456 : i32 to index
      %parallel_loop3A_486 = arith.constant 64 : index
      %parallel_loop3A_487 = tpu.vector_load %arg11[%parallel_loop3A_485, %parallel_loop3A_486] {strides = array<i32>} : memref<64x128xf32, #tpu.memory_space<vmem>>, vector<16xf32>,
      %parallel_loop3A_488 = arith.index_cast %parallel_loop3A_456 : i32 to index
      %parallel_loop3A_489 = arith.constant 64 : index
      %parallel_loop3A_490 = tpu.vector_load %arg13[%parallel_loop3A_488, %parallel_loop3A_489] {strides = array<i32>} : memref<64x128xf32, #tpu.memory_space<vmem>>, vector<16xf32>,
      %parallel_loop3A_491 = arith.mulf %parallel_loop3A_487, %parallel_loop3A_490 : vector<16xf32>
      %parallel_loop3A_492 = arith.index_cast %parallel_loop3A_456 : i32 to index
      %parallel_loop3A_493 = arith.constant 80 : index
      %parallel_loop3A_494 = tpu.vector_load %arg11[%parallel_loop3A_492, %parallel_loop3A_493] {strides = array<i32>} : memref<64x128xf32, #tpu.memory_space<vmem>>, vector<16xf32>,
      %parallel_loop3A_495 = arith.index_cast %parallel_loop3A_456 : i32 to index
      %parallel_loop3A_496 = arith.constant 80 : index
      %parallel_loop3A_497 = tpu.vector_load %arg13[%parallel_loop3A_495, %parallel_loop3A_496] {strides = array<i32>} : memref<64x128xf32, #tpu.memory_space<vmem>>, vector<16xf32>,
      %parallel_loop3A_498 = arith.mulf %parallel_loop3A_494, %parallel_loop3A_497 : vector<16xf32>
      %parallel_loop3A_499 = arith.index_cast %parallel_loop3A_456 : i32 to index
      %parallel_loop3A_500 = arith.constant 96 : index
      %parallel_loop3A_501 = tpu.vector_load %arg11[%parallel_loop3A_499, %parallel_loop3A_500] {strides = array<i32>} : memref<64x128xf32, #tpu.memory_space<vmem>>, vector<16xf32>,
      %parallel_loop3A_502 = arith.index_cast %parallel_loop3A_456 : i32 to index
      %parallel_loop3A_503 = arith.constant 96 : index
      %parallel_loop3A_504 = tpu.vector_load %arg13[%parallel_loop3A_502, %parallel_loop3A_503] {strides = array<i32>} : memref<64x128xf32, #tpu.memory_space<vmem>>, vector<16xf32>,
      %parallel_loop3A_505 = arith.mulf %parallel_loop3A_501, %parallel_loop3A_504 : vector<16xf32>
      %parallel_loop3A_506 = arith.index_cast %parallel_loop3A_456 : i32 to index
      %parallel_loop3A_507 = arith.constant 112 : index
      %parallel_loop3A_508 = tpu.vector_load %arg11[%parallel_loop3A_506, %parallel_loop3A_507] {strides = array<i32>} : memref<64x128xf32, #tpu.memory_space<vmem>>, vector<16xf32>,
      %parallel_loop3A_509 = arith.index_cast %parallel_loop3A_456 : i32 to index
      %parallel_loop3A_510 = arith.constant 112 : index
      %parallel_loop3A_511 = tpu.vector_load %arg13[%parallel_loop3A_509, %parallel_loop3A_510] {strides = array<i32>} : memref<64x128xf32, #tpu.memory_space<vmem>>, vector<16xf32>,
      %parallel_loop3A_512 = arith.mulf %parallel_loop3A_508, %parallel_loop3A_511 : vector<16xf32>
      %parallel_loop3A_513 = arith.addf %parallel_loop3A_463, %parallel_loop3A_470 : vector<16xf32>
      %parallel_loop3A_514 = arith.addf %parallel_loop3A_477, %parallel_loop3A_484 : vector<16xf32>
      %parallel_loop3A_515 = arith.addf %parallel_loop3A_491, %parallel_loop3A_498 : vector<16xf32>
      %parallel_loop3A_516 = arith.addf %parallel_loop3A_505, %parallel_loop3A_512 : vector<16xf32>
      %parallel_loop3A_517 = arith.addf %parallel_loop3A_513, %parallel_loop3A_514 : vector<16xf32>
      %parallel_loop3A_518 = arith.addf %parallel_loop3A_515, %parallel_loop3A_516 : vector<16xf32>
      %parallel_loop3A_519 = arith.addf %parallel_loop3A_517, %parallel_loop3A_518 : vector<16xf32>
      %parallel_loop3A_520 = arith.constant 15 : i32
      %parallel_loop3A_521 = vector.broadcast %parallel_loop3A_520 : i32 to vector<16xi32>
      %parallel_loop3A_522 = tpu.iota {dimensions = array<i32: 0>} : vector<16xi32>
      %parallel_loop3A_523 = arith.subi %parallel_loop3A_521, %parallel_loop3A_522 : vector<16xi32>
      %parallel_loop3A_524 = tpu.dynamic_gather %parallel_loop3A_519[%parallel_loop3A_523] in [0] : vector<16xf32>, vector<16xi32> -> vector<16xf32>
      %parallel_loop3A_525 = arith.addf %parallel_loop3A_519, %parallel_loop3A_524 : vector<16xf32>
      %parallel_loop3A_526 = vector.shape_cast %select_n3A : vector<16xi32> to vector<16x1xi32>
      %parallel_loop3A_527 = vector.shape_cast %parallel_loop3A_526 : vector<16x1xi32> to vector<16xi32>
      %parallel_loop3A_528 = tpu.dynamic_gather %parallel_loop3A_525[%parallel_loop3A_527] in [0] : vector<16xf32>, vector<16xi32> -> vector<16xf32>
      %parallel_loop3A_529 = arith.addf %parallel_loop3A_525, %parallel_loop3A_528 : vector<16xf32>
      %parallel_loop3A_530 = vector.shape_cast %select_n3A_15 : vector<16xi32> to vector<16x1xi32>
      %parallel_loop3A_531 = vector.shape_cast %parallel_loop3A_530 : vector<16x1xi32> to vector<16xi32>
      %parallel_loop3A_532 = tpu.dynamic_gather %parallel_loop3A_529[%parallel_loop3A_531] in [0] : vector<16xf32>, vector<16xi32> -> vector<16xf32>
      %parallel_loop3A_533 = arith.addf %parallel_loop3A_529, %parallel_loop3A_532 : vector<16xf32>
      %parallel_loop3A_534 = vector.shape_cast %select_n3A_24 : vector<16xi32> to vector<16x1xi32>
      %parallel_loop3A_535 = vector.shape_cast %parallel_loop3A_534 : vector<16x1xi32> to vector<16xi32>
      %parallel_loop3A_536 = tpu.dynamic_gather %parallel_loop3A_533[%parallel_loop3A_535] in [0] : vector<16xf32>, vector<16xi32> -> vector<16xf32>
      %parallel_loop3A_537 = arith.addf %parallel_loop3A_533, %parallel_loop3A_536 : vector<16xf32>
      %parallel_loop3A_538 = arith.constant 0 : i32
      %parallel_loop3A_539 = vector.broadcast %parallel_loop3A_538 : i32 to vector<16xi32>
      %parallel_loop3A_540 = arith.constant 128 : i32
      %parallel_loop3A_541 = arith.addi %parallel_loop3A_540, %parallel_loop3A_456 : i32
      %parallel_loop3A_542 = vector.broadcast %parallel_loop3A_541 : i32 to vector<16xi32>
      %parallel_loop3A_543 = arith.addi %parallel_loop3A_539, %parallel_loop3A_542 : vector<16xi32>
      tpu.vector_store_idx %arg17[%parallel_loop3A_543], %parallel_loop3A_537 masked %lt3A_27 {add = true} : memref<512xf32, #tpu.memory_space<vmem>>[vector<16xi32>], vector<16xf32>, vector<16xi1>
    } {sc.loop_unroll_factor = 4 : i64, sc.parallel_access}
    %dma_start3A_208 = arith.constant 256 : i32
    %dma_start3A_209 = tpu.memref_slice %arg9[%dma_start3A_208] : memref<512xi32, #tpu.memory_space<vmem>> -> memref<64xi32, #tpu.memory_space<vmem>>
    %dma_start3A_210 = arith.constant 0 : i32
    %dma_start3A_211 = arith.constant 0 : i32
    %dma_start3A_212 = tpu.memref_slice %arg4[%dma_start3A_210, %dma_start3A_211] : memref<100000x128xf32, #tpu.memory_space<hbm>> -> memref<100000x128xf32, #tpu.memory_space<hbm>>
    tpu.enqueue_indirect_dma source(%dma_start3A_212 : memref<100000x128xf32, #tpu.memory_space<hbm>>) target(%arg11 : memref<64x128xf32, #tpu.memory_space<vmem>>) offsets(%dma_start3A_209 : memref<64xi32, #tpu.memory_space<vmem>>) semaphore(%arg18 : memref<!tpu.dma_semaphore, #tpu.memory_space<semaphore_mem>>)
    %dma_start3A_213 = arith.constant 256 : i32
    %dma_start3A_214 = tpu.memref_slice %arg10[%dma_start3A_213] : memref<512xi32, #tpu.memory_space<vmem>> -> memref<64xi32, #tpu.memory_space<vmem>>
    %dma_start3A_215 = arith.constant 0 : i32
    %dma_start3A_216 = arith.constant 0 : i32
    %dma_start3A_217 = tpu.memref_slice %arg5[%dma_start3A_215, %dma_start3A_216] : memref<100000x128xf32, #tpu.memory_space<hbm>> -> memref<100000x128xf32, #tpu.memory_space<hbm>>
    tpu.enqueue_indirect_dma source(%dma_start3A_217 : memref<100000x128xf32, #tpu.memory_space<hbm>>) target(%arg13 : memref<64x128xf32, #tpu.memory_space<vmem>>) offsets(%dma_start3A_214 : memref<64xi32, #tpu.memory_space<vmem>>) semaphore(%arg18 : memref<!tpu.dma_semaphore, #tpu.memory_space<semaphore_mem>>)
    %dma_start3A_218 = arith.constant 256 : i32
    %dma_start3A_219 = tpu.memref_slice %arg15[%dma_start3A_218] : memref<512xf32, #tpu.memory_space<vmem>> -> memref<64xf32, #tpu.memory_space<vmem>>
    %dma_start3A_220 = arith.constant 256 : i32
    %dma_start3A_221 = tpu.memref_slice %arg9[%dma_start3A_220] : memref<512xi32, #tpu.memory_space<vmem>> -> memref<64xi32, #tpu.memory_space<vmem>>
    %dma_start3A_222 = arith.constant 0 : i32
    %dma_start3A_223 = tpu.memref_slice %arg6[%dma_start3A_222] : memref<100000xf32, #tpu.memory_space<hbm>> -> memref<100000xf32, #tpu.memory_space<hbm>>
    tpu.enqueue_indirect_dma source(%dma_start3A_223 : memref<100000xf32, #tpu.memory_space<hbm>>) target(%dma_start3A_219 : memref<64xf32, #tpu.memory_space<vmem>>) offsets(%dma_start3A_221 : memref<64xi32, #tpu.memory_space<vmem>>) semaphore(%arg18 : memref<!tpu.dma_semaphore, #tpu.memory_space<semaphore_mem>>)
    %dma_start3A_224 = arith.constant 256 : i32
    %dma_start3A_225 = tpu.memref_slice %arg16[%dma_start3A_224] : memref<512xf32, #tpu.memory_space<vmem>> -> memref<64xf32, #tpu.memory_space<vmem>>
    %dma_start3A_226 = arith.constant 256 : i32
    %dma_start3A_227 = tpu.memref_slice %arg10[%dma_start3A_226] : memref<512xi32, #tpu.memory_space<vmem>> -> memref<64xi32, #tpu.memory_space<vmem>>
    %dma_start3A_228 = arith.constant 0 : i32
    %dma_start3A_229 = tpu.memref_slice %arg7[%dma_start3A_228] : memref<100000xf32, #tpu.memory_space<hbm>> -> memref<100000xf32, #tpu.memory_space<hbm>>
    tpu.enqueue_indirect_dma source(%dma_start3A_229 : memref<100000xf32, #tpu.memory_space<hbm>>) target(%dma_start3A_225 : memref<64xf32, #tpu.memory_space<vmem>>) offsets(%dma_start3A_227 : memref<64xi32, #tpu.memory_space<vmem>>) semaphore(%arg18 : memref<!tpu.dma_semaphore, #tpu.memory_space<semaphore_mem>>)
    %dma_wait3A_230 = arith.constant 192 : i32
    %dma_wait3A_231 = tpu.memref_slice %arg9[%dma_wait3A_230] : memref<512xi32, #tpu.memory_space<vmem>> -> memref<64xi32, #tpu.memory_space<vmem>>
    %dma_wait3A_232 = arith.constant 0 : i32
    %dma_wait3A_233 = arith.constant 0 : i32
    %dma_wait3A_234 = tpu.memref_slice %arg4[%dma_wait3A_232, %dma_wait3A_233] : memref<100000x128xf32, #tpu.memory_space<hbm>> -> memref<100000x128xf32, #tpu.memory_space<hbm>>
    tpu.wait_indirect_dma semaphore(%arg19 : memref<!tpu.dma_semaphore, #tpu.memory_space<semaphore_mem>>) src(%dma_wait3A_234 : memref<100000x128xf32, #tpu.memory_space<hbm>>) dst(%arg12 : memref<64x128xf32, #tpu.memory_space<vmem>>)
    %dma_wait3A_235 = arith.constant 192 : i32
    %dma_wait3A_236 = tpu.memref_slice %arg10[%dma_wait3A_235] : memref<512xi32, #tpu.memory_space<vmem>> -> memref<64xi32, #tpu.memory_space<vmem>>
    %dma_wait3A_237 = arith.constant 0 : i32
    %dma_wait3A_238 = arith.constant 0 : i32
    %dma_wait3A_239 = tpu.memref_slice %arg5[%dma_wait3A_237, %dma_wait3A_238] : memref<100000x128xf32, #tpu.memory_space<hbm>> -> memref<100000x128xf32, #tpu.memory_space<hbm>>
    tpu.wait_indirect_dma semaphore(%arg19 : memref<!tpu.dma_semaphore, #tpu.memory_space<semaphore_mem>>) src(%dma_wait3A_239 : memref<100000x128xf32, #tpu.memory_space<hbm>>) dst(%arg14 : memref<64x128xf32, #tpu.memory_space<vmem>>)
    %dma_wait3A_240 = arith.constant 192 : i32
    %dma_wait3A_241 = tpu.memref_slice %arg15[%dma_wait3A_240] : memref<512xf32, #tpu.memory_space<vmem>> -> memref<64xf32, #tpu.memory_space<vmem>>
    %dma_wait3A_242 = arith.constant 192 : i32
    %dma_wait3A_243 = tpu.memref_slice %arg9[%dma_wait3A_242] : memref<512xi32, #tpu.memory_space<vmem>> -> memref<64xi32, #tpu.memory_space<vmem>>
    %dma_wait3A_244 = arith.constant 0 : i32
    %dma_wait3A_245 = tpu.memref_slice %arg6[%dma_wait3A_244] : memref<100000xf32, #tpu.memory_space<hbm>> -> memref<100000xf32, #tpu.memory_space<hbm>>
    tpu.wait_indirect_dma semaphore(%arg19 : memref<!tpu.dma_semaphore, #tpu.memory_space<semaphore_mem>>) src(%dma_wait3A_245 : memref<100000xf32, #tpu.memory_space<hbm>>) dst(%dma_wait3A_241 : memref<64xf32, #tpu.memory_space<vmem>>)
    %dma_wait3A_246 = arith.constant 192 : i32
    %dma_wait3A_247 = tpu.memref_slice %arg16[%dma_wait3A_246] : memref<512xf32, #tpu.memory_space<vmem>> -> memref<64xf32, #tpu.memory_space<vmem>>
    %dma_wait3A_248 = arith.constant 192 : i32
    %dma_wait3A_249 = tpu.memref_slice %arg10[%dma_wait3A_248] : memref<512xi32, #tpu.memory_space<vmem>> -> memref<64xi32, #tpu.memory_space<vmem>>
    %dma_wait3A_250 = arith.constant 0 : i32
    %dma_wait3A_251 = tpu.memref_slice %arg7[%dma_wait3A_250] : memref<100000xf32, #tpu.memory_space<hbm>> -> memref<100000xf32, #tpu.memory_space<hbm>>
    tpu.wait_indirect_dma semaphore(%arg19 : memref<!tpu.dma_semaphore, #tpu.memory_space<semaphore_mem>>) src(%dma_wait3A_251 : memref<100000xf32, #tpu.memory_space<hbm>>) dst(%dma_wait3A_247 : memref<64xf32, #tpu.memory_space<vmem>>)
    %scan3A_252 = arith.constant 0 : i32
    %scan3A_253 = arith.constant 0 : i32
    %scan3A_254 = arith.constant 4 : i32
    %scan3A_255 = arith.addi %scan3A_253, %scan3A_254 : i32
    %scan3A_256 = arith.constant 1 : i32
    %scan3A_257 = scf.for %scan3A_456 = %scan3A_253 to %scan3A_255 step %scan3A_256 iter_args(%scan3A_457 = %scan3A_252) -> (i32)  : i32 {
      %mul3A_458 = arith.constant 16 : i32
      %mul3A_459 = arith.muli %scan3A_456, %mul3A_458 : i32
      %add3A_460 = arith.constant 192 : i32
      %add3A_461 = arith.addi %add3A_460, %mul3A_459 : i32
      %get3A = arith.index_cast %add3A_461 : i32 to index
      %get3A_462 = tpu.vector_load %arg15[%get3A] {strides = array<i32>} : memref<512xf32, #tpu.memory_space<vmem>>, vector<16xf32>,
      %get3A_463 = arith.index_cast %add3A_461 : i32 to index
      %get3A_464 = tpu.vector_load %arg16[%get3A_463] {strides = array<i32>} : memref<512xf32, #tpu.memory_space<vmem>>, vector<16xf32>,
      %add3A_465 = arith.addf %get3A_462, %get3A_464 : vector<16xf32>
      %swap3A = arith.index_cast %add3A_461 : i32 to index
      %swap3A_466 = tpu.vector_load %arg17[%swap3A] {strides = array<i32>} : memref<512xf32, #tpu.memory_space<vmem>>, vector<16xf32>,
      tpu.vector_store %arg17[%swap3A], %add3A_465 {strides = array<i32>} : memref<512xf32, #tpu.memory_space<vmem>>, vector<16xf32>,
      %scan3A_467 = arith.constant 0 : i32
      scf.yield %scan3A_467 : i32
    }
    %scan3A_258 = arith.constant 4 : i32
    %parallel_loop3A_259 = arith.constant 0 : i32
    %parallel_loop3A_260 = arith.constant 64 : i32
    %parallel_loop3A_261 = arith.constant 1 : i32
    scf.for %parallel_loop3A_456 = %parallel_loop3A_259 to %parallel_loop3A_260 step %parallel_loop3A_261  : i32 {
      %parallel_loop3A_457 = arith.index_cast %parallel_loop3A_456 : i32 to index
      %parallel_loop3A_458 = arith.constant 0 : index
      %parallel_loop3A_459 = tpu.vector_load %arg12[%parallel_loop3A_457, %parallel_loop3A_458] {strides = array<i32>} : memref<64x128xf32, #tpu.memory_space<vmem>>, vector<16xf32>,
      %parallel_loop3A_460 = arith.index_cast %parallel_loop3A_456 : i32 to index
      %parallel_loop3A_461 = arith.constant 0 : index
      %parallel_loop3A_462 = tpu.vector_load %arg14[%parallel_loop3A_460, %parallel_loop3A_461] {strides = array<i32>} : memref<64x128xf32, #tpu.memory_space<vmem>>, vector<16xf32>,
      %parallel_loop3A_463 = arith.mulf %parallel_loop3A_459, %parallel_loop3A_462 : vector<16xf32>
      %parallel_loop3A_464 = arith.index_cast %parallel_loop3A_456 : i32 to index
      %parallel_loop3A_465 = arith.constant 16 : index
      %parallel_loop3A_466 = tpu.vector_load %arg12[%parallel_loop3A_464, %parallel_loop3A_465] {strides = array<i32>} : memref<64x128xf32, #tpu.memory_space<vmem>>, vector<16xf32>,
      %parallel_loop3A_467 = arith.index_cast %parallel_loop3A_456 : i32 to index
      %parallel_loop3A_468 = arith.constant 16 : index
      %parallel_loop3A_469 = tpu.vector_load %arg14[%parallel_loop3A_467, %parallel_loop3A_468] {strides = array<i32>} : memref<64x128xf32, #tpu.memory_space<vmem>>, vector<16xf32>,
      %parallel_loop3A_470 = arith.mulf %parallel_loop3A_466, %parallel_loop3A_469 : vector<16xf32>
      %parallel_loop3A_471 = arith.index_cast %parallel_loop3A_456 : i32 to index
      %parallel_loop3A_472 = arith.constant 32 : index
      %parallel_loop3A_473 = tpu.vector_load %arg12[%parallel_loop3A_471, %parallel_loop3A_472] {strides = array<i32>} : memref<64x128xf32, #tpu.memory_space<vmem>>, vector<16xf32>,
      %parallel_loop3A_474 = arith.index_cast %parallel_loop3A_456 : i32 to index
      %parallel_loop3A_475 = arith.constant 32 : index
      %parallel_loop3A_476 = tpu.vector_load %arg14[%parallel_loop3A_474, %parallel_loop3A_475] {strides = array<i32>} : memref<64x128xf32, #tpu.memory_space<vmem>>, vector<16xf32>,
      %parallel_loop3A_477 = arith.mulf %parallel_loop3A_473, %parallel_loop3A_476 : vector<16xf32>
      %parallel_loop3A_478 = arith.index_cast %parallel_loop3A_456 : i32 to index
      %parallel_loop3A_479 = arith.constant 48 : index
      %parallel_loop3A_480 = tpu.vector_load %arg12[%parallel_loop3A_478, %parallel_loop3A_479] {strides = array<i32>} : memref<64x128xf32, #tpu.memory_space<vmem>>, vector<16xf32>,
      %parallel_loop3A_481 = arith.index_cast %parallel_loop3A_456 : i32 to index
      %parallel_loop3A_482 = arith.constant 48 : index
      %parallel_loop3A_483 = tpu.vector_load %arg14[%parallel_loop3A_481, %parallel_loop3A_482] {strides = array<i32>} : memref<64x128xf32, #tpu.memory_space<vmem>>, vector<16xf32>,
      %parallel_loop3A_484 = arith.mulf %parallel_loop3A_480, %parallel_loop3A_483 : vector<16xf32>
      %parallel_loop3A_485 = arith.index_cast %parallel_loop3A_456 : i32 to index
      %parallel_loop3A_486 = arith.constant 64 : index
      %parallel_loop3A_487 = tpu.vector_load %arg12[%parallel_loop3A_485, %parallel_loop3A_486] {strides = array<i32>} : memref<64x128xf32, #tpu.memory_space<vmem>>, vector<16xf32>,
      %parallel_loop3A_488 = arith.index_cast %parallel_loop3A_456 : i32 to index
      %parallel_loop3A_489 = arith.constant 64 : index
      %parallel_loop3A_490 = tpu.vector_load %arg14[%parallel_loop3A_488, %parallel_loop3A_489] {strides = array<i32>} : memref<64x128xf32, #tpu.memory_space<vmem>>, vector<16xf32>,
      %parallel_loop3A_491 = arith.mulf %parallel_loop3A_487, %parallel_loop3A_490 : vector<16xf32>
      %parallel_loop3A_492 = arith.index_cast %parallel_loop3A_456 : i32 to index
      %parallel_loop3A_493 = arith.constant 80 : index
      %parallel_loop3A_494 = tpu.vector_load %arg12[%parallel_loop3A_492, %parallel_loop3A_493] {strides = array<i32>} : memref<64x128xf32, #tpu.memory_space<vmem>>, vector<16xf32>,
      %parallel_loop3A_495 = arith.index_cast %parallel_loop3A_456 : i32 to index
      %parallel_loop3A_496 = arith.constant 80 : index
      %parallel_loop3A_497 = tpu.vector_load %arg14[%parallel_loop3A_495, %parallel_loop3A_496] {strides = array<i32>} : memref<64x128xf32, #tpu.memory_space<vmem>>, vector<16xf32>,
      %parallel_loop3A_498 = arith.mulf %parallel_loop3A_494, %parallel_loop3A_497 : vector<16xf32>
      %parallel_loop3A_499 = arith.index_cast %parallel_loop3A_456 : i32 to index
      %parallel_loop3A_500 = arith.constant 96 : index
      %parallel_loop3A_501 = tpu.vector_load %arg12[%parallel_loop3A_499, %parallel_loop3A_500] {strides = array<i32>} : memref<64x128xf32, #tpu.memory_space<vmem>>, vector<16xf32>,
      %parallel_loop3A_502 = arith.index_cast %parallel_loop3A_456 : i32 to index
      %parallel_loop3A_503 = arith.constant 96 : index
      %parallel_loop3A_504 = tpu.vector_load %arg14[%parallel_loop3A_502, %parallel_loop3A_503] {strides = array<i32>} : memref<64x128xf32, #tpu.memory_space<vmem>>, vector<16xf32>,
      %parallel_loop3A_505 = arith.mulf %parallel_loop3A_501, %parallel_loop3A_504 : vector<16xf32>
      %parallel_loop3A_506 = arith.index_cast %parallel_loop3A_456 : i32 to index
      %parallel_loop3A_507 = arith.constant 112 : index
      %parallel_loop3A_508 = tpu.vector_load %arg12[%parallel_loop3A_506, %parallel_loop3A_507] {strides = array<i32>} : memref<64x128xf32, #tpu.memory_space<vmem>>, vector<16xf32>,
      %parallel_loop3A_509 = arith.index_cast %parallel_loop3A_456 : i32 to index
      %parallel_loop3A_510 = arith.constant 112 : index
      %parallel_loop3A_511 = tpu.vector_load %arg14[%parallel_loop3A_509, %parallel_loop3A_510] {strides = array<i32>} : memref<64x128xf32, #tpu.memory_space<vmem>>, vector<16xf32>,
      %parallel_loop3A_512 = arith.mulf %parallel_loop3A_508, %parallel_loop3A_511 : vector<16xf32>
      %parallel_loop3A_513 = arith.addf %parallel_loop3A_463, %parallel_loop3A_470 : vector<16xf32>
      %parallel_loop3A_514 = arith.addf %parallel_loop3A_477, %parallel_loop3A_484 : vector<16xf32>
      %parallel_loop3A_515 = arith.addf %parallel_loop3A_491, %parallel_loop3A_498 : vector<16xf32>
      %parallel_loop3A_516 = arith.addf %parallel_loop3A_505, %parallel_loop3A_512 : vector<16xf32>
      %parallel_loop3A_517 = arith.addf %parallel_loop3A_513, %parallel_loop3A_514 : vector<16xf32>
      %parallel_loop3A_518 = arith.addf %parallel_loop3A_515, %parallel_loop3A_516 : vector<16xf32>
      %parallel_loop3A_519 = arith.addf %parallel_loop3A_517, %parallel_loop3A_518 : vector<16xf32>
      %parallel_loop3A_520 = arith.constant 15 : i32
      %parallel_loop3A_521 = vector.broadcast %parallel_loop3A_520 : i32 to vector<16xi32>
      %parallel_loop3A_522 = tpu.iota {dimensions = array<i32: 0>} : vector<16xi32>
      %parallel_loop3A_523 = arith.subi %parallel_loop3A_521, %parallel_loop3A_522 : vector<16xi32>
      %parallel_loop3A_524 = tpu.dynamic_gather %parallel_loop3A_519[%parallel_loop3A_523] in [0] : vector<16xf32>, vector<16xi32> -> vector<16xf32>
      %parallel_loop3A_525 = arith.addf %parallel_loop3A_519, %parallel_loop3A_524 : vector<16xf32>
      %parallel_loop3A_526 = vector.shape_cast %select_n3A : vector<16xi32> to vector<16x1xi32>
      %parallel_loop3A_527 = vector.shape_cast %parallel_loop3A_526 : vector<16x1xi32> to vector<16xi32>
      %parallel_loop3A_528 = tpu.dynamic_gather %parallel_loop3A_525[%parallel_loop3A_527] in [0] : vector<16xf32>, vector<16xi32> -> vector<16xf32>
      %parallel_loop3A_529 = arith.addf %parallel_loop3A_525, %parallel_loop3A_528 : vector<16xf32>
      %parallel_loop3A_530 = vector.shape_cast %select_n3A_15 : vector<16xi32> to vector<16x1xi32>
      %parallel_loop3A_531 = vector.shape_cast %parallel_loop3A_530 : vector<16x1xi32> to vector<16xi32>
      %parallel_loop3A_532 = tpu.dynamic_gather %parallel_loop3A_529[%parallel_loop3A_531] in [0] : vector<16xf32>, vector<16xi32> -> vector<16xf32>
      %parallel_loop3A_533 = arith.addf %parallel_loop3A_529, %parallel_loop3A_532 : vector<16xf32>
      %parallel_loop3A_534 = vector.shape_cast %select_n3A_24 : vector<16xi32> to vector<16x1xi32>
      %parallel_loop3A_535 = vector.shape_cast %parallel_loop3A_534 : vector<16x1xi32> to vector<16xi32>
      %parallel_loop3A_536 = tpu.dynamic_gather %parallel_loop3A_533[%parallel_loop3A_535] in [0] : vector<16xf32>, vector<16xi32> -> vector<16xf32>
      %parallel_loop3A_537 = arith.addf %parallel_loop3A_533, %parallel_loop3A_536 : vector<16xf32>
      %parallel_loop3A_538 = arith.constant 0 : i32
      %parallel_loop3A_539 = vector.broadcast %parallel_loop3A_538 : i32 to vector<16xi32>
      %parallel_loop3A_540 = arith.constant 192 : i32
      %parallel_loop3A_541 = arith.addi %parallel_loop3A_540, %parallel_loop3A_456 : i32
      %parallel_loop3A_542 = vector.broadcast %parallel_loop3A_541 : i32 to vector<16xi32>
      %parallel_loop3A_543 = arith.addi %parallel_loop3A_539, %parallel_loop3A_542 : vector<16xi32>
      tpu.vector_store_idx %arg17[%parallel_loop3A_543], %parallel_loop3A_537 masked %lt3A_27 {add = true} : memref<512xf32, #tpu.memory_space<vmem>>[vector<16xi32>], vector<16xf32>, vector<16xi1>
    } {sc.loop_unroll_factor = 4 : i64, sc.parallel_access}
    %dma_start3A_262 = arith.constant 320 : i32
    %dma_start3A_263 = tpu.memref_slice %arg9[%dma_start3A_262] : memref<512xi32, #tpu.memory_space<vmem>> -> memref<64xi32, #tpu.memory_space<vmem>>
    %dma_start3A_264 = arith.constant 0 : i32
    %dma_start3A_265 = arith.constant 0 : i32
    %dma_start3A_266 = tpu.memref_slice %arg4[%dma_start3A_264, %dma_start3A_265] : memref<100000x128xf32, #tpu.memory_space<hbm>> -> memref<100000x128xf32, #tpu.memory_space<hbm>>
    tpu.enqueue_indirect_dma source(%dma_start3A_266 : memref<100000x128xf32, #tpu.memory_space<hbm>>) target(%arg12 : memref<64x128xf32, #tpu.memory_space<vmem>>) offsets(%dma_start3A_263 : memref<64xi32, #tpu.memory_space<vmem>>) semaphore(%arg19 : memref<!tpu.dma_semaphore, #tpu.memory_space<semaphore_mem>>)
    %dma_start3A_267 = arith.constant 320 : i32
    %dma_start3A_268 = tpu.memref_slice %arg10[%dma_start3A_267] : memref<512xi32, #tpu.memory_space<vmem>> -> memref<64xi32, #tpu.memory_space<vmem>>
    %dma_start3A_269 = arith.constant 0 : i32
    %dma_start3A_270 = arith.constant 0 : i32
    %dma_start3A_271 = tpu.memref_slice %arg5[%dma_start3A_269, %dma_start3A_270] : memref<100000x128xf32, #tpu.memory_space<hbm>> -> memref<100000x128xf32, #tpu.memory_space<hbm>>
    tpu.enqueue_indirect_dma source(%dma_start3A_271 : memref<100000x128xf32, #tpu.memory_space<hbm>>) target(%arg14 : memref<64x128xf32, #tpu.memory_space<vmem>>) offsets(%dma_start3A_268 : memref<64xi32, #tpu.memory_space<vmem>>) semaphore(%arg19 : memref<!tpu.dma_semaphore, #tpu.memory_space<semaphore_mem>>)
    %dma_start3A_272 = arith.constant 320 : i32
    %dma_start3A_273 = tpu.memref_slice %arg15[%dma_start3A_272] : memref<512xf32, #tpu.memory_space<vmem>> -> memref<64xf32, #tpu.memory_space<vmem>>
    %dma_start3A_274 = arith.constant 320 : i32
    %dma_start3A_275 = tpu.memref_slice %arg9[%dma_start3A_274] : memref<512xi32, #tpu.memory_space<vmem>> -> memref<64xi32, #tpu.memory_space<vmem>>
    %dma_start3A_276 = arith.constant 0 : i32
    %dma_start3A_277 = tpu.memref_slice %arg6[%dma_start3A_276] : memref<100000xf32, #tpu.memory_space<hbm>> -> memref<100000xf32, #tpu.memory_space<hbm>>
    tpu.enqueue_indirect_dma source(%dma_start3A_277 : memref<100000xf32, #tpu.memory_space<hbm>>) target(%dma_start3A_273 : memref<64xf32, #tpu.memory_space<vmem>>) offsets(%dma_start3A_275 : memref<64xi32, #tpu.memory_space<vmem>>) semaphore(%arg19 : memref<!tpu.dma_semaphore, #tpu.memory_space<semaphore_mem>>)
    %dma_start3A_278 = arith.constant 320 : i32
    %dma_start3A_279 = tpu.memref_slice %arg16[%dma_start3A_278] : memref<512xf32, #tpu.memory_space<vmem>> -> memref<64xf32, #tpu.memory_space<vmem>>
    %dma_start3A_280 = arith.constant 320 : i32
    %dma_start3A_281 = tpu.memref_slice %arg10[%dma_start3A_280] : memref<512xi32, #tpu.memory_space<vmem>> -> memref<64xi32, #tpu.memory_space<vmem>>
    %dma_start3A_282 = arith.constant 0 : i32
    %dma_start3A_283 = tpu.memref_slice %arg7[%dma_start3A_282] : memref<100000xf32, #tpu.memory_space<hbm>> -> memref<100000xf32, #tpu.memory_space<hbm>>
    tpu.enqueue_indirect_dma source(%dma_start3A_283 : memref<100000xf32, #tpu.memory_space<hbm>>) target(%dma_start3A_279 : memref<64xf32, #tpu.memory_space<vmem>>) offsets(%dma_start3A_281 : memref<64xi32, #tpu.memory_space<vmem>>) semaphore(%arg19 : memref<!tpu.dma_semaphore, #tpu.memory_space<semaphore_mem>>)
    %dma_wait3A_284 = arith.constant 256 : i32
    %dma_wait3A_285 = tpu.memref_slice %arg9[%dma_wait3A_284] : memref<512xi32, #tpu.memory_space<vmem>> -> memref<64xi32, #tpu.memory_space<vmem>>
    %dma_wait3A_286 = arith.constant 0 : i32
    %dma_wait3A_287 = arith.constant 0 : i32
    %dma_wait3A_288 = tpu.memref_slice %arg4[%dma_wait3A_286, %dma_wait3A_287] : memref<100000x128xf32, #tpu.memory_space<hbm>> -> memref<100000x128xf32, #tpu.memory_space<hbm>>
    tpu.wait_indirect_dma semaphore(%arg18 : memref<!tpu.dma_semaphore, #tpu.memory_space<semaphore_mem>>) src(%dma_wait3A_288 : memref<100000x128xf32, #tpu.memory_space<hbm>>) dst(%arg11 : memref<64x128xf32, #tpu.memory_space<vmem>>)
    %dma_wait3A_289 = arith.constant 256 : i32
    %dma_wait3A_290 = tpu.memref_slice %arg10[%dma_wait3A_289] : memref<512xi32, #tpu.memory_space<vmem>> -> memref<64xi32, #tpu.memory_space<vmem>>
    %dma_wait3A_291 = arith.constant 0 : i32
    %dma_wait3A_292 = arith.constant 0 : i32
    %dma_wait3A_293 = tpu.memref_slice %arg5[%dma_wait3A_291, %dma_wait3A_292] : memref<100000x128xf32, #tpu.memory_space<hbm>> -> memref<100000x128xf32, #tpu.memory_space<hbm>>
    tpu.wait_indirect_dma semaphore(%arg18 : memref<!tpu.dma_semaphore, #tpu.memory_space<semaphore_mem>>) src(%dma_wait3A_293 : memref<100000x128xf32, #tpu.memory_space<hbm>>) dst(%arg13 : memref<64x128xf32, #tpu.memory_space<vmem>>)
    %dma_wait3A_294 = arith.constant 256 : i32
    %dma_wait3A_295 = tpu.memref_slice %arg15[%dma_wait3A_294] : memref<512xf32, #tpu.memory_space<vmem>> -> memref<64xf32, #tpu.memory_space<vmem>>
    %dma_wait3A_296 = arith.constant 256 : i32
    %dma_wait3A_297 = tpu.memref_slice %arg9[%dma_wait3A_296] : memref<512xi32, #tpu.memory_space<vmem>> -> memref<64xi32, #tpu.memory_space<vmem>>
    %dma_wait3A_298 = arith.constant 0 : i32
    %dma_wait3A_299 = tpu.memref_slice %arg6[%dma_wait3A_298] : memref<100000xf32, #tpu.memory_space<hbm>> -> memref<100000xf32, #tpu.memory_space<hbm>>
    tpu.wait_indirect_dma semaphore(%arg18 : memref<!tpu.dma_semaphore, #tpu.memory_space<semaphore_mem>>) src(%dma_wait3A_299 : memref<100000xf32, #tpu.memory_space<hbm>>) dst(%dma_wait3A_295 : memref<64xf32, #tpu.memory_space<vmem>>)
    %dma_wait3A_300 = arith.constant 256 : i32
    %dma_wait3A_301 = tpu.memref_slice %arg16[%dma_wait3A_300] : memref<512xf32, #tpu.memory_space<vmem>> -> memref<64xf32, #tpu.memory_space<vmem>>
    %dma_wait3A_302 = arith.constant 256 : i32
    %dma_wait3A_303 = tpu.memref_slice %arg10[%dma_wait3A_302] : memref<512xi32, #tpu.memory_space<vmem>> -> memref<64xi32, #tpu.memory_space<vmem>>
    %dma_wait3A_304 = arith.constant 0 : i32
    %dma_wait3A_305 = tpu.memref_slice %arg7[%dma_wait3A_304] : memref<100000xf32, #tpu.memory_space<hbm>> -> memref<100000xf32, #tpu.memory_space<hbm>>
    tpu.wait_indirect_dma semaphore(%arg18 : memref<!tpu.dma_semaphore, #tpu.memory_space<semaphore_mem>>) src(%dma_wait3A_305 : memref<100000xf32, #tpu.memory_space<hbm>>) dst(%dma_wait3A_301 : memref<64xf32, #tpu.memory_space<vmem>>)
    %scan3A_306 = arith.constant 0 : i32
    %scan3A_307 = arith.constant 0 : i32
    %scan3A_308 = arith.constant 4 : i32
    %scan3A_309 = arith.addi %scan3A_307, %scan3A_308 : i32
    %scan3A_310 = arith.constant 1 : i32
    %scan3A_311 = scf.for %scan3A_456 = %scan3A_307 to %scan3A_309 step %scan3A_310 iter_args(%scan3A_457 = %scan3A_306) -> (i32)  : i32 {
      %mul3A_458 = arith.constant 16 : i32
      %mul3A_459 = arith.muli %scan3A_456, %mul3A_458 : i32
      %add3A_460 = arith.constant 256 : i32
      %add3A_461 = arith.addi %add3A_460, %mul3A_459 : i32
      %get3A = arith.index_cast %add3A_461 : i32 to index
      %get3A_462 = tpu.vector_load %arg15[%get3A] {strides = array<i32>} : memref<512xf32, #tpu.memory_space<vmem>>, vector<16xf32>,
      %get3A_463 = arith.index_cast %add3A_461 : i32 to index
      %get3A_464 = tpu.vector_load %arg16[%get3A_463] {strides = array<i32>} : memref<512xf32, #tpu.memory_space<vmem>>, vector<16xf32>,
      %add3A_465 = arith.addf %get3A_462, %get3A_464 : vector<16xf32>
      %swap3A = arith.index_cast %add3A_461 : i32 to index
      %swap3A_466 = tpu.vector_load %arg17[%swap3A] {strides = array<i32>} : memref<512xf32, #tpu.memory_space<vmem>>, vector<16xf32>,
      tpu.vector_store %arg17[%swap3A], %add3A_465 {strides = array<i32>} : memref<512xf32, #tpu.memory_space<vmem>>, vector<16xf32>,
      %scan3A_467 = arith.constant 0 : i32
      scf.yield %scan3A_467 : i32
    }
    %scan3A_312 = arith.constant 4 : i32
    %parallel_loop3A_313 = arith.constant 0 : i32
    %parallel_loop3A_314 = arith.constant 64 : i32
    %parallel_loop3A_315 = arith.constant 1 : i32
    scf.for %parallel_loop3A_456 = %parallel_loop3A_313 to %parallel_loop3A_314 step %parallel_loop3A_315  : i32 {
      %parallel_loop3A_457 = arith.index_cast %parallel_loop3A_456 : i32 to index
      %parallel_loop3A_458 = arith.constant 0 : index
      %parallel_loop3A_459 = tpu.vector_load %arg11[%parallel_loop3A_457, %parallel_loop3A_458] {strides = array<i32>} : memref<64x128xf32, #tpu.memory_space<vmem>>, vector<16xf32>,
      %parallel_loop3A_460 = arith.index_cast %parallel_loop3A_456 : i32 to index
      %parallel_loop3A_461 = arith.constant 0 : index
      %parallel_loop3A_462 = tpu.vector_load %arg13[%parallel_loop3A_460, %parallel_loop3A_461] {strides = array<i32>} : memref<64x128xf32, #tpu.memory_space<vmem>>, vector<16xf32>,
      %parallel_loop3A_463 = arith.mulf %parallel_loop3A_459, %parallel_loop3A_462 : vector<16xf32>
      %parallel_loop3A_464 = arith.index_cast %parallel_loop3A_456 : i32 to index
      %parallel_loop3A_465 = arith.constant 16 : index
      %parallel_loop3A_466 = tpu.vector_load %arg11[%parallel_loop3A_464, %parallel_loop3A_465] {strides = array<i32>} : memref<64x128xf32, #tpu.memory_space<vmem>>, vector<16xf32>,
      %parallel_loop3A_467 = arith.index_cast %parallel_loop3A_456 : i32 to index
      %parallel_loop3A_468 = arith.constant 16 : index
      %parallel_loop3A_469 = tpu.vector_load %arg13[%parallel_loop3A_467, %parallel_loop3A_468] {strides = array<i32>} : memref<64x128xf32, #tpu.memory_space<vmem>>, vector<16xf32>,
      %parallel_loop3A_470 = arith.mulf %parallel_loop3A_466, %parallel_loop3A_469 : vector<16xf32>
      %parallel_loop3A_471 = arith.index_cast %parallel_loop3A_456 : i32 to index
      %parallel_loop3A_472 = arith.constant 32 : index
      %parallel_loop3A_473 = tpu.vector_load %arg11[%parallel_loop3A_471, %parallel_loop3A_472] {strides = array<i32>} : memref<64x128xf32, #tpu.memory_space<vmem>>, vector<16xf32>,
      %parallel_loop3A_474 = arith.index_cast %parallel_loop3A_456 : i32 to index
      %parallel_loop3A_475 = arith.constant 32 : index
      %parallel_loop3A_476 = tpu.vector_load %arg13[%parallel_loop3A_474, %parallel_loop3A_475] {strides = array<i32>} : memref<64x128xf32, #tpu.memory_space<vmem>>, vector<16xf32>,
      %parallel_loop3A_477 = arith.mulf %parallel_loop3A_473, %parallel_loop3A_476 : vector<16xf32>
      %parallel_loop3A_478 = arith.index_cast %parallel_loop3A_456 : i32 to index
      %parallel_loop3A_479 = arith.constant 48 : index
      %parallel_loop3A_480 = tpu.vector_load %arg11[%parallel_loop3A_478, %parallel_loop3A_479] {strides = array<i32>} : memref<64x128xf32, #tpu.memory_space<vmem>>, vector<16xf32>,
      %parallel_loop3A_481 = arith.index_cast %parallel_loop3A_456 : i32 to index
      %parallel_loop3A_482 = arith.constant 48 : index
      %parallel_loop3A_483 = tpu.vector_load %arg13[%parallel_loop3A_481, %parallel_loop3A_482] {strides = array<i32>} : memref<64x128xf32, #tpu.memory_space<vmem>>, vector<16xf32>,
      %parallel_loop3A_484 = arith.mulf %parallel_loop3A_480, %parallel_loop3A_483 : vector<16xf32>
      %parallel_loop3A_485 = arith.index_cast %parallel_loop3A_456 : i32 to index
      %parallel_loop3A_486 = arith.constant 64 : index
      %parallel_loop3A_487 = tpu.vector_load %arg11[%parallel_loop3A_485, %parallel_loop3A_486] {strides = array<i32>} : memref<64x128xf32, #tpu.memory_space<vmem>>, vector<16xf32>,
      %parallel_loop3A_488 = arith.index_cast %parallel_loop3A_456 : i32 to index
      %parallel_loop3A_489 = arith.constant 64 : index
      %parallel_loop3A_490 = tpu.vector_load %arg13[%parallel_loop3A_488, %parallel_loop3A_489] {strides = array<i32>} : memref<64x128xf32, #tpu.memory_space<vmem>>, vector<16xf32>,
      %parallel_loop3A_491 = arith.mulf %parallel_loop3A_487, %parallel_loop3A_490 : vector<16xf32>
      %parallel_loop3A_492 = arith.index_cast %parallel_loop3A_456 : i32 to index
      %parallel_loop3A_493 = arith.constant 80 : index
      %parallel_loop3A_494 = tpu.vector_load %arg11[%parallel_loop3A_492, %parallel_loop3A_493] {strides = array<i32>} : memref<64x128xf32, #tpu.memory_space<vmem>>, vector<16xf32>,
      %parallel_loop3A_495 = arith.index_cast %parallel_loop3A_456 : i32 to index
      %parallel_loop3A_496 = arith.constant 80 : index
      %parallel_loop3A_497 = tpu.vector_load %arg13[%parallel_loop3A_495, %parallel_loop3A_496] {strides = array<i32>} : memref<64x128xf32, #tpu.memory_space<vmem>>, vector<16xf32>,
      %parallel_loop3A_498 = arith.mulf %parallel_loop3A_494, %parallel_loop3A_497 : vector<16xf32>
      %parallel_loop3A_499 = arith.index_cast %parallel_loop3A_456 : i32 to index
      %parallel_loop3A_500 = arith.constant 96 : index
      %parallel_loop3A_501 = tpu.vector_load %arg11[%parallel_loop3A_499, %parallel_loop3A_500] {strides = array<i32>} : memref<64x128xf32, #tpu.memory_space<vmem>>, vector<16xf32>,
      %parallel_loop3A_502 = arith.index_cast %parallel_loop3A_456 : i32 to index
      %parallel_loop3A_503 = arith.constant 96 : index
      %parallel_loop3A_504 = tpu.vector_load %arg13[%parallel_loop3A_502, %parallel_loop3A_503] {strides = array<i32>} : memref<64x128xf32, #tpu.memory_space<vmem>>, vector<16xf32>,
      %parallel_loop3A_505 = arith.mulf %parallel_loop3A_501, %parallel_loop3A_504 : vector<16xf32>
      %parallel_loop3A_506 = arith.index_cast %parallel_loop3A_456 : i32 to index
      %parallel_loop3A_507 = arith.constant 112 : index
      %parallel_loop3A_508 = tpu.vector_load %arg11[%parallel_loop3A_506, %parallel_loop3A_507] {strides = array<i32>} : memref<64x128xf32, #tpu.memory_space<vmem>>, vector<16xf32>,
      %parallel_loop3A_509 = arith.index_cast %parallel_loop3A_456 : i32 to index
      %parallel_loop3A_510 = arith.constant 112 : index
      %parallel_loop3A_511 = tpu.vector_load %arg13[%parallel_loop3A_509, %parallel_loop3A_510] {strides = array<i32>} : memref<64x128xf32, #tpu.memory_space<vmem>>, vector<16xf32>,
      %parallel_loop3A_512 = arith.mulf %parallel_loop3A_508, %parallel_loop3A_511 : vector<16xf32>
      %parallel_loop3A_513 = arith.addf %parallel_loop3A_463, %parallel_loop3A_470 : vector<16xf32>
      %parallel_loop3A_514 = arith.addf %parallel_loop3A_477, %parallel_loop3A_484 : vector<16xf32>
      %parallel_loop3A_515 = arith.addf %parallel_loop3A_491, %parallel_loop3A_498 : vector<16xf32>
      %parallel_loop3A_516 = arith.addf %parallel_loop3A_505, %parallel_loop3A_512 : vector<16xf32>
      %parallel_loop3A_517 = arith.addf %parallel_loop3A_513, %parallel_loop3A_514 : vector<16xf32>
      %parallel_loop3A_518 = arith.addf %parallel_loop3A_515, %parallel_loop3A_516 : vector<16xf32>
      %parallel_loop3A_519 = arith.addf %parallel_loop3A_517, %parallel_loop3A_518 : vector<16xf32>
      %parallel_loop3A_520 = arith.constant 15 : i32
      %parallel_loop3A_521 = vector.broadcast %parallel_loop3A_520 : i32 to vector<16xi32>
      %parallel_loop3A_522 = tpu.iota {dimensions = array<i32: 0>} : vector<16xi32>
      %parallel_loop3A_523 = arith.subi %parallel_loop3A_521, %parallel_loop3A_522 : vector<16xi32>
      %parallel_loop3A_524 = tpu.dynamic_gather %parallel_loop3A_519[%parallel_loop3A_523] in [0] : vector<16xf32>, vector<16xi32> -> vector<16xf32>
      %parallel_loop3A_525 = arith.addf %parallel_loop3A_519, %parallel_loop3A_524 : vector<16xf32>
      %parallel_loop3A_526 = vector.shape_cast %select_n3A : vector<16xi32> to vector<16x1xi32>
      %parallel_loop3A_527 = vector.shape_cast %parallel_loop3A_526 : vector<16x1xi32> to vector<16xi32>
      %parallel_loop3A_528 = tpu.dynamic_gather %parallel_loop3A_525[%parallel_loop3A_527] in [0] : vector<16xf32>, vector<16xi32> -> vector<16xf32>
      %parallel_loop3A_529 = arith.addf %parallel_loop3A_525, %parallel_loop3A_528 : vector<16xf32>
      %parallel_loop3A_530 = vector.shape_cast %select_n3A_15 : vector<16xi32> to vector<16x1xi32>
      %parallel_loop3A_531 = vector.shape_cast %parallel_loop3A_530 : vector<16x1xi32> to vector<16xi32>
      %parallel_loop3A_532 = tpu.dynamic_gather %parallel_loop3A_529[%parallel_loop3A_531] in [0] : vector<16xf32>, vector<16xi32> -> vector<16xf32>
      %parallel_loop3A_533 = arith.addf %parallel_loop3A_529, %parallel_loop3A_532 : vector<16xf32>
      %parallel_loop3A_534 = vector.shape_cast %select_n3A_24 : vector<16xi32> to vector<16x1xi32>
      %parallel_loop3A_535 = vector.shape_cast %parallel_loop3A_534 : vector<16x1xi32> to vector<16xi32>
      %parallel_loop3A_536 = tpu.dynamic_gather %parallel_loop3A_533[%parallel_loop3A_535] in [0] : vector<16xf32>, vector<16xi32> -> vector<16xf32>
      %parallel_loop3A_537 = arith.addf %parallel_loop3A_533, %parallel_loop3A_536 : vector<16xf32>
      %parallel_loop3A_538 = arith.constant 0 : i32
      %parallel_loop3A_539 = vector.broadcast %parallel_loop3A_538 : i32 to vector<16xi32>
      %parallel_loop3A_540 = arith.constant 256 : i32
      %parallel_loop3A_541 = arith.addi %parallel_loop3A_540, %parallel_loop3A_456 : i32
      %parallel_loop3A_542 = vector.broadcast %parallel_loop3A_541 : i32 to vector<16xi32>
      %parallel_loop3A_543 = arith.addi %parallel_loop3A_539, %parallel_loop3A_542 : vector<16xi32>
      tpu.vector_store_idx %arg17[%parallel_loop3A_543], %parallel_loop3A_537 masked %lt3A_27 {add = true} : memref<512xf32, #tpu.memory_space<vmem>>[vector<16xi32>], vector<16xf32>, vector<16xi1>
    } {sc.loop_unroll_factor = 4 : i64, sc.parallel_access}
    %dma_start3A_316 = arith.constant 384 : i32
    %dma_start3A_317 = tpu.memref_slice %arg9[%dma_start3A_316] : memref<512xi32, #tpu.memory_space<vmem>> -> memref<64xi32, #tpu.memory_space<vmem>>
    %dma_start3A_318 = arith.constant 0 : i32
    %dma_start3A_319 = arith.constant 0 : i32
    %dma_start3A_320 = tpu.memref_slice %arg4[%dma_start3A_318, %dma_start3A_319] : memref<100000x128xf32, #tpu.memory_space<hbm>> -> memref<100000x128xf32, #tpu.memory_space<hbm>>
    tpu.enqueue_indirect_dma source(%dma_start3A_320 : memref<100000x128xf32, #tpu.memory_space<hbm>>) target(%arg11 : memref<64x128xf32, #tpu.memory_space<vmem>>) offsets(%dma_start3A_317 : memref<64xi32, #tpu.memory_space<vmem>>) semaphore(%arg18 : memref<!tpu.dma_semaphore, #tpu.memory_space<semaphore_mem>>)
    %dma_start3A_321 = arith.constant 384 : i32
    %dma_start3A_322 = tpu.memref_slice %arg10[%dma_start3A_321] : memref<512xi32, #tpu.memory_space<vmem>> -> memref<64xi32, #tpu.memory_space<vmem>>
    %dma_start3A_323 = arith.constant 0 : i32
    %dma_start3A_324 = arith.constant 0 : i32
    %dma_start3A_325 = tpu.memref_slice %arg5[%dma_start3A_323, %dma_start3A_324] : memref<100000x128xf32, #tpu.memory_space<hbm>> -> memref<100000x128xf32, #tpu.memory_space<hbm>>
    tpu.enqueue_indirect_dma source(%dma_start3A_325 : memref<100000x128xf32, #tpu.memory_space<hbm>>) target(%arg13 : memref<64x128xf32, #tpu.memory_space<vmem>>) offsets(%dma_start3A_322 : memref<64xi32, #tpu.memory_space<vmem>>) semaphore(%arg18 : memref<!tpu.dma_semaphore, #tpu.memory_space<semaphore_mem>>)
    %dma_start3A_326 = arith.constant 384 : i32
    %dma_start3A_327 = tpu.memref_slice %arg15[%dma_start3A_326] : memref<512xf32, #tpu.memory_space<vmem>> -> memref<64xf32, #tpu.memory_space<vmem>>
    %dma_start3A_328 = arith.constant 384 : i32
    %dma_start3A_329 = tpu.memref_slice %arg9[%dma_start3A_328] : memref<512xi32, #tpu.memory_space<vmem>> -> memref<64xi32, #tpu.memory_space<vmem>>
    %dma_start3A_330 = arith.constant 0 : i32
    %dma_start3A_331 = tpu.memref_slice %arg6[%dma_start3A_330] : memref<100000xf32, #tpu.memory_space<hbm>> -> memref<100000xf32, #tpu.memory_space<hbm>>
    tpu.enqueue_indirect_dma source(%dma_start3A_331 : memref<100000xf32, #tpu.memory_space<hbm>>) target(%dma_start3A_327 : memref<64xf32, #tpu.memory_space<vmem>>) offsets(%dma_start3A_329 : memref<64xi32, #tpu.memory_space<vmem>>) semaphore(%arg18 : memref<!tpu.dma_semaphore, #tpu.memory_space<semaphore_mem>>)
    %dma_start3A_332 = arith.constant 384 : i32
    %dma_start3A_333 = tpu.memref_slice %arg16[%dma_start3A_332] : memref<512xf32, #tpu.memory_space<vmem>> -> memref<64xf32, #tpu.memory_space<vmem>>
    %dma_start3A_334 = arith.constant 384 : i32
    %dma_start3A_335 = tpu.memref_slice %arg10[%dma_start3A_334] : memref<512xi32, #tpu.memory_space<vmem>> -> memref<64xi32, #tpu.memory_space<vmem>>
    %dma_start3A_336 = arith.constant 0 : i32
    %dma_start3A_337 = tpu.memref_slice %arg7[%dma_start3A_336] : memref<100000xf32, #tpu.memory_space<hbm>> -> memref<100000xf32, #tpu.memory_space<hbm>>
    tpu.enqueue_indirect_dma source(%dma_start3A_337 : memref<100000xf32, #tpu.memory_space<hbm>>) target(%dma_start3A_333 : memref<64xf32, #tpu.memory_space<vmem>>) offsets(%dma_start3A_335 : memref<64xi32, #tpu.memory_space<vmem>>) semaphore(%arg18 : memref<!tpu.dma_semaphore, #tpu.memory_space<semaphore_mem>>)
    %dma_wait3A_338 = arith.constant 320 : i32
    %dma_wait3A_339 = tpu.memref_slice %arg9[%dma_wait3A_338] : memref<512xi32, #tpu.memory_space<vmem>> -> memref<64xi32, #tpu.memory_space<vmem>>
    %dma_wait3A_340 = arith.constant 0 : i32
    %dma_wait3A_341 = arith.constant 0 : i32
    %dma_wait3A_342 = tpu.memref_slice %arg4[%dma_wait3A_340, %dma_wait3A_341] : memref<100000x128xf32, #tpu.memory_space<hbm>> -> memref<100000x128xf32, #tpu.memory_space<hbm>>
    tpu.wait_indirect_dma semaphore(%arg19 : memref<!tpu.dma_semaphore, #tpu.memory_space<semaphore_mem>>) src(%dma_wait3A_342 : memref<100000x128xf32, #tpu.memory_space<hbm>>) dst(%arg12 : memref<64x128xf32, #tpu.memory_space<vmem>>)
    %dma_wait3A_343 = arith.constant 320 : i32
    %dma_wait3A_344 = tpu.memref_slice %arg10[%dma_wait3A_343] : memref<512xi32, #tpu.memory_space<vmem>> -> memref<64xi32, #tpu.memory_space<vmem>>
    %dma_wait3A_345 = arith.constant 0 : i32
    %dma_wait3A_346 = arith.constant 0 : i32
    %dma_wait3A_347 = tpu.memref_slice %arg5[%dma_wait3A_345, %dma_wait3A_346] : memref<100000x128xf32, #tpu.memory_space<hbm>> -> memref<100000x128xf32, #tpu.memory_space<hbm>>
    tpu.wait_indirect_dma semaphore(%arg19 : memref<!tpu.dma_semaphore, #tpu.memory_space<semaphore_mem>>) src(%dma_wait3A_347 : memref<100000x128xf32, #tpu.memory_space<hbm>>) dst(%arg14 : memref<64x128xf32, #tpu.memory_space<vmem>>)
    %dma_wait3A_348 = arith.constant 320 : i32
    %dma_wait3A_349 = tpu.memref_slice %arg15[%dma_wait3A_348] : memref<512xf32, #tpu.memory_space<vmem>> -> memref<64xf32, #tpu.memory_space<vmem>>
    %dma_wait3A_350 = arith.constant 320 : i32
    %dma_wait3A_351 = tpu.memref_slice %arg9[%dma_wait3A_350] : memref<512xi32, #tpu.memory_space<vmem>> -> memref<64xi32, #tpu.memory_space<vmem>>
    %dma_wait3A_352 = arith.constant 0 : i32
    %dma_wait3A_353 = tpu.memref_slice %arg6[%dma_wait3A_352] : memref<100000xf32, #tpu.memory_space<hbm>> -> memref<100000xf32, #tpu.memory_space<hbm>>
    tpu.wait_indirect_dma semaphore(%arg19 : memref<!tpu.dma_semaphore, #tpu.memory_space<semaphore_mem>>) src(%dma_wait3A_353 : memref<100000xf32, #tpu.memory_space<hbm>>) dst(%dma_wait3A_349 : memref<64xf32, #tpu.memory_space<vmem>>)
    %dma_wait3A_354 = arith.constant 320 : i32
    %dma_wait3A_355 = tpu.memref_slice %arg16[%dma_wait3A_354] : memref<512xf32, #tpu.memory_space<vmem>> -> memref<64xf32, #tpu.memory_space<vmem>>
    %dma_wait3A_356 = arith.constant 320 : i32
    %dma_wait3A_357 = tpu.memref_slice %arg10[%dma_wait3A_356] : memref<512xi32, #tpu.memory_space<vmem>> -> memref<64xi32, #tpu.memory_space<vmem>>
    %dma_wait3A_358 = arith.constant 0 : i32
    %dma_wait3A_359 = tpu.memref_slice %arg7[%dma_wait3A_358] : memref<100000xf32, #tpu.memory_space<hbm>> -> memref<100000xf32, #tpu.memory_space<hbm>>
    tpu.wait_indirect_dma semaphore(%arg19 : memref<!tpu.dma_semaphore, #tpu.memory_space<semaphore_mem>>) src(%dma_wait3A_359 : memref<100000xf32, #tpu.memory_space<hbm>>) dst(%dma_wait3A_355 : memref<64xf32, #tpu.memory_space<vmem>>)
    %scan3A_360 = arith.constant 0 : i32
    %scan3A_361 = arith.constant 0 : i32
    %scan3A_362 = arith.constant 4 : i32
    %scan3A_363 = arith.addi %scan3A_361, %scan3A_362 : i32
    %scan3A_364 = arith.constant 1 : i32
    %scan3A_365 = scf.for %scan3A_456 = %scan3A_361 to %scan3A_363 step %scan3A_364 iter_args(%scan3A_457 = %scan3A_360) -> (i32)  : i32 {
      %mul3A_458 = arith.constant 16 : i32
      %mul3A_459 = arith.muli %scan3A_456, %mul3A_458 : i32
      %add3A_460 = arith.constant 320 : i32
      %add3A_461 = arith.addi %add3A_460, %mul3A_459 : i32
      %get3A = arith.index_cast %add3A_461 : i32 to index
      %get3A_462 = tpu.vector_load %arg15[%get3A] {strides = array<i32>} : memref<512xf32, #tpu.memory_space<vmem>>, vector<16xf32>,
      %get3A_463 = arith.index_cast %add3A_461 : i32 to index
      %get3A_464 = tpu.vector_load %arg16[%get3A_463] {strides = array<i32>} : memref<512xf32, #tpu.memory_space<vmem>>, vector<16xf32>,
      %add3A_465 = arith.addf %get3A_462, %get3A_464 : vector<16xf32>
      %swap3A = arith.index_cast %add3A_461 : i32 to index
      %swap3A_466 = tpu.vector_load %arg17[%swap3A] {strides = array<i32>} : memref<512xf32, #tpu.memory_space<vmem>>, vector<16xf32>,
      tpu.vector_store %arg17[%swap3A], %add3A_465 {strides = array<i32>} : memref<512xf32, #tpu.memory_space<vmem>>, vector<16xf32>,
      %scan3A_467 = arith.constant 0 : i32
      scf.yield %scan3A_467 : i32
    }
    %scan3A_366 = arith.constant 4 : i32
    %parallel_loop3A_367 = arith.constant 0 : i32
    %parallel_loop3A_368 = arith.constant 64 : i32
    %parallel_loop3A_369 = arith.constant 1 : i32
    scf.for %parallel_loop3A_456 = %parallel_loop3A_367 to %parallel_loop3A_368 step %parallel_loop3A_369  : i32 {
      %parallel_loop3A_457 = arith.index_cast %parallel_loop3A_456 : i32 to index
      %parallel_loop3A_458 = arith.constant 0 : index
      %parallel_loop3A_459 = tpu.vector_load %arg12[%parallel_loop3A_457, %parallel_loop3A_458] {strides = array<i32>} : memref<64x128xf32, #tpu.memory_space<vmem>>, vector<16xf32>,
      %parallel_loop3A_460 = arith.index_cast %parallel_loop3A_456 : i32 to index
      %parallel_loop3A_461 = arith.constant 0 : index
      %parallel_loop3A_462 = tpu.vector_load %arg14[%parallel_loop3A_460, %parallel_loop3A_461] {strides = array<i32>} : memref<64x128xf32, #tpu.memory_space<vmem>>, vector<16xf32>,
      %parallel_loop3A_463 = arith.mulf %parallel_loop3A_459, %parallel_loop3A_462 : vector<16xf32>
      %parallel_loop3A_464 = arith.index_cast %parallel_loop3A_456 : i32 to index
      %parallel_loop3A_465 = arith.constant 16 : index
      %parallel_loop3A_466 = tpu.vector_load %arg12[%parallel_loop3A_464, %parallel_loop3A_465] {strides = array<i32>} : memref<64x128xf32, #tpu.memory_space<vmem>>, vector<16xf32>,
      %parallel_loop3A_467 = arith.index_cast %parallel_loop3A_456 : i32 to index
      %parallel_loop3A_468 = arith.constant 16 : index
      %parallel_loop3A_469 = tpu.vector_load %arg14[%parallel_loop3A_467, %parallel_loop3A_468] {strides = array<i32>} : memref<64x128xf32, #tpu.memory_space<vmem>>, vector<16xf32>,
      %parallel_loop3A_470 = arith.mulf %parallel_loop3A_466, %parallel_loop3A_469 : vector<16xf32>
      %parallel_loop3A_471 = arith.index_cast %parallel_loop3A_456 : i32 to index
      %parallel_loop3A_472 = arith.constant 32 : index
      %parallel_loop3A_473 = tpu.vector_load %arg12[%parallel_loop3A_471, %parallel_loop3A_472] {strides = array<i32>} : memref<64x128xf32, #tpu.memory_space<vmem>>, vector<16xf32>,
      %parallel_loop3A_474 = arith.index_cast %parallel_loop3A_456 : i32 to index
      %parallel_loop3A_475 = arith.constant 32 : index
      %parallel_loop3A_476 = tpu.vector_load %arg14[%parallel_loop3A_474, %parallel_loop3A_475] {strides = array<i32>} : memref<64x128xf32, #tpu.memory_space<vmem>>, vector<16xf32>,
      %parallel_loop3A_477 = arith.mulf %parallel_loop3A_473, %parallel_loop3A_476 : vector<16xf32>
      %parallel_loop3A_478 = arith.index_cast %parallel_loop3A_456 : i32 to index
      %parallel_loop3A_479 = arith.constant 48 : index
      %parallel_loop3A_480 = tpu.vector_load %arg12[%parallel_loop3A_478, %parallel_loop3A_479] {strides = array<i32>} : memref<64x128xf32, #tpu.memory_space<vmem>>, vector<16xf32>,
      %parallel_loop3A_481 = arith.index_cast %parallel_loop3A_456 : i32 to index
      %parallel_loop3A_482 = arith.constant 48 : index
      %parallel_loop3A_483 = tpu.vector_load %arg14[%parallel_loop3A_481, %parallel_loop3A_482] {strides = array<i32>} : memref<64x128xf32, #tpu.memory_space<vmem>>, vector<16xf32>,
      %parallel_loop3A_484 = arith.mulf %parallel_loop3A_480, %parallel_loop3A_483 : vector<16xf32>
      %parallel_loop3A_485 = arith.index_cast %parallel_loop3A_456 : i32 to index
      %parallel_loop3A_486 = arith.constant 64 : index
      %parallel_loop3A_487 = tpu.vector_load %arg12[%parallel_loop3A_485, %parallel_loop3A_486] {strides = array<i32>} : memref<64x128xf32, #tpu.memory_space<vmem>>, vector<16xf32>,
      %parallel_loop3A_488 = arith.index_cast %parallel_loop3A_456 : i32 to index
      %parallel_loop3A_489 = arith.constant 64 : index
      %parallel_loop3A_490 = tpu.vector_load %arg14[%parallel_loop3A_488, %parallel_loop3A_489] {strides = array<i32>} : memref<64x128xf32, #tpu.memory_space<vmem>>, vector<16xf32>,
      %parallel_loop3A_491 = arith.mulf %parallel_loop3A_487, %parallel_loop3A_490 : vector<16xf32>
      %parallel_loop3A_492 = arith.index_cast %parallel_loop3A_456 : i32 to index
      %parallel_loop3A_493 = arith.constant 80 : index
      %parallel_loop3A_494 = tpu.vector_load %arg12[%parallel_loop3A_492, %parallel_loop3A_493] {strides = array<i32>} : memref<64x128xf32, #tpu.memory_space<vmem>>, vector<16xf32>,
      %parallel_loop3A_495 = arith.index_cast %parallel_loop3A_456 : i32 to index
      %parallel_loop3A_496 = arith.constant 80 : index
      %parallel_loop3A_497 = tpu.vector_load %arg14[%parallel_loop3A_495, %parallel_loop3A_496] {strides = array<i32>} : memref<64x128xf32, #tpu.memory_space<vmem>>, vector<16xf32>,
      %parallel_loop3A_498 = arith.mulf %parallel_loop3A_494, %parallel_loop3A_497 : vector<16xf32>
      %parallel_loop3A_499 = arith.index_cast %parallel_loop3A_456 : i32 to index
      %parallel_loop3A_500 = arith.constant 96 : index
      %parallel_loop3A_501 = tpu.vector_load %arg12[%parallel_loop3A_499, %parallel_loop3A_500] {strides = array<i32>} : memref<64x128xf32, #tpu.memory_space<vmem>>, vector<16xf32>,
      %parallel_loop3A_502 = arith.index_cast %parallel_loop3A_456 : i32 to index
      %parallel_loop3A_503 = arith.constant 96 : index
      %parallel_loop3A_504 = tpu.vector_load %arg14[%parallel_loop3A_502, %parallel_loop3A_503] {strides = array<i32>} : memref<64x128xf32, #tpu.memory_space<vmem>>, vector<16xf32>,
      %parallel_loop3A_505 = arith.mulf %parallel_loop3A_501, %parallel_loop3A_504 : vector<16xf32>
      %parallel_loop3A_506 = arith.index_cast %parallel_loop3A_456 : i32 to index
      %parallel_loop3A_507 = arith.constant 112 : index
      %parallel_loop3A_508 = tpu.vector_load %arg12[%parallel_loop3A_506, %parallel_loop3A_507] {strides = array<i32>} : memref<64x128xf32, #tpu.memory_space<vmem>>, vector<16xf32>,
      %parallel_loop3A_509 = arith.index_cast %parallel_loop3A_456 : i32 to index
      %parallel_loop3A_510 = arith.constant 112 : index
      %parallel_loop3A_511 = tpu.vector_load %arg14[%parallel_loop3A_509, %parallel_loop3A_510] {strides = array<i32>} : memref<64x128xf32, #tpu.memory_space<vmem>>, vector<16xf32>,
      %parallel_loop3A_512 = arith.mulf %parallel_loop3A_508, %parallel_loop3A_511 : vector<16xf32>
      %parallel_loop3A_513 = arith.addf %parallel_loop3A_463, %parallel_loop3A_470 : vector<16xf32>
      %parallel_loop3A_514 = arith.addf %parallel_loop3A_477, %parallel_loop3A_484 : vector<16xf32>
      %parallel_loop3A_515 = arith.addf %parallel_loop3A_491, %parallel_loop3A_498 : vector<16xf32>
      %parallel_loop3A_516 = arith.addf %parallel_loop3A_505, %parallel_loop3A_512 : vector<16xf32>
      %parallel_loop3A_517 = arith.addf %parallel_loop3A_513, %parallel_loop3A_514 : vector<16xf32>
      %parallel_loop3A_518 = arith.addf %parallel_loop3A_515, %parallel_loop3A_516 : vector<16xf32>
      %parallel_loop3A_519 = arith.addf %parallel_loop3A_517, %parallel_loop3A_518 : vector<16xf32>
      %parallel_loop3A_520 = arith.constant 15 : i32
      %parallel_loop3A_521 = vector.broadcast %parallel_loop3A_520 : i32 to vector<16xi32>
      %parallel_loop3A_522 = tpu.iota {dimensions = array<i32: 0>} : vector<16xi32>
      %parallel_loop3A_523 = arith.subi %parallel_loop3A_521, %parallel_loop3A_522 : vector<16xi32>
      %parallel_loop3A_524 = tpu.dynamic_gather %parallel_loop3A_519[%parallel_loop3A_523] in [0] : vector<16xf32>, vector<16xi32> -> vector<16xf32>
      %parallel_loop3A_525 = arith.addf %parallel_loop3A_519, %parallel_loop3A_524 : vector<16xf32>
      %parallel_loop3A_526 = vector.shape_cast %select_n3A : vector<16xi32> to vector<16x1xi32>
      %parallel_loop3A_527 = vector.shape_cast %parallel_loop3A_526 : vector<16x1xi32> to vector<16xi32>
      %parallel_loop3A_528 = tpu.dynamic_gather %parallel_loop3A_525[%parallel_loop3A_527] in [0] : vector<16xf32>, vector<16xi32> -> vector<16xf32>
      %parallel_loop3A_529 = arith.addf %parallel_loop3A_525, %parallel_loop3A_528 : vector<16xf32>
      %parallel_loop3A_530 = vector.shape_cast %select_n3A_15 : vector<16xi32> to vector<16x1xi32>
      %parallel_loop3A_531 = vector.shape_cast %parallel_loop3A_530 : vector<16x1xi32> to vector<16xi32>
      %parallel_loop3A_532 = tpu.dynamic_gather %parallel_loop3A_529[%parallel_loop3A_531] in [0] : vector<16xf32>, vector<16xi32> -> vector<16xf32>
      %parallel_loop3A_533 = arith.addf %parallel_loop3A_529, %parallel_loop3A_532 : vector<16xf32>
      %parallel_loop3A_534 = vector.shape_cast %select_n3A_24 : vector<16xi32> to vector<16x1xi32>
      %parallel_loop3A_535 = vector.shape_cast %parallel_loop3A_534 : vector<16x1xi32> to vector<16xi32>
      %parallel_loop3A_536 = tpu.dynamic_gather %parallel_loop3A_533[%parallel_loop3A_535] in [0] : vector<16xf32>, vector<16xi32> -> vector<16xf32>
      %parallel_loop3A_537 = arith.addf %parallel_loop3A_533, %parallel_loop3A_536 : vector<16xf32>
      %parallel_loop3A_538 = arith.constant 0 : i32
      %parallel_loop3A_539 = vector.broadcast %parallel_loop3A_538 : i32 to vector<16xi32>
      %parallel_loop3A_540 = arith.constant 320 : i32
      %parallel_loop3A_541 = arith.addi %parallel_loop3A_540, %parallel_loop3A_456 : i32
      %parallel_loop3A_542 = vector.broadcast %parallel_loop3A_541 : i32 to vector<16xi32>
      %parallel_loop3A_543 = arith.addi %parallel_loop3A_539, %parallel_loop3A_542 : vector<16xi32>
      tpu.vector_store_idx %arg17[%parallel_loop3A_543], %parallel_loop3A_537 masked %lt3A_27 {add = true} : memref<512xf32, #tpu.memory_space<vmem>>[vector<16xi32>], vector<16xf32>, vector<16xi1>
    } {sc.loop_unroll_factor = 4 : i64, sc.parallel_access}
    %dma_start3A_370 = arith.constant 448 : i32
    %dma_start3A_371 = tpu.memref_slice %arg9[%dma_start3A_370] : memref<512xi32, #tpu.memory_space<vmem>> -> memref<64xi32, #tpu.memory_space<vmem>>
    %dma_start3A_372 = arith.constant 0 : i32
    %dma_start3A_373 = arith.constant 0 : i32
    %dma_start3A_374 = tpu.memref_slice %arg4[%dma_start3A_372, %dma_start3A_373] : memref<100000x128xf32, #tpu.memory_space<hbm>> -> memref<100000x128xf32, #tpu.memory_space<hbm>>
    tpu.enqueue_indirect_dma source(%dma_start3A_374 : memref<100000x128xf32, #tpu.memory_space<hbm>>) target(%arg12 : memref<64x128xf32, #tpu.memory_space<vmem>>) offsets(%dma_start3A_371 : memref<64xi32, #tpu.memory_space<vmem>>) semaphore(%arg19 : memref<!tpu.dma_semaphore, #tpu.memory_space<semaphore_mem>>)
    %dma_start3A_375 = arith.constant 448 : i32
    %dma_start3A_376 = tpu.memref_slice %arg10[%dma_start3A_375] : memref<512xi32, #tpu.memory_space<vmem>> -> memref<64xi32, #tpu.memory_space<vmem>>
    %dma_start3A_377 = arith.constant 0 : i32
    %dma_start3A_378 = arith.constant 0 : i32
    %dma_start3A_379 = tpu.memref_slice %arg5[%dma_start3A_377, %dma_start3A_378] : memref<100000x128xf32, #tpu.memory_space<hbm>> -> memref<100000x128xf32, #tpu.memory_space<hbm>>
    tpu.enqueue_indirect_dma source(%dma_start3A_379 : memref<100000x128xf32, #tpu.memory_space<hbm>>) target(%arg14 : memref<64x128xf32, #tpu.memory_space<vmem>>) offsets(%dma_start3A_376 : memref<64xi32, #tpu.memory_space<vmem>>) semaphore(%arg19 : memref<!tpu.dma_semaphore, #tpu.memory_space<semaphore_mem>>)
    %dma_start3A_380 = arith.constant 448 : i32
    %dma_start3A_381 = tpu.memref_slice %arg15[%dma_start3A_380] : memref<512xf32, #tpu.memory_space<vmem>> -> memref<64xf32, #tpu.memory_space<vmem>>
    %dma_start3A_382 = arith.constant 448 : i32
    %dma_start3A_383 = tpu.memref_slice %arg9[%dma_start3A_382] : memref<512xi32, #tpu.memory_space<vmem>> -> memref<64xi32, #tpu.memory_space<vmem>>
    %dma_start3A_384 = arith.constant 0 : i32
    %dma_start3A_385 = tpu.memref_slice %arg6[%dma_start3A_384] : memref<100000xf32, #tpu.memory_space<hbm>> -> memref<100000xf32, #tpu.memory_space<hbm>>
    tpu.enqueue_indirect_dma source(%dma_start3A_385 : memref<100000xf32, #tpu.memory_space<hbm>>) target(%dma_start3A_381 : memref<64xf32, #tpu.memory_space<vmem>>) offsets(%dma_start3A_383 : memref<64xi32, #tpu.memory_space<vmem>>) semaphore(%arg19 : memref<!tpu.dma_semaphore, #tpu.memory_space<semaphore_mem>>)
    %dma_start3A_386 = arith.constant 448 : i32
    %dma_start3A_387 = tpu.memref_slice %arg16[%dma_start3A_386] : memref<512xf32, #tpu.memory_space<vmem>> -> memref<64xf32, #tpu.memory_space<vmem>>
    %dma_start3A_388 = arith.constant 448 : i32
    %dma_start3A_389 = tpu.memref_slice %arg10[%dma_start3A_388] : memref<512xi32, #tpu.memory_space<vmem>> -> memref<64xi32, #tpu.memory_space<vmem>>
    %dma_start3A_390 = arith.constant 0 : i32
    %dma_start3A_391 = tpu.memref_slice %arg7[%dma_start3A_390] : memref<100000xf32, #tpu.memory_space<hbm>> -> memref<100000xf32, #tpu.memory_space<hbm>>
    tpu.enqueue_indirect_dma source(%dma_start3A_391 : memref<100000xf32, #tpu.memory_space<hbm>>) target(%dma_start3A_387 : memref<64xf32, #tpu.memory_space<vmem>>) offsets(%dma_start3A_389 : memref<64xi32, #tpu.memory_space<vmem>>) semaphore(%arg19 : memref<!tpu.dma_semaphore, #tpu.memory_space<semaphore_mem>>)
    %dma_wait3A_392 = arith.constant 384 : i32
    %dma_wait3A_393 = tpu.memref_slice %arg9[%dma_wait3A_392] : memref<512xi32, #tpu.memory_space<vmem>> -> memref<64xi32, #tpu.memory_space<vmem>>
    %dma_wait3A_394 = arith.constant 0 : i32
    %dma_wait3A_395 = arith.constant 0 : i32
    %dma_wait3A_396 = tpu.memref_slice %arg4[%dma_wait3A_394, %dma_wait3A_395] : memref<100000x128xf32, #tpu.memory_space<hbm>> -> memref<100000x128xf32, #tpu.memory_space<hbm>>
    tpu.wait_indirect_dma semaphore(%arg18 : memref<!tpu.dma_semaphore, #tpu.memory_space<semaphore_mem>>) src(%dma_wait3A_396 : memref<100000x128xf32, #tpu.memory_space<hbm>>) dst(%arg11 : memref<64x128xf32, #tpu.memory_space<vmem>>)
    %dma_wait3A_397 = arith.constant 384 : i32
    %dma_wait3A_398 = tpu.memref_slice %arg10[%dma_wait3A_397] : memref<512xi32, #tpu.memory_space<vmem>> -> memref<64xi32, #tpu.memory_space<vmem>>
    %dma_wait3A_399 = arith.constant 0 : i32
    %dma_wait3A_400 = arith.constant 0 : i32
    %dma_wait3A_401 = tpu.memref_slice %arg5[%dma_wait3A_399, %dma_wait3A_400] : memref<100000x128xf32, #tpu.memory_space<hbm>> -> memref<100000x128xf32, #tpu.memory_space<hbm>>
    tpu.wait_indirect_dma semaphore(%arg18 : memref<!tpu.dma_semaphore, #tpu.memory_space<semaphore_mem>>) src(%dma_wait3A_401 : memref<100000x128xf32, #tpu.memory_space<hbm>>) dst(%arg13 : memref<64x128xf32, #tpu.memory_space<vmem>>)
    %dma_wait3A_402 = arith.constant 384 : i32
    %dma_wait3A_403 = tpu.memref_slice %arg15[%dma_wait3A_402] : memref<512xf32, #tpu.memory_space<vmem>> -> memref<64xf32, #tpu.memory_space<vmem>>
    %dma_wait3A_404 = arith.constant 384 : i32
    %dma_wait3A_405 = tpu.memref_slice %arg9[%dma_wait3A_404] : memref<512xi32, #tpu.memory_space<vmem>> -> memref<64xi32, #tpu.memory_space<vmem>>
    %dma_wait3A_406 = arith.constant 0 : i32
    %dma_wait3A_407 = tpu.memref_slice %arg6[%dma_wait3A_406] : memref<100000xf32, #tpu.memory_space<hbm>> -> memref<100000xf32, #tpu.memory_space<hbm>>
    tpu.wait_indirect_dma semaphore(%arg18 : memref<!tpu.dma_semaphore, #tpu.memory_space<semaphore_mem>>) src(%dma_wait3A_407 : memref<100000xf32, #tpu.memory_space<hbm>>) dst(%dma_wait3A_403 : memref<64xf32, #tpu.memory_space<vmem>>)
    %dma_wait3A_408 = arith.constant 384 : i32
    %dma_wait3A_409 = tpu.memref_slice %arg16[%dma_wait3A_408] : memref<512xf32, #tpu.memory_space<vmem>> -> memref<64xf32, #tpu.memory_space<vmem>>
    %dma_wait3A_410 = arith.constant 384 : i32
    %dma_wait3A_411 = tpu.memref_slice %arg10[%dma_wait3A_410] : memref<512xi32, #tpu.memory_space<vmem>> -> memref<64xi32, #tpu.memory_space<vmem>>
    %dma_wait3A_412 = arith.constant 0 : i32
    %dma_wait3A_413 = tpu.memref_slice %arg7[%dma_wait3A_412] : memref<100000xf32, #tpu.memory_space<hbm>> -> memref<100000xf32, #tpu.memory_space<hbm>>
    tpu.wait_indirect_dma semaphore(%arg18 : memref<!tpu.dma_semaphore, #tpu.memory_space<semaphore_mem>>) src(%dma_wait3A_413 : memref<100000xf32, #tpu.memory_space<hbm>>) dst(%dma_wait3A_409 : memref<64xf32, #tpu.memory_space<vmem>>)
    %scan3A_414 = arith.constant 0 : i32
    %scan3A_415 = arith.constant 0 : i32
    %scan3A_416 = arith.constant 4 : i32
    %scan3A_417 = arith.addi %scan3A_415, %scan3A_416 : i32
    %scan3A_418 = arith.constant 1 : i32
    %scan3A_419 = scf.for %scan3A_456 = %scan3A_415 to %scan3A_417 step %scan3A_418 iter_args(%scan3A_457 = %scan3A_414) -> (i32)  : i32 {
      %mul3A_458 = arith.constant 16 : i32
      %mul3A_459 = arith.muli %scan3A_456, %mul3A_458 : i32
      %add3A_460 = arith.constant 384 : i32
      %add3A_461 = arith.addi %add3A_460, %mul3A_459 : i32
      %get3A = arith.index_cast %add3A_461 : i32 to index
      %get3A_462 = tpu.vector_load %arg15[%get3A] {strides = array<i32>} : memref<512xf32, #tpu.memory_space<vmem>>, vector<16xf32>,
      %get3A_463 = arith.index_cast %add3A_461 : i32 to index
      %get3A_464 = tpu.vector_load %arg16[%get3A_463] {strides = array<i32>} : memref<512xf32, #tpu.memory_space<vmem>>, vector<16xf32>,
      %add3A_465 = arith.addf %get3A_462, %get3A_464 : vector<16xf32>
      %swap3A = arith.index_cast %add3A_461 : i32 to index
      %swap3A_466 = tpu.vector_load %arg17[%swap3A] {strides = array<i32>} : memref<512xf32, #tpu.memory_space<vmem>>, vector<16xf32>,
      tpu.vector_store %arg17[%swap3A], %add3A_465 {strides = array<i32>} : memref<512xf32, #tpu.memory_space<vmem>>, vector<16xf32>,
      %scan3A_467 = arith.constant 0 : i32
      scf.yield %scan3A_467 : i32
    }
    %scan3A_420 = arith.constant 4 : i32
    %parallel_loop3A_421 = arith.constant 0 : i32
    %parallel_loop3A_422 = arith.constant 64 : i32
    %parallel_loop3A_423 = arith.constant 1 : i32
    scf.for %parallel_loop3A_456 = %parallel_loop3A_421 to %parallel_loop3A_422 step %parallel_loop3A_423  : i32 {
      %parallel_loop3A_457 = arith.index_cast %parallel_loop3A_456 : i32 to index
      %parallel_loop3A_458 = arith.constant 0 : index
      %parallel_loop3A_459 = tpu.vector_load %arg11[%parallel_loop3A_457, %parallel_loop3A_458] {strides = array<i32>} : memref<64x128xf32, #tpu.memory_space<vmem>>, vector<16xf32>,
      %parallel_loop3A_460 = arith.index_cast %parallel_loop3A_456 : i32 to index
      %parallel_loop3A_461 = arith.constant 0 : index
      %parallel_loop3A_462 = tpu.vector_load %arg13[%parallel_loop3A_460, %parallel_loop3A_461] {strides = array<i32>} : memref<64x128xf32, #tpu.memory_space<vmem>>, vector<16xf32>,
      %parallel_loop3A_463 = arith.mulf %parallel_loop3A_459, %parallel_loop3A_462 : vector<16xf32>
      %parallel_loop3A_464 = arith.index_cast %parallel_loop3A_456 : i32 to index
      %parallel_loop3A_465 = arith.constant 16 : index
      %parallel_loop3A_466 = tpu.vector_load %arg11[%parallel_loop3A_464, %parallel_loop3A_465] {strides = array<i32>} : memref<64x128xf32, #tpu.memory_space<vmem>>, vector<16xf32>,
      %parallel_loop3A_467 = arith.index_cast %parallel_loop3A_456 : i32 to index
      %parallel_loop3A_468 = arith.constant 16 : index
      %parallel_loop3A_469 = tpu.vector_load %arg13[%parallel_loop3A_467, %parallel_loop3A_468] {strides = array<i32>} : memref<64x128xf32, #tpu.memory_space<vmem>>, vector<16xf32>,
      %parallel_loop3A_470 = arith.mulf %parallel_loop3A_466, %parallel_loop3A_469 : vector<16xf32>
      %parallel_loop3A_471 = arith.index_cast %parallel_loop3A_456 : i32 to index
      %parallel_loop3A_472 = arith.constant 32 : index
      %parallel_loop3A_473 = tpu.vector_load %arg11[%parallel_loop3A_471, %parallel_loop3A_472] {strides = array<i32>} : memref<64x128xf32, #tpu.memory_space<vmem>>, vector<16xf32>,
      %parallel_loop3A_474 = arith.index_cast %parallel_loop3A_456 : i32 to index
      %parallel_loop3A_475 = arith.constant 32 : index
      %parallel_loop3A_476 = tpu.vector_load %arg13[%parallel_loop3A_474, %parallel_loop3A_475] {strides = array<i32>} : memref<64x128xf32, #tpu.memory_space<vmem>>, vector<16xf32>,
      %parallel_loop3A_477 = arith.mulf %parallel_loop3A_473, %parallel_loop3A_476 : vector<16xf32>
      %parallel_loop3A_478 = arith.index_cast %parallel_loop3A_456 : i32 to index
      %parallel_loop3A_479 = arith.constant 48 : index
      %parallel_loop3A_480 = tpu.vector_load %arg11[%parallel_loop3A_478, %parallel_loop3A_479] {strides = array<i32>} : memref<64x128xf32, #tpu.memory_space<vmem>>, vector<16xf32>,
      %parallel_loop3A_481 = arith.index_cast %parallel_loop3A_456 : i32 to index
      %parallel_loop3A_482 = arith.constant 48 : index
      %parallel_loop3A_483 = tpu.vector_load %arg13[%parallel_loop3A_481, %parallel_loop3A_482] {strides = array<i32>} : memref<64x128xf32, #tpu.memory_space<vmem>>, vector<16xf32>,
      %parallel_loop3A_484 = arith.mulf %parallel_loop3A_480, %parallel_loop3A_483 : vector<16xf32>
      %parallel_loop3A_485 = arith.index_cast %parallel_loop3A_456 : i32 to index
      %parallel_loop3A_486 = arith.constant 64 : index
      %parallel_loop3A_487 = tpu.vector_load %arg11[%parallel_loop3A_485, %parallel_loop3A_486] {strides = array<i32>} : memref<64x128xf32, #tpu.memory_space<vmem>>, vector<16xf32>,
      %parallel_loop3A_488 = arith.index_cast %parallel_loop3A_456 : i32 to index
      %parallel_loop3A_489 = arith.constant 64 : index
      %parallel_loop3A_490 = tpu.vector_load %arg13[%parallel_loop3A_488, %parallel_loop3A_489] {strides = array<i32>} : memref<64x128xf32, #tpu.memory_space<vmem>>, vector<16xf32>,
      %parallel_loop3A_491 = arith.mulf %parallel_loop3A_487, %parallel_loop3A_490 : vector<16xf32>
      %parallel_loop3A_492 = arith.index_cast %parallel_loop3A_456 : i32 to index
      %parallel_loop3A_493 = arith.constant 80 : index
      %parallel_loop3A_494 = tpu.vector_load %arg11[%parallel_loop3A_492, %parallel_loop3A_493] {strides = array<i32>} : memref<64x128xf32, #tpu.memory_space<vmem>>, vector<16xf32>,
      %parallel_loop3A_495 = arith.index_cast %parallel_loop3A_456 : i32 to index
      %parallel_loop3A_496 = arith.constant 80 : index
      %parallel_loop3A_497 = tpu.vector_load %arg13[%parallel_loop3A_495, %parallel_loop3A_496] {strides = array<i32>} : memref<64x128xf32, #tpu.memory_space<vmem>>, vector<16xf32>,
      %parallel_loop3A_498 = arith.mulf %parallel_loop3A_494, %parallel_loop3A_497 : vector<16xf32>
      %parallel_loop3A_499 = arith.index_cast %parallel_loop3A_456 : i32 to index
      %parallel_loop3A_500 = arith.constant 96 : index
      %parallel_loop3A_501 = tpu.vector_load %arg11[%parallel_loop3A_499, %parallel_loop3A_500] {strides = array<i32>} : memref<64x128xf32, #tpu.memory_space<vmem>>, vector<16xf32>,
      %parallel_loop3A_502 = arith.index_cast %parallel_loop3A_456 : i32 to index
      %parallel_loop3A_503 = arith.constant 96 : index
      %parallel_loop3A_504 = tpu.vector_load %arg13[%parallel_loop3A_502, %parallel_loop3A_503] {strides = array<i32>} : memref<64x128xf32, #tpu.memory_space<vmem>>, vector<16xf32>,
      %parallel_loop3A_505 = arith.mulf %parallel_loop3A_501, %parallel_loop3A_504 : vector<16xf32>
      %parallel_loop3A_506 = arith.index_cast %parallel_loop3A_456 : i32 to index
      %parallel_loop3A_507 = arith.constant 112 : index
      %parallel_loop3A_508 = tpu.vector_load %arg11[%parallel_loop3A_506, %parallel_loop3A_507] {strides = array<i32>} : memref<64x128xf32, #tpu.memory_space<vmem>>, vector<16xf32>,
      %parallel_loop3A_509 = arith.index_cast %parallel_loop3A_456 : i32 to index
      %parallel_loop3A_510 = arith.constant 112 : index
      %parallel_loop3A_511 = tpu.vector_load %arg13[%parallel_loop3A_509, %parallel_loop3A_510] {strides = array<i32>} : memref<64x128xf32, #tpu.memory_space<vmem>>, vector<16xf32>,
      %parallel_loop3A_512 = arith.mulf %parallel_loop3A_508, %parallel_loop3A_511 : vector<16xf32>
      %parallel_loop3A_513 = arith.addf %parallel_loop3A_463, %parallel_loop3A_470 : vector<16xf32>
      %parallel_loop3A_514 = arith.addf %parallel_loop3A_477, %parallel_loop3A_484 : vector<16xf32>
      %parallel_loop3A_515 = arith.addf %parallel_loop3A_491, %parallel_loop3A_498 : vector<16xf32>
      %parallel_loop3A_516 = arith.addf %parallel_loop3A_505, %parallel_loop3A_512 : vector<16xf32>
      %parallel_loop3A_517 = arith.addf %parallel_loop3A_513, %parallel_loop3A_514 : vector<16xf32>
      %parallel_loop3A_518 = arith.addf %parallel_loop3A_515, %parallel_loop3A_516 : vector<16xf32>
      %parallel_loop3A_519 = arith.addf %parallel_loop3A_517, %parallel_loop3A_518 : vector<16xf32>
      %parallel_loop3A_520 = arith.constant 15 : i32
      %parallel_loop3A_521 = vector.broadcast %parallel_loop3A_520 : i32 to vector<16xi32>
      %parallel_loop3A_522 = tpu.iota {dimensions = array<i32: 0>} : vector<16xi32>
      %parallel_loop3A_523 = arith.subi %parallel_loop3A_521, %parallel_loop3A_522 : vector<16xi32>
      %parallel_loop3A_524 = tpu.dynamic_gather %parallel_loop3A_519[%parallel_loop3A_523] in [0] : vector<16xf32>, vector<16xi32> -> vector<16xf32>
      %parallel_loop3A_525 = arith.addf %parallel_loop3A_519, %parallel_loop3A_524 : vector<16xf32>
      %parallel_loop3A_526 = vector.shape_cast %select_n3A : vector<16xi32> to vector<16x1xi32>
      %parallel_loop3A_527 = vector.shape_cast %parallel_loop3A_526 : vector<16x1xi32> to vector<16xi32>
      %parallel_loop3A_528 = tpu.dynamic_gather %parallel_loop3A_525[%parallel_loop3A_527] in [0] : vector<16xf32>, vector<16xi32> -> vector<16xf32>
      %parallel_loop3A_529 = arith.addf %parallel_loop3A_525, %parallel_loop3A_528 : vector<16xf32>
      %parallel_loop3A_530 = vector.shape_cast %select_n3A_15 : vector<16xi32> to vector<16x1xi32>
      %parallel_loop3A_531 = vector.shape_cast %parallel_loop3A_530 : vector<16x1xi32> to vector<16xi32>
      %parallel_loop3A_532 = tpu.dynamic_gather %parallel_loop3A_529[%parallel_loop3A_531] in [0] : vector<16xf32>, vector<16xi32> -> vector<16xf32>
      %parallel_loop3A_533 = arith.addf %parallel_loop3A_529, %parallel_loop3A_532 : vector<16xf32>
      %parallel_loop3A_534 = vector.shape_cast %select_n3A_24 : vector<16xi32> to vector<16x1xi32>
      %parallel_loop3A_535 = vector.shape_cast %parallel_loop3A_534 : vector<16x1xi32> to vector<16xi32>
      %parallel_loop3A_536 = tpu.dynamic_gather %parallel_loop3A_533[%parallel_loop3A_535] in [0] : vector<16xf32>, vector<16xi32> -> vector<16xf32>
      %parallel_loop3A_537 = arith.addf %parallel_loop3A_533, %parallel_loop3A_536 : vector<16xf32>
      %parallel_loop3A_538 = arith.constant 0 : i32
      %parallel_loop3A_539 = vector.broadcast %parallel_loop3A_538 : i32 to vector<16xi32>
      %parallel_loop3A_540 = arith.constant 384 : i32
      %parallel_loop3A_541 = arith.addi %parallel_loop3A_540, %parallel_loop3A_456 : i32
      %parallel_loop3A_542 = vector.broadcast %parallel_loop3A_541 : i32 to vector<16xi32>
      %parallel_loop3A_543 = arith.addi %parallel_loop3A_539, %parallel_loop3A_542 : vector<16xi32>
      tpu.vector_store_idx %arg17[%parallel_loop3A_543], %parallel_loop3A_537 masked %lt3A_27 {add = true} : memref<512xf32, #tpu.memory_space<vmem>>[vector<16xi32>], vector<16xf32>, vector<16xi1>
    } {sc.loop_unroll_factor = 4 : i64, sc.parallel_access}
    %dma_wait3A_424 = arith.constant 448 : i32
    %dma_wait3A_425 = tpu.memref_slice %arg9[%dma_wait3A_424] : memref<512xi32, #tpu.memory_space<vmem>> -> memref<64xi32, #tpu.memory_space<vmem>>
    %dma_wait3A_426 = arith.constant 0 : i32
    %dma_wait3A_427 = arith.constant 0 : i32
    %dma_wait3A_428 = tpu.memref_slice %arg4[%dma_wait3A_426, %dma_wait3A_427] : memref<100000x128xf32, #tpu.memory_space<hbm>> -> memref<100000x128xf32, #tpu.memory_space<hbm>>
    tpu.wait_indirect_dma semaphore(%arg19 : memref<!tpu.dma_semaphore, #tpu.memory_space<semaphore_mem>>) src(%dma_wait3A_428 : memref<100000x128xf32, #tpu.memory_space<hbm>>) dst(%arg12 : memref<64x128xf32, #tpu.memory_space<vmem>>)
    %dma_wait3A_429 = arith.constant 448 : i32
    %dma_wait3A_430 = tpu.memref_slice %arg10[%dma_wait3A_429] : memref<512xi32, #tpu.memory_space<vmem>> -> memref<64xi32, #tpu.memory_space<vmem>>
    %dma_wait3A_431 = arith.constant 0 : i32
    %dma_wait3A_432 = arith.constant 0 : i32
    %dma_wait3A_433 = tpu.memref_slice %arg5[%dma_wait3A_431, %dma_wait3A_432] : memref<100000x128xf32, #tpu.memory_space<hbm>> -> memref<100000x128xf32, #tpu.memory_space<hbm>>
    tpu.wait_indirect_dma semaphore(%arg19 : memref<!tpu.dma_semaphore, #tpu.memory_space<semaphore_mem>>) src(%dma_wait3A_433 : memref<100000x128xf32, #tpu.memory_space<hbm>>) dst(%arg14 : memref<64x128xf32, #tpu.memory_space<vmem>>)
    %dma_wait3A_434 = arith.constant 448 : i32
    %dma_wait3A_435 = tpu.memref_slice %arg15[%dma_wait3A_434] : memref<512xf32, #tpu.memory_space<vmem>> -> memref<64xf32, #tpu.memory_space<vmem>>
    %dma_wait3A_436 = arith.constant 448 : i32
    %dma_wait3A_437 = tpu.memref_slice %arg9[%dma_wait3A_436] : memref<512xi32, #tpu.memory_space<vmem>> -> memref<64xi32, #tpu.memory_space<vmem>>
    %dma_wait3A_438 = arith.constant 0 : i32
    %dma_wait3A_439 = tpu.memref_slice %arg6[%dma_wait3A_438] : memref<100000xf32, #tpu.memory_space<hbm>> -> memref<100000xf32, #tpu.memory_space<hbm>>
    tpu.wait_indirect_dma semaphore(%arg19 : memref<!tpu.dma_semaphore, #tpu.memory_space<semaphore_mem>>) src(%dma_wait3A_439 : memref<100000xf32, #tpu.memory_space<hbm>>) dst(%dma_wait3A_435 : memref<64xf32, #tpu.memory_space<vmem>>)
    %dma_wait3A_440 = arith.constant 448 : i32
    %dma_wait3A_441 = tpu.memref_slice %arg16[%dma_wait3A_440] : memref<512xf32, #tpu.memory_space<vmem>> -> memref<64xf32, #tpu.memory_space<vmem>>
    %dma_wait3A_442 = arith.constant 448 : i32
    %dma_wait3A_443 = tpu.memref_slice %arg10[%dma_wait3A_442] : memref<512xi32, #tpu.memory_space<vmem>> -> memref<64xi32, #tpu.memory_space<vmem>>
    %dma_wait3A_444 = arith.constant 0 : i32
    %dma_wait3A_445 = tpu.memref_slice %arg7[%dma_wait3A_444] : memref<100000xf32, #tpu.memory_space<hbm>> -> memref<100000xf32, #tpu.memory_space<hbm>>
    tpu.wait_indirect_dma semaphore(%arg19 : memref<!tpu.dma_semaphore, #tpu.memory_space<semaphore_mem>>) src(%dma_wait3A_445 : memref<100000xf32, #tpu.memory_space<hbm>>) dst(%dma_wait3A_441 : memref<64xf32, #tpu.memory_space<vmem>>)
    %scan3A_446 = arith.constant 0 : i32
    %scan3A_447 = arith.constant 0 : i32
    %scan3A_448 = arith.constant 4 : i32
    %scan3A_449 = arith.addi %scan3A_447, %scan3A_448 : i32
    %scan3A_450 = arith.constant 1 : i32
    %scan3A_451 = scf.for %scan3A_456 = %scan3A_447 to %scan3A_449 step %scan3A_450 iter_args(%scan3A_457 = %scan3A_446) -> (i32)  : i32 {
      %mul3A_458 = arith.constant 16 : i32
      %mul3A_459 = arith.muli %scan3A_456, %mul3A_458 : i32
      %add3A_460 = arith.constant 448 : i32
      %add3A_461 = arith.addi %add3A_460, %mul3A_459 : i32
      %get3A = arith.index_cast %add3A_461 : i32 to index
      %get3A_462 = tpu.vector_load %arg15[%get3A] {strides = array<i32>} : memref<512xf32, #tpu.memory_space<vmem>>, vector<16xf32>,
      %get3A_463 = arith.index_cast %add3A_461 : i32 to index
      %get3A_464 = tpu.vector_load %arg16[%get3A_463] {strides = array<i32>} : memref<512xf32, #tpu.memory_space<vmem>>, vector<16xf32>,
      %add3A_465 = arith.addf %get3A_462, %get3A_464 : vector<16xf32>
      %swap3A = arith.index_cast %add3A_461 : i32 to index
      %swap3A_466 = tpu.vector_load %arg17[%swap3A] {strides = array<i32>} : memref<512xf32, #tpu.memory_space<vmem>>, vector<16xf32>,
      tpu.vector_store %arg17[%swap3A], %add3A_465 {strides = array<i32>} : memref<512xf32, #tpu.memory_space<vmem>>, vector<16xf32>,
      %scan3A_467 = arith.constant 0 : i32
      scf.yield %scan3A_467 : i32
    }
    %scan3A_452 = arith.constant 4 : i32
    %parallel_loop3A_453 = arith.constant 0 : i32
    %parallel_loop3A_454 = arith.constant 64 : i32
    %parallel_loop3A_455 = arith.constant 1 : i32
    scf.for %parallel_loop3A_456 = %parallel_loop3A_453 to %parallel_loop3A_454 step %parallel_loop3A_455  : i32 {
      %parallel_loop3A_457 = arith.index_cast %parallel_loop3A_456 : i32 to index
      %parallel_loop3A_458 = arith.constant 0 : index
      %parallel_loop3A_459 = tpu.vector_load %arg12[%parallel_loop3A_457, %parallel_loop3A_458] {strides = array<i32>} : memref<64x128xf32, #tpu.memory_space<vmem>>, vector<16xf32>,
      %parallel_loop3A_460 = arith.index_cast %parallel_loop3A_456 : i32 to index
      %parallel_loop3A_461 = arith.constant 0 : index
      %parallel_loop3A_462 = tpu.vector_load %arg14[%parallel_loop3A_460, %parallel_loop3A_461] {strides = array<i32>} : memref<64x128xf32, #tpu.memory_space<vmem>>, vector<16xf32>,
      %parallel_loop3A_463 = arith.mulf %parallel_loop3A_459, %parallel_loop3A_462 : vector<16xf32>
      %parallel_loop3A_464 = arith.index_cast %parallel_loop3A_456 : i32 to index
      %parallel_loop3A_465 = arith.constant 16 : index
      %parallel_loop3A_466 = tpu.vector_load %arg12[%parallel_loop3A_464, %parallel_loop3A_465] {strides = array<i32>} : memref<64x128xf32, #tpu.memory_space<vmem>>, vector<16xf32>,
      %parallel_loop3A_467 = arith.index_cast %parallel_loop3A_456 : i32 to index
      %parallel_loop3A_468 = arith.constant 16 : index
      %parallel_loop3A_469 = tpu.vector_load %arg14[%parallel_loop3A_467, %parallel_loop3A_468] {strides = array<i32>} : memref<64x128xf32, #tpu.memory_space<vmem>>, vector<16xf32>,
      %parallel_loop3A_470 = arith.mulf %parallel_loop3A_466, %parallel_loop3A_469 : vector<16xf32>
      %parallel_loop3A_471 = arith.index_cast %parallel_loop3A_456 : i32 to index
      %parallel_loop3A_472 = arith.constant 32 : index
      %parallel_loop3A_473 = tpu.vector_load %arg12[%parallel_loop3A_471, %parallel_loop3A_472] {strides = array<i32>} : memref<64x128xf32, #tpu.memory_space<vmem>>, vector<16xf32>,
      %parallel_loop3A_474 = arith.index_cast %parallel_loop3A_456 : i32 to index
      %parallel_loop3A_475 = arith.constant 32 : index
      %parallel_loop3A_476 = tpu.vector_load %arg14[%parallel_loop3A_474, %parallel_loop3A_475] {strides = array<i32>} : memref<64x128xf32, #tpu.memory_space<vmem>>, vector<16xf32>,
      %parallel_loop3A_477 = arith.mulf %parallel_loop3A_473, %parallel_loop3A_476 : vector<16xf32>
      %parallel_loop3A_478 = arith.index_cast %parallel_loop3A_456 : i32 to index
      %parallel_loop3A_479 = arith.constant 48 : index
      %parallel_loop3A_480 = tpu.vector_load %arg12[%parallel_loop3A_478, %parallel_loop3A_479] {strides = array<i32>} : memref<64x128xf32, #tpu.memory_space<vmem>>, vector<16xf32>,
      %parallel_loop3A_481 = arith.index_cast %parallel_loop3A_456 : i32 to index
      %parallel_loop3A_482 = arith.constant 48 : index
      %parallel_loop3A_483 = tpu.vector_load %arg14[%parallel_loop3A_481, %parallel_loop3A_482] {strides = array<i32>} : memref<64x128xf32, #tpu.memory_space<vmem>>, vector<16xf32>,
      %parallel_loop3A_484 = arith.mulf %parallel_loop3A_480, %parallel_loop3A_483 : vector<16xf32>
      %parallel_loop3A_485 = arith.index_cast %parallel_loop3A_456 : i32 to index
      %parallel_loop3A_486 = arith.constant 64 : index
      %parallel_loop3A_487 = tpu.vector_load %arg12[%parallel_loop3A_485, %parallel_loop3A_486] {strides = array<i32>} : memref<64x128xf32, #tpu.memory_space<vmem>>, vector<16xf32>,
      %parallel_loop3A_488 = arith.index_cast %parallel_loop3A_456 : i32 to index
      %parallel_loop3A_489 = arith.constant 64 : index
      %parallel_loop3A_490 = tpu.vector_load %arg14[%parallel_loop3A_488, %parallel_loop3A_489] {strides = array<i32>} : memref<64x128xf32, #tpu.memory_space<vmem>>, vector<16xf32>,
      %parallel_loop3A_491 = arith.mulf %parallel_loop3A_487, %parallel_loop3A_490 : vector<16xf32>
      %parallel_loop3A_492 = arith.index_cast %parallel_loop3A_456 : i32 to index
      %parallel_loop3A_493 = arith.constant 80 : index
      %parallel_loop3A_494 = tpu.vector_load %arg12[%parallel_loop3A_492, %parallel_loop3A_493] {strides = array<i32>} : memref<64x128xf32, #tpu.memory_space<vmem>>, vector<16xf32>,
      %parallel_loop3A_495 = arith.index_cast %parallel_loop3A_456 : i32 to index
      %parallel_loop3A_496 = arith.constant 80 : index
      %parallel_loop3A_497 = tpu.vector_load %arg14[%parallel_loop3A_495, %parallel_loop3A_496] {strides = array<i32>} : memref<64x128xf32, #tpu.memory_space<vmem>>, vector<16xf32>,
      %parallel_loop3A_498 = arith.mulf %parallel_loop3A_494, %parallel_loop3A_497 : vector<16xf32>
      %parallel_loop3A_499 = arith.index_cast %parallel_loop3A_456 : i32 to index
      %parallel_loop3A_500 = arith.constant 96 : index
      %parallel_loop3A_501 = tpu.vector_load %arg12[%parallel_loop3A_499, %parallel_loop3A_500] {strides = array<i32>} : memref<64x128xf32, #tpu.memory_space<vmem>>, vector<16xf32>,
      %parallel_loop3A_502 = arith.index_cast %parallel_loop3A_456 : i32 to index
      %parallel_loop3A_503 = arith.constant 96 : index
      %parallel_loop3A_504 = tpu.vector_load %arg14[%parallel_loop3A_502, %parallel_loop3A_503] {strides = array<i32>} : memref<64x128xf32, #tpu.memory_space<vmem>>, vector<16xf32>,
      %parallel_loop3A_505 = arith.mulf %parallel_loop3A_501, %parallel_loop3A_504 : vector<16xf32>
      %parallel_loop3A_506 = arith.index_cast %parallel_loop3A_456 : i32 to index
      %parallel_loop3A_507 = arith.constant 112 : index
      %parallel_loop3A_508 = tpu.vector_load %arg12[%parallel_loop3A_506, %parallel_loop3A_507] {strides = array<i32>} : memref<64x128xf32, #tpu.memory_space<vmem>>, vector<16xf32>,
      %parallel_loop3A_509 = arith.index_cast %parallel_loop3A_456 : i32 to index
      %parallel_loop3A_510 = arith.constant 112 : index
      %parallel_loop3A_511 = tpu.vector_load %arg14[%parallel_loop3A_509, %parallel_loop3A_510] {strides = array<i32>} : memref<64x128xf32, #tpu.memory_space<vmem>>, vector<16xf32>,
      %parallel_loop3A_512 = arith.mulf %parallel_loop3A_508, %parallel_loop3A_511 : vector<16xf32>
      %parallel_loop3A_513 = arith.addf %parallel_loop3A_463, %parallel_loop3A_470 : vector<16xf32>
      %parallel_loop3A_514 = arith.addf %parallel_loop3A_477, %parallel_loop3A_484 : vector<16xf32>
      %parallel_loop3A_515 = arith.addf %parallel_loop3A_491, %parallel_loop3A_498 : vector<16xf32>
      %parallel_loop3A_516 = arith.addf %parallel_loop3A_505, %parallel_loop3A_512 : vector<16xf32>
      %parallel_loop3A_517 = arith.addf %parallel_loop3A_513, %parallel_loop3A_514 : vector<16xf32>
      %parallel_loop3A_518 = arith.addf %parallel_loop3A_515, %parallel_loop3A_516 : vector<16xf32>
      %parallel_loop3A_519 = arith.addf %parallel_loop3A_517, %parallel_loop3A_518 : vector<16xf32>
      %parallel_loop3A_520 = arith.constant 15 : i32
      %parallel_loop3A_521 = vector.broadcast %parallel_loop3A_520 : i32 to vector<16xi32>
      %parallel_loop3A_522 = tpu.iota {dimensions = array<i32: 0>} : vector<16xi32>
      %parallel_loop3A_523 = arith.subi %parallel_loop3A_521, %parallel_loop3A_522 : vector<16xi32>
      %parallel_loop3A_524 = tpu.dynamic_gather %parallel_loop3A_519[%parallel_loop3A_523] in [0] : vector<16xf32>, vector<16xi32> -> vector<16xf32>
      %parallel_loop3A_525 = arith.addf %parallel_loop3A_519, %parallel_loop3A_524 : vector<16xf32>
      %parallel_loop3A_526 = vector.shape_cast %select_n3A : vector<16xi32> to vector<16x1xi32>
      %parallel_loop3A_527 = vector.shape_cast %parallel_loop3A_526 : vector<16x1xi32> to vector<16xi32>
      %parallel_loop3A_528 = tpu.dynamic_gather %parallel_loop3A_525[%parallel_loop3A_527] in [0] : vector<16xf32>, vector<16xi32> -> vector<16xf32>
      %parallel_loop3A_529 = arith.addf %parallel_loop3A_525, %parallel_loop3A_528 : vector<16xf32>
      %parallel_loop3A_530 = vector.shape_cast %select_n3A_15 : vector<16xi32> to vector<16x1xi32>
      %parallel_loop3A_531 = vector.shape_cast %parallel_loop3A_530 : vector<16x1xi32> to vector<16xi32>
      %parallel_loop3A_532 = tpu.dynamic_gather %parallel_loop3A_529[%parallel_loop3A_531] in [0] : vector<16xf32>, vector<16xi32> -> vector<16xf32>
      %parallel_loop3A_533 = arith.addf %parallel_loop3A_529, %parallel_loop3A_532 : vector<16xf32>
      %parallel_loop3A_534 = vector.shape_cast %select_n3A_24 : vector<16xi32> to vector<16x1xi32>
      %parallel_loop3A_535 = vector.shape_cast %parallel_loop3A_534 : vector<16x1xi32> to vector<16xi32>
      %parallel_loop3A_536 = tpu.dynamic_gather %parallel_loop3A_533[%parallel_loop3A_535] in [0] : vector<16xf32>, vector<16xi32> -> vector<16xf32>
      %parallel_loop3A_537 = arith.addf %parallel_loop3A_533, %parallel_loop3A_536 : vector<16xf32>
      %parallel_loop3A_538 = arith.constant 0 : i32
      %parallel_loop3A_539 = vector.broadcast %parallel_loop3A_538 : i32 to vector<16xi32>
      %parallel_loop3A_540 = arith.constant 448 : i32
      %parallel_loop3A_541 = arith.addi %parallel_loop3A_540, %parallel_loop3A_456 : i32
      %parallel_loop3A_542 = vector.broadcast %parallel_loop3A_541 : i32 to vector<16xi32>
      %parallel_loop3A_543 = arith.addi %parallel_loop3A_539, %parallel_loop3A_542 : vector<16xi32>
      tpu.vector_store_idx %arg17[%parallel_loop3A_543], %parallel_loop3A_537 masked %lt3A_27 {add = true} : memref<512xf32, #tpu.memory_space<vmem>>[vector<16xi32>], vector<16xf32>, vector<16xi1>
    } {sc.loop_unroll_factor = 4 : i64, sc.parallel_access}
    "tpu.region"() ({
      %run_scoped3A = tpu.sem_alloc : memref<!tpu.dma_semaphore, #tpu.memory_space<semaphore_mem>>
      %dma_start3A_456 = tpu.memref_slice %arg8[%mul3A_2] : memref<16384xf32, #tpu.memory_space<hbm>> -> memref<512xf32, #tpu.memory_space<hbm>>
      %dma_start3A_457 = tpu.memref_slice %arg8[%mul3A_2] : memref<16384xf32, #tpu.memory_space<hbm>> -> memref<512xf32, #tpu.memory_space<hbm>>
      tpu.enqueue_dma source(%arg17 : memref<512xf32, #tpu.memory_space<vmem>>) target(%dma_start3A_457 : memref<512xf32, #tpu.memory_space<hbm>>) target_semaphore(%run_scoped3A : memref<!tpu.dma_semaphore, #tpu.memory_space<semaphore_mem>>)
      %dma_wait3A_458 = tpu.memref_slice %arg8[%mul3A_2] : memref<16384xf32, #tpu.memory_space<hbm>> -> memref<512xf32, #tpu.memory_space<hbm>>
      %dma_wait3A_459 = tpu.memref_slice %arg8[%mul3A_2] : memref<16384xf32, #tpu.memory_space<hbm>> -> memref<512xf32, #tpu.memory_space<hbm>>
      tpu.wait_dma2 semaphore(%run_scoped3A : memref<!tpu.dma_semaphore, #tpu.memory_space<semaphore_mem>>) src(%arg17 : memref<512xf32, #tpu.memory_space<vmem>>) dst(%dma_wait3A_459 : memref<512xf32, #tpu.memory_space<hbm>>)
      tpu.yield
    }) : () -> ()
    return
  }
}

</mosaic_0001>

<sc_bundles>
// kernel: kernel.3.cloned.1.call-start
scs
__scs_entry_jumppad:
0x0: {  	(pc) =	sbr.rel $0x88, $3  }
0x1: {  	(tag) =	ssettag $0x0;
	lr =	simm.s32 $0x1  }
0x2: {  	[smem:$0x3F9B] =	sst lr;
	_ =	strace $0xD0000000  }
0x3: {  	_ = 	snop  }
0x4: {  	_ = 	snop  }
0x5: {  	_ = 	snop  }
0x6: {  	_ = 	snop  }
0x7: {  	_ = 	snop  }
__scs_overlays_trampoline_lowered:
0x8: {  	[smem:$0x3FAA] =	sst s0  }
0x9: {  	[smem:$0x3FAB] =	sst s1  }
0xa: {  	[smem:$0x3FAC] =	sst s2  }
0xb: {  	[smem:$0x3FAD] =	sst s3  }
0xc: {  	[smem:$0x3FAE] =	sst s4  }
0xd: {  	[smem:$0x3FAF] =	sst s5  }
0xe: {  	[smem:$0x3FB0] =	sst s6  }
0xf: {  	[smem:$0x3FB1] =	sst s7  }
0x10: {  	[smem:$0x3FB2] =	sst s8  }
0x11: {  	[smem:$0x3FB3] =	sst s9;
	s0 =	simm.s32 @!p0 $0x0  }
0x12: {  	s1 =	sld [smem:$0x3F99];
	s0 =	simm.s32 @p0 $0x1  }
0x13: {  	[smem:$0x3FB4] =	sst s0;
	s0 =	simm.s32 @!p1 $0x0  }
0x14: {  	s2 =	sld [smem:$0x3F98];
	s0 =	simm.s32 @p1 $0x1  }
0x15: {  	[smem:$0x3FB5] =	sst s0;
	s0 =	simm.s32 @!p2 $0x0  }
0x16: {  	s3 =	sld [smem:$0x3FDB];
	s0 =	simm.s32 @p2 $0x1  }
0x17: {  	s4 =	simm.s32 $0x1BF5;
	[smem:$0x3FB7] =	sst s0  }
0x18: {  	s0 =	sld [smem:$0x3F9A];
	_ =	swait.ge [sflag:s4], $0x0  }
0x19: {  	s7 =	sld [smem:$0x3F9B]  }
0x1a: {  	s8 =	sadd.s32 $0xFFFFE003, lr  }
0x1b: {  	s9 =	sadd.s32 $0xFFFFFEF7, lr;
	s5 =	simm.s32 $0xFFFFFFFF;
	p2 =	slt.u32 s8, $0xFFFFF086  }
0x1c: {  	p1 =	slt.u32 s9, $0xF7A;
	s5 =	simm.s32 @!p2 $0x0  }
0x1d: {  	s5 =	simm.s32 @p1 $0x1;
	p0 =	seq.s32 s7, s2  }
0x1e: {  	s7 =	smul.u32 @!p0 $0xF7A, s2;
	p2 =	seq.s32 @!p0 s5, $0x0  }
0x1f: {  	s9 =	smul.u32 $0xF7A, s1;
	s8 =	simm.s32 @!p0 $0x1BF5;
	p2 =	por !p2, p0  }
0x20: {  	[sflag:s8] =	ssyncset.s32 @!p0 $0xFFFFF086;
	s6 =	sadd.s32 @!p0 s3, s7;
	s7 =	simm.s32 @!p0 $0x108  }
0x21: {  	s3 =	sadd.s32 s3, s9;
	s6 =	sadd.s32 @!p0 $0x88, s6;
	s7 =	simm.s32 @p2 $0x1082  }
0x22: {  	[simem:s7], [sflag:s8] =	dma.local @!p0 [hbm:s6], $0xF7A  }
0x23: {  	s9 =	sor.u32 $0xD0000000, s2;
	s6 =	simm.s32 $0x108;
	_ =	swait.ge @!p0 [sflag:s8], $0x0  }
0x24: {  	s3 =	sadd.s32 $0x88, s3;
	s6 =	simm.s32 @!p1 $0x1082;
	[sflag:s4] =	ssyncset.s32 $0xFFFFF086  }
0x25: {  	[simem:s6], [sflag:s4] =	dma.local [hbm:s3], $0xF7A  }
0x26: {  	[smem:$0x3F9B] =	sst s1;
	(tag) =	ssettag s2;
	_ =	strace s9  }
0x27: {  	s1 =	sld [smem:$0x3FAB]  }
0x28: {  	s2 =	sld [smem:$0x3FAC]  }
0x29: {  	s4 =	sld [smem:$0x3FAE]  }
0x2a: {  	p0 =	seq.s32 s5, $0x0;
	s5 =	sld [smem:$0x3FAF]  }
0x2b: {  	s6 =	sld [smem:$0x3FB0]  }
0x2c: {  	s7 =	sld [smem:$0x3FB1]  }
0x2d: {  	s3 =	simm.s32 $0x108;
	s8 =	sld [smem:$0x3FB2]  }
0x2e: {  	s3 =	simm.s32 @!p0 $0x1082;
	s9 =	sld [smem:$0x3FB3]  }
0x2f: {  	lr =	sadd.s32 s0, s3;
	s0 =	sld [smem:$0x3FAA]  }
0x30: {  	s3 =	sld [smem:$0x3FAD]  }
0x31: {  	[smem:$0x3FB6] =	sst s10  }
0x32: {  	s10 =	sld [smem:$0x3FB4];
	_ =	sdelay $0x3  }
0x33: {  	p0 =	seq.s32 s10, $0x1;
	s10 =	sld [smem:$0x3FB6];
	_ =	sdelay $0x3  }
0x34: {  	[smem:$0x3FB6] =	sst s10  }
0x35: {  	s10 =	sld [smem:$0x3FB5];
	_ =	sdelay $0x3  }
0x36: {  	p1 =	seq.s32 s10, $0x1;
	s10 =	sld [smem:$0x3FB6];
	_ =	sdelay $0x3  }
0x37: {  	[smem:$0x3FB6] =	sst s10  }
0x38: {  	s10 =	sld [smem:$0x3FB7]  }
0x39: {  	_ = 	snop;
	(pc) =	sbr.ind lr, $3  }
0x3a: {  	_ = 	snop  }
0x3b: {  	_ = 	snop  }
0x3c: {  	p2 =	seq.s32 s10, $0x1;
	s10 =	sld [smem:$0x3FB6]  }
0x3d: {  	_ =	shalt  }
0x3e: {  	_ =	shalt  }
0x3f: {  	_ =	shalt  }
0x40: {  	_ =	shalt  }
0x41: {  	_ =	shalt  }
0x42: {  	_ =	shalt  }
0x43: {  	_ =	shalt  }
0x44: {  	_ =	shalt  }
0x45: {  	_ =	shalt  }
0x46: {  	_ =	shalt  }
0x47: {  	_ =	shalt  }
0x48: {  	_ =	shalt  }
0x49: {  	_ =	shalt  }
0x4a: {  	_ =	shalt  }
0x4b: {  	_ =	shalt  }
0x4c: {  	_ =	shalt  }
0x4d: {  	_ =	shalt  }
0x4e: {  	_ =	shalt  }
0x4f: {  	_ =	shalt  }
0x50: {  	_ =	shalt  }
0x51: {  	_ =	shalt  }
0x52: {  	_ =	shalt  }
0x53: {  	_ =	shalt  }
0x54: {  	_ =	shalt  }
0x55: {  	_ =	shalt  }
0x56: {  	_ =	shalt  }
0x57: {  	_ =	shalt  }
0x58: {  	_ =	shalt  }
0x59: {  	_ =	shalt  }
0x5a: {  	_ =	shalt  }
0x5b: {  	_ =	shalt  }
0x5c: {  	_ =	shalt  }
0x5d: {  	_ =	shalt  }
0x5e: {  	_ =	shalt  }
0x5f: {  	_ =	shalt  }
0x60: {  	_ =	shalt  }
0x61: {  	_ =	shalt  }
0x62: {  	_ =	shalt  }
0x63: {  	_ =	shalt  }
0x64: {  	_ =	shalt  }
0x65: {  	_ =	shalt  }
0x66: {  	_ =	shalt  }
0x67: {  	_ =	shalt  }
0x68: {  	_ =	shalt  }
0x69: {  	_ =	shalt  }
0x6a: {  	_ =	shalt  }
0x6b: {  	_ =	shalt  }
0x6c: {  	_ =	shalt  }
0x6d: {  	_ =	shalt  }
0x6e: {  	_ =	shalt  }
0x6f: {  	_ =	shalt  }
0x70: {  	_ =	shalt  }
0x71: {  	_ =	shalt  }
0x72: {  	_ =	shalt  }
0x73: {  	_ =	shalt  }
0x74: {  	_ =	shalt  }
0x75: {  	_ =	shalt  }
0x76: {  	_ =	shalt  }
0x77: {  	_ =	shalt  }
0x78: {  	_ =	shalt  }
0x79: {  	_ =	shalt  }
0x7a: {  	_ =	shalt  }
0x7b: {  	_ =	shalt  }
0x7c: {  	_ =	shalt  }
0x7d: {  	_ =	shalt  }
0x7e: {  	_ =	shalt  }
0x7f: {  	_ =	shalt  }
0x80: {  	_ =	shalt  }
0x81: {  	_ =	shalt  }
0x82: {  	_ =	shalt  }
0x83: {  	_ =	shalt  }
0x84: {  	_ =	shalt  }
0x85: {  	_ =	shalt  }
0x86: {  	_ =	shalt  }
0x87: {  	_ =	shalt  }
.Lfunc_end0:
.L_simem_size_0:
called_computation_lowered:
.L_overlay_start_0:
0x88: {  	s2 =	sld [smem:$0x3FD9]  }
0x89: {  	s3 =	sld [smem:$0x3FFE];
	_ =	sdelay $0x1  }
0x8a: {  	s1 =	srdreg.scid  }
0x8b: {  	s0 =	sand.u32 $0x1, s1  }
0x8c: {  	s17 =	sshll.u32 s0, $0xA;
	s2 =	sadd.s32 s3, s2  }
0x8d: {  	s2 =	sadd.s32 s2, s17  }
0x8e: {  	[smem:$0x3FC2] =	sst s2  }
0x8f: {  	_ = 	snop  }
0x90: {  	s2 =	sld [smem:$0x3FC9]  }
0x91: {  	s18 =	sld [smem:$0x3FC8]  }
0x92: {  	s4 =	sld [smem:$0x3FC7]  }
0x93: {  	s5 =	sld [smem:$0x3FC6]  }
0x94: {  	s6 =	sld [smem:$0x3FD0];
	(tm) =	ssettm $0x1  }
0x95: {  	s7 =	sld [smem:$0x3FFB];
	_ =	sdelay $0x3  }
0x96: {  	_ =	strace s7  }
0x97: {  	s7 =	sld [smem:$0x3FFC];
	_ =	sdelay $0x3  }
0x98: {  	_ =	strace s7  }
0x99: {  	s7 =	sld [smem:$0x3FFD];
	_ =	sdelay $0x3  }
0x9a: {  	_ =	strace s7  }
0x9b: {  	_ =	strace $0x8FFFFFFF  }
0x9c: {  	s19 =	sld [smem:$0x3FDB];
	_ =	sdelay $0x1  }
0x9d: {  	s8 =	simm.s32 $_scs_section_size  }
0x9e: {  	s9 =	simm.s32 $_size__tile_overlayer_lowered;
	s10 =	simm.s32 $_tile_overlayer_lowered  }
0x9f: {  	s22 =	simm.s32 $0x1BFF;
	s21 =	sshll.u32 s10, $0x1;
	s7 =	sadd.s32 s8, s19  }
0xa0: {  	s11 =	simm.s32 $0x0;
	s20 =	sshll.u32 s9, $0x1;
	s9 =	sadd.s32 s21, s7  }
0xa1: {  	[timem:s11], [sflag:s22] =	dma.local [hbm:s9], s20  }
0xa2: {  	_ =	swait.ge [sflag:s22], s20  }
0xa3: {  	s8 =	ssub.s32 $0x0, s20;
	[sflag:s22] =	ssyncset.done $0x0  }
0xa4: {  	[sflag:s22] =	ssyncadd.s32 s8;
	_ =	sdelay $0x1  }
0xa5: {  	s23 =	simm.s32 $0x1B8B  }
0xa6: {  	_ =	swait.ge [sflag:s23], $0x1  }
0xa7: {  	[sflag:s23] =	ssyncset.done $0x0  }
0xa8: {  	s25 =	simm.s32 $0x1B8E;
	s24 =	sld [smem:$0x3FFE];
	[sflag:s23] =	ssyncadd.s32 $0xFFFFFFFF  }
0xa9: {  	s26 =	simm.s32 $execute0_lowered;
	[smem:$0x3FD2] =	sst s25  }
0xaa: {  	s9 =	sshll.u32 s26, $0x1;
	_ =	strace $0x80000046;
	[dreg:$0x1] =	wrdreg $0xFFFFFFFF  }
0xab: {  	s28 =	simm.s32 $_size_execute0_lowered;
	s7 =	sadd.s32 s7, s9;
	[dreg:$0x0] =	wrdreg $0x0  }
0xac: {  	s9 =	sshll.u32 s28, $0x1;
	[dreg:$0x2] =	wrdreg s7  }
0xad: {  	[dreg:$0x3] =	wrdreg s9  }
0xae: {  	[dreg:$0x4] =	wrdreg $0xC0  }
0xaf: {  	_ =	task [dreg:s11], $0x5FFFF  }
0xb0: {  	[dreg:$0x1] =	wrdreg $0xFFFFFFFF  }
0xb1: {  	[dreg:$0x0] =	wrdreg $0x60  }
0xb2: {  	[dreg:$0x2] =	wrdreg s2  }
0xb3: {  	[dreg:$0x3] =	wrdreg s18  }
0xb4: {  	[dreg:$0x4] =	wrdreg s4  }
0xb5: {  	[dreg:$0x5] =	wrdreg s5  }
0xb6: {  	[dreg:$0x6] =	wrdreg s24  }
0xb7: {  	[dreg:$0x7] =	wrdreg s6  }
0xb8: {  	[dreg:$0x8] =	wrdreg $0x9  }
0xb9: {  	_ =	task.clear_ibuf [dreg:s11], $0x9FFFF;
	_ =	strace $0x90000046  }
0xba: {  	s29 =	simm.s32 $0x9;
	_ =	strace $0x80000048  }
0xbb: {  	_ =	swait.ge [sflag:s29], $0x1  }
0xbc: {  	[sflag:s29] =	ssyncadd.s32 $0xFFFFFFFF  }
0xbd: {  	_ =	strace $0x90000048  }
0xbe: {  	_ =	sfence  }
0xbf: {  	s30 =	sld [smem:$0x0];
	_ =	sdelay $0x2  }
0xc0: {  	s31 =	sshll.u32 s1, $0xD;
	s1 =	sshrl.u32 s1, $0x2  }
0xc1: {  	s3 =	sand.u32 $0x4000, s31;
	s1 =	sadd.s32 s1, s30  }
0xc2: {  	s0 =	sor.u32 s3, s0;
	s1 =	sshll.u32 s1, $0x11  }
0xc3: {  	s0 =	sor.u32 s1, s0  }
0xc4: {  	s0 =	sadd.s32 $0x8F2B, s0  }
0xc5: {  	[sflag:s0] =	ssyncadd.remote.s32 $0x1  }
0xc6: {  	_ =	sfence.sel $0xFFFF  }
0xc7: {  	[dreg:$0x0] =	wrdreg $0xFFFFFFFF;
	(pc) =	sbr.abs _section_cstart, $3  }
0xc8: {  	[dreg:$0x1] =	wrdreg $0xFFFFFFFF  }
0xc9: {  	_ =	task.clear_ibuf [dreg:s11], $0x2FFFF;
	_ =	strace $0x9FFFFFFF  }
0xca: {  	(tm) =	ssettm $0x7FFFFFFF  }
0xcb: {  	_ =	shalt  }
tec
execute0_lowered:
.L_overlay_start_1:
0x0: {  	(tag) =	ssettag $0x1  }
0x1: {  	s0 =	rddreg [dreg:$0x0]  }
0x2: {  	s4 =	rddreg [dreg:$0x1]  }
0x3: {  	s1 =	rddreg [dreg:$0x2]  }
0x4: {  	s2 =	rddreg [dreg:$0x3]  }
0x5: {  	s3 =	rddreg [dreg:$0x4]  }
0x6: {  	s9 =	rddreg [dreg:$0x5]  }
0x7: {  	s5 =	simm.s32 $0x0;
	s6 =	srdreg.scid;
	s8 =	stileid.u32  }
0x8: {  	s12 =	simm.s32 $0x200;
	s13 =	simm.s32 $0x40;
	s14 =	simm.s32 $0x400  }
0x9: {  	s15 =	simm.s32 $0x4400;
	s18 =	simm.s32 $0x2400;
	s20 =	simm.s32 $0x6400  }
0xa: {  	s23 =	simm.s32 $0x1;
	s24 =	simm.s32 $0x8800;
	s30 =	simm.s32 $0x2  }
0xb: {  	s28 =	simm.s32 $0x180;
	s16 =	simm.s32 $0x380;
	s22 =	simm.s32 $0x1C0  }
0xc: {  	v0 =	vimm.s32 $0x1234567;
	s19 =	simm.s32 $0x3C0;
	s25 =	simm.s32 $0x0;
	s6 =	sand.u32 $0x1, s6  }
0xd: {  	v1 =	vlaneseq.u32;
	v2 =	vimm.s32 $0x10203;
	[smem:$0x7FF] =	sst s5;
	s8 =	sshll.u32 s8, $0x7;
	v0 =	vunpack.c.l.s4.s8 v0;
	s7 =	ssub.s32 $0x2, s6  }
0xe: {  	v3 =	vmul.u32 $0xFFFFFFFF, v1;
	v1 =	vunpack.c.0.s8.s32 v2;
	_ =	strace $0x80000047;
	s10 =	sshll.u32 s6, $0x6;
	s11 =	sshrl.u32 s7, $0x1  }
0xf: {  	vm0 =	vcmask $0x1F00;
	vm15 =	vcmask $0xF00;
	s6 =	sadd.s32 $0x3200, s3;
	s10 =	sor.u32 s10, s8;
	v0 =	vunpack.c.0.s8.s32 v0;
	s11 =	ssub.s32 s7, s11  }
0x10: {  	v4 =	vimm.s32 $0x0;
	vm1 =	vcmask $0x300;
	v1 =	vnsel vm15, $0x0, v1;
	s7 =	sadd.s32 s0, s10;
	s8 =	sadd.s32 s4, s10;
	s9 =	sadd.s32 s9, s10  }
0x11: {  	v2 =	vadd.s32 $0xF, v3;
	v3 =	vsel vm1, $0x1, v4;
	s4 =	simm.s32 $0x340;
	s10 =	smax.u32 s11, $0x1;
	s11 =	simm.s32 $0x3;
	v0 =	vnsel vm0, $0x0, v0  }
.LBB2_1:
0x12: {  	[tilespmem:s5], [sflag:$0x3] =	stream.linear.gather [hbm4b:s7+s5], $0x200, $0x38;
	[tilespmem:$0x8A00] =	vst v63  }
0x13: {  	_ =	swait.ge [sflag:s11], $0x200  }
0x14: {  	[sflag:s11] =	ssyncset.done $0x0  }
0x15: {  	[sflag:s11] =	ssyncadd.s32 $0xFFFFFE00  }
0x16: {  	[tilespmem:s12], [sflag:$0x3] =	stream.linear.gather [hbm4b:s8+s5], $0x200, $0x38;
	[tilespmem:$0x8A00] =	vst v63  }
0x17: {  	_ =	swait.ge [sflag:s11], $0x200  }
0x18: {  	[sflag:s11] =	ssyncset.done $0x0  }
0x19: {  	[sflag:s11] =	ssyncadd.s32 $0xFFFFFE00  }
0x1a: {  	[tilespmem:s14], [sflag:$0x1] =	stream.indirect.gather [hbm4b:s1+s13], $0x80, s5, s13, $0xb8;
	[tilespmem:$0x8A00] =	vst v63  }
0x1b: {  	_ = 	snop  }
0x1c: {  	[tilespmem:s15], [sflag:$0x1] =	stream.indirect.gather [hbm4b:s2+s13], $0x80, s12, s13, $0xb8;
	[tilespmem:$0x8A00] =	vst v63  }
0x1d: {  	s0 =	simm.s32 $0x8400  }
0x1e: {  	[tilespmem:s0], [sflag:$0x1] =	stream.indirect.gather [hbm4b:s3+s13], $0x1, s5, s13, $0xb8;
	[tilespmem:$0x8A00] =	vst v63  }
0x1f: {  	s26 =	simm.s32 $0x8600  }
0x20: {  	[tilespmem:s26], [sflag:$0x1] =	stream.indirect.gather [hbm4b:s6+s13], $0x1, s12, s13, $0xb8;
	[tilespmem:$0x8A00] =	vst v63  }
0x21: {  	_ = 	snop  }
0x22: {  	[tilespmem:s18], [sflag:$0x2] =	stream.indirect.gather [hbm4b:s1+s13], $0x80, s13, s13, $0xb8;
	[tilespmem:$0x8A00] =	vst v63  }
0x23: {  	s29 =	simm.s32 $0x240  }
0x24: {  	[tilespmem:s20], [sflag:$0x2] =	stream.indirect.gather [hbm4b:s2+s13], $0x80, s29, s13, $0xb8;
	[tilespmem:$0x8A00] =	vst v63  }
0x25: {  	s17 =	simm.s32 $0x8440  }
0x26: {  	[tilespmem:s17], [sflag:$0x2] =	stream.indirect.gather [hbm4b:s3+s13], $0x1, s13, s13, $0xb8;
	[tilespmem:$0x8A00] =	vst v63  }
0x27: {  	s21 =	simm.s32 $0x8640  }
0x28: {  	[tilespmem:s21], [sflag:$0x2] =	stream.indirect.gather [hbm4b:s6+s13], $0x1, s29, s13, $0xb8;
	[tilespmem:$0x8A00] =	vst v63  }
0x29: {  	_ =	swait.ge [sflag:s23], $0x2000  }
0x2a: {  	[sflag:s23] =	ssyncset.done $0x0  }
0x2b: {  	[sflag:s23] =	ssyncadd.s32 $0xFFFFE000  }
0x2c: {  	_ =	swait.ge [sflag:s23], $0x2000  }
0x2d: {  	[sflag:s23] =	ssyncset.done $0x0  }
0x2e: {  	[sflag:s23] =	ssyncadd.s32 $0xFFFFE000  }
0x2f: {  	_ =	swait.ge [sflag:s23], $0x40  }
0x30: {  	[sflag:s23] =	ssyncset.done $0x0  }
0x31: {  	[sflag:s23] =	ssyncadd.s32 $0xFFFFFFC0  }
0x32: {  	_ =	swait.ge [sflag:s23], $0x40  }
0x33: {  	[sflag:s23] =	ssyncset.done $0x0  }
0x34: {  	[sflag:s23] =	ssyncadd.s32 $0xFFFFFFC0  }
0x35: {  	v4 =	vld [tilespmem:$0x8400]  }
0x36: {  	v5 =	vld [tilespmem:$0x8600]  }
0x37: {  	v6 =	vld [tilespmem:$0x8410]  }
0x38: {  	v7 =	vld [tilespmem:$0x8610]  }
0x39: {  	v8 =	vld [tilespmem:$0x8420]  }
0x3a: {  	v9 =	vld [tilespmem:$0x8620]  }
0x3b: {  	v10 =	vld [tilespmem:$0x8430]  }
0x3c: {  	v11 =	vld [tilespmem:$0x8630];
	_ =	sdelay $0x1  }
0x3d: {  	v4 =	vadd.f32 v5, v4  }
0x3e: {  	v5 =	vadd.f32 v7, v6  }
0x3f: {  	[tilespmem:$0x8800] =	vst v4;
	v4 =	vadd.f32 v9, v8  }
0x40: {  	[tilespmem:$0x8810] =	vst v5;
	v5 =	vadd.f32 v11, v10  }
0x41: {  	[tilespmem:$0x8820] =	vst v4  }
0x42: {  	s26 =	simm.s32 $0x500;
	[tilespmem:$0x8830] =	vst v5  }
0x43: {  	s29 =	simm.s32 $0x4500;
	v4 =	vld [tilespmem:s26+$0x80]  }
0x44: {  	v5 =	vld [tilespmem:s29+$0x80]  }
0x45: {  	v6 =	vld [tilespmem:s26+$0x90]  }
0x46: {  	v7 =	vld [tilespmem:s29+$0x90]  }
0x47: {  	v8 =	vld [tilespmem:s26+$0xA0]  }
0x48: {  	v9 =	vld [tilespmem:s29+$0xA0]  }
0x49: {  	v10 =	vld [tilespmem:s26+$0xB0]  }
0x4a: {  	v11 =	vld [tilespmem:s29+$0xB0]  }
0x4b: {  	v12 =	vld [tilespmem:s26+$0xC0]  }
0x4c: {  	v13 =	vld [tilespmem:s29+$0xC0]  }
0x4d: {  	v14 =	vld [tilespmem:s26+$0xD0]  }
0x4e: {  	v15 =	vld [tilespmem:s29+$0xD0]  }
0x4f: {  	v16 =	vld [tilespmem:s26+$0xE0]  }
0x50: {  	v17 =	vld [tilespmem:s29+$0xE0]  }
0x51: {  	v18 =	vld [tilespmem:s26+$0xF0]  }
0x52: {  	v19 =	vld [tilespmem:s29+$0xF0]  }
0x53: {  	v20 =	vld [tilespmem:s26+$0xFFFFFF10]  }
0x54: {  	v21 =	vld [tilespmem:s29+$0xFFFFFF10]  }
0x55: {  	v22 =	vld [tilespmem:s26+$0xFFFFFF20]  }
0x56: {  	v23 =	vld [tilespmem:s29+$0xFFFFFF20]  }
0x57: {  	v24 =	vld [tilespmem:s26+$0xFFFFFF30]  }
0x58: {  	v25 =	vld [tilespmem:s29+$0xFFFFFF30]  }
0x59: {  	v26 =	vld [tilespmem:s26+$0xFFFFFF40]  }
0x5a: {  	v27 =	vld [tilespmem:s29+$0xFFFFFF40]  }
0x5b: {  	v28 =	vld [tilespmem:s26+$0xFFFFFF50]  }
0x5c: {  	v29 =	vld [tilespmem:s29+$0xFFFFFF50]  }
0x5d: {  	v30 =	vld [tilespmem:s26+$0xFFFFFF60]  }
0x5e: {  	v31 =	vld [tilespmem:s29+$0xFFFFFF60]  }
0x5f: {  	v32 =	vld [tilespmem:s26+$0xFFFFFF70]  }
0x60: {  	v33 =	vld [tilespmem:s29+$0xFFFFFF70]  }
0x61: {  	v34 =	vld [tilespmem:s26+$0xFFFFFF80]  }
0x62: {  	v35 =	vld [tilespmem:s29+$0xFFFFFF80]  }
0x63: {  	v36 =	vld [tilespmem:s26+$0xFFFFFF90]  }
0x64: {  	v37 =	vld [tilespmem:s29+$0xFFFFFF90]  }
0x65: {  	v38 =	vld [tilespmem:s26+$0xFFFFFFA0]  }
0x66: {  	v39 =	vld [tilespmem:s29+$0xFFFFFFA0]  }
0x67: {  	v40 =	vld [tilespmem:s26+$0xFFFFFFB0]  }
0x68: {  	v41 =	vld [tilespmem:s29+$0xFFFFFFB0]  }
0x69: {  	v58 =	vld [tilespmem:s29+$0x40]  }
0x6a: {  	v61 =	vld [tilespmem:s26+$0x50]  }
0x6b: {  	v63 =	vld [tilespmem:s29+$0x50];
	v4 =	vmul.f32 v5, v4;
	v5 =	vmul.f32 v7, v6  }
0x6c: {  	v6 =	vld [tilespmem:s26+$0xFFFFFFC0];
	v7 =	vmul.f32 v9, v8;
	v8 =	vmul.f32 v11, v10  }
0x6d: {  	v9 =	vld [tilespmem:s29+$0xFFFFFFC0];
	v10 =	vmul.f32 v13, v12;
	v11 =	vmul.f32 v15, v14  }
0x6e: {  	v12 =	vld [tilespmem:s26+$0xFFFFFFD0];
	v13 =	vmul.f32 v17, v16;
	v14 =	vmul.f32 v19, v18  }
0x6f: {  	v15 =	vld [tilespmem:s29+$0xFFFFFFD0];
	v4 =	vadd.f32 v5, v4;
	v5 =	vadd.f32 v8, v7  }
0x70: {  	v17 =	vld [tilespmem:s29+$0x10];
	v8 =	vadd.f32 v11, v10;
	v10 =	vadd.f32 v14, v13  }
0x71: {  	v18 =	vld [tilespmem:s26+$0x20]  }
0x72: {  	v19 =	vmul.f32 v21, v20;
	v21 =	vld [tilespmem:s26+$0x30];
	v4 =	vadd.f32 v5, v4;
	v5 =	vadd.f32 v10, v8  }
0x73: {  	v20 =	vmul.f32 v23, v22;
	v22 =	vmul.f32 v25, v24;
	v24 =	vld [tilespmem:s29+$0x30]  }
0x74: {  	v25 =	vmul.f32 v27, v26;
	v27 =	vld [tilespmem:s26+$0x40];
	v4 =	vadd.f32 v5, v4  }
0x75: {  	v7 =	vld [tilespmem:s26+$0xFFFFFFE0]  }
0x76: {  	v11 =	vld [tilespmem:s29+$0xFFFFFFE0];
	v16 =	vperm.xlane v4, v2  }
0x77: {  	v13 =	vld [tilespmem:s26+$0xFFFFFFF0]  }
0x78: {  	v26 =	vmul.f32 v29, v28;
	v8 =	vld [tilespmem:s29+$0xFFFFFFF0];
	v4 =	vadd.f32 v4, v16  }
0x79: {  	v57 =	vmul.f32 v31, v30;
	v14 =	vld [tilespmem:s26+$0x10]  }
0x7a: {  	v59 =	vmul.f32 v37, v36;
	v25 =	vadd.f32 v26, v25;
	v26 =	vld [tilespmem:s29+$0xFFFFFF00];
	v23 =	vperm.xlane v4, v0  }
0x7b: {  	v60 =	vmul.f32 v39, v38;
	v10 =	vld [tilespmem:s26+$0x0];
	v6 =	vmul.f32 v9, v6  }
0x7c: {  	v9 =	vmul.f32 v15, v12;
	v12 =	vld [tilespmem:s26+$0x60];
	v7 =	vmul.f32 v11, v7;
	v4 =	vadd.f32 v4, v23  }
0x7d: {  	v5 =	vld [tilespmem:s29+$0x0];
	v8 =	vmul.f32 v8, v13;
	v23 =	vmul.f32 v35, v34  }
0x7e: {  	v62 =	vmul.f32 v41, v40;
	v20 =	vadd.f32 v22, v20;
	v11 =	vld [tilespmem:s29+$0x60];
	v22 =	vperm.xlane v4, v1  }
0x7f: {  	v13 =	vmul.f32 v33, v32;
	v16 =	vld [tilespmem:s29+$0x20];
	v7 =	vadd.f32 v8, v7;
	v15 =	vadd.f32 v59, v23  }
0x80: {  	s21 =	simm.s32 $0x3;
	v8 =	vld [tilespmem:s29+$0x70];
	v4 =	vadd.f32 v4, v22;
	v22 =	vadd.f32 v62, v60  }
0x81: {  	v6 =	vadd.f32 v9, v6;
	v9 =	vmov s21;
	v13 =	vadd.f32 v13, v57;
	v23 =	vld [tilespmem:s26+$0x70]  }
0x82: {  	v5 =	vmul.f32 v5, v10;
	v10 =	vld [tilespmem:s26+$0xFFFFFF00];
	v15 =	vadd.f32 v22, v15;
	v22 =	vperm.xlane v4, v3  }
0x83: {  	v6 =	vadd.f32 v7, v6;
	v7 =	vmul.f32 v17, v14;
	v17 =	vmul.f32 v63, v61  }
0x84: {  	v14 =	vmul.f32 v16, v18;
	v16 =	vmul.f32 v24, v21;
	v4 =	vadd.f32 v4, v22  }
0x85: {  	v5 =	vadd.f32 v7, v5;
	v6 =	vadd.f32 v6, v15;
	v15 =	vmul.f32 v58, v27  }
0x86: {  	s17 =	simm.s32 $0x4700;
	[tilespmem:v9+s24+$0x0] =	vst.idx.add.f32.msk $0x1, v4;
	v4 =	vmul.f32 v11, v12;
	v11 =	vmul.f32 v8, v23  }
0x87: {  	s31 =	simm.s32 $0x700;
	v21 =	vld [tilespmem:s17+$0xE0];
	v10 =	vmul.f32 v26, v10;
	v7 =	vperm.xlane v6, v2;
	v12 =	vadd.f32 v16, v14  }
0x88: {  	v22 =	vld [tilespmem:s31+$0xF0];
	v14 =	vadd.f32 v17, v15;
	v4 =	vadd.f32 v11, v4  }
0x89: {  	v8 =	vld [tilespmem:s31+$0x80];
	v15 =	vadd.f32 v6, v7;
	v7 =	vadd.f32 v19, v10  }
0x8a: {  	v9 =	vld [tilespmem:s17+$0x80];
	v5 =	vadd.f32 v12, v5;
	v4 =	vadd.f32 v4, v14  }
0x8b: {  	v11 =	vld [tilespmem:s31+$0x90];
	v10 =	vadd.f32 v13, v25;
	v16 =	vadd.f32 v20, v7  }
0x8c: {  	v6 =	vld [tilespmem:s17+$0x90];
	v14 =	vperm.xlane v15, v0;
	v4 =	vadd.f32 v4, v5  }
0x8d: {  	v12 =	vld [tilespmem:s31+$0xA0];
	v16 =	vadd.f32 v10, v16  }
0x8e: {  	v13 =	vld [tilespmem:s31+$0xB0];
	v5 =	vadd.f32 v15, v14;
	v17 =	vperm.xlane v4, v2  }
0x8f: {  	v7 =	vld [tilespmem:s17+$0xA0];
	v19 =	vperm.xlane v16, v2  }
0x90: {  	v20 =	vld [tilespmem:s31+$0xE0];
	v18 =	vperm.xlane v5, v1;
	v4 =	vadd.f32 v4, v17  }
0x91: {  	v14 =	vld [tilespmem:s17+$0xB0];
	v16 =	vadd.f32 v16, v19  }
0x92: {  	v10 =	vld [tilespmem:s31+$0xC0];
	v5 =	vadd.f32 v5, v18;
	v18 =	vperm.xlane v4, v0  }
0x93: {  	v15 =	vld [tilespmem:s17+$0xC0];
	v24 =	vperm.xlane v16, v0  }
0x94: {  	v17 =	vld [tilespmem:s31+$0xD0];
	v23 =	vperm.xlane v5, v3;
	v18 =	vadd.f32 v4, v18  }
0x95: {  	v19 =	vld [tilespmem:s17+$0xD0];
	v16 =	vadd.f32 v16, v24  }
0x96: {  	s0 =	simm.s32 $0x0;
	s21 =	simm.s32 $0x8;
	s26 =	simm.s32 $0x4;
	v4 =	vadd.f32 v5, v23;
	v24 =	vld [tilespmem:s17+$0xF0];
	v23 =	vperm.xlane v18, v1  }
.LBB2_2:
0x97: {  	p0 =	slt.u32 s21, $0x3C;
	v5 =	vld [tilespmem:s17+$0xFFFFFF00];
	v25 =	vperm.xlane v16, v1  }
0x98: {  	v8 =	vmul.f32 v9, v8;
	v6 =	vmul.f32 v6, v11;
	v26 =	vld [tilespmem:s31+$0xFFFFFF10];
	v11 =	vadd.f32 v18, v23  }
0x99: {  	v7 =	vmul.f32 v7, v12;
	v12 =	vmul.f32 v14, v13;
	v9 =	vld [tilespmem:s17+$0xFFFFFF10];
	v13 =	vadd.f32 v16, v25  }
0x9a: {  	v10 =	vmul.f32 v15, v10;
	v15 =	vmul.f32 v19, v17;
	v14 =	vld [tilespmem:s31+$0xFFFFFF20]  }
0x9b: {  	v17 =	vmul.f32 v21, v20;
	v16 =	vld [tilespmem:s17+$0xFFFFFF20];
	v18 =	vmul.f32 v24, v22  }
0x9c: {  	v8 =	vadd.f32 v6, v8;
	v7 =	vadd.f32 v12, v7;
	v12 =	vperm.xlane v13, v3;
	v19 =	vld [tilespmem:s31+$0xFFFFFF30]  }
0x9d: {  	v10 =	vadd.f32 v15, v10;
	v20 =	vld [tilespmem:s17+$0xFFFFFF30];
	v15 =	vadd.f32 v18, v17;
	v17 =	vperm.xlane v11, v3  }
0x9e: {  	v6 =	vmul.f32 v9, v26;
	v18 =	vld [tilespmem:s31+$0xFFFFFF40];
	v9 =	vadd.f32 v13, v12  }
0x9f: {  	v7 =	vadd.f32 v7, v8;
	v12 =	vld [tilespmem:s17+$0xFFFFFF40];
	v10 =	vadd.f32 v15, v10  }
0xa0: {  	v8 =	vadd.f32 v11, v17;
	v13 =	vmul.f32 v16, v14;
	v14 =	vld [tilespmem:s31+$0xFFFFFF50]  }
0xa1: {  	v11 =	vld [tilespmem:s17+$0xFFFFFF50];
	v10 =	vadd.f32 v10, v7  }
0xa2: {  	v7 =	vmul.f32 v20, v19;
	v15 =	vld [tilespmem:s31+$0xFFFFFF60]  }
0xa3: {  	v16 =	vld [tilespmem:s17+$0xFFFFFF60];
	v17 =	vperm.xlane v10, v2  }
0xa4: {  	v12 =	vmul.f32 v12, v18;
	v18 =	vld [tilespmem:s31+$0xFFFFFF70];
	v7 =	vadd.f32 v7, v13  }
0xa5: {  	v13 =	vld [tilespmem:s17+$0xFFFFFF70];
	v10 =	vadd.f32 v10, v17  }
0xa6: {  	v11 =	vmul.f32 v11, v14;
	v14 =	vld [tilespmem:s31+$0xFFFFFF80]  }
0xa7: {  	v17 =	vld [tilespmem:s17+$0xFFFFFF80];
	v19 =	vperm.xlane v10, v0  }
0xa8: {  	v15 =	vmul.f32 v16, v15;
	v11 =	vadd.f32 v11, v12;
	v12 =	vld [tilespmem:s31+$0xFFFFFF90]  }
0xa9: {  	v16 =	vld [tilespmem:s17+$0xFFFFFF90];
	v10 =	vadd.f32 v10, v19  }
0xaa: {  	v13 =	vmul.f32 v13, v18;
	v18 =	vld [tilespmem:s31+$0xFFFFFFA0]  }
0xab: {  	v19 =	vld [tilespmem:s17+$0xFFFFFFA0];
	v20 =	vperm.xlane v10, v1  }
0xac: {  	v13 =	vadd.f32 v13, v15;
	v14 =	vmul.f32 v17, v14;
	v15 =	vld [tilespmem:s31+$0xFFFFFFB0]  }
0xad: {  	s29 =	sadd.s32 $0x3, s26;
	v17 =	vld [tilespmem:s17+$0xFFFFFFB0];
	v20 =	vadd.f32 v10, v20  }
0xae: {  	v10 =	vadd.f32 v13, v11;
	v11 =	vmul.f32 v16, v12;
	v12 =	vld [tilespmem:s31+$0xFFFFFFC0];
	v13 =	vmov s29  }
0xaf: {  	v16 =	vld [tilespmem:s17+$0xFFFFFFC0];
	v21 =	vperm.xlane v20, v3  }
0xb0: {  	v18 =	vmul.f32 v19, v18;
	v19 =	vld [tilespmem:s31+$0xFFFFFFD0];
	v11 =	vadd.f32 v11, v14  }
0xb1: {  	v14 =	vld [tilespmem:s17+$0xFFFFFFD0];
	v20 =	vadd.f32 v20, v21  }
0xb2: {  	v15 =	vmul.f32 v17, v15;
	v17 =	vld [tilespmem:s31+$0xFFFFFFE0]  }
0xb3: {  	[tilespmem:v13+s24+$0x0] =	vst.idx.add.f32.msk $0x1, v20  }
0xb4: {  	v12 =	vmul.f32 v16, v12;
	v13 =	vld [tilespmem:s17+$0xFFFFFFE0];
	v15 =	vadd.f32 v15, v18  }
0xb5: {  	v16 =	vld [tilespmem:s31+$0xFFFFFFF0]  }
0xb6: {  	v14 =	vmul.f32 v14, v19;
	v18 =	vld [tilespmem:s17+$0xFFFFFFF0];
	v11 =	vadd.f32 v15, v11  }
0xb7: {  	v15 =	vld [tilespmem:s31+$0x0]  }
0xb8: {  	v12 =	vadd.f32 v14, v12;
	v14 =	vld [tilespmem:s17+$0x0]  }
0xb9: {  	v13 =	vmul.f32 v13, v17;
	v17 =	vld [tilespmem:s31+$0x10]  }
0xba: {  	v19 =	vld [tilespmem:s17+$0x10]  }
0xbb: {  	v16 =	vmul.f32 v18, v16;
	v18 =	vld [tilespmem:s31+$0x20]  }
0xbc: {  	v20 =	vld [tilespmem:s17+$0x20]  }
0xbd: {  	v13 =	vadd.f32 v16, v13;
	v14 =	vmul.f32 v14, v15;
	v15 =	vld [tilespmem:s31+$0x30]  }
0xbe: {  	v16 =	vld [tilespmem:s17+$0x30]  }
0xbf: {  	s29 =	sadd.s32 $0x1, s0;
	v12 =	vadd.f32 v13, v12;
	v13 =	vmul.f32 v19, v17;
	v17 =	vld [tilespmem:s31+$0x40];
	v19 =	vmov s0  }
0xc0: {  	v22 =	vmov s29;
	v21 =	vld [tilespmem:s17+$0x40];
	v19 =	vand.u32 $0xFFFFFFFC, v19  }
0xc1: {  	s29 =	sadd.s32 $0x2, s0;
	s0 =	smov.u32 s26;
	s26 =	smov.u32 s21;
	v11 =	vadd.f32 v12, v11;
	v12 =	vmul.f32 v20, v18;
	v18 =	vld [tilespmem:s31+$0x50];
	v13 =	vadd.f32 v13, v14  }
0xc2: {  	v19 =	vbroadcast v19, $0x0;
	v20 =	vand.u32 $0xFFFFFFFD, v22;
	v22 =	vmov s29;
	v14 =	vld [tilespmem:s17+$0x50]  }
0xc3: {  	v22 =	vand.u32 $0xFFFFFFFE, v22;
	v23 =	vperm.xlane v11, v2;
	v15 =	vmul.f32 v16, v15;
	v16 =	vld [tilespmem:s31+$0x60]  }
0xc4: {  	v20 =	vbroadcast v20, $0x0;
	v22 =	vbroadcast v22, $0x0;
	v24 =	vld [tilespmem:s17+$0x60]  }
0xc5: {  	v11 =	vadd.f32 v11, v23;
	v17 =	vmul.f32 v21, v17;
	v21 =	vld [tilespmem:s31+$0x70];
	v12 =	vadd.f32 v15, v12  }
0xc6: {  	v15 =	vld [tilespmem:s17+$0x70]  }
0xc7: {  	v23 =	vld [tilespmem:s31+$0xFFFFFF00];
	v25 =	vperm.xlane v11, v0;
	v14 =	vmul.f32 v14, v18;
	v13 =	vadd.f32 v12, v13  }
0xc8: {  	[tilespmem:v19+s24+$0x0] =	vst.idx.add.f32.msk $0x1, v9  }
0xc9: {  	v11 =	vadd.f32 v11, v25;
	v12 =	vmul.f32 v24, v16;
	v14 =	vadd.f32 v14, v17  }
0xca: {  	[tilespmem:v20+s24+$0x0] =	vst.idx.add.f32.msk $0x1, v4  }
0xcb: {  	s31 =	sadd.s32 $0x200, s31;
	v4 =	vperm.xlane v11, v1;
	v15 =	vmul.f32 v15, v21;
	[tilespmem:v22+s24+$0x0] =	vst.idx.add.f32.msk $0x1, v8  }
0xcc: {  	s17 =	sadd.s32 $0x200, s17;
	v8 =	vld [tilespmem:s31+$0x80];
	v5 =	vmul.f32 v5, v23  }
0xcd: {  	v9 =	vld [tilespmem:s17+$0x80];
	v4 =	vadd.f32 v11, v4;
	v12 =	vadd.f32 v15, v12  }
0xce: {  	v11 =	vld [tilespmem:s31+$0x90];
	v5 =	vadd.f32 v6, v5  }
0xcf: {  	v6 =	vld [tilespmem:s17+$0x90];
	v15 =	vperm.xlane v4, v3;
	v14 =	vadd.f32 v12, v14  }
0xd0: {  	v12 =	vld [tilespmem:s31+$0xA0];
	v5 =	vadd.f32 v7, v5  }
0xd1: {  	v7 =	vld [tilespmem:s17+$0xA0];
	v4 =	vadd.f32 v4, v15;
	v16 =	vadd.f32 v14, v13  }
0xd2: {  	v13 =	vld [tilespmem:s31+$0xB0];
	v5 =	vadd.f32 v10, v5  }
0xd3: {  	v14 =	vld [tilespmem:s17+$0xB0];
	v17 =	vperm.xlane v16, v2  }
0xd4: {  	v10 =	vld [tilespmem:s31+$0xC0];
	v18 =	vperm.xlane v5, v2  }
0xd5: {  	v15 =	vld [tilespmem:s17+$0xC0];
	v16 =	vadd.f32 v16, v17  }
0xd6: {  	v17 =	vld [tilespmem:s31+$0xD0];
	v5 =	vadd.f32 v5, v18  }
.Ltmp0:
0xd7: {  	v19 =	vld [tilespmem:s17+$0xD0];
	v18 =	vperm.xlane v16, v0;
	(pc) =	sbr.rel @p0 .LBB2_2-.Ltmp0, $4  }
0xd8: {  	v20 =	vld [tilespmem:s31+$0xE0];
	v23 =	vperm.xlane v5, v0  }
0xd9: {  	v21 =	vld [tilespmem:s17+$0xE0];
	v18 =	vadd.f32 v16, v18  }
0xda: {  	v22 =	vld [tilespmem:s31+$0xF0];
	v16 =	vadd.f32 v5, v23  }
0xdb: {  	s21 =	sadd.s32 $0x4, s21;
	v24 =	vld [tilespmem:s17+$0xF0];
	v23 =	vperm.xlane v18, v1  }
0xdc: {  	v5 =	vld [tilespmem:s17+$0xFFFFFF00]  }
0xdd: {  	v25 =	vld [tilespmem:s31+$0xFFFFFF10]  }
0xde: {  	v26 =	vld [tilespmem:s17+$0xFFFFFF10]  }
0xdf: {  	v27 =	vld [tilespmem:s31+$0xFFFFFF20]  }
0xe0: {  	v28 =	vld [tilespmem:s17+$0xFFFFFF20]  }
0xe1: {  	v29 =	vld [tilespmem:s31+$0xFFFFFF30]  }
0xe2: {  	v30 =	vld [tilespmem:s17+$0xFFFFFF30]  }
0xe3: {  	v31 =	vld [tilespmem:s31+$0xFFFFFF40]  }
0xe4: {  	v32 =	vld [tilespmem:s17+$0xFFFFFF40]  }
0xe5: {  	v33 =	vld [tilespmem:s31+$0xFFFFFF50]  }
0xe6: {  	v34 =	vld [tilespmem:s17+$0xFFFFFF50]  }
0xe7: {  	v35 =	vld [tilespmem:s31+$0xFFFFFF60]  }
0xe8: {  	v36 =	vld [tilespmem:s17+$0xFFFFFF60]  }
0xe9: {  	v37 =	vld [tilespmem:s31+$0xFFFFFF70]  }
0xea: {  	v38 =	vld [tilespmem:s17+$0xFFFFFF70]  }
0xeb: {  	v39 =	vld [tilespmem:s31+$0xFFFFFF80]  }
0xec: {  	v40 =	vld [tilespmem:s17+$0xFFFFFF80]  }
0xed: {  	v41 =	vld [tilespmem:s31+$0xFFFFFF90]  }
0xee: {  	v42 =	vld [tilespmem:s17+$0xFFFFFF90]  }
0xef: {  	v43 =	vld [tilespmem:s31+$0xFFFFFFA0]  }
0xf0: {  	v44 =	vld [tilespmem:s17+$0xFFFFFFA0]  }
0xf1: {  	v45 =	vld [tilespmem:s31+$0xFFFFFFB0]  }
0xf2: {  	v46 =	vld [tilespmem:s17+$0xFFFFFFB0]  }
0xf3: {  	v47 =	vld [tilespmem:s31+$0xFFFFFFC0]  }
0xf4: {  	v48 =	vld [tilespmem:s17+$0xFFFFFFC0]  }
0xf5: {  	v49 =	vld [tilespmem:s31+$0xFFFFFFD0]  }
0xf6: {  	v50 =	vld [tilespmem:s17+$0xFFFFFFD0]  }
0xf7: {  	v51 =	vld [tilespmem:s31+$0xFFFFFFE0]  }
0xf8: {  	v8 =	vmul.f32 v9, v8;
	v9 =	vld [tilespmem:s17+$0xFFFFFFE0]  }
0xf9: {  	v7 =	vmul.f32 v7, v12;
	v12 =	vld [tilespmem:s31+$0xFFFFFFF0]  }
0xfa: {  	v6 =	vmul.f32 v6, v11;
	v11 =	vmul.f32 v14, v13;
	v14 =	vld [tilespmem:s17+$0xFFFFFFF0]  }
0xfb: {  	v13 =	vmul.f32 v19, v17;
	v19 =	vld [tilespmem:s31+$0x0]  }
0xfc: {  	v54 =	vld [tilespmem:s17+$0x40]  }
0xfd: {  	v57 =	vld [tilespmem:s31+$0x50]  }
0xfe: {  	v10 =	vmul.f32 v15, v10;
	v60 =	vld [tilespmem:s17+$0x50]  }
0xff: {  	v52 =	vperm.xlane v16, v1;
	v15 =	vmul.f32 v21, v20;
	v6 =	vadd.f32 v6, v8;
	v8 =	vld [tilespmem:s17+$0x0]  }
0x100: {  	v10 =	vadd.f32 v13, v10;
	v13 =	vld [tilespmem:s31+$0x10];
	v17 =	vmul.f32 v24, v22;
	v20 =	vmul.f32 v26, v25  }
0x101: {  	v18 =	vadd.f32 v18, v23;
	v22 =	vld [tilespmem:s31+$0x40];
	v53 =	vmul.f32 v28, v27;
	v55 =	vmul.f32 v30, v29  }
0x102: {  	v7 =	vadd.f32 v11, v7;
	v62 =	vmul.f32 v38, v37;
	v38 =	vmul.f32 v40, v39;
	v40 =	vld [tilespmem:s17+$0x60]  }
0x103: {  	v39 =	vmul.f32 v42, v41;
	v41 =	vmul.f32 v44, v43;
	v43 =	vld [tilespmem:s31+$0x70];
	v11 =	vadd.f32 v17, v15  }
0x104: {  	v6 =	vadd.f32 v7, v6;
	v56 =	vmul.f32 v32, v31;
	v42 =	vmul.f32 v46, v45;
	v45 =	vld [tilespmem:s31+$0xFFFFFF00]  }
0x105: {  	v58 =	vmul.f32 v34, v33;
	v44 =	vmul.f32 v48, v47;
	v47 =	vld [tilespmem:s17+$0x70];
	v7 =	vadd.f32 v11, v10  }
0x106: {  	v16 =	vadd.f32 v16, v52;
	v59 =	vmul.f32 v36, v35;
	v46 =	vmul.f32 v50, v49;
	v15 =	vld [tilespmem:s17+$0x10]  }
0x107: {  	s21 =	sadd.s32 $0x1, s26;
	v9 =	vmul.f32 v9, v51;
	v12 =	vmul.f32 v14, v12;
	v17 =	vld [tilespmem:s17+$0x30];
	v6 =	vadd.f32 v7, v6  }
0x108: {  	v49 =	vmov s26;
	v50 =	vmov s21;
	v24 =	vadd.f32 v55, v53;
	v10 =	vld [tilespmem:s31+$0x20]  }
0x109: {  	v23 =	vadd.f32 v58, v56;
	v28 =	vadd.f32 v62, v59;
	v11 =	vld [tilespmem:s17+$0x20];
	v63 =	vperm.xlane v6, v2  }
0x10a: {  	v27 =	vadd.f32 v39, v38;
	v26 =	vadd.f32 v42, v41;
	v8 =	vmul.f32 v8, v19;
	v7 =	vld [tilespmem:s31+$0x30]  }
0x10b: {  	v9 =	vadd.f32 v12, v9;
	v5 =	vmul.f32 v5, v45;
	v6 =	vadd.f32 v6, v63;
	v63 =	vld [tilespmem:s31+$0x60]  }
0x10c: {  	v12 =	vmul.f32 v60, v57;
	v23 =	vadd.f32 v28, v23;
	v13 =	vmul.f32 v15, v13  }
0x10d: {  	v14 =	vadd.f32 v26, v27;
	v15 =	vmul.f32 v54, v22;
	v5 =	vadd.f32 v20, v5  }
0x10e: {  	v10 =	vmul.f32 v11, v10;
	v11 =	vadd.f32 v46, v44;
	v8 =	vadd.f32 v13, v8  }
0x10f: {  	v5 =	vadd.f32 v24, v5;
	v7 =	vmul.f32 v17, v7;
	v61 =	vperm.xlane v6, v0  }
0x110: {  	v17 =	vmul.f32 v47, v43;
	v9 =	vadd.f32 v9, v11;
	v13 =	vmul.f32 v40, v63  }
0x111: {  	v19 =	vand.u32 $0xFFFFFFFD, v50;
	v7 =	vadd.f32 v7, v10;
	v6 =	vadd.f32 v6, v61  }
0x112: {  	v19 =	vbroadcast v19, $0x0;
	v10 =	vadd.f32 v12, v15;
	v12 =	vadd.f32 v17, v13  }
0x113: {  	v5 =	vadd.f32 v23, v5;
	v9 =	vadd.f32 v9, v14;
	v11 =	vperm.xlane v6, v1  }
0x114: {  	s29 =	sadd.s32 $0x3, s26;
	v7 =	vadd.f32 v7, v8;
	v8 =	vadd.f32 v12, v10;
	v10 =	vperm.xlane v16, v3  }
0x115: {  	v13 =	vperm.xlane v9, v2;
	v6 =	vadd.f32 v6, v11;
	v11 =	vmov s29  }
0x116: {  	s31 =	sadd.s32 $0x1, s0;
	v7 =	vadd.f32 v8, v7;
	v8 =	vadd.f32 v16, v10;
	v10 =	vperm.xlane v5, v2  }
0x117: {  	v9 =	vadd.f32 v9, v13;
	v13 =	vmov s31;
	v15 =	vperm.xlane v6, v3  }
0x118: {  	v13 =	vand.u32 $0xFFFFFFFD, v13;
	v14 =	vperm.xlane v7, v2;
	v5 =	vadd.f32 v5, v10  }
0x119: {  	v16 =	vmov s0;
	v17 =	vperm.xlane v9, v0;
	v13 =	vbroadcast v13, $0x0  }
0x11a: {  	s17 =	sadd.s32 $0x2, s0;
	v10 =	vand.u32 $0xFFFFFFFC, v16;
	v7 =	vadd.f32 v7, v14;
	v14 =	vperm.xlane v5, v0  }
0x11b: {  	v16 =	vmov s17;
	v9 =	vadd.f32 v9, v17;
	v10 =	vbroadcast v10, $0x0  }
0x11c: {  	s26 =	sadd.s32 $0x2, s26;
	v16 =	vand.u32 $0xFFFFFFFE, v16;
	v48 =	vperm.xlane v7, v0;
	v5 =	vadd.f32 v5, v14  }
0x11d: {  	v51 =	vmov s26;
	v14 =	vbroadcast v16, $0x0;
	v16 =	vperm.xlane v9, v1  }
0x11e: {  	v6 =	vadd.f32 v6, v15;
	v7 =	vadd.f32 v7, v48;
	v15 =	vperm.xlane v5, v1  }
0x11f: {  	v12 =	vperm.xlane v18, v3;
	v9 =	vadd.f32 v9, v16;
	v16 =	vand.u32 $0xFFFFFFFE, v51  }
0x120: {  	[tilespmem:v11+s24+$0x0] =	vst.idx.add.f32.msk $0x1, v6;
	v17 =	vperm.xlane v7, v1;
	v5 =	vadd.f32 v5, v15;
	v15 =	vand.u32 $0xFFFFFFFC, v49  }
0x121: {  	v11 =	vbroadcast v16, $0x0;
	[tilespmem:v10+s24+$0x0] =	vst.idx.add.f32.msk $0x1, v8;
	v15 =	vbroadcast v15, $0x0  }
0x122: {  	v8 =	vperm.xlane v9, v3;
	v6 =	vadd.f32 v7, v17;
	v7 =	vperm.xlane v5, v3  }
0x123: {  	v12 =	vadd.f32 v18, v12;
	[tilespmem:v13+s24+$0x0] =	vst.idx.add.f32.msk $0x1, v4  }
0x124: {  	v4 =	vperm.xlane v6, v3;
	v5 =	vadd.f32 v5, v7;
	v7 =	vadd.f32 v9, v8  }
0x125: {  	[tilespmem:v14+s24+$0x0] =	vst.idx.add.f32.msk $0x1, v12  }
0x126: {  	v4 =	vadd.f32 v6, v4;
	[tilespmem:v19+s24+$0x0] =	vst.idx.add.f32.msk $0x1, v7  }
0x127: {  	[tilespmem:v15+s24+$0x0] =	vst.idx.add.f32.msk $0x1, v5  }
0x128: {  	s29 =	simm.s32 $0x80;
	[tilespmem:v11+s24+$0x0] =	vst.idx.add.f32.msk $0x1, v4  }
0x129: {  	[tilespmem:s14], [sflag:$0x1] =	stream.indirect.gather [hbm4b:s1+s13], $0x80, s29, s13, $0xb8;
	[tilespmem:$0x8A00] =	vst v63  }
0x12a: {  	s31 =	simm.s32 $0x280  }
0x12b: {  	[tilespmem:s15], [sflag:$0x1] =	stream.indirect.gather [hbm4b:s2+s13], $0x80, s31, s13, $0xb8;
	[tilespmem:$0x8A00] =	vst v63  }
0x12c: {  	s21 =	simm.s32 $0x8480  }
0x12d: {  	[tilespmem:s21], [sflag:$0x1] =	stream.indirect.gather [hbm4b:s3+s13], $0x1, s29, s13, $0xb8;
	[tilespmem:$0x8A00] =	vst v63  }
0x12e: {  	s26 =	simm.s32 $0x8680  }
0x12f: {  	[tilespmem:s26], [sflag:$0x1] =	stream.indirect.gather [hbm4b:s6+s13], $0x1, s31, s13, $0xb8;
	[tilespmem:$0x8A00] =	vst v63  }
0x130: {  	_ =	swait.ge [sflag:s30], $0x2000  }
0x131: {  	[sflag:s30] =	ssyncset.done $0x0  }
0x132: {  	[sflag:s30] =	ssyncadd.s32 $0xFFFFE000  }
0x133: {  	_ =	swait.ge [sflag:s30], $0x2000  }
0x134: {  	[sflag:s30] =	ssyncset.done $0x0  }
0x135: {  	[sflag:s30] =	ssyncadd.s32 $0xFFFFE000  }
0x136: {  	_ =	swait.ge [sflag:s30], $0x40  }
0x137: {  	[sflag:s30] =	ssyncset.done $0x0  }
0x138: {  	[sflag:s30] =	ssyncadd.s32 $0xFFFFFFC0  }
0x139: {  	_ =	swait.ge [sflag:s30], $0x40  }
0x13a: {  	[sflag:s30] =	ssyncset.done $0x0  }
0x13b: {  	[sflag:s30] =	ssyncadd.s32 $0xFFFFFFC0  }
0x13c: {  	v4 =	vld [tilespmem:$0x8440]  }
0x13d: {  	v5 =	vld [tilespmem:$0x8640]  }
0x13e: {  	v6 =	vld [tilespmem:$0x8450]  }
0x13f: {  	v7 =	vld [tilespmem:$0x8650]  }
0x140: {  	v8 =	vld [tilespmem:$0x8460]  }
0x141: {  	v9 =	vld [tilespmem:$0x8660]  }
0x142: {  	v10 =	vld [tilespmem:$0x8470]  }
0x143: {  	v11 =	vld [tilespmem:$0x8670];
	_ =	sdelay $0x1  }
0x144: {  	v4 =	vadd.f32 v5, v4  }
0x145: {  	v5 =	vadd.f32 v7, v6  }
0x146: {  	[tilespmem:$0x8840] =	vst v4;
	v4 =	vadd.f32 v9, v8  }
0x147: {  	[tilespmem:$0x8850] =	vst v5;
	v5 =	vadd.f32 v11, v10  }
0x148: {  	[tilespmem:$0x8860] =	vst v4  }
0x149: {  	s29 =	simm.s32 $0x2500;
	[tilespmem:$0x8870] =	vst v5  }
0x14a: {  	s26 =	simm.s32 $0x6500;
	v4 =	vld [tilespmem:s29+$0x80]  }
0x14b: {  	v5 =	vld [tilespmem:s26+$0x80]  }
0x14c: {  	v6 =	vld [tilespmem:s29+$0x90]  }
0x14d: {  	v7 =	vld [tilespmem:s26+$0x90]  }
0x14e: {  	v8 =	vld [tilespmem:s29+$0xA0]  }
0x14f: {  	v9 =	vld [tilespmem:s26+$0xA0]  }
0x150: {  	v10 =	vld [tilespmem:s29+$0xB0]  }
0x151: {  	v11 =	vld [tilespmem:s26+$0xB0]  }
0x152: {  	v12 =	vld [tilespmem:s29+$0xC0]  }
0x153: {  	v13 =	vld [tilespmem:s26+$0xC0]  }
0x154: {  	v14 =	vld [tilespmem:s29+$0xD0]  }
0x155: {  	v15 =	vld [tilespmem:s26+$0xD0]  }
0x156: {  	v16 =	vld [tilespmem:s29+$0xE0]  }
0x157: {  	v17 =	vld [tilespmem:s26+$0xE0]  }
0x158: {  	v52 =	vld [tilespmem:s29+$0xF0]  }
0x159: {  	v53 =	vld [tilespmem:s26+$0xF0]  }
0x15a: {  	v20 =	vld [tilespmem:s29+$0xFFFFFF10]  }
0x15b: {  	v21 =	vld [tilespmem:s26+$0xFFFFFF10]  }
0x15c: {  	v54 =	vld [tilespmem:s29+$0xFFFFFF20]  }
0x15d: {  	v55 =	vld [tilespmem:s26+$0xFFFFFF20]  }
0x15e: {  	v56 =	vld [tilespmem:s29+$0xFFFFFF30]  }
0x15f: {  	v57 =	vld [tilespmem:s26+$0xFFFFFF30]  }
0x160: {  	v58 =	vld [tilespmem:s29+$0xFFFFFF40]  }
0x161: {  	v59 =	vld [tilespmem:s26+$0xFFFFFF40]  }
0x162: {  	v60 =	vld [tilespmem:s29+$0xFFFFFF50]  }
0x163: {  	v61 =	vld [tilespmem:s26+$0xFFFFFF50]  }
0x164: {  	v62 =	vld [tilespmem:s29+$0xFFFFFF60]  }
0x165: {  	v63 =	vld [tilespmem:s26+$0xFFFFFF60]  }
0x166: {  	v42 =	vld [tilespmem:s29+$0xFFFFFF70]  }
0x167: {  	v43 =	vld [tilespmem:s26+$0xFFFFFF70]  }
0x168: {  	v44 =	vld [tilespmem:s29+$0xFFFFFF80]  }
0x169: {  	v45 =	vld [tilespmem:s26+$0xFFFFFF80]  }
0x16a: {  	v46 =	vld [tilespmem:s29+$0xFFFFFF90]  }
0x16b: {  	v47 =	vld [tilespmem:s26+$0xFFFFFF90]  }
0x16c: {  	v48 =	vld [tilespmem:s29+$0xFFFFFFA0]  }
0x16d: {  	v49 =	vld [tilespmem:s26+$0xFFFFFFA0]  }
0x16e: {  	v51 =	vld [tilespmem:s26+$0x0]  }
0x16f: {  	v4 =	vmul.f32 v5, v4;
	v5 =	vmul.f32 v7, v6;
	v6 =	vld [tilespmem:s29+$0xFFFFFFB0]  }
0x170: {  	v7 =	vmul.f32 v9, v8;
	v8 =	vmul.f32 v11, v10;
	v9 =	vld [tilespmem:s26+$0xFFFFFFB0]  }
0x171: {  	v10 =	vmul.f32 v13, v12;
	v11 =	vmul.f32 v15, v14;
	v12 =	vld [tilespmem:s29+$0xFFFFFFC0]  }
0x172: {  	v13 =	vmul.f32 v17, v16;
	v14 =	vmul.f32 v53, v52;
	v15 =	vld [tilespmem:s26+$0xFFFFFFC0]  }
0x173: {  	v4 =	vadd.f32 v5, v4;
	v5 =	vadd.f32 v8, v7;
	v7 =	vld [tilespmem:s29+$0xFFFFFFD0]  }
0x174: {  	v8 =	vadd.f32 v11, v10;
	v10 =	vadd.f32 v14, v13;
	v11 =	vld [tilespmem:s26+$0xFFFFFFD0]  }
0x175: {  	v13 =	vld [tilespmem:s29+$0xFFFFFFE0]  }
0x176: {  	v4 =	vadd.f32 v5, v4;
	v5 =	vadd.f32 v10, v8;
	v8 =	vld [tilespmem:s26+$0xFFFFFFE0]  }
0x177: {  	v10 =	vld [tilespmem:s29+$0xFFFFFFF0]  }
0x178: {  	v4 =	vadd.f32 v5, v4;
	v5 =	vld [tilespmem:s26+$0xFFFFFFF0]  }
0x179: {  	v16 =	vld [tilespmem:s29+$0x0];
	v50 =	vmul.f32 v47, v46  }
0x17a: {  	v52 =	vmul.f32 v49, v48;
	v53 =	vld [tilespmem:s26+$0x40];
	v17 =	vperm.xlane v4, v2  }
0x17b: {  	v14 =	vmul.f32 v45, v44;
	v6 =	vmul.f32 v9, v6;
	v9 =	vld [tilespmem:s29+$0x10]  }
0x17c: {  	v12 =	vmul.f32 v15, v12;
	v15 =	vld [tilespmem:s26+$0x20];
	v7 =	vmul.f32 v11, v7;
	v4 =	vadd.f32 v4, v17  }
0x17d: {  	v11 =	vld [tilespmem:s26+$0x10];
	v8 =	vmul.f32 v8, v13;
	v5 =	vmul.f32 v5, v10  }
0x17e: {  	v13 =	vadd.f32 v50, v14;
	v7 =	vadd.f32 v7, v12;
	v12 =	vld [tilespmem:s26+$0x30];
	v14 =	vperm.xlane v4, v0  }
0x17f: {  	v6 =	vadd.f32 v6, v52;
	v17 =	vmul.f32 v59, v58;
	v58 =	vld [tilespmem:s26+$0x50];
	v5 =	vadd.f32 v5, v8  }
0x180: {  	v10 =	vld [tilespmem:s29+$0x20];
	v4 =	vadd.f32 v4, v14  }
0x181: {  	v6 =	vadd.f32 v6, v13;
	v13 =	vld [tilespmem:s29+$0x40];
	v5 =	vadd.f32 v5, v7  }
0x182: {  	v8 =	vld [tilespmem:s29+$0x30];
	v14 =	vmul.f32 v55, v54;
	v55 =	vperm.xlane v4, v1  }
0x183: {  	v54 =	vmul.f32 v61, v60;
	v60 =	vld [tilespmem:s29+$0x60];
	v5 =	vadd.f32 v5, v6  }
0x184: {  	s31 =	simm.s32 $0x43;
	v9 =	vmul.f32 v11, v9;
	v7 =	vmul.f32 v57, v56;
	v56 =	vld [tilespmem:s29+$0x50];
	v4 =	vadd.f32 v4, v55  }
0x185: {  	v61 =	vmov s31;
	v6 =	vmul.f32 v63, v62;
	v62 =	vld [tilespmem:s26+$0x60];
	v59 =	vperm.xlane v5, v2  }
0x186: {  	v57 =	vmul.f32 v43, v42;
	v63 =	vld [tilespmem:s29+$0x70];
	v7 =	vadd.f32 v7, v14;
	v11 =	vperm.xlane v4, v3  }
0x187: {  	v14 =	vld [tilespmem:s29+$0xFFFFFF00];
	v22 =	vadd.f32 v5, v59;
	v5 =	vmul.f32 v15, v10;
	v10 =	vmul.f32 v12, v8  }
0x188: {  	v16 =	vmul.f32 v51, v16;
	v17 =	vadd.f32 v54, v17;
	v6 =	vadd.f32 v57, v6;
	v15 =	vld [tilespmem:s26+$0x70]  }
0x189: {  	v4 =	vadd.f32 v4, v11;
	v11 =	vperm.xlane v22, v0;
	v12 =	vadd.f32 v10, v5;
	v5 =	vld [tilespmem:s26+$0xFFFFFF00]  }
0x18a: {  	v9 =	vadd.f32 v9, v16;
	v16 =	vmul.f32 v53, v13;
	v8 =	vadd.f32 v6, v17  }
0x18b: {  	v6 =	vmul.f32 v21, v20;
	v17 =	vmul.f32 v58, v56;
	v10 =	vadd.f32 v22, v11  }
0x18c: {  	v13 =	vmul.f32 v62, v60;
	[tilespmem:v61+s24+$0x0] =	vst.idx.add.f32.msk $0x1, v4;
	v11 =	vadd.f32 v12, v9  }
0x18d: {  	s0 =	simm.s32 $0xFFFFFFFC;
	s17 =	simm.s32 $0x0;
	s21 =	simm.s32 $0x2700;
	v12 =	vadd.f32 v17, v16;
	v15 =	vmul.f32 v15, v63;
	v4 =	vperm.xlane v10, v1  }
.LBB2_4:
0x18e: {  	v9 =	vld [tilespmem:s21+$0x80];
	v5 =	vmul.f32 v5, v14;
	s26 =	sadd.s32 $0x200, s26;
	s31 =	smov.u32 s17  }
0x18f: {  	v14 =	vld [tilespmem:s26+$0x80];
	v4 =	vadd.f32 v10, v4;
	v10 =	vadd.f32 v15, v13  }
0x190: {  	v13 =	vld [tilespmem:s21+$0x90];
	v5 =	vadd.f32 v6, v5  }
0x191: {  	v6 =	vld [tilespmem:s26+$0x90];
	v15 =	vperm.xlane v4, v3;
	v10 =	vadd.f32 v10, v12  }
0x192: {  	v12 =	vld [tilespmem:s21+$0xA0];
	v5 =	vadd.f32 v7, v5  }
0x193: {  	v7 =	vld [tilespmem:s26+$0xA0];
	v4 =	vadd.f32 v4, v15;
	v10 =	vadd.f32 v10, v11  }
0x194: {  	v11 =	vld [tilespmem:s21+$0xB0];
	v5 =	vadd.f32 v8, v5  }
0x195: {  	v8 =	vld [tilespmem:s26+$0xB0];
	v15 =	vperm.xlane v10, v2  }
0x196: {  	v16 =	vld [tilespmem:s21+$0xC0];
	v17 =	vperm.xlane v5, v2  }
0x197: {  	v18 =	vld [tilespmem:s26+$0xC0];
	v10 =	vadd.f32 v10, v15  }
0x198: {  	v15 =	vld [tilespmem:s21+$0xD0];
	v5 =	vadd.f32 v5, v17  }
0x199: {  	v17 =	vld [tilespmem:s26+$0xD0];
	v19 =	vperm.xlane v10, v0  }
0x19a: {  	v20 =	vld [tilespmem:s21+$0xE0];
	v21 =	vperm.xlane v5, v0  }
0x19b: {  	v22 =	vld [tilespmem:s26+$0xE0];
	v10 =	vadd.f32 v10, v19  }
0x19c: {  	v19 =	vld [tilespmem:s21+$0xF0];
	v21 =	vadd.f32 v5, v21  }
0x19d: {  	s17 =	sadd.s32 $0x4, s17;
	v23 =	vld [tilespmem:s26+$0xF0];
	v24 =	vperm.xlane v10, v1  }
0x19e: {  	p0 =	slt.u32 s17, $0x3C;
	v5 =	vld [tilespmem:s26+$0xFFFFFF00];
	v25 =	vperm.xlane v21, v1  }
0x19f: {  	v9 =	vmul.f32 v14, v9;
	v6 =	vmul.f32 v6, v13;
	v26 =	vld [tilespmem:s21+$0xFFFFFF10];
	v13 =	vadd.f32 v10, v24  }
0x1a0: {  	v7 =	vmul.f32 v7, v12;
	v8 =	vmul.f32 v8, v11;
	v10 =	vld [tilespmem:s26+$0xFFFFFF10];
	v11 =	vadd.f32 v21, v25  }
0x1a1: {  	v14 =	vmul.f32 v18, v16;
	v15 =	vmul.f32 v17, v15;
	v12 =	vld [tilespmem:s21+$0xFFFFFF20]  }
0x1a2: {  	v17 =	vmul.f32 v22, v20;
	v16 =	vld [tilespmem:s26+$0xFFFFFF20];
	v18 =	vmul.f32 v23, v19  }
0x1a3: {  	v9 =	vadd.f32 v6, v9;
	v7 =	vadd.f32 v8, v7;
	v8 =	vperm.xlane v11, v3;
	v19 =	vld [tilespmem:s21+$0xFFFFFF30]  }
0x1a4: {  	v14 =	vadd.f32 v15, v14;
	v20 =	vld [tilespmem:s26+$0xFFFFFF30];
	v15 =	vadd.f32 v18, v17;
	v17 =	vperm.xlane v13, v3  }
0x1a5: {  	v6 =	vmul.f32 v10, v26;
	v18 =	vld [tilespmem:s21+$0xFFFFFF40];
	v10 =	vadd.f32 v11, v8  }
0x1a6: {  	v7 =	vadd.f32 v7, v9;
	v8 =	vld [tilespmem:s26+$0xFFFFFF40];
	v11 =	vadd.f32 v15, v14  }
0x1a7: {  	v9 =	vadd.f32 v13, v17;
	v12 =	vmul.f32 v16, v12;
	v14 =	vld [tilespmem:s21+$0xFFFFFF50]  }
0x1a8: {  	v13 =	vld [tilespmem:s26+$0xFFFFFF50];
	v11 =	vadd.f32 v11, v7  }
0x1a9: {  	v7 =	vmul.f32 v20, v19;
	v15 =	vld [tilespmem:s21+$0xFFFFFF60]  }
0x1aa: {  	v16 =	vld [tilespmem:s26+$0xFFFFFF60];
	v17 =	vperm.xlane v11, v2  }
0x1ab: {  	v8 =	vmul.f32 v8, v18;
	v18 =	vld [tilespmem:s21+$0xFFFFFF70];
	v7 =	vadd.f32 v7, v12  }
0x1ac: {  	v12 =	vld [tilespmem:s26+$0xFFFFFF70];
	v11 =	vadd.f32 v11, v17  }
0x1ad: {  	v13 =	vmul.f32 v13, v14;
	v14 =	vld [tilespmem:s21+$0xFFFFFF80]  }
0x1ae: {  	v17 =	vld [tilespmem:s26+$0xFFFFFF80];
	v19 =	vperm.xlane v11, v0  }
0x1af: {  	v15 =	vmul.f32 v16, v15;
	v8 =	vadd.f32 v13, v8;
	v13 =	vld [tilespmem:s21+$0xFFFFFF90]  }
0x1b0: {  	v16 =	vld [tilespmem:s26+$0xFFFFFF90];
	v11 =	vadd.f32 v11, v19  }
0x1b1: {  	v12 =	vmul.f32 v12, v18;
	v18 =	vld [tilespmem:s21+$0xFFFFFFA0]  }
0x1b2: {  	v19 =	vld [tilespmem:s26+$0xFFFFFFA0];
	v20 =	vperm.xlane v11, v1  }
0x1b3: {  	v12 =	vadd.f32 v12, v15;
	v14 =	vmul.f32 v17, v14;
	v15 =	vld [tilespmem:s21+$0xFFFFFFB0]  }
0x1b4: {  	s29 =	sadd.s32 $0x47, s31;
	v17 =	vld [tilespmem:s26+$0xFFFFFFB0];
	v11 =	vadd.f32 v11, v20  }
0x1b5: {  	v8 =	vadd.f32 v12, v8;
	v12 =	vmul.f32 v16, v13;
	v13 =	vld [tilespmem:s21+$0xFFFFFFC0];
	v16 =	vmov s29  }
0x1b6: {  	v20 =	vld [tilespmem:s26+$0xFFFFFFC0];
	v21 =	vperm.xlane v11, v3  }
0x1b7: {  	v18 =	vmul.f32 v19, v18;
	v19 =	vld [tilespmem:s21+$0xFFFFFFD0];
	v12 =	vadd.f32 v12, v14  }
0x1b8: {  	v14 =	vld [tilespmem:s26+$0xFFFFFFD0];
	v11 =	vadd.f32 v11, v21  }
0x1b9: {  	v15 =	vmul.f32 v17, v15;
	v17 =	vld [tilespmem:s21+$0xFFFFFFE0]  }
0x1ba: {  	[tilespmem:v16+s24+$0x0] =	vst.idx.add.f32.msk $0x1, v11  }
0x1bb: {  	v11 =	vmul.f32 v20, v13;
	v13 =	vld [tilespmem:s26+$0xFFFFFFE0];
	v15 =	vadd.f32 v15, v18  }
0x1bc: {  	v16 =	vld [tilespmem:s21+$0xFFFFFFF0]  }
0x1bd: {  	v14 =	vmul.f32 v14, v19;
	v18 =	vld [tilespmem:s26+$0xFFFFFFF0];
	v12 =	vadd.f32 v15, v12  }
0x1be: {  	v15 =	vld [tilespmem:s21+$0x0]  }
0x1bf: {  	v11 =	vadd.f32 v14, v11;
	v14 =	vld [tilespmem:s26+$0x0]  }
0x1c0: {  	v13 =	vmul.f32 v13, v17;
	v17 =	vld [tilespmem:s21+$0x10]  }
0x1c1: {  	v19 =	vld [tilespmem:s26+$0x10]  }
0x1c2: {  	v16 =	vmul.f32 v18, v16;
	v18 =	vld [tilespmem:s21+$0x20]  }
0x1c3: {  	v20 =	vld [tilespmem:s26+$0x20]  }
0x1c4: {  	v13 =	vadd.f32 v16, v13;
	v14 =	vmul.f32 v14, v15;
	v15 =	vld [tilespmem:s21+$0x30]  }
0x1c5: {  	s29 =	sadd.s32 $0x44, s0;
	v16 =	vld [tilespmem:s26+$0x30]  }
0x1c6: {  	v11 =	vadd.f32 v13, v11;
	v13 =	vmul.f32 v19, v17;
	v17 =	vld [tilespmem:s21+$0x40];
	v19 =	vmov s29;
	s29 =	sadd.s32 $0x45, s0  }
0x1c7: {  	v21 =	vld [tilespmem:s26+$0x40];
	v19 =	vand.u32 $0xFFFFFFFC, v19;
	v22 =	vmov s29  }
0x1c8: {  	s29 =	sadd.s32 $0x46, s0;
	s0 =	smov.u32 s31;
	v11 =	vadd.f32 v11, v12;
	v12 =	vmul.f32 v20, v18;
	v18 =	vld [tilespmem:s21+$0x50];
	v13 =	vadd.f32 v13, v14  }
0x1c9: {  	v19 =	vbroadcast v19, $0x0;
	v14 =	vand.u32 $0xFFFFFFFD, v22;
	v22 =	vmov s29;
	v20 =	vld [tilespmem:s26+$0x50]  }
0x1ca: {  	v22 =	vand.u32 $0xFFFFFFFE, v22;
	v23 =	vperm.xlane v11, v2;
	v15 =	vmul.f32 v16, v15;
	v16 =	vld [tilespmem:s21+$0x60]  }
0x1cb: {  	v25 =	vbroadcast v14, $0x0;
	v22 =	vbroadcast v22, $0x0;
	v24 =	vld [tilespmem:s26+$0x60]  }
0x1cc: {  	v23 =	vadd.f32 v11, v23;
	v17 =	vmul.f32 v21, v17;
	v21 =	vld [tilespmem:s21+$0x70];
	v11 =	vadd.f32 v15, v12  }
0x1cd: {  	v15 =	vld [tilespmem:s26+$0x70]  }
.Ltmp1:
0x1ce: {  	v14 =	vld [tilespmem:s21+$0xFFFFFF00];
	v12 =	vperm.xlane v23, v0;
	v18 =	vmul.f32 v20, v18;
	v11 =	vadd.f32 v11, v13;
	(pc) =	sbr.rel @p0 .LBB2_4-.Ltmp1, $4  }
0x1cf: {  	[tilespmem:v19+s24+$0x0] =	vst.idx.add.f32.msk $0x1, v10  }
0x1d0: {  	v10 =	vadd.f32 v23, v12;
	v13 =	vmul.f32 v24, v16;
	v12 =	vadd.f32 v18, v17  }
0x1d1: {  	[tilespmem:v25+s24+$0x0] =	vst.idx.add.f32.msk $0x1, v4  }
0x1d2: {  	s21 =	sadd.s32 $0x200, s21;
	v4 =	vperm.xlane v10, v1;
	v15 =	vmul.f32 v15, v21;
	[tilespmem:v22+s24+$0x0] =	vst.idx.add.f32.msk $0x1, v9  }
0x1d3: {  	v5 =	vmul.f32 v5, v14;
	_ =	sdelay $0x1  }
0x1d4: {  	v5 =	vadd.f32 v6, v5  }
0x1d5: {  	v6 =	vadd.f32 v15, v13  }
0x1d6: {  	v5 =	vadd.f32 v7, v5  }
0x1d7: {  	v6 =	vadd.f32 v6, v12  }
0x1d8: {  	v5 =	vadd.f32 v8, v5  }
0x1d9: {  	v6 =	vadd.f32 v6, v11  }
0x1da: {  	v7 =	vperm.xlane v5, v2  }
0x1db: {  	v8 =	vperm.xlane v6, v2  }
0x1dc: {  	v5 =	vadd.f32 v5, v7  }
0x1dd: {  	v6 =	vadd.f32 v6, v8  }
0x1de: {  	v7 =	vperm.xlane v5, v0  }
0x1df: {  	v8 =	vperm.xlane v6, v0  }
0x1e0: {  	v5 =	vadd.f32 v5, v7  }
0x1e1: {  	s26 =	sadd.s32 $0x46, s0;
	v6 =	vadd.f32 v6, v8  }
0x1e2: {  	v11 =	vmov s26;
	v7 =	vperm.xlane v5, v1  }
0x1e3: {  	s17 =	sadd.s32 $0x44, s0;
	v4 =	vadd.f32 v10, v4;
	v10 =	vand.u32 $0xFFFFFFFE, v11;
	v8 =	vperm.xlane v6, v1  }
0x1e4: {  	s21 =	sadd.s32 $0x45, s0;
	v9 =	vmov s17;
	v10 =	vbroadcast v10, $0x0;
	v5 =	vadd.f32 v5, v7  }
0x1e5: {  	v7 =	vand.u32 $0xFFFFFFFC, v9;
	v9 =	vmov s21;
	v6 =	vadd.f32 v6, v8  }
0x1e6: {  	v7 =	vbroadcast v7, $0x0;
	v9 =	vand.u32 $0xFFFFFFFD, v9  }
0x1e7: {  	v9 =	vbroadcast v9, $0x0;
	v12 =	vperm.xlane v6, v3  }
0x1e8: {  	v8 =	vperm.xlane v5, v3  }
0x1e9: {  	v11 =	vperm.xlane v4, v3;
	v6 =	vadd.f32 v6, v12  }
0x1ea: {  	v5 =	vadd.f32 v5, v8  }
0x1eb: {  	v4 =	vadd.f32 v4, v11;
	[tilespmem:v10+s24+$0x0] =	vst.idx.add.f32.msk $0x1, v6  }
0x1ec: {  	[tilespmem:v7+s24+$0x0] =	vst.idx.add.f32.msk $0x1, v5  }
0x1ed: {  	s29 =	simm.s32 $0xC0;
	[tilespmem:v9+s24+$0x0] =	vst.idx.add.f32.msk $0x1, v4  }
0x1ee: {  	[tilespmem:s18], [sflag:$0x2] =	stream.indirect.gather [hbm4b:s1+s13], $0x80, s29, s13, $0xb8;
	[tilespmem:$0x8A00] =	vst v63  }
0x1ef: {  	s31 =	simm.s32 $0x2C0  }
0x1f0: {  	[tilespmem:s20], [sflag:$0x2] =	stream.indirect.gather [hbm4b:s2+s13], $0x80, s31, s13, $0xb8;
	[tilespmem:$0x8A00] =	vst v63  }
0x1f1: {  	s21 =	simm.s32 $0x84C0  }
0x1f2: {  	[tilespmem:s21], [sflag:$0x2] =	stream.indirect.gather [hbm4b:s3+s13], $0x1, s29, s13, $0xb8;
	[tilespmem:$0x8A00] =	vst v63  }
0x1f3: {  	s26 =	simm.s32 $0x86C0  }
0x1f4: {  	[tilespmem:s26], [sflag:$0x2] =	stream.indirect.gather [hbm4b:s6+s13], $0x1, s31, s13, $0xb8;
	[tilespmem:$0x8A00] =	vst v63  }
0x1f5: {  	_ =	swait.ge [sflag:s23], $0x2000  }
0x1f6: {  	[sflag:s23] =	ssyncset.done $0x0  }
0x1f7: {  	[sflag:s23] =	ssyncadd.s32 $0xFFFFE000  }
0x1f8: {  	_ =	swait.ge [sflag:s23], $0x2000  }
0x1f9: {  	[sflag:s23] =	ssyncset.done $0x0  }
0x1fa: {  	[sflag:s23] =	ssyncadd.s32 $0xFFFFE000  }
0x1fb: {  	_ =	swait.ge [sflag:s23], $0x40  }
0x1fc: {  	[sflag:s23] =	ssyncset.done $0x0  }
0x1fd: {  	[sflag:s23] =	ssyncadd.s32 $0xFFFFFFC0  }
0x1fe: {  	_ =	swait.ge [sflag:s23], $0x40  }
0x1ff: {  	[sflag:s23] =	ssyncset.done $0x0  }
0x200: {  	[sflag:s23] =	ssyncadd.s32 $0xFFFFFFC0  }
0x201: {  	v4 =	vld [tilespmem:$0x8480]  }
0x202: {  	v5 =	vld [tilespmem:$0x8680]  }
0x203: {  	v6 =	vld [tilespmem:$0x8490]  }
0x204: {  	v7 =	vld [tilespmem:$0x8690]  }
0x205: {  	v8 =	vld [tilespmem:$0x84A0]  }
0x206: {  	v9 =	vld [tilespmem:$0x86A0]  }
0x207: {  	v10 =	vld [tilespmem:$0x84B0]  }
0x208: {  	v11 =	vld [tilespmem:$0x86B0];
	_ =	sdelay $0x1  }
0x209: {  	v4 =	vadd.f32 v5, v4  }
0x20a: {  	v5 =	vadd.f32 v7, v6  }
0x20b: {  	[tilespmem:$0x8880] =	vst v4;
	v4 =	vadd.f32 v9, v8  }
0x20c: {  	[tilespmem:$0x8890] =	vst v5;
	v5 =	vadd.f32 v11, v10  }
0x20d: {  	[tilespmem:$0x88A0] =	vst v4  }
0x20e: {  	s29 =	simm.s32 $0x500;
	[tilespmem:$0x88B0] =	vst v5  }
0x20f: {  	s26 =	simm.s32 $0x4500;
	v4 =	vld [tilespmem:s29+$0x80]  }
0x210: {  	v5 =	vld [tilespmem:s26+$0x80]  }
0x211: {  	v6 =	vld [tilespmem:s29+$0x90]  }
0x212: {  	v7 =	vld [tilespmem:s26+$0x90]  }
0x213: {  	v8 =	vld [tilespmem:s29+$0xA0]  }
0x214: {  	v9 =	vld [tilespmem:s26+$0xA0]  }
0x215: {  	v10 =	vld [tilespmem:s29+$0xB0]  }
0x216: {  	v11 =	vld [tilespmem:s26+$0xB0]  }
0x217: {  	v12 =	vld [tilespmem:s29+$0xC0]  }
0x218: {  	v13 =	vld [tilespmem:s26+$0xC0]  }
0x219: {  	v14 =	vld [tilespmem:s29+$0xD0]  }
0x21a: {  	v15 =	vld [tilespmem:s26+$0xD0]  }
0x21b: {  	v16 =	vld [tilespmem:s29+$0xE0]  }
0x21c: {  	v17 =	vld [tilespmem:s26+$0xE0]  }
0x21d: {  	v18 =	vld [tilespmem:s29+$0xF0]  }
0x21e: {  	v19 =	vld [tilespmem:s26+$0xF0]  }
0x21f: {  	v20 =	vld [tilespmem:s29+$0xFFFFFF10]  }
0x220: {  	v21 =	vld [tilespmem:s26+$0xFFFFFF10]  }
0x221: {  	v22 =	vld [tilespmem:s29+$0xFFFFFF20]  }
0x222: {  	v23 =	vld [tilespmem:s26+$0xFFFFFF20]  }
0x223: {  	v24 =	vld [tilespmem:s29+$0xFFFFFF30]  }
0x224: {  	v25 =	vld [tilespmem:s26+$0xFFFFFF30]  }
0x225: {  	v26 =	vld [tilespmem:s29+$0xFFFFFF40]  }
0x226: {  	v27 =	vld [tilespmem:s26+$0xFFFFFF40]  }
0x227: {  	v28 =	vld [tilespmem:s29+$0xFFFFFF50]  }
0x228: {  	v29 =	vld [tilespmem:s26+$0xFFFFFF50]  }
0x229: {  	v30 =	vld [tilespmem:s29+$0xFFFFFF60]  }
0x22a: {  	v31 =	vld [tilespmem:s26+$0xFFFFFF60]  }
0x22b: {  	v32 =	vld [tilespmem:s29+$0xFFFFFF70]  }
0x22c: {  	v33 =	vld [tilespmem:s26+$0xFFFFFF70]  }
0x22d: {  	v34 =	vld [tilespmem:s29+$0xFFFFFF80]  }
0x22e: {  	v35 =	vld [tilespmem:s26+$0xFFFFFF80]  }
0x22f: {  	v36 =	vld [tilespmem:s29+$0xFFFFFF90]  }
0x230: {  	v37 =	vld [tilespmem:s26+$0xFFFFFF90]  }
0x231: {  	v38 =	vld [tilespmem:s29+$0xFFFFFFA0]  }
0x232: {  	v39 =	vld [tilespmem:s26+$0xFFFFFFA0]  }
0x233: {  	v51 =	vld [tilespmem:s26+$0x0]  }
0x234: {  	v4 =	vmul.f32 v5, v4;
	v5 =	vmul.f32 v7, v6;
	v6 =	vld [tilespmem:s29+$0xFFFFFFB0]  }
0x235: {  	v7 =	vmul.f32 v9, v8;
	v8 =	vmul.f32 v11, v10;
	v9 =	vld [tilespmem:s26+$0xFFFFFFB0]  }
0x236: {  	v10 =	vmul.f32 v13, v12;
	v11 =	vmul.f32 v15, v14;
	v12 =	vld [tilespmem:s29+$0xFFFFFFC0]  }
0x237: {  	v13 =	vmul.f32 v17, v16;
	v14 =	vmul.f32 v19, v18;
	v15 =	vld [tilespmem:s26+$0xFFFFFFC0]  }
0x238: {  	v4 =	vadd.f32 v5, v4;
	v5 =	vadd.f32 v8, v7;
	v7 =	vld [tilespmem:s29+$0xFFFFFFD0]  }
0x239: {  	v8 =	vadd.f32 v11, v10;
	v10 =	vadd.f32 v14, v13;
	v11 =	vld [tilespmem:s26+$0xFFFFFFD0]  }
0x23a: {  	v13 =	vld [tilespmem:s29+$0xFFFFFFE0]  }
0x23b: {  	v4 =	vadd.f32 v5, v4;
	v5 =	vadd.f32 v10, v8;
	v8 =	vld [tilespmem:s26+$0xFFFFFFE0]  }
0x23c: {  	v10 =	vld [tilespmem:s29+$0xFFFFFFF0]  }
0x23d: {  	v4 =	vadd.f32 v5, v4;
	v5 =	vld [tilespmem:s26+$0xFFFFFFF0]  }
0x23e: {  	v53 =	vld [tilespmem:s26+$0x40];
	v50 =	vmul.f32 v37, v36  }
0x23f: {  	v56 =	vld [tilespmem:s29+$0x50];
	v52 =	vmul.f32 v39, v38;
	v17 =	vperm.xlane v4, v2  }
0x240: {  	v58 =	vld [tilespmem:s26+$0x50];
	v14 =	vmul.f32 v35, v34;
	v6 =	vmul.f32 v9, v6  }
0x241: {  	v60 =	vld [tilespmem:s29+$0x60];
	v12 =	vmul.f32 v15, v12;
	v7 =	vmul.f32 v11, v7;
	v4 =	vadd.f32 v4, v17  }
0x242: {  	v9 =	vld [tilespmem:s29+$0x10];
	v8 =	vmul.f32 v8, v13;
	v5 =	vmul.f32 v5, v10  }
0x243: {  	v15 =	vld [tilespmem:s26+$0x20];
	v6 =	vadd.f32 v6, v52;
	v13 =	vadd.f32 v50, v14;
	v14 =	vperm.xlane v4, v0  }
0x244: {  	v11 =	vld [tilespmem:s26+$0x10];
	v7 =	vadd.f32 v7, v12;
	v5 =	vadd.f32 v5, v8  }
0x245: {  	v12 =	vld [tilespmem:s26+$0x30];
	v4 =	vadd.f32 v4, v14  }
0x246: {  	v10 =	vld [tilespmem:s29+$0x20];
	v6 =	vadd.f32 v6, v13;
	v5 =	vadd.f32 v5, v7  }
0x247: {  	v54 =	vmul.f32 v29, v28;
	v8 =	vld [tilespmem:s29+$0x30];
	v55 =	vperm.xlane v4, v1  }
0x248: {  	v16 =	vld [tilespmem:s29+$0x0];
	v57 =	vmul.f32 v33, v32;
	v17 =	vmul.f32 v27, v26;
	v5 =	vadd.f32 v5, v6  }
0x249: {  	s31 =	simm.s32 $0x83;
	v62 =	vld [tilespmem:s26+$0x60];
	v14 =	vmul.f32 v23, v22;
	v7 =	vmul.f32 v25, v24;
	v4 =	vadd.f32 v4, v55  }
0x24a: {  	v61 =	vmov s31;
	v13 =	vld [tilespmem:s29+$0x40];
	v9 =	vmul.f32 v11, v9;
	v59 =	vperm.xlane v5, v2  }
0x24b: {  	v63 =	vld [tilespmem:s29+$0x70];
	v6 =	vmul.f32 v31, v30;
	v7 =	vadd.f32 v7, v14;
	v11 =	vperm.xlane v4, v3  }
0x24c: {  	v14 =	vld [tilespmem:s29+$0xFFFFFF00];
	v22 =	vadd.f32 v5, v59;
	v5 =	vmul.f32 v15, v10;
	v10 =	vmul.f32 v12, v8  }
0x24d: {  	v16 =	vmul.f32 v51, v16;
	v17 =	vadd.f32 v54, v17;
	v6 =	vadd.f32 v57, v6;
	v15 =	vld [tilespmem:s26+$0x70]  }
0x24e: {  	v4 =	vadd.f32 v4, v11;
	v11 =	vperm.xlane v22, v0;
	v12 =	vadd.f32 v10, v5;
	v5 =	vld [tilespmem:s26+$0xFFFFFF00]  }
0x24f: {  	v9 =	vadd.f32 v9, v16;
	v16 =	vmul.f32 v53, v13;
	v13 =	vmul.f32 v62, v60  }
0x250: {  	v8 =	vadd.f32 v6, v17;
	v17 =	vmul.f32 v58, v56;
	v10 =	vadd.f32 v22, v11  }
0x251: {  	v6 =	vmul.f32 v21, v20;
	[tilespmem:v61+s24+$0x0] =	vst.idx.add.f32.msk $0x1, v4;
	v11 =	vadd.f32 v12, v9  }
0x252: {  	s0 =	simm.s32 $0xFFFFFFFC;
	s17 =	simm.s32 $0x0;
	s21 =	simm.s32 $0x700;
	v12 =	vadd.f32 v17, v16;
	v15 =	vmul.f32 v15, v63;
	v4 =	vperm.xlane v10, v1  }
.LBB2_6:
0x253: {  	v9 =	vld [tilespmem:s21+$0x80];
	v5 =	vmul.f32 v5, v14;
	s26 =	sadd.s32 $0x200, s26;
	s31 =	smov.u32 s17  }
0x254: {  	v14 =	vld [tilespmem:s26+$0x80];
	v4 =	vadd.f32 v10, v4;
	v10 =	vadd.f32 v15, v13  }
0x255: {  	v13 =	vld [tilespmem:s21+$0x90];
	v5 =	vadd.f32 v6, v5  }
0x256: {  	v6 =	vld [tilespmem:s26+$0x90];
	v15 =	vperm.xlane v4, v3;
	v10 =	vadd.f32 v10, v12  }
0x257: {  	v12 =	vld [tilespmem:s21+$0xA0];
	v5 =	vadd.f32 v7, v5  }
0x258: {  	v7 =	vld [tilespmem:s26+$0xA0];
	v4 =	vadd.f32 v4, v15;
	v10 =	vadd.f32 v10, v11  }
0x259: {  	v11 =	vld [tilespmem:s21+$0xB0];
	v5 =	vadd.f32 v8, v5  }
0x25a: {  	v8 =	vld [tilespmem:s26+$0xB0];
	v15 =	vperm.xlane v10, v2  }
0x25b: {  	v16 =	vld [tilespmem:s21+$0xC0];
	v17 =	vperm.xlane v5, v2  }
0x25c: {  	v18 =	vld [tilespmem:s26+$0xC0];
	v10 =	vadd.f32 v10, v15  }
0x25d: {  	v15 =	vld [tilespmem:s21+$0xD0];
	v5 =	vadd.f32 v5, v17  }
0x25e: {  	v17 =	vld [tilespmem:s26+$0xD0];
	v19 =	vperm.xlane v10, v0  }
0x25f: {  	v20 =	vld [tilespmem:s21+$0xE0];
	v21 =	vperm.xlane v5, v0  }
0x260: {  	v22 =	vld [tilespmem:s26+$0xE0];
	v10 =	vadd.f32 v10, v19  }
0x261: {  	v19 =	vld [tilespmem:s21+$0xF0];
	v21 =	vadd.f32 v5, v21  }
0x262: {  	s17 =	sadd.s32 $0x4, s17;
	v23 =	vld [tilespmem:s26+$0xF0];
	v24 =	vperm.xlane v10, v1  }
0x263: {  	p0 =	slt.u32 s17, $0x3C;
	v5 =	vld [tilespmem:s26+$0xFFFFFF00];
	v25 =	vperm.xlane v21, v1  }
0x264: {  	v9 =	vmul.f32 v14, v9;
	v6 =	vmul.f32 v6, v13;
	v26 =	vld [tilespmem:s21+$0xFFFFFF10];
	v13 =	vadd.f32 v10, v24  }
0x265: {  	v7 =	vmul.f32 v7, v12;
	v8 =	vmul.f32 v8, v11;
	v10 =	vld [tilespmem:s26+$0xFFFFFF10];
	v11 =	vadd.f32 v21, v25  }
0x266: {  	v14 =	vmul.f32 v18, v16;
	v15 =	vmul.f32 v17, v15;
	v12 =	vld [tilespmem:s21+$0xFFFFFF20]  }
0x267: {  	v17 =	vmul.f32 v22, v20;
	v16 =	vld [tilespmem:s26+$0xFFFFFF20];
	v18 =	vmul.f32 v23, v19  }
0x268: {  	v9 =	vadd.f32 v6, v9;
	v7 =	vadd.f32 v8, v7;
	v8 =	vperm.xlane v11, v3;
	v19 =	vld [tilespmem:s21+$0xFFFFFF30]  }
0x269: {  	v14 =	vadd.f32 v15, v14;
	v20 =	vld [tilespmem:s26+$0xFFFFFF30];
	v15 =	vadd.f32 v18, v17;
	v17 =	vperm.xlane v13, v3  }
0x26a: {  	v6 =	vmul.f32 v10, v26;
	v18 =	vld [tilespmem:s21+$0xFFFFFF40];
	v10 =	vadd.f32 v11, v8  }
0x26b: {  	v7 =	vadd.f32 v7, v9;
	v8 =	vld [tilespmem:s26+$0xFFFFFF40];
	v11 =	vadd.f32 v15, v14  }
0x26c: {  	v9 =	vadd.f32 v13, v17;
	v12 =	vmul.f32 v16, v12;
	v14 =	vld [tilespmem:s21+$0xFFFFFF50]  }
0x26d: {  	v13 =	vld [tilespmem:s26+$0xFFFFFF50];
	v11 =	vadd.f32 v11, v7  }
0x26e: {  	v7 =	vmul.f32 v20, v19;
	v15 =	vld [tilespmem:s21+$0xFFFFFF60]  }
0x26f: {  	v16 =	vld [tilespmem:s26+$0xFFFFFF60];
	v17 =	vperm.xlane v11, v2  }
0x270: {  	v8 =	vmul.f32 v8, v18;
	v18 =	vld [tilespmem:s21+$0xFFFFFF70];
	v7 =	vadd.f32 v7, v12  }
0x271: {  	v12 =	vld [tilespmem:s26+$0xFFFFFF70];
	v11 =	vadd.f32 v11, v17  }
0x272: {  	v13 =	vmul.f32 v13, v14;
	v14 =	vld [tilespmem:s21+$0xFFFFFF80]  }
0x273: {  	v17 =	vld [tilespmem:s26+$0xFFFFFF80];
	v19 =	vperm.xlane v11, v0  }
0x274: {  	v15 =	vmul.f32 v16, v15;
	v8 =	vadd.f32 v13, v8;
	v13 =	vld [tilespmem:s21+$0xFFFFFF90]  }
0x275: {  	v16 =	vld [tilespmem:s26+$0xFFFFFF90];
	v11 =	vadd.f32 v11, v19  }
0x276: {  	v12 =	vmul.f32 v12, v18;
	v18 =	vld [tilespmem:s21+$0xFFFFFFA0]  }
0x277: {  	v19 =	vld [tilespmem:s26+$0xFFFFFFA0];
	v20 =	vperm.xlane v11, v1  }
0x278: {  	v12 =	vadd.f32 v12, v15;
	v14 =	vmul.f32 v17, v14;
	v15 =	vld [tilespmem:s21+$0xFFFFFFB0]  }
0x279: {  	s29 =	sadd.s32 $0x87, s31;
	v17 =	vld [tilespmem:s26+$0xFFFFFFB0];
	v11 =	vadd.f32 v11, v20  }
0x27a: {  	v8 =	vadd.f32 v12, v8;
	v12 =	vmul.f32 v16, v13;
	v13 =	vld [tilespmem:s21+$0xFFFFFFC0];
	v16 =	vmov s29  }
0x27b: {  	v20 =	vld [tilespmem:s26+$0xFFFFFFC0];
	v21 =	vperm.xlane v11, v3  }
0x27c: {  	v18 =	vmul.f32 v19, v18;
	v19 =	vld [tilespmem:s21+$0xFFFFFFD0];
	v12 =	vadd.f32 v12, v14  }
0x27d: {  	v14 =	vld [tilespmem:s26+$0xFFFFFFD0];
	v11 =	vadd.f32 v11, v21  }
0x27e: {  	v15 =	vmul.f32 v17, v15;
	v17 =	vld [tilespmem:s21+$0xFFFFFFE0]  }
0x27f: {  	[tilespmem:v16+s24+$0x0] =	vst.idx.add.f32.msk $0x1, v11  }
0x280: {  	v11 =	vmul.f32 v20, v13;
	v13 =	vld [tilespmem:s26+$0xFFFFFFE0];
	v15 =	vadd.f32 v15, v18  }
0x281: {  	v16 =	vld [tilespmem:s21+$0xFFFFFFF0]  }
0x282: {  	v14 =	vmul.f32 v14, v19;
	v18 =	vld [tilespmem:s26+$0xFFFFFFF0];
	v12 =	vadd.f32 v15, v12  }
0x283: {  	v15 =	vld [tilespmem:s21+$0x0]  }
0x284: {  	v11 =	vadd.f32 v14, v11;
	v14 =	vld [tilespmem:s26+$0x0]  }
0x285: {  	v13 =	vmul.f32 v13, v17;
	v17 =	vld [tilespmem:s21+$0x10]  }
0x286: {  	v19 =	vld [tilespmem:s26+$0x10]  }
0x287: {  	v16 =	vmul.f32 v18, v16;
	v18 =	vld [tilespmem:s21+$0x20]  }
0x288: {  	v20 =	vld [tilespmem:s26+$0x20]  }
0x289: {  	v13 =	vadd.f32 v16, v13;
	v14 =	vmul.f32 v14, v15;
	v15 =	vld [tilespmem:s21+$0x30]  }
0x28a: {  	s29 =	sadd.s32 $0x84, s0;
	v16 =	vld [tilespmem:s26+$0x30]  }
0x28b: {  	v11 =	vadd.f32 v13, v11;
	v13 =	vmul.f32 v19, v17;
	v17 =	vld [tilespmem:s21+$0x40];
	v19 =	vmov s29;
	s29 =	sadd.s32 $0x85, s0  }
0x28c: {  	v21 =	vld [tilespmem:s26+$0x40];
	v19 =	vand.u32 $0xFFFFFFFC, v19;
	v22 =	vmov s29  }
0x28d: {  	s29 =	sadd.s32 $0x86, s0;
	s0 =	smov.u32 s31;
	v11 =	vadd.f32 v11, v12;
	v12 =	vmul.f32 v20, v18;
	v18 =	vld [tilespmem:s21+$0x50];
	v13 =	vadd.f32 v13, v14  }
0x28e: {  	v19 =	vbroadcast v19, $0x0;
	v14 =	vand.u32 $0xFFFFFFFD, v22;
	v22 =	vmov s29;
	v20 =	vld [tilespmem:s26+$0x50]  }
0x28f: {  	v22 =	vand.u32 $0xFFFFFFFE, v22;
	v23 =	vperm.xlane v11, v2;
	v15 =	vmul.f32 v16, v15;
	v16 =	vld [tilespmem:s21+$0x60]  }
0x290: {  	v25 =	vbroadcast v14, $0x0;
	v22 =	vbroadcast v22, $0x0;
	v24 =	vld [tilespmem:s26+$0x60]  }
0x291: {  	v23 =	vadd.f32 v11, v23;
	v17 =	vmul.f32 v21, v17;
	v21 =	vld [tilespmem:s21+$0x70];
	v11 =	vadd.f32 v15, v12  }
0x292: {  	v15 =	vld [tilespmem:s26+$0x70]  }
.Ltmp2:
0x293: {  	v14 =	vld [tilespmem:s21+$0xFFFFFF00];
	v12 =	vperm.xlane v23, v0;
	v18 =	vmul.f32 v20, v18;
	v11 =	vadd.f32 v11, v13;
	(pc) =	sbr.rel @p0 .LBB2_6-.Ltmp2, $4  }
0x294: {  	[tilespmem:v19+s24+$0x0] =	vst.idx.add.f32.msk $0x1, v10  }
0x295: {  	v10 =	vadd.f32 v23, v12;
	v13 =	vmul.f32 v24, v16;
	v12 =	vadd.f32 v18, v17  }
0x296: {  	[tilespmem:v25+s24+$0x0] =	vst.idx.add.f32.msk $0x1, v4  }
0x297: {  	s21 =	sadd.s32 $0x200, s21;
	v4 =	vperm.xlane v10, v1;
	v15 =	vmul.f32 v15, v21;
	[tilespmem:v22+s24+$0x0] =	vst.idx.add.f32.msk $0x1, v9  }
0x298: {  	v5 =	vmul.f32 v5, v14;
	_ =	sdelay $0x1  }
0x299: {  	v5 =	vadd.f32 v6, v5  }
0x29a: {  	v6 =	vadd.f32 v15, v13  }
0x29b: {  	v5 =	vadd.f32 v7, v5  }
0x29c: {  	v6 =	vadd.f32 v6, v12  }
0x29d: {  	v5 =	vadd.f32 v8, v5  }
0x29e: {  	v6 =	vadd.f32 v6, v11  }
0x29f: {  	v7 =	vperm.xlane v5, v2  }
0x2a0: {  	v8 =	vperm.xlane v6, v2  }
0x2a1: {  	v5 =	vadd.f32 v5, v7  }
0x2a2: {  	v6 =	vadd.f32 v6, v8  }
0x2a3: {  	v7 =	vperm.xlane v5, v0  }
0x2a4: {  	v8 =	vperm.xlane v6, v0  }
0x2a5: {  	v5 =	vadd.f32 v5, v7  }
0x2a6: {  	s26 =	sadd.s32 $0x86, s0;
	v6 =	vadd.f32 v6, v8  }
0x2a7: {  	v11 =	vmov s26;
	v7 =	vperm.xlane v5, v1  }
0x2a8: {  	s17 =	sadd.s32 $0x84, s0;
	v4 =	vadd.f32 v10, v4;
	v10 =	vand.u32 $0xFFFFFFFE, v11;
	v8 =	vperm.xlane v6, v1  }
0x2a9: {  	s21 =	sadd.s32 $0x85, s0;
	v9 =	vmov s17;
	v10 =	vbroadcast v10, $0x0;
	v5 =	vadd.f32 v5, v7  }
0x2aa: {  	v7 =	vand.u32 $0xFFFFFFFC, v9;
	v9 =	vmov s21;
	v6 =	vadd.f32 v6, v8  }
0x2ab: {  	v7 =	vbroadcast v7, $0x0;
	v9 =	vand.u32 $0xFFFFFFFD, v9  }
0x2ac: {  	v9 =	vbroadcast v9, $0x0;
	v12 =	vperm.xlane v6, v3  }
0x2ad: {  	v8 =	vperm.xlane v5, v3  }
0x2ae: {  	v11 =	vperm.xlane v4, v3;
	v6 =	vadd.f32 v6, v12  }
0x2af: {  	v5 =	vadd.f32 v5, v8  }
0x2b0: {  	v4 =	vadd.f32 v4, v11;
	[tilespmem:v10+s24+$0x0] =	vst.idx.add.f32.msk $0x1, v6  }
0x2b1: {  	[tilespmem:v7+s24+$0x0] =	vst.idx.add.f32.msk $0x1, v5  }
0x2b2: {  	s29 =	simm.s32 $0x100;
	[tilespmem:v9+s24+$0x0] =	vst.idx.add.f32.msk $0x1, v4  }
0x2b3: {  	[tilespmem:s14], [sflag:$0x1] =	stream.indirect.gather [hbm4b:s1+s13], $0x80, s29, s13, $0xb8;
	[tilespmem:$0x8A00] =	vst v63  }
0x2b4: {  	s31 =	simm.s32 $0x300  }
0x2b5: {  	[tilespmem:s15], [sflag:$0x1] =	stream.indirect.gather [hbm4b:s2+s13], $0x80, s31, s13, $0xb8;
	[tilespmem:$0x8A00] =	vst v63  }
0x2b6: {  	s21 =	simm.s32 $0x8500  }
0x2b7: {  	[tilespmem:s21], [sflag:$0x1] =	stream.indirect.gather [hbm4b:s3+s13], $0x1, s29, s13, $0xb8;
	[tilespmem:$0x8A00] =	vst v63  }
0x2b8: {  	s26 =	simm.s32 $0x8700  }
0x2b9: {  	[tilespmem:s26], [sflag:$0x1] =	stream.indirect.gather [hbm4b:s6+s13], $0x1, s31, s13, $0xb8;
	[tilespmem:$0x8A00] =	vst v63  }
0x2ba: {  	_ =	swait.ge [sflag:s30], $0x2000  }
0x2bb: {  	[sflag:s30] =	ssyncset.done $0x0  }
0x2bc: {  	[sflag:s30] =	ssyncadd.s32 $0xFFFFE000  }
0x2bd: {  	_ =	swait.ge [sflag:s30], $0x2000  }
0x2be: {  	[sflag:s30] =	ssyncset.done $0x0  }
0x2bf: {  	[sflag:s30] =	ssyncadd.s32 $0xFFFFE000  }
0x2c0: {  	_ =	swait.ge [sflag:s30], $0x40  }
0x2c1: {  	[sflag:s30] =	ssyncset.done $0x0  }
0x2c2: {  	[sflag:s30] =	ssyncadd.s32 $0xFFFFFFC0  }
0x2c3: {  	_ =	swait.ge [sflag:s30], $0x40  }
0x2c4: {  	[sflag:s30] =	ssyncset.done $0x0  }
0x2c5: {  	[sflag:s30] =	ssyncadd.s32 $0xFFFFFFC0  }
0x2c6: {  	v4 =	vld [tilespmem:$0x84C0]  }
0x2c7: {  	v5 =	vld [tilespmem:$0x86C0]  }
0x2c8: {  	v6 =	vld [tilespmem:$0x84D0]  }
0x2c9: {  	v7 =	vld [tilespmem:$0x86D0]  }
0x2ca: {  	v8 =	vld [tilespmem:$0x84E0]  }
0x2cb: {  	v9 =	vld [tilespmem:$0x86E0]  }
0x2cc: {  	v10 =	vld [tilespmem:$0x84F0]  }
0x2cd: {  	v11 =	vld [tilespmem:$0x86F0];
	_ =	sdelay $0x1  }
0x2ce: {  	v4 =	vadd.f32 v5, v4  }
0x2cf: {  	v5 =	vadd.f32 v7, v6  }
0x2d0: {  	[tilespmem:$0x88C0] =	vst v4;
	v4 =	vadd.f32 v9, v8  }
0x2d1: {  	[tilespmem:$0x88D0] =	vst v5;
	v5 =	vadd.f32 v11, v10  }
0x2d2: {  	[tilespmem:$0x88E0] =	vst v4  }
0x2d3: {  	s29 =	simm.s32 $0x2500;
	[tilespmem:$0x88F0] =	vst v5  }
0x2d4: {  	s26 =	simm.s32 $0x6500;
	v4 =	vld [tilespmem:s29+$0x80]  }
0x2d5: {  	v5 =	vld [tilespmem:s26+$0x80]  }
0x2d6: {  	v6 =	vld [tilespmem:s29+$0x90]  }
0x2d7: {  	v7 =	vld [tilespmem:s26+$0x90]  }
0x2d8: {  	v8 =	vld [tilespmem:s29+$0xA0]  }
0x2d9: {  	v9 =	vld [tilespmem:s26+$0xA0]  }
0x2da: {  	v10 =	vld [tilespmem:s29+$0xB0]  }
0x2db: {  	v11 =	vld [tilespmem:s26+$0xB0]  }
0x2dc: {  	v12 =	vld [tilespmem:s29+$0xC0]  }
0x2dd: {  	v13 =	vld [tilespmem:s26+$0xC0]  }
0x2de: {  	v14 =	vld [tilespmem:s29+$0xD0]  }
0x2df: {  	v15 =	vld [tilespmem:s26+$0xD0]  }
0x2e0: {  	v16 =	vld [tilespmem:s29+$0xE0]  }
0x2e1: {  	v17 =	vld [tilespmem:s26+$0xE0]  }
0x2e2: {  	v18 =	vld [tilespmem:s29+$0xF0]  }
0x2e3: {  	v19 =	vld [tilespmem:s26+$0xF0]  }
0x2e4: {  	v20 =	vld [tilespmem:s29+$0xFFFFFF10]  }
0x2e5: {  	v21 =	vld [tilespmem:s26+$0xFFFFFF10]  }
0x2e6: {  	v22 =	vld [tilespmem:s29+$0xFFFFFF20]  }
0x2e7: {  	v23 =	vld [tilespmem:s26+$0xFFFFFF20]  }
0x2e8: {  	v24 =	vld [tilespmem:s29+$0xFFFFFF30]  }
0x2e9: {  	v25 =	vld [tilespmem:s26+$0xFFFFFF30]  }
0x2ea: {  	v26 =	vld [tilespmem:s29+$0xFFFFFF40]  }
0x2eb: {  	v27 =	vld [tilespmem:s26+$0xFFFFFF40]  }
0x2ec: {  	v28 =	vld [tilespmem:s29+$0xFFFFFF50]  }
0x2ed: {  	v29 =	vld [tilespmem:s26+$0xFFFFFF50]  }
0x2ee: {  	v30 =	vld [tilespmem:s29+$0xFFFFFF60]  }
0x2ef: {  	v31 =	vld [tilespmem:s26+$0xFFFFFF60]  }
0x2f0: {  	v32 =	vld [tilespmem:s29+$0xFFFFFF70]  }
0x2f1: {  	v33 =	vld [tilespmem:s26+$0xFFFFFF70]  }
0x2f2: {  	v34 =	vld [tilespmem:s29+$0xFFFFFF80]  }
0x2f3: {  	v35 =	vld [tilespmem:s26+$0xFFFFFF80]  }
0x2f4: {  	v36 =	vld [tilespmem:s29+$0xFFFFFF90]  }
0x2f5: {  	v37 =	vld [tilespmem:s26+$0xFFFFFF90]  }
0x2f6: {  	v38 =	vld [tilespmem:s29+$0xFFFFFFA0]  }
0x2f7: {  	v39 =	vld [tilespmem:s26+$0xFFFFFFA0]  }
0x2f8: {  	v51 =	vld [tilespmem:s26+$0x0]  }
0x2f9: {  	v4 =	vmul.f32 v5, v4;
	v5 =	vmul.f32 v7, v6;
	v6 =	vld [tilespmem:s29+$0xFFFFFFB0]  }
0x2fa: {  	v7 =	vmul.f32 v9, v8;
	v8 =	vmul.f32 v11, v10;
	v9 =	vld [tilespmem:s26+$0xFFFFFFB0]  }
0x2fb: {  	v10 =	vmul.f32 v13, v12;
	v11 =	vmul.f32 v15, v14;
	v12 =	vld [tilespmem:s29+$0xFFFFFFC0]  }
0x2fc: {  	v13 =	vmul.f32 v17, v16;
	v14 =	vmul.f32 v19, v18;
	v15 =	vld [tilespmem:s26+$0xFFFFFFC0]  }
0x2fd: {  	v4 =	vadd.f32 v5, v4;
	v5 =	vadd.f32 v8, v7;
	v7 =	vld [tilespmem:s29+$0xFFFFFFD0]  }
0x2fe: {  	v8 =	vadd.f32 v11, v10;
	v10 =	vadd.f32 v14, v13;
	v11 =	vld [tilespmem:s26+$0xFFFFFFD0]  }
0x2ff: {  	v13 =	vld [tilespmem:s29+$0xFFFFFFE0]  }
0x300: {  	v4 =	vadd.f32 v5, v4;
	v5 =	vadd.f32 v10, v8;
	v8 =	vld [tilespmem:s26+$0xFFFFFFE0]  }
0x301: {  	v10 =	vld [tilespmem:s29+$0xFFFFFFF0]  }
0x302: {  	v4 =	vadd.f32 v5, v4;
	v5 =	vld [tilespmem:s26+$0xFFFFFFF0]  }
0x303: {  	v53 =	vld [tilespmem:s26+$0x40];
	v50 =	vmul.f32 v37, v36  }
0x304: {  	v56 =	vld [tilespmem:s29+$0x50];
	v52 =	vmul.f32 v39, v38;
	v17 =	vperm.xlane v4, v2  }
0x305: {  	v58 =	vld [tilespmem:s26+$0x50];
	v14 =	vmul.f32 v35, v34;
	v6 =	vmul.f32 v9, v6  }
0x306: {  	v60 =	vld [tilespmem:s29+$0x60];
	v12 =	vmul.f32 v15, v12;
	v7 =	vmul.f32 v11, v7;
	v4 =	vadd.f32 v4, v17  }
0x307: {  	v9 =	vld [tilespmem:s29+$0x10];
	v8 =	vmul.f32 v8, v13;
	v5 =	vmul.f32 v5, v10  }
0x308: {  	v15 =	vld [tilespmem:s26+$0x20];
	v6 =	vadd.f32 v6, v52;
	v13 =	vadd.f32 v50, v14;
	v14 =	vperm.xlane v4, v0  }
0x309: {  	v11 =	vld [tilespmem:s26+$0x10];
	v7 =	vadd.f32 v7, v12;
	v5 =	vadd.f32 v5, v8  }
0x30a: {  	v12 =	vld [tilespmem:s26+$0x30];
	v4 =	vadd.f32 v4, v14  }
0x30b: {  	v10 =	vld [tilespmem:s29+$0x20];
	v6 =	vadd.f32 v6, v13;
	v5 =	vadd.f32 v5, v7  }
0x30c: {  	v54 =	vmul.f32 v29, v28;
	v8 =	vld [tilespmem:s29+$0x30];
	v55 =	vperm.xlane v4, v1  }
0x30d: {  	v16 =	vld [tilespmem:s29+$0x0];
	v57 =	vmul.f32 v33, v32;
	v17 =	vmul.f32 v27, v26;
	v5 =	vadd.f32 v5, v6  }
0x30e: {  	s31 =	simm.s32 $0xC3;
	v62 =	vld [tilespmem:s26+$0x60];
	v14 =	vmul.f32 v23, v22;
	v7 =	vmul.f32 v25, v24;
	v4 =	vadd.f32 v4, v55  }
0x30f: {  	v61 =	vmov s31;
	v13 =	vld [tilespmem:s29+$0x40];
	v9 =	vmul.f32 v11, v9;
	v59 =	vperm.xlane v5, v2  }
0x310: {  	v63 =	vld [tilespmem:s29+$0x70];
	v6 =	vmul.f32 v31, v30;
	v7 =	vadd.f32 v7, v14;
	v11 =	vperm.xlane v4, v3  }
0x311: {  	v14 =	vld [tilespmem:s29+$0xFFFFFF00];
	v22 =	vadd.f32 v5, v59;
	v5 =	vmul.f32 v15, v10;
	v10 =	vmul.f32 v12, v8  }
0x312: {  	v16 =	vmul.f32 v51, v16;
	v17 =	vadd.f32 v54, v17;
	v6 =	vadd.f32 v57, v6;
	v15 =	vld [tilespmem:s26+$0x70]  }
0x313: {  	v4 =	vadd.f32 v4, v11;
	v11 =	vperm.xlane v22, v0;
	v12 =	vadd.f32 v10, v5;
	v5 =	vld [tilespmem:s26+$0xFFFFFF00]  }
0x314: {  	v9 =	vadd.f32 v9, v16;
	v16 =	vmul.f32 v53, v13;
	v13 =	vmul.f32 v62, v60  }
0x315: {  	v8 =	vadd.f32 v6, v17;
	v17 =	vmul.f32 v58, v56;
	v10 =	vadd.f32 v22, v11  }
0x316: {  	v6 =	vmul.f32 v21, v20;
	[tilespmem:v61+s24+$0x0] =	vst.idx.add.f32.msk $0x1, v4;
	v11 =	vadd.f32 v12, v9  }
0x317: {  	s0 =	simm.s32 $0xFFFFFFFC;
	s17 =	simm.s32 $0x0;
	s21 =	simm.s32 $0x2700;
	v12 =	vadd.f32 v17, v16;
	v15 =	vmul.f32 v15, v63;
	v4 =	vperm.xlane v10, v1  }
.LBB2_8:
0x318: {  	v9 =	vld [tilespmem:s21+$0x80];
	v5 =	vmul.f32 v5, v14;
	s26 =	sadd.s32 $0x200, s26;
	s31 =	smov.u32 s17  }
0x319: {  	v14 =	vld [tilespmem:s26+$0x80];
	v4 =	vadd.f32 v10, v4;
	v10 =	vadd.f32 v15, v13  }
0x31a: {  	v13 =	vld [tilespmem:s21+$0x90];
	v5 =	vadd.f32 v6, v5  }
0x31b: {  	v6 =	vld [tilespmem:s26+$0x90];
	v15 =	vperm.xlane v4, v3;
	v10 =	vadd.f32 v10, v12  }
0x31c: {  	v12 =	vld [tilespmem:s21+$0xA0];
	v5 =	vadd.f32 v7, v5  }
0x31d: {  	v7 =	vld [tilespmem:s26+$0xA0];
	v4 =	vadd.f32 v4, v15;
	v10 =	vadd.f32 v10, v11  }
0x31e: {  	v11 =	vld [tilespmem:s21+$0xB0];
	v5 =	vadd.f32 v8, v5  }
0x31f: {  	v8 =	vld [tilespmem:s26+$0xB0];
	v15 =	vperm.xlane v10, v2  }
0x320: {  	v16 =	vld [tilespmem:s21+$0xC0];
	v17 =	vperm.xlane v5, v2  }
0x321: {  	v18 =	vld [tilespmem:s26+$0xC0];
	v10 =	vadd.f32 v10, v15  }
0x322: {  	v15 =	vld [tilespmem:s21+$0xD0];
	v5 =	vadd.f32 v5, v17  }
0x323: {  	v17 =	vld [tilespmem:s26+$0xD0];
	v19 =	vperm.xlane v10, v0  }
0x324: {  	v20 =	vld [tilespmem:s21+$0xE0];
	v21 =	vperm.xlane v5, v0  }
0x325: {  	v22 =	vld [tilespmem:s26+$0xE0];
	v10 =	vadd.f32 v10, v19  }
0x326: {  	v19 =	vld [tilespmem:s21+$0xF0];
	v21 =	vadd.f32 v5, v21  }
0x327: {  	s17 =	sadd.s32 $0x4, s17;
	v23 =	vld [tilespmem:s26+$0xF0];
	v24 =	vperm.xlane v10, v1  }
0x328: {  	p0 =	slt.u32 s17, $0x3C;
	v5 =	vld [tilespmem:s26+$0xFFFFFF00];
	v25 =	vperm.xlane v21, v1  }
0x329: {  	v9 =	vmul.f32 v14, v9;
	v6 =	vmul.f32 v6, v13;
	v26 =	vld [tilespmem:s21+$0xFFFFFF10];
	v13 =	vadd.f32 v10, v24  }
0x32a: {  	v7 =	vmul.f32 v7, v12;
	v8 =	vmul.f32 v8, v11;
	v10 =	vld [tilespmem:s26+$0xFFFFFF10];
	v11 =	vadd.f32 v21, v25  }
0x32b: {  	v14 =	vmul.f32 v18, v16;
	v15 =	vmul.f32 v17, v15;
	v12 =	vld [tilespmem:s21+$0xFFFFFF20]  }
0x32c: {  	v17 =	vmul.f32 v22, v20;
	v16 =	vld [tilespmem:s26+$0xFFFFFF20];
	v18 =	vmul.f32 v23, v19  }
0x32d: {  	v9 =	vadd.f32 v6, v9;
	v7 =	vadd.f32 v8, v7;
	v8 =	vperm.xlane v11, v3;
	v19 =	vld [tilespmem:s21+$0xFFFFFF30]  }
0x32e: {  	v14 =	vadd.f32 v15, v14;
	v20 =	vld [tilespmem:s26+$0xFFFFFF30];
	v15 =	vadd.f32 v18, v17;
	v17 =	vperm.xlane v13, v3  }
0x32f: {  	v6 =	vmul.f32 v10, v26;
	v18 =	vld [tilespmem:s21+$0xFFFFFF40];
	v10 =	vadd.f32 v11, v8  }
0x330: {  	v7 =	vadd.f32 v7, v9;
	v8 =	vld [tilespmem:s26+$0xFFFFFF40];
	v11 =	vadd.f32 v15, v14  }
0x331: {  	v9 =	vadd.f32 v13, v17;
	v12 =	vmul.f32 v16, v12;
	v14 =	vld [tilespmem:s21+$0xFFFFFF50]  }
0x332: {  	v13 =	vld [tilespmem:s26+$0xFFFFFF50];
	v11 =	vadd.f32 v11, v7  }
0x333: {  	v7 =	vmul.f32 v20, v19;
	v15 =	vld [tilespmem:s21+$0xFFFFFF60]  }
0x334: {  	v16 =	vld [tilespmem:s26+$0xFFFFFF60];
	v17 =	vperm.xlane v11, v2  }
0x335: {  	v8 =	vmul.f32 v8, v18;
	v18 =	vld [tilespmem:s21+$0xFFFFFF70];
	v7 =	vadd.f32 v7, v12  }
0x336: {  	v12 =	vld [tilespmem:s26+$0xFFFFFF70];
	v11 =	vadd.f32 v11, v17  }
0x337: {  	v13 =	vmul.f32 v13, v14;
	v14 =	vld [tilespmem:s21+$0xFFFFFF80]  }
0x338: {  	v17 =	vld [tilespmem:s26+$0xFFFFFF80];
	v19 =	vperm.xlane v11, v0  }
0x339: {  	v15 =	vmul.f32 v16, v15;
	v8 =	vadd.f32 v13, v8;
	v13 =	vld [tilespmem:s21+$0xFFFFFF90]  }
0x33a: {  	v16 =	vld [tilespmem:s26+$0xFFFFFF90];
	v11 =	vadd.f32 v11, v19  }
0x33b: {  	v12 =	vmul.f32 v12, v18;
	v18 =	vld [tilespmem:s21+$0xFFFFFFA0]  }
0x33c: {  	v19 =	vld [tilespmem:s26+$0xFFFFFFA0];
	v20 =	vperm.xlane v11, v1  }
0x33d: {  	v12 =	vadd.f32 v12, v15;
	v14 =	vmul.f32 v17, v14;
	v15 =	vld [tilespmem:s21+$0xFFFFFFB0]  }
0x33e: {  	s29 =	sadd.s32 $0xC7, s31;
	v17 =	vld [tilespmem:s26+$0xFFFFFFB0];
	v11 =	vadd.f32 v11, v20  }
0x33f: {  	v8 =	vadd.f32 v12, v8;
	v12 =	vmul.f32 v16, v13;
	v13 =	vld [tilespmem:s21+$0xFFFFFFC0];
	v16 =	vmov s29  }
0x340: {  	v20 =	vld [tilespmem:s26+$0xFFFFFFC0];
	v21 =	vperm.xlane v11, v3  }
0x341: {  	v18 =	vmul.f32 v19, v18;
	v19 =	vld [tilespmem:s21+$0xFFFFFFD0];
	v12 =	vadd.f32 v12, v14  }
0x342: {  	v14 =	vld [tilespmem:s26+$0xFFFFFFD0];
	v11 =	vadd.f32 v11, v21  }
0x343: {  	v15 =	vmul.f32 v17, v15;
	v17 =	vld [tilespmem:s21+$0xFFFFFFE0]  }
0x344: {  	[tilespmem:v16+s24+$0x0] =	vst.idx.add.f32.msk $0x1, v11  }
0x345: {  	v11 =	vmul.f32 v20, v13;
	v13 =	vld [tilespmem:s26+$0xFFFFFFE0];
	v15 =	vadd.f32 v15, v18  }
0x346: {  	v16 =	vld [tilespmem:s21+$0xFFFFFFF0]  }
0x347: {  	v14 =	vmul.f32 v14, v19;
	v18 =	vld [tilespmem:s26+$0xFFFFFFF0];
	v12 =	vadd.f32 v15, v12  }
0x348: {  	v15 =	vld [tilespmem:s21+$0x0]  }
0x349: {  	v11 =	vadd.f32 v14, v11;
	v14 =	vld [tilespmem:s26+$0x0]  }
0x34a: {  	v13 =	vmul.f32 v13, v17;
	v17 =	vld [tilespmem:s21+$0x10]  }
0x34b: {  	v19 =	vld [tilespmem:s26+$0x10]  }
0x34c: {  	v16 =	vmul.f32 v18, v16;
	v18 =	vld [tilespmem:s21+$0x20]  }
0x34d: {  	v20 =	vld [tilespmem:s26+$0x20]  }
0x34e: {  	v13 =	vadd.f32 v16, v13;
	v14 =	vmul.f32 v14, v15;
	v15 =	vld [tilespmem:s21+$0x30]  }
0x34f: {  	s29 =	sadd.s32 $0xC4, s0;
	v16 =	vld [tilespmem:s26+$0x30]  }
0x350: {  	v11 =	vadd.f32 v13, v11;
	v13 =	vmul.f32 v19, v17;
	v17 =	vld [tilespmem:s21+$0x40];
	v19 =	vmov s29;
	s29 =	sadd.s32 $0xC5, s0  }
0x351: {  	v21 =	vld [tilespmem:s26+$0x40];
	v19 =	vand.u32 $0xFFFFFFFC, v19;
	v22 =	vmov s29  }
0x352: {  	s29 =	sadd.s32 $0xC6, s0;
	s0 =	smov.u32 s31;
	v11 =	vadd.f32 v11, v12;
	v12 =	vmul.f32 v20, v18;
	v18 =	vld [tilespmem:s21+$0x50];
	v13 =	vadd.f32 v13, v14  }
0x353: {  	v19 =	vbroadcast v19, $0x0;
	v14 =	vand.u32 $0xFFFFFFFD, v22;
	v22 =	vmov s29;
	v20 =	vld [tilespmem:s26+$0x50]  }
0x354: {  	v22 =	vand.u32 $0xFFFFFFFE, v22;
	v23 =	vperm.xlane v11, v2;
	v15 =	vmul.f32 v16, v15;
	v16 =	vld [tilespmem:s21+$0x60]  }
0x355: {  	v25 =	vbroadcast v14, $0x0;
	v22 =	vbroadcast v22, $0x0;
	v24 =	vld [tilespmem:s26+$0x60]  }
0x356: {  	v23 =	vadd.f32 v11, v23;
	v17 =	vmul.f32 v21, v17;
	v21 =	vld [tilespmem:s21+$0x70];
	v11 =	vadd.f32 v15, v12  }
0x357: {  	v15 =	vld [tilespmem:s26+$0x70]  }
.Ltmp3:
0x358: {  	v14 =	vld [tilespmem:s21+$0xFFFFFF00];
	v12 =	vperm.xlane v23, v0;
	v18 =	vmul.f32 v20, v18;
	v11 =	vadd.f32 v11, v13;
	(pc) =	sbr.rel @p0 .LBB2_8-.Ltmp3, $4  }
0x359: {  	[tilespmem:v19+s24+$0x0] =	vst.idx.add.f32.msk $0x1, v10  }
0x35a: {  	v10 =	vadd.f32 v23, v12;
	v13 =	vmul.f32 v24, v16;
	v12 =	vadd.f32 v18, v17  }
0x35b: {  	[tilespmem:v25+s24+$0x0] =	vst.idx.add.f32.msk $0x1, v4  }
0x35c: {  	s21 =	sadd.s32 $0x200, s21;
	v4 =	vperm.xlane v10, v1;
	v15 =	vmul.f32 v15, v21;
	[tilespmem:v22+s24+$0x0] =	vst.idx.add.f32.msk $0x1, v9  }
0x35d: {  	v5 =	vmul.f32 v5, v14;
	_ =	sdelay $0x1  }
0x35e: {  	v5 =	vadd.f32 v6, v5  }
0x35f: {  	v6 =	vadd.f32 v15, v13  }
0x360: {  	v5 =	vadd.f32 v7, v5  }
0x361: {  	v6 =	vadd.f32 v6, v12  }
0x362: {  	v5 =	vadd.f32 v8, v5  }
0x363: {  	v6 =	vadd.f32 v6, v11  }
0x364: {  	v7 =	vperm.xlane v5, v2  }
0x365: {  	v8 =	vperm.xlane v6, v2  }
0x366: {  	v5 =	vadd.f32 v5, v7  }
0x367: {  	v6 =	vadd.f32 v6, v8  }
0x368: {  	v7 =	vperm.xlane v5, v0  }
0x369: {  	v8 =	vperm.xlane v6, v0  }
0x36a: {  	s17 =	sadd.s32 $0xC4, s0;
	v5 =	vadd.f32 v5, v7  }
0x36b: {  	v9 =	vmov s17;
	s17 =	sadd.s32 $0xC6, s0;
	v6 =	vadd.f32 v6, v8  }
0x36c: {  	v11 =	vmov s17;
	v7 =	vperm.xlane v5, v1  }
0x36d: {  	v4 =	vadd.f32 v10, v4;
	v10 =	vand.u32 $0xFFFFFFFE, v11;
	v8 =	vperm.xlane v6, v1  }
0x36e: {  	s31 =	sadd.s32 $0xC5, s0;
	v10 =	vbroadcast v10, $0x0;
	v5 =	vadd.f32 v5, v7  }
0x36f: {  	v7 =	vand.u32 $0xFFFFFFFC, v9;
	v9 =	vmov s31;
	v6 =	vadd.f32 v6, v8  }
0x370: {  	v7 =	vbroadcast v7, $0x0;
	v9 =	vand.u32 $0xFFFFFFFD, v9  }
0x371: {  	v9 =	vbroadcast v9, $0x0;
	v12 =	vperm.xlane v6, v3  }
0x372: {  	v8 =	vperm.xlane v5, v3  }
0x373: {  	v11 =	vperm.xlane v4, v3;
	v6 =	vadd.f32 v6, v12  }
0x374: {  	v5 =	vadd.f32 v5, v8  }
0x375: {  	v4 =	vadd.f32 v4, v11;
	[tilespmem:v10+s24+$0x0] =	vst.idx.add.f32.msk $0x1, v6  }
0x376: {  	[tilespmem:v7+s24+$0x0] =	vst.idx.add.f32.msk $0x1, v5  }
0x377: {  	s21 =	simm.s32 $0x140;
	[tilespmem:v9+s24+$0x0] =	vst.idx.add.f32.msk $0x1, v4  }
0x378: {  	[tilespmem:s18], [sflag:$0x2] =	stream.indirect.gather [hbm4b:s1+s13], $0x80, s21, s13, $0xb8;
	[tilespmem:$0x8A00] =	vst v63  }
0x379: {  	_ = 	snop  }
0x37a: {  	[tilespmem:s20], [sflag:$0x2] =	stream.indirect.gather [hbm4b:s2+s13], $0x80, s4, s13, $0xb8;
	[tilespmem:$0x8A00] =	vst v63  }
0x37b: {  	s26 =	simm.s32 $0x8540  }
0x37c: {  	[tilespmem:s26], [sflag:$0x2] =	stream.indirect.gather [hbm4b:s3+s13], $0x1, s21, s13, $0xb8;
	[tilespmem:$0x8A00] =	vst v63  }
0x37d: {  	s29 =	simm.s32 $0x8740  }
0x37e: {  	[tilespmem:s29], [sflag:$0x2] =	stream.indirect.gather [hbm4b:s6+s13], $0x1, s4, s13, $0xb8;
	[tilespmem:$0x8A00] =	vst v63  }
0x37f: {  	_ =	swait.ge [sflag:s23], $0x2000  }
0x380: {  	[sflag:s23] =	ssyncset.done $0x0  }
0x381: {  	[sflag:s23] =	ssyncadd.s32 $0xFFFFE000  }
0x382: {  	_ =	swait.ge [sflag:s23], $0x2000  }
0x383: {  	[sflag:s23] =	ssyncset.done $0x0  }
0x384: {  	[sflag:s23] =	ssyncadd.s32 $0xFFFFE000  }
0x385: {  	_ =	swait.ge [sflag:s23], $0x40  }
0x386: {  	[sflag:s23] =	ssyncset.done $0x0  }
0x387: {  	[sflag:s23] =	ssyncadd.s32 $0xFFFFFFC0  }
0x388: {  	_ =	swait.ge [sflag:s23], $0x40  }
0x389: {  	[sflag:s23] =	ssyncset.done $0x0  }
0x38a: {  	[sflag:s23] =	ssyncadd.s32 $0xFFFFFFC0  }
0x38b: {  	v4 =	vld [tilespmem:$0x8500]  }
0x38c: {  	v5 =	vld [tilespmem:$0x8700]  }
0x38d: {  	v6 =	vld [tilespmem:$0x8510]  }
0x38e: {  	v7 =	vld [tilespmem:$0x8710]  }
0x38f: {  	v8 =	vld [tilespmem:$0x8520]  }
0x390: {  	v9 =	vld [tilespmem:$0x8720]  }
0x391: {  	v10 =	vld [tilespmem:$0x8530]  }
0x392: {  	v11 =	vld [tilespmem:$0x8730];
	_ =	sdelay $0x1  }
0x393: {  	v4 =	vadd.f32 v5, v4  }
0x394: {  	v5 =	vadd.f32 v7, v6  }
0x395: {  	[tilespmem:$0x8900] =	vst v4;
	v4 =	vadd.f32 v9, v8  }
0x396: {  	[tilespmem:$0x8910] =	vst v5;
	v5 =	vadd.f32 v11, v10  }
0x397: {  	[tilespmem:$0x8920] =	vst v4  }
0x398: {  	s21 =	simm.s32 $0x500;
	[tilespmem:$0x8930] =	vst v5  }
0x399: {  	s26 =	simm.s32 $0x4500;
	v4 =	vld [tilespmem:s21+$0x80]  }
0x39a: {  	v5 =	vld [tilespmem:s26+$0x80]  }
0x39b: {  	v6 =	vld [tilespmem:s21+$0x90]  }
0x39c: {  	v7 =	vld [tilespmem:s26+$0x90]  }
0x39d: {  	v8 =	vld [tilespmem:s21+$0xA0]  }
0x39e: {  	v9 =	vld [tilespmem:s26+$0xA0]  }
0x39f: {  	v10 =	vld [tilespmem:s21+$0xB0]  }
0x3a0: {  	v11 =	vld [tilespmem:s26+$0xB0]  }
0x3a1: {  	v12 =	vld [tilespmem:s21+$0xC0]  }
0x3a2: {  	v13 =	vld [tilespmem:s26+$0xC0]  }
0x3a3: {  	v14 =	vld [tilespmem:s21+$0xD0]  }
0x3a4: {  	v15 =	vld [tilespmem:s26+$0xD0]  }
0x3a5: {  	v16 =	vld [tilespmem:s21+$0xE0]  }
0x3a6: {  	v17 =	vld [tilespmem:s26+$0xE0]  }
0x3a7: {  	v18 =	vld [tilespmem:s21+$0xF0]  }
0x3a8: {  	v19 =	vld [tilespmem:s26+$0xF0]  }
0x3a9: {  	v20 =	vld [tilespmem:s21+$0xFFFFFF10]  }
0x3aa: {  	v21 =	vld [tilespmem:s26+$0xFFFFFF10]  }
0x3ab: {  	v22 =	vld [tilespmem:s21+$0xFFFFFF20]  }
0x3ac: {  	v23 =	vld [tilespmem:s26+$0xFFFFFF20]  }
0x3ad: {  	v24 =	vld [tilespmem:s21+$0xFFFFFF30]  }
0x3ae: {  	v25 =	vld [tilespmem:s26+$0xFFFFFF30]  }
0x3af: {  	v26 =	vld [tilespmem:s21+$0xFFFFFF40]  }
0x3b0: {  	v27 =	vld [tilespmem:s26+$0xFFFFFF40]  }
0x3b1: {  	v28 =	vld [tilespmem:s21+$0xFFFFFF50]  }
0x3b2: {  	v29 =	vld [tilespmem:s26+$0xFFFFFF50]  }
0x3b3: {  	v30 =	vld [tilespmem:s21+$0xFFFFFF60]  }
0x3b4: {  	v31 =	vld [tilespmem:s26+$0xFFFFFF60]  }
0x3b5: {  	v32 =	vld [tilespmem:s21+$0xFFFFFF70]  }
0x3b6: {  	v33 =	vld [tilespmem:s26+$0xFFFFFF70]  }
0x3b7: {  	v34 =	vld [tilespmem:s21+$0xFFFFFF80]  }
0x3b8: {  	v35 =	vld [tilespmem:s26+$0xFFFFFF80]  }
0x3b9: {  	v36 =	vld [tilespmem:s21+$0xFFFFFF90]  }
0x3ba: {  	v37 =	vld [tilespmem:s26+$0xFFFFFF90]  }
0x3bb: {  	v38 =	vld [tilespmem:s21+$0xFFFFFFA0]  }
0x3bc: {  	v39 =	vld [tilespmem:s26+$0xFFFFFFA0]  }
0x3bd: {  	v51 =	vld [tilespmem:s26+$0x0]  }
0x3be: {  	v4 =	vmul.f32 v5, v4;
	v5 =	vmul.f32 v7, v6;
	v6 =	vld [tilespmem:s21+$0xFFFFFFB0]  }
0x3bf: {  	v7 =	vmul.f32 v9, v8;
	v8 =	vmul.f32 v11, v10;
	v9 =	vld [tilespmem:s26+$0xFFFFFFB0]  }
0x3c0: {  	v10 =	vmul.f32 v13, v12;
	v11 =	vmul.f32 v15, v14;
	v12 =	vld [tilespmem:s21+$0xFFFFFFC0]  }
0x3c1: {  	v13 =	vmul.f32 v17, v16;
	v14 =	vmul.f32 v19, v18;
	v15 =	vld [tilespmem:s26+$0xFFFFFFC0]  }
0x3c2: {  	v4 =	vadd.f32 v5, v4;
	v5 =	vadd.f32 v8, v7;
	v7 =	vld [tilespmem:s21+$0xFFFFFFD0]  }
0x3c3: {  	v8 =	vadd.f32 v11, v10;
	v10 =	vadd.f32 v14, v13;
	v11 =	vld [tilespmem:s26+$0xFFFFFFD0]  }
0x3c4: {  	v13 =	vld [tilespmem:s21+$0xFFFFFFE0]  }
0x3c5: {  	v4 =	vadd.f32 v5, v4;
	v5 =	vadd.f32 v10, v8;
	v8 =	vld [tilespmem:s26+$0xFFFFFFE0]  }
0x3c6: {  	v10 =	vld [tilespmem:s21+$0xFFFFFFF0]  }
0x3c7: {  	v4 =	vadd.f32 v5, v4;
	v5 =	vld [tilespmem:s26+$0xFFFFFFF0]  }
0x3c8: {  	v53 =	vld [tilespmem:s26+$0x40];
	v50 =	vmul.f32 v37, v36  }
0x3c9: {  	v56 =	vld [tilespmem:s21+$0x50];
	v52 =	vmul.f32 v39, v38;
	v17 =	vperm.xlane v4, v2  }
0x3ca: {  	v58 =	vld [tilespmem:s26+$0x50];
	v14 =	vmul.f32 v35, v34;
	v6 =	vmul.f32 v9, v6  }
0x3cb: {  	v60 =	vld [tilespmem:s21+$0x60];
	v12 =	vmul.f32 v15, v12;
	v7 =	vmul.f32 v11, v7;
	v4 =	vadd.f32 v4, v17  }
0x3cc: {  	v9 =	vld [tilespmem:s21+$0x10];
	v8 =	vmul.f32 v8, v13;
	v5 =	vmul.f32 v5, v10  }
0x3cd: {  	v15 =	vld [tilespmem:s26+$0x20];
	v6 =	vadd.f32 v6, v52;
	v13 =	vadd.f32 v50, v14;
	v14 =	vperm.xlane v4, v0  }
0x3ce: {  	v11 =	vld [tilespmem:s26+$0x10];
	v7 =	vadd.f32 v7, v12;
	v5 =	vadd.f32 v5, v8  }
0x3cf: {  	v12 =	vld [tilespmem:s26+$0x30];
	v4 =	vadd.f32 v4, v14  }
0x3d0: {  	v10 =	vld [tilespmem:s21+$0x20];
	v6 =	vadd.f32 v6, v13;
	v5 =	vadd.f32 v5, v7  }
0x3d1: {  	v54 =	vmul.f32 v29, v28;
	v8 =	vld [tilespmem:s21+$0x30];
	v55 =	vperm.xlane v4, v1  }
0x3d2: {  	v16 =	vld [tilespmem:s21+$0x0];
	v57 =	vmul.f32 v33, v32;
	v17 =	vmul.f32 v27, v26;
	v5 =	vadd.f32 v5, v6  }
0x3d3: {  	s31 =	simm.s32 $0x103;
	v62 =	vld [tilespmem:s26+$0x60];
	v14 =	vmul.f32 v23, v22;
	v7 =	vmul.f32 v25, v24;
	v4 =	vadd.f32 v4, v55  }
0x3d4: {  	v61 =	vmov s31;
	v13 =	vld [tilespmem:s21+$0x40];
	v9 =	vmul.f32 v11, v9;
	v59 =	vperm.xlane v5, v2  }
0x3d5: {  	v63 =	vld [tilespmem:s21+$0x70];
	v6 =	vmul.f32 v31, v30;
	v7 =	vadd.f32 v7, v14;
	v11 =	vperm.xlane v4, v3  }
0x3d6: {  	v14 =	vld [tilespmem:s21+$0xFFFFFF00];
	v22 =	vadd.f32 v5, v59;
	v5 =	vmul.f32 v15, v10;
	v10 =	vmul.f32 v12, v8  }
0x3d7: {  	v16 =	vmul.f32 v51, v16;
	v17 =	vadd.f32 v54, v17;
	v6 =	vadd.f32 v57, v6;
	v15 =	vld [tilespmem:s26+$0x70]  }
0x3d8: {  	v4 =	vadd.f32 v4, v11;
	v11 =	vperm.xlane v22, v0;
	v12 =	vadd.f32 v10, v5;
	v5 =	vld [tilespmem:s26+$0xFFFFFF00]  }
0x3d9: {  	v9 =	vadd.f32 v9, v16;
	v16 =	vmul.f32 v53, v13;
	v13 =	vmul.f32 v62, v60  }
0x3da: {  	v8 =	vadd.f32 v6, v17;
	v17 =	vmul.f32 v58, v56;
	v10 =	vadd.f32 v22, v11  }
0x3db: {  	v6 =	vmul.f32 v21, v20;
	[tilespmem:v61+s24+$0x0] =	vst.idx.add.f32.msk $0x1, v4;
	v11 =	vadd.f32 v12, v9  }
0x3dc: {  	s0 =	simm.s32 $0xFFFFFFFC;
	s17 =	simm.s32 $0x0;
	s21 =	simm.s32 $0x700;
	v12 =	vadd.f32 v17, v16;
	v15 =	vmul.f32 v15, v63;
	v4 =	vperm.xlane v10, v1  }
.LBB2_10:
0x3dd: {  	v9 =	vld [tilespmem:s21+$0x80];
	v5 =	vmul.f32 v5, v14;
	s26 =	sadd.s32 $0x200, s26;
	s31 =	smov.u32 s17  }
0x3de: {  	v14 =	vld [tilespmem:s26+$0x80];
	v4 =	vadd.f32 v10, v4;
	v10 =	vadd.f32 v15, v13  }
0x3df: {  	v13 =	vld [tilespmem:s21+$0x90];
	v5 =	vadd.f32 v6, v5  }
0x3e0: {  	v6 =	vld [tilespmem:s26+$0x90];
	v15 =	vperm.xlane v4, v3;
	v10 =	vadd.f32 v10, v12  }
0x3e1: {  	v12 =	vld [tilespmem:s21+$0xA0];
	v5 =	vadd.f32 v7, v5  }
0x3e2: {  	v7 =	vld [tilespmem:s26+$0xA0];
	v4 =	vadd.f32 v4, v15;
	v10 =	vadd.f32 v10, v11  }
0x3e3: {  	v11 =	vld [tilespmem:s21+$0xB0];
	v5 =	vadd.f32 v8, v5  }
0x3e4: {  	v8 =	vld [tilespmem:s26+$0xB0];
	v15 =	vperm.xlane v10, v2  }
0x3e5: {  	v16 =	vld [tilespmem:s21+$0xC0];
	v17 =	vperm.xlane v5, v2  }
0x3e6: {  	v18 =	vld [tilespmem:s26+$0xC0];
	v10 =	vadd.f32 v10, v15  }
0x3e7: {  	v15 =	vld [tilespmem:s21+$0xD0];
	v5 =	vadd.f32 v5, v17  }
0x3e8: {  	v17 =	vld [tilespmem:s26+$0xD0];
	v19 =	vperm.xlane v10, v0  }
0x3e9: {  	v20 =	vld [tilespmem:s21+$0xE0];
	v21 =	vperm.xlane v5, v0  }
0x3ea: {  	v22 =	vld [tilespmem:s26+$0xE0];
	v10 =	vadd.f32 v10, v19  }
0x3eb: {  	v19 =	vld [tilespmem:s21+$0xF0];
	v21 =	vadd.f32 v5, v21  }
0x3ec: {  	s17 =	sadd.s32 $0x4, s17;
	v23 =	vld [tilespmem:s26+$0xF0];
	v24 =	vperm.xlane v10, v1  }
0x3ed: {  	p0 =	slt.u32 s17, $0x3C;
	v5 =	vld [tilespmem:s26+$0xFFFFFF00];
	v25 =	vperm.xlane v21, v1  }
0x3ee: {  	v9 =	vmul.f32 v14, v9;
	v6 =	vmul.f32 v6, v13;
	v26 =	vld [tilespmem:s21+$0xFFFFFF10];
	v13 =	vadd.f32 v10, v24  }
0x3ef: {  	v7 =	vmul.f32 v7, v12;
	v8 =	vmul.f32 v8, v11;
	v10 =	vld [tilespmem:s26+$0xFFFFFF10];
	v11 =	vadd.f32 v21, v25  }
0x3f0: {  	v14 =	vmul.f32 v18, v16;
	v15 =	vmul.f32 v17, v15;
	v12 =	vld [tilespmem:s21+$0xFFFFFF20]  }
0x3f1: {  	v17 =	vmul.f32 v22, v20;
	v16 =	vld [tilespmem:s26+$0xFFFFFF20];
	v18 =	vmul.f32 v23, v19  }
0x3f2: {  	v9 =	vadd.f32 v6, v9;
	v7 =	vadd.f32 v8, v7;
	v8 =	vperm.xlane v11, v3;
	v19 =	vld [tilespmem:s21+$0xFFFFFF30]  }
0x3f3: {  	v14 =	vadd.f32 v15, v14;
	v20 =	vld [tilespmem:s26+$0xFFFFFF30];
	v15 =	vadd.f32 v18, v17;
	v17 =	vperm.xlane v13, v3  }
0x3f4: {  	v6 =	vmul.f32 v10, v26;
	v18 =	vld [tilespmem:s21+$0xFFFFFF40];
	v10 =	vadd.f32 v11, v8  }
0x3f5: {  	v7 =	vadd.f32 v7, v9;
	v8 =	vld [tilespmem:s26+$0xFFFFFF40];
	v11 =	vadd.f32 v15, v14  }
0x3f6: {  	v9 =	vadd.f32 v13, v17;
	v12 =	vmul.f32 v16, v12;
	v14 =	vld [tilespmem:s21+$0xFFFFFF50]  }
0x3f7: {  	v13 =	vld [tilespmem:s26+$0xFFFFFF50];
	v11 =	vadd.f32 v11, v7  }
0x3f8: {  	v7 =	vmul.f32 v20, v19;
	v15 =	vld [tilespmem:s21+$0xFFFFFF60]  }
0x3f9: {  	v16 =	vld [tilespmem:s26+$0xFFFFFF60];
	v17 =	vperm.xlane v11, v2  }
0x3fa: {  	v8 =	vmul.f32 v8, v18;
	v18 =	vld [tilespmem:s21+$0xFFFFFF70];
	v7 =	vadd.f32 v7, v12  }
0x3fb: {  	v12 =	vld [tilespmem:s26+$0xFFFFFF70];
	v11 =	vadd.f32 v11, v17  }
0x3fc: {  	v13 =	vmul.f32 v13, v14;
	v14 =	vld [tilespmem:s21+$0xFFFFFF80]  }
0x3fd: {  	v17 =	vld [tilespmem:s26+$0xFFFFFF80];
	v19 =	vperm.xlane v11, v0  }
0x3fe: {  	v15 =	vmul.f32 v16, v15;
	v8 =	vadd.f32 v13, v8;
	v13 =	vld [tilespmem:s21+$0xFFFFFF90]  }
0x3ff: {  	v16 =	vld [tilespmem:s26+$0xFFFFFF90];
	v11 =	vadd.f32 v11, v19  }
0x400: {  	v12 =	vmul.f32 v12, v18;
	v18 =	vld [tilespmem:s21+$0xFFFFFFA0]  }
0x401: {  	v19 =	vld [tilespmem:s26+$0xFFFFFFA0];
	v20 =	vperm.xlane v11, v1  }
0x402: {  	v12 =	vadd.f32 v12, v15;
	v14 =	vmul.f32 v17, v14;
	v15 =	vld [tilespmem:s21+$0xFFFFFFB0]  }
0x403: {  	s29 =	sadd.s32 $0x107, s31;
	v17 =	vld [tilespmem:s26+$0xFFFFFFB0];
	v11 =	vadd.f32 v11, v20  }
0x404: {  	v8 =	vadd.f32 v12, v8;
	v12 =	vmul.f32 v16, v13;
	v13 =	vld [tilespmem:s21+$0xFFFFFFC0];
	v16 =	vmov s29  }
0x405: {  	v20 =	vld [tilespmem:s26+$0xFFFFFFC0];
	v21 =	vperm.xlane v11, v3  }
0x406: {  	v18 =	vmul.f32 v19, v18;
	v19 =	vld [tilespmem:s21+$0xFFFFFFD0];
	v12 =	vadd.f32 v12, v14  }
0x407: {  	v14 =	vld [tilespmem:s26+$0xFFFFFFD0];
	v11 =	vadd.f32 v11, v21  }
0x408: {  	v15 =	vmul.f32 v17, v15;
	v17 =	vld [tilespmem:s21+$0xFFFFFFE0]  }
0x409: {  	[tilespmem:v16+s24+$0x0] =	vst.idx.add.f32.msk $0x1, v11  }
0x40a: {  	v11 =	vmul.f32 v20, v13;
	v13 =	vld [tilespmem:s26+$0xFFFFFFE0];
	v15 =	vadd.f32 v15, v18  }
0x40b: {  	v16 =	vld [tilespmem:s21+$0xFFFFFFF0]  }
0x40c: {  	v14 =	vmul.f32 v14, v19;
	v18 =	vld [tilespmem:s26+$0xFFFFFFF0];
	v12 =	vadd.f32 v15, v12  }
0x40d: {  	v15 =	vld [tilespmem:s21+$0x0]  }
0x40e: {  	v11 =	vadd.f32 v14, v11;
	v14 =	vld [tilespmem:s26+$0x0]  }
0x40f: {  	v13 =	vmul.f32 v13, v17;
	v17 =	vld [tilespmem:s21+$0x10]  }
0x410: {  	v19 =	vld [tilespmem:s26+$0x10]  }
0x411: {  	v16 =	vmul.f32 v18, v16;
	v18 =	vld [tilespmem:s21+$0x20]  }
0x412: {  	v20 =	vld [tilespmem:s26+$0x20]  }
0x413: {  	v13 =	vadd.f32 v16, v13;
	v14 =	vmul.f32 v14, v15;
	v15 =	vld [tilespmem:s21+$0x30]  }
0x414: {  	s29 =	sadd.s32 $0x104, s0;
	v16 =	vld [tilespmem:s26+$0x30]  }
0x415: {  	v11 =	vadd.f32 v13, v11;
	v13 =	vmul.f32 v19, v17;
	v17 =	vld [tilespmem:s21+$0x40];
	v19 =	vmov s29;
	s29 =	sadd.s32 $0x105, s0  }
0x416: {  	v21 =	vld [tilespmem:s26+$0x40];
	v19 =	vand.u32 $0xFFFFFFFC, v19;
	v22 =	vmov s29  }
0x417: {  	s29 =	sadd.s32 $0x106, s0;
	s0 =	smov.u32 s31;
	v11 =	vadd.f32 v11, v12;
	v12 =	vmul.f32 v20, v18;
	v18 =	vld [tilespmem:s21+$0x50];
	v13 =	vadd.f32 v13, v14  }
0x418: {  	v19 =	vbroadcast v19, $0x0;
	v14 =	vand.u32 $0xFFFFFFFD, v22;
	v22 =	vmov s29;
	v20 =	vld [tilespmem:s26+$0x50]  }
0x419: {  	v22 =	vand.u32 $0xFFFFFFFE, v22;
	v23 =	vperm.xlane v11, v2;
	v15 =	vmul.f32 v16, v15;
	v16 =	vld [tilespmem:s21+$0x60]  }
0x41a: {  	v25 =	vbroadcast v14, $0x0;
	v22 =	vbroadcast v22, $0x0;
	v24 =	vld [tilespmem:s26+$0x60]  }
0x41b: {  	v23 =	vadd.f32 v11, v23;
	v17 =	vmul.f32 v21, v17;
	v21 =	vld [tilespmem:s21+$0x70];
	v11 =	vadd.f32 v15, v12  }
0x41c: {  	v15 =	vld [tilespmem:s26+$0x70]  }
.Ltmp4:
0x41d: {  	v14 =	vld [tilespmem:s21+$0xFFFFFF00];
	v12 =	vperm.xlane v23, v0;
	v18 =	vmul.f32 v20, v18;
	v11 =	vadd.f32 v11, v13;
	(pc) =	sbr.rel @p0 .LBB2_10-.Ltmp4, $4  }
0x41e: {  	[tilespmem:v19+s24+$0x0] =	vst.idx.add.f32.msk $0x1, v10  }
0x41f: {  	v10 =	vadd.f32 v23, v12;
	v13 =	vmul.f32 v24, v16;
	v12 =	vadd.f32 v18, v17  }
0x420: {  	[tilespmem:v25+s24+$0x0] =	vst.idx.add.f32.msk $0x1, v4  }
0x421: {  	s21 =	sadd.s32 $0x200, s21;
	v4 =	vperm.xlane v10, v1;
	v15 =	vmul.f32 v15, v21;
	[tilespmem:v22+s24+$0x0] =	vst.idx.add.f32.msk $0x1, v9  }
0x422: {  	v5 =	vmul.f32 v5, v14;
	_ =	sdelay $0x1  }
0x423: {  	v5 =	vadd.f32 v6, v5  }
0x424: {  	v6 =	vadd.f32 v15, v13  }
0x425: {  	v5 =	vadd.f32 v7, v5  }
0x426: {  	v6 =	vadd.f32 v6, v12  }
0x427: {  	v5 =	vadd.f32 v8, v5  }
0x428: {  	v6 =	vadd.f32 v6, v11  }
0x429: {  	v7 =	vperm.xlane v5, v2  }
0x42a: {  	v8 =	vperm.xlane v6, v2  }
0x42b: {  	v5 =	vadd.f32 v5, v7  }
0x42c: {  	v6 =	vadd.f32 v6, v8  }
0x42d: {  	v7 =	vperm.xlane v5, v0  }
0x42e: {  	v8 =	vperm.xlane v6, v0  }
0x42f: {  	v5 =	vadd.f32 v5, v7  }
0x430: {  	s21 =	sadd.s32 $0x106, s0;
	v6 =	vadd.f32 v6, v8  }
0x431: {  	v11 =	vmov s21;
	v7 =	vperm.xlane v5, v1  }
0x432: {  	s17 =	sadd.s32 $0x104, s0;
	v4 =	vadd.f32 v10, v4;
	v10 =	vand.u32 $0xFFFFFFFE, v11;
	v8 =	vperm.xlane v6, v1  }
0x433: {  	s31 =	sadd.s32 $0x105, s0;
	v9 =	vmov s17;
	v10 =	vbroadcast v10, $0x0;
	v5 =	vadd.f32 v5, v7  }
0x434: {  	v7 =	vand.u32 $0xFFFFFFFC, v9;
	v9 =	vmov s31;
	v6 =	vadd.f32 v6, v8  }
0x435: {  	v7 =	vbroadcast v7, $0x0;
	v9 =	vand.u32 $0xFFFFFFFD, v9  }
0x436: {  	v9 =	vbroadcast v9, $0x0;
	v12 =	vperm.xlane v6, v3  }
0x437: {  	v8 =	vperm.xlane v5, v3  }
0x438: {  	v11 =	vperm.xlane v4, v3;
	v6 =	vadd.f32 v6, v12  }
0x439: {  	v5 =	vadd.f32 v5, v8  }
0x43a: {  	v4 =	vadd.f32 v4, v11;
	[tilespmem:v10+s24+$0x0] =	vst.idx.add.f32.msk $0x1, v6  }
0x43b: {  	[tilespmem:v7+s24+$0x0] =	vst.idx.add.f32.msk $0x1, v5  }
0x43c: {  	[tilespmem:v9+s24+$0x0] =	vst.idx.add.f32.msk $0x1, v4  }
0x43d: {  	[tilespmem:s14], [sflag:$0x1] =	stream.indirect.gather [hbm4b:s1+s13], $0x80, s28, s13, $0xb8;
	[tilespmem:$0x8A00] =	vst v63  }
0x43e: {  	_ = 	snop  }
0x43f: {  	[tilespmem:s15], [sflag:$0x1] =	stream.indirect.gather [hbm4b:s2+s13], $0x80, s16, s13, $0xb8;
	[tilespmem:$0x8A00] =	vst v63  }
0x440: {  	s26 =	simm.s32 $0x8580  }
0x441: {  	[tilespmem:s26], [sflag:$0x1] =	stream.indirect.gather [hbm4b:s3+s13], $0x1, s28, s13, $0xb8;
	[tilespmem:$0x8A00] =	vst v63  }
0x442: {  	s29 =	simm.s32 $0x8780  }
0x443: {  	[tilespmem:s29], [sflag:$0x1] =	stream.indirect.gather [hbm4b:s6+s13], $0x1, s16, s13, $0xb8;
	[tilespmem:$0x8A00] =	vst v63  }
0x444: {  	_ =	swait.ge [sflag:s30], $0x2000  }
0x445: {  	[sflag:s30] =	ssyncset.done $0x0  }
0x446: {  	[sflag:s30] =	ssyncadd.s32 $0xFFFFE000  }
0x447: {  	_ =	swait.ge [sflag:s30], $0x2000  }
0x448: {  	[sflag:s30] =	ssyncset.done $0x0  }
0x449: {  	[sflag:s30] =	ssyncadd.s32 $0xFFFFE000  }
0x44a: {  	_ =	swait.ge [sflag:s30], $0x40  }
0x44b: {  	[sflag:s30] =	ssyncset.done $0x0  }
0x44c: {  	[sflag:s30] =	ssyncadd.s32 $0xFFFFFFC0  }
0x44d: {  	_ =	swait.ge [sflag:s30], $0x40  }
0x44e: {  	[sflag:s30] =	ssyncset.done $0x0  }
0x44f: {  	[sflag:s30] =	ssyncadd.s32 $0xFFFFFFC0  }
0x450: {  	v4 =	vld [tilespmem:$0x8540]  }
0x451: {  	v5 =	vld [tilespmem:$0x8740]  }
0x452: {  	v6 =	vld [tilespmem:$0x8550]  }
0x453: {  	v7 =	vld [tilespmem:$0x8750]  }
0x454: {  	v8 =	vld [tilespmem:$0x8560]  }
0x455: {  	v9 =	vld [tilespmem:$0x8760]  }
0x456: {  	v10 =	vld [tilespmem:$0x8570]  }
0x457: {  	v11 =	vld [tilespmem:$0x8770];
	_ =	sdelay $0x1  }
0x458: {  	v4 =	vadd.f32 v5, v4  }
0x459: {  	v5 =	vadd.f32 v7, v6  }
0x45a: {  	[tilespmem:$0x8940] =	vst v4;
	v4 =	vadd.f32 v9, v8  }
0x45b: {  	[tilespmem:$0x8950] =	vst v5;
	v5 =	vadd.f32 v11, v10  }
0x45c: {  	[tilespmem:$0x8960] =	vst v4  }
0x45d: {  	s21 =	simm.s32 $0x2500;
	[tilespmem:$0x8970] =	vst v5  }
0x45e: {  	s26 =	simm.s32 $0x6500;
	v4 =	vld [tilespmem:s21+$0x80]  }
0x45f: {  	v5 =	vld [tilespmem:s26+$0x80]  }
0x460: {  	v6 =	vld [tilespmem:s21+$0x90]  }
0x461: {  	v7 =	vld [tilespmem:s26+$0x90]  }
0x462: {  	v8 =	vld [tilespmem:s21+$0xA0]  }
0x463: {  	v9 =	vld [tilespmem:s26+$0xA0]  }
0x464: {  	v10 =	vld [tilespmem:s21+$0xB0]  }
0x465: {  	v11 =	vld [tilespmem:s26+$0xB0]  }
0x466: {  	v12 =	vld [tilespmem:s21+$0xC0]  }
0x467: {  	v13 =	vld [tilespmem:s26+$0xC0]  }
0x468: {  	v14 =	vld [tilespmem:s21+$0xD0]  }
0x469: {  	v15 =	vld [tilespmem:s26+$0xD0]  }
0x46a: {  	v16 =	vld [tilespmem:s21+$0xE0]  }
0x46b: {  	v17 =	vld [tilespmem:s26+$0xE0]  }
0x46c: {  	v18 =	vld [tilespmem:s21+$0xF0]  }
0x46d: {  	v19 =	vld [tilespmem:s26+$0xF0]  }
0x46e: {  	v20 =	vld [tilespmem:s21+$0xFFFFFF10]  }
0x46f: {  	v21 =	vld [tilespmem:s26+$0xFFFFFF10]  }
0x470: {  	v22 =	vld [tilespmem:s21+$0xFFFFFF20]  }
0x471: {  	v23 =	vld [tilespmem:s26+$0xFFFFFF20]  }
0x472: {  	v24 =	vld [tilespmem:s21+$0xFFFFFF30]  }
0x473: {  	v25 =	vld [tilespmem:s26+$0xFFFFFF30]  }
0x474: {  	v26 =	vld [tilespmem:s21+$0xFFFFFF40]  }
0x475: {  	v27 =	vld [tilespmem:s26+$0xFFFFFF40]  }
0x476: {  	v28 =	vld [tilespmem:s21+$0xFFFFFF50]  }
0x477: {  	v29 =	vld [tilespmem:s26+$0xFFFFFF50]  }
0x478: {  	v30 =	vld [tilespmem:s21+$0xFFFFFF60]  }
0x479: {  	v31 =	vld [tilespmem:s26+$0xFFFFFF60]  }
0x47a: {  	v32 =	vld [tilespmem:s21+$0xFFFFFF70]  }
0x47b: {  	v33 =	vld [tilespmem:s26+$0xFFFFFF70]  }
0x47c: {  	v34 =	vld [tilespmem:s21+$0xFFFFFF80]  }
0x47d: {  	v35 =	vld [tilespmem:s26+$0xFFFFFF80]  }
0x47e: {  	v36 =	vld [tilespmem:s21+$0xFFFFFF90]  }
0x47f: {  	v37 =	vld [tilespmem:s26+$0xFFFFFF90]  }
0x480: {  	v38 =	vld [tilespmem:s21+$0xFFFFFFA0]  }
0x481: {  	v39 =	vld [tilespmem:s26+$0xFFFFFFA0]  }
0x482: {  	v51 =	vld [tilespmem:s26+$0x0]  }
0x483: {  	v4 =	vmul.f32 v5, v4;
	v5 =	vmul.f32 v7, v6;
	v6 =	vld [tilespmem:s21+$0xFFFFFFB0]  }
0x484: {  	v7 =	vmul.f32 v9, v8;
	v8 =	vmul.f32 v11, v10;
	v9 =	vld [tilespmem:s26+$0xFFFFFFB0]  }
0x485: {  	v10 =	vmul.f32 v13, v12;
	v11 =	vmul.f32 v15, v14;
	v12 =	vld [tilespmem:s21+$0xFFFFFFC0]  }
0x486: {  	v13 =	vmul.f32 v17, v16;
	v14 =	vmul.f32 v19, v18;
	v15 =	vld [tilespmem:s26+$0xFFFFFFC0]  }
0x487: {  	v4 =	vadd.f32 v5, v4;
	v5 =	vadd.f32 v8, v7;
	v7 =	vld [tilespmem:s21+$0xFFFFFFD0]  }
0x488: {  	v8 =	vadd.f32 v11, v10;
	v10 =	vadd.f32 v14, v13;
	v11 =	vld [tilespmem:s26+$0xFFFFFFD0]  }
0x489: {  	v13 =	vld [tilespmem:s21+$0xFFFFFFE0]  }
0x48a: {  	v4 =	vadd.f32 v5, v4;
	v5 =	vadd.f32 v10, v8;
	v8 =	vld [tilespmem:s26+$0xFFFFFFE0]  }
0x48b: {  	v10 =	vld [tilespmem:s21+$0xFFFFFFF0]  }
0x48c: {  	v4 =	vadd.f32 v5, v4;
	v5 =	vld [tilespmem:s26+$0xFFFFFFF0]  }
0x48d: {  	v53 =	vld [tilespmem:s26+$0x40];
	v50 =	vmul.f32 v37, v36  }
0x48e: {  	v56 =	vld [tilespmem:s21+$0x50];
	v52 =	vmul.f32 v39, v38;
	v17 =	vperm.xlane v4, v2  }
0x48f: {  	v58 =	vld [tilespmem:s26+$0x50];
	v14 =	vmul.f32 v35, v34;
	v6 =	vmul.f32 v9, v6  }
0x490: {  	v60 =	vld [tilespmem:s21+$0x60];
	v12 =	vmul.f32 v15, v12;
	v7 =	vmul.f32 v11, v7;
	v4 =	vadd.f32 v4, v17  }
0x491: {  	v9 =	vld [tilespmem:s21+$0x10];
	v8 =	vmul.f32 v8, v13;
	v5 =	vmul.f32 v5, v10  }
0x492: {  	v15 =	vld [tilespmem:s26+$0x20];
	v6 =	vadd.f32 v6, v52;
	v13 =	vadd.f32 v50, v14;
	v14 =	vperm.xlane v4, v0  }
0x493: {  	v11 =	vld [tilespmem:s26+$0x10];
	v7 =	vadd.f32 v7, v12;
	v5 =	vadd.f32 v5, v8  }
0x494: {  	v12 =	vld [tilespmem:s26+$0x30];
	v4 =	vadd.f32 v4, v14  }
0x495: {  	v10 =	vld [tilespmem:s21+$0x20];
	v6 =	vadd.f32 v6, v13;
	v5 =	vadd.f32 v5, v7  }
0x496: {  	v54 =	vmul.f32 v29, v28;
	v8 =	vld [tilespmem:s21+$0x30];
	v55 =	vperm.xlane v4, v1  }
0x497: {  	v16 =	vld [tilespmem:s21+$0x0];
	v57 =	vmul.f32 v33, v32;
	v17 =	vmul.f32 v27, v26;
	v5 =	vadd.f32 v5, v6  }
0x498: {  	s31 =	simm.s32 $0x143;
	v62 =	vld [tilespmem:s26+$0x60];
	v14 =	vmul.f32 v23, v22;
	v7 =	vmul.f32 v25, v24;
	v4 =	vadd.f32 v4, v55  }
0x499: {  	v61 =	vmov s31;
	v13 =	vld [tilespmem:s21+$0x40];
	v9 =	vmul.f32 v11, v9;
	v59 =	vperm.xlane v5, v2  }
0x49a: {  	v63 =	vld [tilespmem:s21+$0x70];
	v6 =	vmul.f32 v31, v30;
	v7 =	vadd.f32 v7, v14;
	v11 =	vperm.xlane v4, v3  }
0x49b: {  	v14 =	vld [tilespmem:s21+$0xFFFFFF00];
	v22 =	vadd.f32 v5, v59;
	v5 =	vmul.f32 v15, v10;
	v10 =	vmul.f32 v12, v8  }
0x49c: {  	v16 =	vmul.f32 v51, v16;
	v17 =	vadd.f32 v54, v17;
	v6 =	vadd.f32 v57, v6;
	v15 =	vld [tilespmem:s26+$0x70]  }
0x49d: {  	v4 =	vadd.f32 v4, v11;
	v11 =	vperm.xlane v22, v0;
	v12 =	vadd.f32 v10, v5;
	v5 =	vld [tilespmem:s26+$0xFFFFFF00]  }
0x49e: {  	v9 =	vadd.f32 v9, v16;
	v16 =	vmul.f32 v53, v13;
	v13 =	vmul.f32 v62, v60  }
0x49f: {  	v8 =	vadd.f32 v6, v17;
	v17 =	vmul.f32 v58, v56;
	v10 =	vadd.f32 v22, v11  }
0x4a0: {  	v6 =	vmul.f32 v21, v20;
	[tilespmem:v61+s24+$0x0] =	vst.idx.add.f32.msk $0x1, v4;
	v11 =	vadd.f32 v12, v9  }
0x4a1: {  	s0 =	simm.s32 $0xFFFFFFFC;
	s17 =	simm.s32 $0x0;
	s21 =	simm.s32 $0x2700;
	v12 =	vadd.f32 v17, v16;
	v15 =	vmul.f32 v15, v63;
	v4 =	vperm.xlane v10, v1  }
.LBB2_12:
0x4a2: {  	v9 =	vld [tilespmem:s21+$0x80];
	v5 =	vmul.f32 v5, v14;
	s26 =	sadd.s32 $0x200, s26;
	s31 =	smov.u32 s17  }
0x4a3: {  	v14 =	vld [tilespmem:s26+$0x80];
	v4 =	vadd.f32 v10, v4;
	v10 =	vadd.f32 v15, v13  }
0x4a4: {  	v13 =	vld [tilespmem:s21+$0x90];
	v5 =	vadd.f32 v6, v5  }
0x4a5: {  	v6 =	vld [tilespmem:s26+$0x90];
	v15 =	vperm.xlane v4, v3;
	v10 =	vadd.f32 v10, v12  }
0x4a6: {  	v12 =	vld [tilespmem:s21+$0xA0];
	v5 =	vadd.f32 v7, v5  }
0x4a7: {  	v7 =	vld [tilespmem:s26+$0xA0];
	v4 =	vadd.f32 v4, v15;
	v10 =	vadd.f32 v10, v11  }
0x4a8: {  	v11 =	vld [tilespmem:s21+$0xB0];
	v5 =	vadd.f32 v8, v5  }
0x4a9: {  	v8 =	vld [tilespmem:s26+$0xB0];
	v15 =	vperm.xlane v10, v2  }
0x4aa: {  	v16 =	vld [tilespmem:s21+$0xC0];
	v17 =	vperm.xlane v5, v2  }
0x4ab: {  	v18 =	vld [tilespmem:s26+$0xC0];
	v10 =	vadd.f32 v10, v15  }
0x4ac: {  	v15 =	vld [tilespmem:s21+$0xD0];
	v5 =	vadd.f32 v5, v17  }
0x4ad: {  	v17 =	vld [tilespmem:s26+$0xD0];
	v19 =	vperm.xlane v10, v0  }
0x4ae: {  	v20 =	vld [tilespmem:s21+$0xE0];
	v21 =	vperm.xlane v5, v0  }
0x4af: {  	v22 =	vld [tilespmem:s26+$0xE0];
	v10 =	vadd.f32 v10, v19  }
0x4b0: {  	v19 =	vld [tilespmem:s21+$0xF0];
	v21 =	vadd.f32 v5, v21  }
0x4b1: {  	s17 =	sadd.s32 $0x4, s17;
	v23 =	vld [tilespmem:s26+$0xF0];
	v24 =	vperm.xlane v10, v1  }
0x4b2: {  	p0 =	slt.u32 s17, $0x3C;
	v5 =	vld [tilespmem:s26+$0xFFFFFF00];
	v25 =	vperm.xlane v21, v1  }
0x4b3: {  	v9 =	vmul.f32 v14, v9;
	v6 =	vmul.f32 v6, v13;
	v26 =	vld [tilespmem:s21+$0xFFFFFF10];
	v13 =	vadd.f32 v10, v24  }
0x4b4: {  	v7 =	vmul.f32 v7, v12;
	v8 =	vmul.f32 v8, v11;
	v10 =	vld [tilespmem:s26+$0xFFFFFF10];
	v11 =	vadd.f32 v21, v25  }
0x4b5: {  	v14 =	vmul.f32 v18, v16;
	v15 =	vmul.f32 v17, v15;
	v12 =	vld [tilespmem:s21+$0xFFFFFF20]  }
0x4b6: {  	v17 =	vmul.f32 v22, v20;
	v16 =	vld [tilespmem:s26+$0xFFFFFF20];
	v18 =	vmul.f32 v23, v19  }
0x4b7: {  	v9 =	vadd.f32 v6, v9;
	v7 =	vadd.f32 v8, v7;
	v8 =	vperm.xlane v11, v3;
	v19 =	vld [tilespmem:s21+$0xFFFFFF30]  }
0x4b8: {  	v14 =	vadd.f32 v15, v14;
	v20 =	vld [tilespmem:s26+$0xFFFFFF30];
	v15 =	vadd.f32 v18, v17;
	v17 =	vperm.xlane v13, v3  }
0x4b9: {  	v6 =	vmul.f32 v10, v26;
	v18 =	vld [tilespmem:s21+$0xFFFFFF40];
	v10 =	vadd.f32 v11, v8  }
0x4ba: {  	v7 =	vadd.f32 v7, v9;
	v8 =	vld [tilespmem:s26+$0xFFFFFF40];
	v11 =	vadd.f32 v15, v14  }
0x4bb: {  	v9 =	vadd.f32 v13, v17;
	v12 =	vmul.f32 v16, v12;
	v14 =	vld [tilespmem:s21+$0xFFFFFF50]  }
0x4bc: {  	v13 =	vld [tilespmem:s26+$0xFFFFFF50];
	v11 =	vadd.f32 v11, v7  }
0x4bd: {  	v7 =	vmul.f32 v20, v19;
	v15 =	vld [tilespmem:s21+$0xFFFFFF60]  }
0x4be: {  	v16 =	vld [tilespmem:s26+$0xFFFFFF60];
	v17 =	vperm.xlane v11, v2  }
0x4bf: {  	v8 =	vmul.f32 v8, v18;
	v18 =	vld [tilespmem:s21+$0xFFFFFF70];
	v7 =	vadd.f32 v7, v12  }
0x4c0: {  	v12 =	vld [tilespmem:s26+$0xFFFFFF70];
	v11 =	vadd.f32 v11, v17  }
0x4c1: {  	v13 =	vmul.f32 v13, v14;
	v14 =	vld [tilespmem:s21+$0xFFFFFF80]  }
0x4c2: {  	v17 =	vld [tilespmem:s26+$0xFFFFFF80];
	v19 =	vperm.xlane v11, v0  }
0x4c3: {  	v15 =	vmul.f32 v16, v15;
	v8 =	vadd.f32 v13, v8;
	v13 =	vld [tilespmem:s21+$0xFFFFFF90]  }
0x4c4: {  	v16 =	vld [tilespmem:s26+$0xFFFFFF90];
	v11 =	vadd.f32 v11, v19  }
0x4c5: {  	v12 =	vmul.f32 v12, v18;
	v18 =	vld [tilespmem:s21+$0xFFFFFFA0]  }
0x4c6: {  	v19 =	vld [tilespmem:s26+$0xFFFFFFA0];
	v20 =	vperm.xlane v11, v1  }
0x4c7: {  	v12 =	vadd.f32 v12, v15;
	v14 =	vmul.f32 v17, v14;
	v15 =	vld [tilespmem:s21+$0xFFFFFFB0]  }
0x4c8: {  	s29 =	sadd.s32 $0x147, s31;
	v17 =	vld [tilespmem:s26+$0xFFFFFFB0];
	v11 =	vadd.f32 v11, v20  }
0x4c9: {  	v8 =	vadd.f32 v12, v8;
	v12 =	vmul.f32 v16, v13;
	v13 =	vld [tilespmem:s21+$0xFFFFFFC0];
	v16 =	vmov s29  }
0x4ca: {  	v20 =	vld [tilespmem:s26+$0xFFFFFFC0];
	v21 =	vperm.xlane v11, v3  }
0x4cb: {  	v18 =	vmul.f32 v19, v18;
	v19 =	vld [tilespmem:s21+$0xFFFFFFD0];
	v12 =	vadd.f32 v12, v14  }
0x4cc: {  	v14 =	vld [tilespmem:s26+$0xFFFFFFD0];
	v11 =	vadd.f32 v11, v21  }
0x4cd: {  	v15 =	vmul.f32 v17, v15;
	v17 =	vld [tilespmem:s21+$0xFFFFFFE0]  }
0x4ce: {  	[tilespmem:v16+s24+$0x0] =	vst.idx.add.f32.msk $0x1, v11  }
0x4cf: {  	v11 =	vmul.f32 v20, v13;
	v13 =	vld [tilespmem:s26+$0xFFFFFFE0];
	v15 =	vadd.f32 v15, v18  }
0x4d0: {  	v16 =	vld [tilespmem:s21+$0xFFFFFFF0]  }
0x4d1: {  	v14 =	vmul.f32 v14, v19;
	v18 =	vld [tilespmem:s26+$0xFFFFFFF0];
	v12 =	vadd.f32 v15, v12  }
0x4d2: {  	v15 =	vld [tilespmem:s21+$0x0]  }
0x4d3: {  	v11 =	vadd.f32 v14, v11;
	v14 =	vld [tilespmem:s26+$0x0]  }
0x4d4: {  	v13 =	vmul.f32 v13, v17;
	v17 =	vld [tilespmem:s21+$0x10]  }
0x4d5: {  	v19 =	vld [tilespmem:s26+$0x10]  }
0x4d6: {  	v16 =	vmul.f32 v18, v16;
	v18 =	vld [tilespmem:s21+$0x20]  }
0x4d7: {  	v20 =	vld [tilespmem:s26+$0x20]  }
0x4d8: {  	v13 =	vadd.f32 v16, v13;
	v14 =	vmul.f32 v14, v15;
	v15 =	vld [tilespmem:s21+$0x30]  }
0x4d9: {  	s29 =	sadd.s32 $0x144, s0;
	v16 =	vld [tilespmem:s26+$0x30]  }
0x4da: {  	v11 =	vadd.f32 v13, v11;
	v13 =	vmul.f32 v19, v17;
	v17 =	vld [tilespmem:s21+$0x40];
	v19 =	vmov s29;
	s29 =	sadd.s32 $0x145, s0  }
0x4db: {  	v21 =	vld [tilespmem:s26+$0x40];
	v19 =	vand.u32 $0xFFFFFFFC, v19;
	v22 =	vmov s29  }
0x4dc: {  	s29 =	sadd.s32 $0x146, s0;
	s0 =	smov.u32 s31;
	v11 =	vadd.f32 v11, v12;
	v12 =	vmul.f32 v20, v18;
	v18 =	vld [tilespmem:s21+$0x50];
	v13 =	vadd.f32 v13, v14  }
0x4dd: {  	v19 =	vbroadcast v19, $0x0;
	v14 =	vand.u32 $0xFFFFFFFD, v22;
	v22 =	vmov s29;
	v20 =	vld [tilespmem:s26+$0x50]  }
0x4de: {  	v22 =	vand.u32 $0xFFFFFFFE, v22;
	v23 =	vperm.xlane v11, v2;
	v15 =	vmul.f32 v16, v15;
	v16 =	vld [tilespmem:s21+$0x60]  }
0x4df: {  	v25 =	vbroadcast v14, $0x0;
	v22 =	vbroadcast v22, $0x0;
	v24 =	vld [tilespmem:s26+$0x60]  }
0x4e0: {  	v23 =	vadd.f32 v11, v23;
	v17 =	vmul.f32 v21, v17;
	v21 =	vld [tilespmem:s21+$0x70];
	v11 =	vadd.f32 v15, v12  }
0x4e1: {  	v15 =	vld [tilespmem:s26+$0x70]  }
.Ltmp5:
0x4e2: {  	v14 =	vld [tilespmem:s21+$0xFFFFFF00];
	v12 =	vperm.xlane v23, v0;
	v18 =	vmul.f32 v20, v18;
	v11 =	vadd.f32 v11, v13;
	(pc) =	sbr.rel @p0 .LBB2_12-.Ltmp5, $4  }
0x4e3: {  	[tilespmem:v19+s24+$0x0] =	vst.idx.add.f32.msk $0x1, v10  }
0x4e4: {  	v10 =	vadd.f32 v23, v12;
	v13 =	vmul.f32 v24, v16;
	v12 =	vadd.f32 v18, v17  }
0x4e5: {  	[tilespmem:v25+s24+$0x0] =	vst.idx.add.f32.msk $0x1, v4  }
0x4e6: {  	s21 =	sadd.s32 $0x200, s21;
	v4 =	vperm.xlane v10, v1;
	v15 =	vmul.f32 v15, v21;
	[tilespmem:v22+s24+$0x0] =	vst.idx.add.f32.msk $0x1, v9  }
0x4e7: {  	v5 =	vmul.f32 v5, v14;
	_ =	sdelay $0x1  }
0x4e8: {  	v5 =	vadd.f32 v6, v5  }
0x4e9: {  	v6 =	vadd.f32 v15, v13  }
0x4ea: {  	v5 =	vadd.f32 v7, v5  }
0x4eb: {  	v6 =	vadd.f32 v6, v12  }
0x4ec: {  	v5 =	vadd.f32 v8, v5  }
0x4ed: {  	v6 =	vadd.f32 v6, v11  }
0x4ee: {  	v7 =	vperm.xlane v5, v2  }
0x4ef: {  	v8 =	vperm.xlane v6, v2  }
0x4f0: {  	v5 =	vadd.f32 v5, v7  }
0x4f1: {  	v6 =	vadd.f32 v6, v8  }
0x4f2: {  	v7 =	vperm.xlane v5, v0  }
0x4f3: {  	v8 =	vperm.xlane v6, v0  }
0x4f4: {  	v5 =	vadd.f32 v5, v7  }
0x4f5: {  	s21 =	sadd.s32 $0x146, s0;
	v6 =	vadd.f32 v6, v8  }
0x4f6: {  	v11 =	vmov s21;
	v7 =	vperm.xlane v5, v1  }
0x4f7: {  	s17 =	sadd.s32 $0x144, s0;
	v4 =	vadd.f32 v10, v4;
	v10 =	vand.u32 $0xFFFFFFFE, v11;
	v8 =	vperm.xlane v6, v1  }
0x4f8: {  	s31 =	sadd.s32 $0x145, s0;
	v9 =	vmov s17;
	v10 =	vbroadcast v10, $0x0;
	v5 =	vadd.f32 v5, v7  }
0x4f9: {  	v7 =	vand.u32 $0xFFFFFFFC, v9;
	v9 =	vmov s31;
	v6 =	vadd.f32 v6, v8  }
0x4fa: {  	v7 =	vbroadcast v7, $0x0;
	v9 =	vand.u32 $0xFFFFFFFD, v9  }
0x4fb: {  	v9 =	vbroadcast v9, $0x0;
	v12 =	vperm.xlane v6, v3  }
0x4fc: {  	v8 =	vperm.xlane v5, v3  }
0x4fd: {  	v11 =	vperm.xlane v4, v3;
	v6 =	vadd.f32 v6, v12  }
0x4fe: {  	v5 =	vadd.f32 v5, v8  }
0x4ff: {  	v4 =	vadd.f32 v4, v11;
	[tilespmem:v10+s24+$0x0] =	vst.idx.add.f32.msk $0x1, v6  }
0x500: {  	[tilespmem:v7+s24+$0x0] =	vst.idx.add.f32.msk $0x1, v5  }
0x501: {  	[tilespmem:v9+s24+$0x0] =	vst.idx.add.f32.msk $0x1, v4  }
0x502: {  	[tilespmem:s18], [sflag:$0x2] =	stream.indirect.gather [hbm4b:s1+s13], $0x80, s22, s13, $0xb8;
	[tilespmem:$0x8A00] =	vst v63  }
0x503: {  	_ = 	snop  }
0x504: {  	[tilespmem:s20], [sflag:$0x2] =	stream.indirect.gather [hbm4b:s2+s13], $0x80, s19, s13, $0xb8;
	[tilespmem:$0x8A00] =	vst v63  }
0x505: {  	s26 =	simm.s32 $0x85C0  }
0x506: {  	[tilespmem:s26], [sflag:$0x2] =	stream.indirect.gather [hbm4b:s3+s13], $0x1, s22, s13, $0xb8;
	[tilespmem:$0x8A00] =	vst v63  }
0x507: {  	s29 =	simm.s32 $0x87C0  }
0x508: {  	[tilespmem:s29], [sflag:$0x2] =	stream.indirect.gather [hbm4b:s6+s13], $0x1, s19, s13, $0xb8;
	[tilespmem:$0x8A00] =	vst v63  }
0x509: {  	_ =	swait.ge [sflag:s23], $0x2000  }
0x50a: {  	[sflag:s23] =	ssyncset.done $0x0  }
0x50b: {  	[sflag:s23] =	ssyncadd.s32 $0xFFFFE000  }
0x50c: {  	_ =	swait.ge [sflag:s23], $0x2000  }
0x50d: {  	[sflag:s23] =	ssyncset.done $0x0  }
0x50e: {  	[sflag:s23] =	ssyncadd.s32 $0xFFFFE000  }
0x50f: {  	_ =	swait.ge [sflag:s23], $0x40  }
0x510: {  	[sflag:s23] =	ssyncset.done $0x0  }
0x511: {  	[sflag:s23] =	ssyncadd.s32 $0xFFFFFFC0  }
0x512: {  	_ =	swait.ge [sflag:s23], $0x40  }
0x513: {  	[sflag:s23] =	ssyncset.done $0x0  }
0x514: {  	[sflag:s23] =	ssyncadd.s32 $0xFFFFFFC0  }
0x515: {  	v4 =	vld [tilespmem:$0x8580]  }
0x516: {  	v5 =	vld [tilespmem:$0x8780]  }
0x517: {  	v6 =	vld [tilespmem:$0x8590]  }
0x518: {  	v7 =	vld [tilespmem:$0x8790]  }
0x519: {  	v8 =	vld [tilespmem:$0x85A0]  }
0x51a: {  	v9 =	vld [tilespmem:$0x87A0]  }
0x51b: {  	v10 =	vld [tilespmem:$0x85B0]  }
0x51c: {  	v11 =	vld [tilespmem:$0x87B0];
	_ =	sdelay $0x1  }
0x51d: {  	v4 =	vadd.f32 v5, v4  }
0x51e: {  	v5 =	vadd.f32 v7, v6  }
0x51f: {  	[tilespmem:$0x8980] =	vst v4;
	v4 =	vadd.f32 v9, v8  }
0x520: {  	[tilespmem:$0x8990] =	vst v5;
	v5 =	vadd.f32 v11, v10  }
0x521: {  	[tilespmem:$0x89A0] =	vst v4  }
0x522: {  	s21 =	simm.s32 $0x500;
	[tilespmem:$0x89B0] =	vst v5  }
0x523: {  	s26 =	simm.s32 $0x4500;
	v4 =	vld [tilespmem:s21+$0x80]  }
0x524: {  	v5 =	vld [tilespmem:s26+$0x80]  }
0x525: {  	v6 =	vld [tilespmem:s21+$0x90]  }
0x526: {  	v7 =	vld [tilespmem:s26+$0x90]  }
0x527: {  	v8 =	vld [tilespmem:s21+$0xA0]  }
0x528: {  	v9 =	vld [tilespmem:s26+$0xA0]  }
0x529: {  	v10 =	vld [tilespmem:s21+$0xB0]  }
0x52a: {  	v11 =	vld [tilespmem:s26+$0xB0]  }
0x52b: {  	v12 =	vld [tilespmem:s21+$0xC0]  }
0x52c: {  	v13 =	vld [tilespmem:s26+$0xC0]  }
0x52d: {  	v14 =	vld [tilespmem:s21+$0xD0]  }
0x52e: {  	v15 =	vld [tilespmem:s26+$0xD0]  }
0x52f: {  	v16 =	vld [tilespmem:s21+$0xE0]  }
0x530: {  	v17 =	vld [tilespmem:s26+$0xE0]  }
0x531: {  	v18 =	vld [tilespmem:s21+$0xF0]  }
0x532: {  	v19 =	vld [tilespmem:s26+$0xF0]  }
0x533: {  	v20 =	vld [tilespmem:s21+$0xFFFFFF10]  }
0x534: {  	v21 =	vld [tilespmem:s26+$0xFFFFFF10]  }
0x535: {  	v22 =	vld [tilespmem:s21+$0xFFFFFF20]  }
0x536: {  	v23 =	vld [tilespmem:s26+$0xFFFFFF20]  }
0x537: {  	v24 =	vld [tilespmem:s21+$0xFFFFFF30]  }
0x538: {  	v25 =	vld [tilespmem:s26+$0xFFFFFF30]  }
0x539: {  	v26 =	vld [tilespmem:s21+$0xFFFFFF40]  }
0x53a: {  	v27 =	vld [tilespmem:s26+$0xFFFFFF40]  }
0x53b: {  	v28 =	vld [tilespmem:s21+$0xFFFFFF50]  }
0x53c: {  	v29 =	vld [tilespmem:s26+$0xFFFFFF50]  }
0x53d: {  	v30 =	vld [tilespmem:s21+$0xFFFFFF60]  }
0x53e: {  	v31 =	vld [tilespmem:s26+$0xFFFFFF60]  }
0x53f: {  	v32 =	vld [tilespmem:s21+$0xFFFFFF70]  }
0x540: {  	v33 =	vld [tilespmem:s26+$0xFFFFFF70]  }
0x541: {  	v34 =	vld [tilespmem:s21+$0xFFFFFF80]  }
0x542: {  	v35 =	vld [tilespmem:s26+$0xFFFFFF80]  }
0x543: {  	v36 =	vld [tilespmem:s21+$0xFFFFFF90]  }
0x544: {  	v37 =	vld [tilespmem:s26+$0xFFFFFF90]  }
0x545: {  	v38 =	vld [tilespmem:s21+$0xFFFFFFA0]  }
0x546: {  	v39 =	vld [tilespmem:s26+$0xFFFFFFA0]  }
0x547: {  	v51 =	vld [tilespmem:s26+$0x0]  }
0x548: {  	v4 =	vmul.f32 v5, v4;
	v5 =	vmul.f32 v7, v6;
	v6 =	vld [tilespmem:s21+$0xFFFFFFB0]  }
0x549: {  	v7 =	vmul.f32 v9, v8;
	v8 =	vmul.f32 v11, v10;
	v9 =	vld [tilespmem:s26+$0xFFFFFFB0]  }
0x54a: {  	v10 =	vmul.f32 v13, v12;
	v11 =	vmul.f32 v15, v14;
	v12 =	vld [tilespmem:s21+$0xFFFFFFC0]  }
0x54b: {  	v13 =	vmul.f32 v17, v16;
	v14 =	vmul.f32 v19, v18;
	v15 =	vld [tilespmem:s26+$0xFFFFFFC0]  }
0x54c: {  	v4 =	vadd.f32 v5, v4;
	v5 =	vadd.f32 v8, v7;
	v7 =	vld [tilespmem:s21+$0xFFFFFFD0]  }
0x54d: {  	v8 =	vadd.f32 v11, v10;
	v10 =	vadd.f32 v14, v13;
	v11 =	vld [tilespmem:s26+$0xFFFFFFD0]  }
0x54e: {  	v13 =	vld [tilespmem:s21+$0xFFFFFFE0]  }
0x54f: {  	v4 =	vadd.f32 v5, v4;
	v5 =	vadd.f32 v10, v8;
	v8 =	vld [tilespmem:s26+$0xFFFFFFE0]  }
0x550: {  	v10 =	vld [tilespmem:s21+$0xFFFFFFF0]  }
0x551: {  	v4 =	vadd.f32 v5, v4;
	v5 =	vld [tilespmem:s26+$0xFFFFFFF0]  }
0x552: {  	v53 =	vld [tilespmem:s26+$0x40];
	v50 =	vmul.f32 v37, v36  }
0x553: {  	v56 =	vld [tilespmem:s21+$0x50];
	v52 =	vmul.f32 v39, v38;
	v17 =	vperm.xlane v4, v2  }
0x554: {  	v58 =	vld [tilespmem:s26+$0x50];
	v14 =	vmul.f32 v35, v34;
	v6 =	vmul.f32 v9, v6  }
0x555: {  	v60 =	vld [tilespmem:s21+$0x60];
	v12 =	vmul.f32 v15, v12;
	v7 =	vmul.f32 v11, v7;
	v4 =	vadd.f32 v4, v17  }
0x556: {  	v9 =	vld [tilespmem:s21+$0x10];
	v8 =	vmul.f32 v8, v13;
	v5 =	vmul.f32 v5, v10  }
0x557: {  	v15 =	vld [tilespmem:s26+$0x20];
	v6 =	vadd.f32 v6, v52;
	v13 =	vadd.f32 v50, v14;
	v14 =	vperm.xlane v4, v0  }
0x558: {  	v11 =	vld [tilespmem:s26+$0x10];
	v7 =	vadd.f32 v7, v12;
	v5 =	vadd.f32 v5, v8  }
0x559: {  	v12 =	vld [tilespmem:s26+$0x30];
	v4 =	vadd.f32 v4, v14  }
0x55a: {  	v10 =	vld [tilespmem:s21+$0x20];
	v6 =	vadd.f32 v6, v13;
	v5 =	vadd.f32 v5, v7  }
0x55b: {  	v54 =	vmul.f32 v29, v28;
	v8 =	vld [tilespmem:s21+$0x30];
	v55 =	vperm.xlane v4, v1  }
0x55c: {  	v16 =	vld [tilespmem:s21+$0x0];
	v57 =	vmul.f32 v33, v32;
	v17 =	vmul.f32 v27, v26;
	v5 =	vadd.f32 v5, v6  }
0x55d: {  	s31 =	simm.s32 $0x183;
	v62 =	vld [tilespmem:s26+$0x60];
	v14 =	vmul.f32 v23, v22;
	v7 =	vmul.f32 v25, v24;
	v4 =	vadd.f32 v4, v55  }
0x55e: {  	v61 =	vmov s31;
	v13 =	vld [tilespmem:s21+$0x40];
	v9 =	vmul.f32 v11, v9;
	v59 =	vperm.xlane v5, v2  }
0x55f: {  	v63 =	vld [tilespmem:s21+$0x70];
	v6 =	vmul.f32 v31, v30;
	v7 =	vadd.f32 v7, v14;
	v11 =	vperm.xlane v4, v3  }
0x560: {  	v14 =	vld [tilespmem:s21+$0xFFFFFF00];
	v22 =	vadd.f32 v5, v59;
	v5 =	vmul.f32 v15, v10;
	v10 =	vmul.f32 v12, v8  }
0x561: {  	v16 =	vmul.f32 v51, v16;
	v17 =	vadd.f32 v54, v17;
	v6 =	vadd.f32 v57, v6;
	v15 =	vld [tilespmem:s26+$0x70]  }
0x562: {  	v4 =	vadd.f32 v4, v11;
	v11 =	vperm.xlane v22, v0;
	v12 =	vadd.f32 v10, v5;
	v5 =	vld [tilespmem:s26+$0xFFFFFF00]  }
0x563: {  	v9 =	vadd.f32 v9, v16;
	v16 =	vmul.f32 v53, v13;
	v13 =	vmul.f32 v62, v60  }
0x564: {  	v8 =	vadd.f32 v6, v17;
	v17 =	vmul.f32 v58, v56;
	v10 =	vadd.f32 v22, v11  }
0x565: {  	v6 =	vmul.f32 v21, v20;
	[tilespmem:v61+s24+$0x0] =	vst.idx.add.f32.msk $0x1, v4;
	v11 =	vadd.f32 v12, v9  }
0x566: {  	s0 =	simm.s32 $0xFFFFFFFC;
	s17 =	simm.s32 $0x0;
	s21 =	simm.s32 $0x700;
	v12 =	vadd.f32 v17, v16;
	v15 =	vmul.f32 v15, v63;
	v4 =	vperm.xlane v10, v1  }
.LBB2_14:
0x567: {  	v9 =	vld [tilespmem:s21+$0x80];
	v5 =	vmul.f32 v5, v14;
	s26 =	sadd.s32 $0x200, s26;
	s31 =	smov.u32 s17  }
0x568: {  	v14 =	vld [tilespmem:s26+$0x80];
	v4 =	vadd.f32 v10, v4;
	v10 =	vadd.f32 v15, v13  }
0x569: {  	v13 =	vld [tilespmem:s21+$0x90];
	v5 =	vadd.f32 v6, v5  }
0x56a: {  	v6 =	vld [tilespmem:s26+$0x90];
	v15 =	vperm.xlane v4, v3;
	v10 =	vadd.f32 v10, v12  }
0x56b: {  	v12 =	vld [tilespmem:s21+$0xA0];
	v5 =	vadd.f32 v7, v5  }
0x56c: {  	v7 =	vld [tilespmem:s26+$0xA0];
	v4 =	vadd.f32 v4, v15;
	v10 =	vadd.f32 v10, v11  }
0x56d: {  	v11 =	vld [tilespmem:s21+$0xB0];
	v5 =	vadd.f32 v8, v5  }
0x56e: {  	v8 =	vld [tilespmem:s26+$0xB0];
	v15 =	vperm.xlane v10, v2  }
0x56f: {  	v16 =	vld [tilespmem:s21+$0xC0];
	v17 =	vperm.xlane v5, v2  }
0x570: {  	v18 =	vld [tilespmem:s26+$0xC0];
	v10 =	vadd.f32 v10, v15  }
0x571: {  	v15 =	vld [tilespmem:s21+$0xD0];
	v5 =	vadd.f32 v5, v17  }
0x572: {  	v17 =	vld [tilespmem:s26+$0xD0];
	v19 =	vperm.xlane v10, v0  }
0x573: {  	v20 =	vld [tilespmem:s21+$0xE0];
	v21 =	vperm.xlane v5, v0  }
0x574: {  	v22 =	vld [tilespmem:s26+$0xE0];
	v10 =	vadd.f32 v10, v19  }
0x575: {  	v19 =	vld [tilespmem:s21+$0xF0];
	v21 =	vadd.f32 v5, v21  }
0x576: {  	s17 =	sadd.s32 $0x4, s17;
	v23 =	vld [tilespmem:s26+$0xF0];
	v24 =	vperm.xlane v10, v1  }
0x577: {  	p0 =	slt.u32 s17, $0x3C;
	v5 =	vld [tilespmem:s26+$0xFFFFFF00];
	v25 =	vperm.xlane v21, v1  }
0x578: {  	v9 =	vmul.f32 v14, v9;
	v6 =	vmul.f32 v6, v13;
	v26 =	vld [tilespmem:s21+$0xFFFFFF10];
	v13 =	vadd.f32 v10, v24  }
0x579: {  	v7 =	vmul.f32 v7, v12;
	v8 =	vmul.f32 v8, v11;
	v10 =	vld [tilespmem:s26+$0xFFFFFF10];
	v11 =	vadd.f32 v21, v25  }
0x57a: {  	v14 =	vmul.f32 v18, v16;
	v15 =	vmul.f32 v17, v15;
	v12 =	vld [tilespmem:s21+$0xFFFFFF20]  }
0x57b: {  	v17 =	vmul.f32 v22, v20;
	v16 =	vld [tilespmem:s26+$0xFFFFFF20];
	v18 =	vmul.f32 v23, v19  }
0x57c: {  	v9 =	vadd.f32 v6, v9;
	v7 =	vadd.f32 v8, v7;
	v8 =	vperm.xlane v11, v3;
	v19 =	vld [tilespmem:s21+$0xFFFFFF30]  }
0x57d: {  	v14 =	vadd.f32 v15, v14;
	v20 =	vld [tilespmem:s26+$0xFFFFFF30];
	v15 =	vadd.f32 v18, v17;
	v17 =	vperm.xlane v13, v3  }
0x57e: {  	v6 =	vmul.f32 v10, v26;
	v18 =	vld [tilespmem:s21+$0xFFFFFF40];
	v10 =	vadd.f32 v11, v8  }
0x57f: {  	v7 =	vadd.f32 v7, v9;
	v8 =	vld [tilespmem:s26+$0xFFFFFF40];
	v11 =	vadd.f32 v15, v14  }
0x580: {  	v9 =	vadd.f32 v13, v17;
	v12 =	vmul.f32 v16, v12;
	v14 =	vld [tilespmem:s21+$0xFFFFFF50]  }
0x581: {  	v13 =	vld [tilespmem:s26+$0xFFFFFF50];
	v11 =	vadd.f32 v11, v7  }
0x582: {  	v7 =	vmul.f32 v20, v19;
	v15 =	vld [tilespmem:s21+$0xFFFFFF60]  }
0x583: {  	v16 =	vld [tilespmem:s26+$0xFFFFFF60];
	v17 =	vperm.xlane v11, v2  }
0x584: {  	v8 =	vmul.f32 v8, v18;
	v18 =	vld [tilespmem:s21+$0xFFFFFF70];
	v7 =	vadd.f32 v7, v12  }
0x585: {  	v12 =	vld [tilespmem:s26+$0xFFFFFF70];
	v11 =	vadd.f32 v11, v17  }
0x586: {  	v13 =	vmul.f32 v13, v14;
	v14 =	vld [tilespmem:s21+$0xFFFFFF80]  }
0x587: {  	v17 =	vld [tilespmem:s26+$0xFFFFFF80];
	v19 =	vperm.xlane v11, v0  }
0x588: {  	v15 =	vmul.f32 v16, v15;
	v8 =	vadd.f32 v13, v8;
	v13 =	vld [tilespmem:s21+$0xFFFFFF90]  }
0x589: {  	v16 =	vld [tilespmem:s26+$0xFFFFFF90];
	v11 =	vadd.f32 v11, v19  }
0x58a: {  	v12 =	vmul.f32 v12, v18;
	v18 =	vld [tilespmem:s21+$0xFFFFFFA0]  }
0x58b: {  	v19 =	vld [tilespmem:s26+$0xFFFFFFA0];
	v20 =	vperm.xlane v11, v1  }
0x58c: {  	v12 =	vadd.f32 v12, v15;
	v14 =	vmul.f32 v17, v14;
	v15 =	vld [tilespmem:s21+$0xFFFFFFB0]  }
0x58d: {  	s29 =	sadd.s32 $0x187, s31;
	v17 =	vld [tilespmem:s26+$0xFFFFFFB0];
	v11 =	vadd.f32 v11, v20  }
0x58e: {  	v8 =	vadd.f32 v12, v8;
	v12 =	vmul.f32 v16, v13;
	v13 =	vld [tilespmem:s21+$0xFFFFFFC0];
	v16 =	vmov s29  }
0x58f: {  	v20 =	vld [tilespmem:s26+$0xFFFFFFC0];
	v21 =	vperm.xlane v11, v3  }
0x590: {  	v18 =	vmul.f32 v19, v18;
	v19 =	vld [tilespmem:s21+$0xFFFFFFD0];
	v12 =	vadd.f32 v12, v14  }
0x591: {  	v14 =	vld [tilespmem:s26+$0xFFFFFFD0];
	v11 =	vadd.f32 v11, v21  }
0x592: {  	v15 =	vmul.f32 v17, v15;
	v17 =	vld [tilespmem:s21+$0xFFFFFFE0]  }
0x593: {  	[tilespmem:v16+s24+$0x0] =	vst.idx.add.f32.msk $0x1, v11  }
0x594: {  	v11 =	vmul.f32 v20, v13;
	v13 =	vld [tilespmem:s26+$0xFFFFFFE0];
	v15 =	vadd.f32 v15, v18  }
0x595: {  	v16 =	vld [tilespmem:s21+$0xFFFFFFF0]  }
0x596: {  	v14 =	vmul.f32 v14, v19;
	v18 =	vld [tilespmem:s26+$0xFFFFFFF0];
	v12 =	vadd.f32 v15, v12  }
0x597: {  	v15 =	vld [tilespmem:s21+$0x0]  }
0x598: {  	v11 =	vadd.f32 v14, v11;
	v14 =	vld [tilespmem:s26+$0x0]  }
0x599: {  	v13 =	vmul.f32 v13, v17;
	v17 =	vld [tilespmem:s21+$0x10]  }
0x59a: {  	v19 =	vld [tilespmem:s26+$0x10]  }
0x59b: {  	v16 =	vmul.f32 v18, v16;
	v18 =	vld [tilespmem:s21+$0x20]  }
0x59c: {  	v20 =	vld [tilespmem:s26+$0x20]  }
0x59d: {  	v13 =	vadd.f32 v16, v13;
	v14 =	vmul.f32 v14, v15;
	v15 =	vld [tilespmem:s21+$0x30]  }
0x59e: {  	s29 =	sadd.s32 $0x184, s0;
	v16 =	vld [tilespmem:s26+$0x30]  }
0x59f: {  	v11 =	vadd.f32 v13, v11;
	v13 =	vmul.f32 v19, v17;
	v17 =	vld [tilespmem:s21+$0x40];
	v19 =	vmov s29;
	s29 =	sadd.s32 $0x185, s0  }
0x5a0: {  	v21 =	vld [tilespmem:s26+$0x40];
	v19 =	vand.u32 $0xFFFFFFFC, v19;
	v22 =	vmov s29  }
0x5a1: {  	s29 =	sadd.s32 $0x186, s0;
	s0 =	smov.u32 s31;
	v11 =	vadd.f32 v11, v12;
	v12 =	vmul.f32 v20, v18;
	v18 =	vld [tilespmem:s21+$0x50];
	v13 =	vadd.f32 v13, v14  }
0x5a2: {  	v19 =	vbroadcast v19, $0x0;
	v14 =	vand.u32 $0xFFFFFFFD, v22;
	v22 =	vmov s29;
	v20 =	vld [tilespmem:s26+$0x50]  }
0x5a3: {  	v22 =	vand.u32 $0xFFFFFFFE, v22;
	v23 =	vperm.xlane v11, v2;
	v15 =	vmul.f32 v16, v15;
	v16 =	vld [tilespmem:s21+$0x60]  }
0x5a4: {  	v25 =	vbroadcast v14, $0x0;
	v22 =	vbroadcast v22, $0x0;
	v24 =	vld [tilespmem:s26+$0x60]  }
0x5a5: {  	v23 =	vadd.f32 v11, v23;
	v17 =	vmul.f32 v21, v17;
	v21 =	vld [tilespmem:s21+$0x70];
	v11 =	vadd.f32 v15, v12  }
0x5a6: {  	v15 =	vld [tilespmem:s26+$0x70]  }
.Ltmp6:
0x5a7: {  	v14 =	vld [tilespmem:s21+$0xFFFFFF00];
	v12 =	vperm.xlane v23, v0;
	v18 =	vmul.f32 v20, v18;
	v11 =	vadd.f32 v11, v13;
	(pc) =	sbr.rel @p0 .LBB2_14-.Ltmp6, $4  }
0x5a8: {  	[tilespmem:v19+s24+$0x0] =	vst.idx.add.f32.msk $0x1, v10  }
0x5a9: {  	v10 =	vadd.f32 v23, v12;
	v13 =	vmul.f32 v24, v16;
	v12 =	vadd.f32 v18, v17  }
0x5aa: {  	[tilespmem:v25+s24+$0x0] =	vst.idx.add.f32.msk $0x1, v4  }
0x5ab: {  	s21 =	sadd.s32 $0x200, s21;
	v4 =	vperm.xlane v10, v1;
	v15 =	vmul.f32 v15, v21;
	[tilespmem:v22+s24+$0x0] =	vst.idx.add.f32.msk $0x1, v9  }
0x5ac: {  	v5 =	vmul.f32 v5, v14;
	_ =	sdelay $0x1  }
0x5ad: {  	v5 =	vadd.f32 v6, v5  }
0x5ae: {  	v6 =	vadd.f32 v15, v13  }
0x5af: {  	v5 =	vadd.f32 v7, v5  }
0x5b0: {  	v6 =	vadd.f32 v6, v12  }
0x5b1: {  	v5 =	vadd.f32 v8, v5  }
0x5b2: {  	v6 =	vadd.f32 v6, v11  }
0x5b3: {  	v7 =	vperm.xlane v5, v2  }
0x5b4: {  	v8 =	vperm.xlane v6, v2  }
0x5b5: {  	v5 =	vadd.f32 v5, v7  }
0x5b6: {  	v6 =	vadd.f32 v6, v8  }
0x5b7: {  	v7 =	vperm.xlane v5, v0  }
0x5b8: {  	v8 =	vperm.xlane v6, v0  }
0x5b9: {  	v5 =	vadd.f32 v5, v7  }
0x5ba: {  	s29 =	sadd.s32 $0x186, s0;
	v6 =	vadd.f32 v6, v8  }
0x5bb: {  	v11 =	vmov s29;
	v7 =	vperm.xlane v5, v1  }
0x5bc: {  	s17 =	sadd.s32 $0x184, s0;
	v4 =	vadd.f32 v10, v4;
	v10 =	vand.u32 $0xFFFFFFFE, v11;
	v8 =	vperm.xlane v6, v1  }
0x5bd: {  	s26 =	sadd.s32 $0x185, s0;
	v9 =	vmov s17;
	v10 =	vbroadcast v10, $0x0;
	v5 =	vadd.f32 v5, v7  }
0x5be: {  	v7 =	vand.u32 $0xFFFFFFFC, v9;
	v9 =	vmov s26;
	v6 =	vadd.f32 v6, v8  }
0x5bf: {  	v7 =	vbroadcast v7, $0x0;
	v9 =	vand.u32 $0xFFFFFFFD, v9  }
0x5c0: {  	v9 =	vbroadcast v9, $0x0;
	v12 =	vperm.xlane v6, v3  }
0x5c1: {  	v8 =	vperm.xlane v5, v3  }
0x5c2: {  	v11 =	vperm.xlane v4, v3;
	v6 =	vadd.f32 v6, v12  }
0x5c3: {  	v5 =	vadd.f32 v5, v8  }
0x5c4: {  	v4 =	vadd.f32 v4, v11;
	[tilespmem:v10+s24+$0x0] =	vst.idx.add.f32.msk $0x1, v6  }
0x5c5: {  	[tilespmem:v7+s24+$0x0] =	vst.idx.add.f32.msk $0x1, v5  }
0x5c6: {  	[tilespmem:v9+s24+$0x0] =	vst.idx.add.f32.msk $0x1, v4  }
0x5c7: {  	_ =	swait.ge [sflag:s30], $0x2000  }
0x5c8: {  	[sflag:s30] =	ssyncset.done $0x0  }
0x5c9: {  	[sflag:s30] =	ssyncadd.s32 $0xFFFFE000  }
0x5ca: {  	_ =	swait.ge [sflag:s30], $0x2000  }
0x5cb: {  	[sflag:s30] =	ssyncset.done $0x0  }
0x5cc: {  	[sflag:s30] =	ssyncadd.s32 $0xFFFFE000  }
0x5cd: {  	_ =	swait.ge [sflag:s30], $0x40  }
0x5ce: {  	[sflag:s30] =	ssyncset.done $0x0  }
0x5cf: {  	[sflag:s30] =	ssyncadd.s32 $0xFFFFFFC0  }
0x5d0: {  	_ =	swait.ge [sflag:s30], $0x40  }
0x5d1: {  	[sflag:s30] =	ssyncset.done $0x0  }
0x5d2: {  	[sflag:s30] =	ssyncadd.s32 $0xFFFFFFC0  }
0x5d3: {  	v4 =	vld [tilespmem:$0x85C0]  }
0x5d4: {  	v5 =	vld [tilespmem:$0x87C0]  }
0x5d5: {  	v6 =	vld [tilespmem:$0x85D0]  }
0x5d6: {  	v7 =	vld [tilespmem:$0x87D0]  }
0x5d7: {  	v8 =	vld [tilespmem:$0x85E0]  }
0x5d8: {  	v9 =	vld [tilespmem:$0x87E0]  }
0x5d9: {  	v10 =	vld [tilespmem:$0x85F0]  }
0x5da: {  	v11 =	vld [tilespmem:$0x87F0];
	_ =	sdelay $0x1  }
0x5db: {  	v4 =	vadd.f32 v5, v4  }
0x5dc: {  	v5 =	vadd.f32 v7, v6  }
0x5dd: {  	[tilespmem:$0x89C0] =	vst v4;
	v4 =	vadd.f32 v9, v8  }
0x5de: {  	[tilespmem:$0x89D0] =	vst v5;
	v5 =	vadd.f32 v11, v10  }
0x5df: {  	[tilespmem:$0x89E0] =	vst v4  }
0x5e0: {  	s21 =	simm.s32 $0x2500;
	[tilespmem:$0x89F0] =	vst v5  }
0x5e1: {  	s26 =	simm.s32 $0x6500;
	v4 =	vld [tilespmem:s21+$0x80]  }
0x5e2: {  	v5 =	vld [tilespmem:s26+$0x80]  }
0x5e3: {  	v6 =	vld [tilespmem:s21+$0x90]  }
0x5e4: {  	v7 =	vld [tilespmem:s26+$0x90]  }
0x5e5: {  	v8 =	vld [tilespmem:s21+$0xA0]  }
0x5e6: {  	v9 =	vld [tilespmem:s26+$0xA0]  }
0x5e7: {  	v10 =	vld [tilespmem:s21+$0xB0]  }
0x5e8: {  	v11 =	vld [tilespmem:s26+$0xB0]  }
0x5e9: {  	v12 =	vld [tilespmem:s21+$0xC0]  }
0x5ea: {  	v13 =	vld [tilespmem:s26+$0xC0]  }
0x5eb: {  	v14 =	vld [tilespmem:s21+$0xD0]  }
0x5ec: {  	v15 =	vld [tilespmem:s26+$0xD0]  }
0x5ed: {  	v16 =	vld [tilespmem:s21+$0xE0]  }
0x5ee: {  	v17 =	vld [tilespmem:s26+$0xE0]  }
0x5ef: {  	v18 =	vld [tilespmem:s21+$0xF0]  }
0x5f0: {  	v19 =	vld [tilespmem:s26+$0xF0]  }
0x5f1: {  	v20 =	vld [tilespmem:s21+$0xFFFFFF10]  }
0x5f2: {  	v21 =	vld [tilespmem:s26+$0xFFFFFF10]  }
0x5f3: {  	v22 =	vld [tilespmem:s21+$0xFFFFFF20]  }
0x5f4: {  	v23 =	vld [tilespmem:s26+$0xFFFFFF20]  }
0x5f5: {  	v24 =	vld [tilespmem:s21+$0xFFFFFF30]  }
0x5f6: {  	v25 =	vld [tilespmem:s26+$0xFFFFFF30]  }
0x5f7: {  	v26 =	vld [tilespmem:s21+$0xFFFFFF40]  }
0x5f8: {  	v27 =	vld [tilespmem:s26+$0xFFFFFF40]  }
0x5f9: {  	v28 =	vld [tilespmem:s21+$0xFFFFFF50]  }
0x5fa: {  	v29 =	vld [tilespmem:s26+$0xFFFFFF50]  }
0x5fb: {  	v30 =	vld [tilespmem:s21+$0xFFFFFF60]  }
0x5fc: {  	v31 =	vld [tilespmem:s26+$0xFFFFFF60]  }
0x5fd: {  	v32 =	vld [tilespmem:s21+$0xFFFFFF70]  }
0x5fe: {  	v33 =	vld [tilespmem:s26+$0xFFFFFF70]  }
0x5ff: {  	v34 =	vld [tilespmem:s21+$0xFFFFFF80]  }
0x600: {  	v35 =	vld [tilespmem:s26+$0xFFFFFF80]  }
0x601: {  	v36 =	vld [tilespmem:s21+$0xFFFFFF90]  }
0x602: {  	v37 =	vld [tilespmem:s26+$0xFFFFFF90]  }
0x603: {  	v38 =	vld [tilespmem:s21+$0xFFFFFFA0]  }
0x604: {  	v39 =	vld [tilespmem:s26+$0xFFFFFFA0]  }
0x605: {  	v51 =	vld [tilespmem:s26+$0x0]  }
0x606: {  	v4 =	vmul.f32 v5, v4;
	v5 =	vmul.f32 v7, v6;
	v6 =	vld [tilespmem:s21+$0xFFFFFFB0]  }
0x607: {  	v7 =	vmul.f32 v9, v8;
	v8 =	vmul.f32 v11, v10;
	v9 =	vld [tilespmem:s26+$0xFFFFFFB0]  }
0x608: {  	v10 =	vmul.f32 v13, v12;
	v11 =	vmul.f32 v15, v14;
	v12 =	vld [tilespmem:s21+$0xFFFFFFC0]  }
0x609: {  	v13 =	vmul.f32 v17, v16;
	v14 =	vmul.f32 v19, v18;
	v15 =	vld [tilespmem:s26+$0xFFFFFFC0]  }
0x60a: {  	v4 =	vadd.f32 v5, v4;
	v5 =	vadd.f32 v8, v7;
	v7 =	vld [tilespmem:s21+$0xFFFFFFD0]  }
0x60b: {  	v8 =	vadd.f32 v11, v10;
	v10 =	vadd.f32 v14, v13;
	v11 =	vld [tilespmem:s26+$0xFFFFFFD0]  }
0x60c: {  	v13 =	vld [tilespmem:s21+$0xFFFFFFE0]  }
0x60d: {  	v4 =	vadd.f32 v5, v4;
	v5 =	vadd.f32 v10, v8;
	v8 =	vld [tilespmem:s26+$0xFFFFFFE0]  }
0x60e: {  	v10 =	vld [tilespmem:s21+$0xFFFFFFF0]  }
0x60f: {  	v4 =	vadd.f32 v5, v4;
	v5 =	vld [tilespmem:s26+$0xFFFFFFF0]  }
0x610: {  	v53 =	vld [tilespmem:s26+$0x40];
	v50 =	vmul.f32 v37, v36  }
0x611: {  	v56 =	vld [tilespmem:s21+$0x50];
	v52 =	vmul.f32 v39, v38;
	v17 =	vperm.xlane v4, v2  }
0x612: {  	v58 =	vld [tilespmem:s26+$0x50];
	v14 =	vmul.f32 v35, v34;
	v6 =	vmul.f32 v9, v6  }
0x613: {  	v60 =	vld [tilespmem:s21+$0x60];
	v12 =	vmul.f32 v15, v12;
	v7 =	vmul.f32 v11, v7;
	v4 =	vadd.f32 v4, v17  }
0x614: {  	v9 =	vld [tilespmem:s21+$0x10];
	v8 =	vmul.f32 v8, v13;
	v5 =	vmul.f32 v5, v10  }
0x615: {  	v15 =	vld [tilespmem:s26+$0x20];
	v6 =	vadd.f32 v6, v52;
	v13 =	vadd.f32 v50, v14;
	v14 =	vperm.xlane v4, v0  }
0x616: {  	v11 =	vld [tilespmem:s26+$0x10];
	v7 =	vadd.f32 v7, v12;
	v5 =	vadd.f32 v5, v8  }
0x617: {  	v12 =	vld [tilespmem:s26+$0x30];
	v4 =	vadd.f32 v4, v14  }
0x618: {  	v10 =	vld [tilespmem:s21+$0x20];
	v6 =	vadd.f32 v6, v13;
	v5 =	vadd.f32 v5, v7  }
0x619: {  	v54 =	vmul.f32 v29, v28;
	v8 =	vld [tilespmem:s21+$0x30];
	v55 =	vperm.xlane v4, v1  }
0x61a: {  	v16 =	vld [tilespmem:s21+$0x0];
	v57 =	vmul.f32 v33, v32;
	v17 =	vmul.f32 v27, v26;
	v5 =	vadd.f32 v5, v6  }
0x61b: {  	s31 =	simm.s32 $0x1C3;
	v62 =	vld [tilespmem:s26+$0x60];
	v14 =	vmul.f32 v23, v22;
	v7 =	vmul.f32 v25, v24;
	v4 =	vadd.f32 v4, v55  }
0x61c: {  	v61 =	vmov s31;
	v13 =	vld [tilespmem:s21+$0x40];
	v9 =	vmul.f32 v11, v9;
	v59 =	vperm.xlane v5, v2  }
0x61d: {  	v63 =	vld [tilespmem:s21+$0x70];
	v6 =	vmul.f32 v31, v30;
	v7 =	vadd.f32 v7, v14;
	v11 =	vperm.xlane v4, v3  }
0x61e: {  	v14 =	vld [tilespmem:s21+$0xFFFFFF00];
	v22 =	vadd.f32 v5, v59;
	v5 =	vmul.f32 v15, v10;
	v10 =	vmul.f32 v12, v8  }
0x61f: {  	v16 =	vmul.f32 v51, v16;
	v17 =	vadd.f32 v54, v17;
	v6 =	vadd.f32 v57, v6;
	v15 =	vld [tilespmem:s26+$0x70]  }
0x620: {  	v4 =	vadd.f32 v4, v11;
	v11 =	vperm.xlane v22, v0;
	v12 =	vadd.f32 v10, v5;
	v5 =	vld [tilespmem:s26+$0xFFFFFF00]  }
0x621: {  	v9 =	vadd.f32 v9, v16;
	v16 =	vmul.f32 v53, v13;
	v13 =	vmul.f32 v62, v60  }
0x622: {  	v8 =	vadd.f32 v6, v17;
	v17 =	vmul.f32 v58, v56;
	v10 =	vadd.f32 v22, v11  }
0x623: {  	v6 =	vmul.f32 v21, v20;
	[tilespmem:v61+s24+$0x0] =	vst.idx.add.f32.msk $0x1, v4;
	v11 =	vadd.f32 v12, v9  }
0x624: {  	s0 =	simm.s32 $0xFFFFFFFC;
	s17 =	simm.s32 $0x0;
	s21 =	simm.s32 $0x2700;
	v12 =	vadd.f32 v17, v16;
	v15 =	vmul.f32 v15, v63;
	v4 =	vperm.xlane v10, v1  }
.LBB2_16:
0x625: {  	v9 =	vld [tilespmem:s21+$0x80];
	v5 =	vmul.f32 v5, v14;
	s26 =	sadd.s32 $0x200, s26;
	s31 =	smov.u32 s17  }
0x626: {  	v14 =	vld [tilespmem:s26+$0x80];
	v4 =	vadd.f32 v10, v4;
	v10 =	vadd.f32 v15, v13  }
0x627: {  	v13 =	vld [tilespmem:s21+$0x90];
	v5 =	vadd.f32 v6, v5  }
0x628: {  	v6 =	vld [tilespmem:s26+$0x90];
	v15 =	vperm.xlane v4, v3;
	v10 =	vadd.f32 v10, v12  }
0x629: {  	v12 =	vld [tilespmem:s21+$0xA0];
	v5 =	vadd.f32 v7, v5  }
0x62a: {  	v7 =	vld [tilespmem:s26+$0xA0];
	v4 =	vadd.f32 v4, v15;
	v10 =	vadd.f32 v10, v11  }
0x62b: {  	v11 =	vld [tilespmem:s21+$0xB0];
	v5 =	vadd.f32 v8, v5  }
0x62c: {  	v8 =	vld [tilespmem:s26+$0xB0];
	v15 =	vperm.xlane v10, v2  }
0x62d: {  	v16 =	vld [tilespmem:s21+$0xC0];
	v17 =	vperm.xlane v5, v2  }
0x62e: {  	v18 =	vld [tilespmem:s26+$0xC0];
	v10 =	vadd.f32 v10, v15  }
0x62f: {  	v15 =	vld [tilespmem:s21+$0xD0];
	v5 =	vadd.f32 v5, v17  }
0x630: {  	v17 =	vld [tilespmem:s26+$0xD0];
	v19 =	vperm.xlane v10, v0  }
0x631: {  	v20 =	vld [tilespmem:s21+$0xE0];
	v21 =	vperm.xlane v5, v0  }
0x632: {  	v22 =	vld [tilespmem:s26+$0xE0];
	v10 =	vadd.f32 v10, v19  }
0x633: {  	v19 =	vld [tilespmem:s21+$0xF0];
	v21 =	vadd.f32 v5, v21  }
0x634: {  	s17 =	sadd.s32 $0x4, s17;
	v23 =	vld [tilespmem:s26+$0xF0];
	v24 =	vperm.xlane v10, v1  }
0x635: {  	p0 =	slt.u32 s17, $0x3C;
	v5 =	vld [tilespmem:s26+$0xFFFFFF00];
	v25 =	vperm.xlane v21, v1  }
0x636: {  	v9 =	vmul.f32 v14, v9;
	v6 =	vmul.f32 v6, v13;
	v26 =	vld [tilespmem:s21+$0xFFFFFF10];
	v13 =	vadd.f32 v10, v24  }
0x637: {  	v7 =	vmul.f32 v7, v12;
	v8 =	vmul.f32 v8, v11;
	v10 =	vld [tilespmem:s26+$0xFFFFFF10];
	v11 =	vadd.f32 v21, v25  }
0x638: {  	v14 =	vmul.f32 v18, v16;
	v15 =	vmul.f32 v17, v15;
	v12 =	vld [tilespmem:s21+$0xFFFFFF20]  }
0x639: {  	v17 =	vmul.f32 v22, v20;
	v16 =	vld [tilespmem:s26+$0xFFFFFF20];
	v18 =	vmul.f32 v23, v19  }
0x63a: {  	v9 =	vadd.f32 v6, v9;
	v7 =	vadd.f32 v8, v7;
	v8 =	vperm.xlane v11, v3;
	v19 =	vld [tilespmem:s21+$0xFFFFFF30]  }
0x63b: {  	v14 =	vadd.f32 v15, v14;
	v20 =	vld [tilespmem:s26+$0xFFFFFF30];
	v15 =	vadd.f32 v18, v17;
	v17 =	vperm.xlane v13, v3  }
0x63c: {  	v6 =	vmul.f32 v10, v26;
	v18 =	vld [tilespmem:s21+$0xFFFFFF40];
	v10 =	vadd.f32 v11, v8  }
0x63d: {  	v7 =	vadd.f32 v7, v9;
	v8 =	vld [tilespmem:s26+$0xFFFFFF40];
	v11 =	vadd.f32 v15, v14  }
0x63e: {  	v9 =	vadd.f32 v13, v17;
	v12 =	vmul.f32 v16, v12;
	v14 =	vld [tilespmem:s21+$0xFFFFFF50]  }
0x63f: {  	v13 =	vld [tilespmem:s26+$0xFFFFFF50];
	v11 =	vadd.f32 v11, v7  }
0x640: {  	v7 =	vmul.f32 v20, v19;
	v15 =	vld [tilespmem:s21+$0xFFFFFF60]  }
0x641: {  	v16 =	vld [tilespmem:s26+$0xFFFFFF60];
	v17 =	vperm.xlane v11, v2  }
0x642: {  	v8 =	vmul.f32 v8, v18;
	v18 =	vld [tilespmem:s21+$0xFFFFFF70];
	v7 =	vadd.f32 v7, v12  }
0x643: {  	v12 =	vld [tilespmem:s26+$0xFFFFFF70];
	v11 =	vadd.f32 v11, v17  }
0x644: {  	v13 =	vmul.f32 v13, v14;
	v14 =	vld [tilespmem:s21+$0xFFFFFF80]  }
0x645: {  	v17 =	vld [tilespmem:s26+$0xFFFFFF80];
	v19 =	vperm.xlane v11, v0  }
0x646: {  	v15 =	vmul.f32 v16, v15;
	v8 =	vadd.f32 v13, v8;
	v13 =	vld [tilespmem:s21+$0xFFFFFF90]  }
0x647: {  	v16 =	vld [tilespmem:s26+$0xFFFFFF90];
	v11 =	vadd.f32 v11, v19  }
0x648: {  	v12 =	vmul.f32 v12, v18;
	v18 =	vld [tilespmem:s21+$0xFFFFFFA0]  }
0x649: {  	v19 =	vld [tilespmem:s26+$0xFFFFFFA0];
	v20 =	vperm.xlane v11, v1  }
0x64a: {  	v12 =	vadd.f32 v12, v15;
	v14 =	vmul.f32 v17, v14;
	v15 =	vld [tilespmem:s21+$0xFFFFFFB0]  }
0x64b: {  	s29 =	sadd.s32 $0x1C7, s31;
	v17 =	vld [tilespmem:s26+$0xFFFFFFB0];
	v11 =	vadd.f32 v11, v20  }
0x64c: {  	v8 =	vadd.f32 v12, v8;
	v12 =	vmul.f32 v16, v13;
	v13 =	vld [tilespmem:s21+$0xFFFFFFC0];
	v16 =	vmov s29  }
0x64d: {  	v20 =	vld [tilespmem:s26+$0xFFFFFFC0];
	v21 =	vperm.xlane v11, v3  }
0x64e: {  	v18 =	vmul.f32 v19, v18;
	v19 =	vld [tilespmem:s21+$0xFFFFFFD0];
	v12 =	vadd.f32 v12, v14  }
0x64f: {  	v14 =	vld [tilespmem:s26+$0xFFFFFFD0];
	v11 =	vadd.f32 v11, v21  }
0x650: {  	v15 =	vmul.f32 v17, v15;
	v17 =	vld [tilespmem:s21+$0xFFFFFFE0]  }
0x651: {  	[tilespmem:v16+s24+$0x0] =	vst.idx.add.f32.msk $0x1, v11  }
0x652: {  	v11 =	vmul.f32 v20, v13;
	v13 =	vld [tilespmem:s26+$0xFFFFFFE0];
	v15 =	vadd.f32 v15, v18  }
0x653: {  	v16 =	vld [tilespmem:s21+$0xFFFFFFF0]  }
0x654: {  	v14 =	vmul.f32 v14, v19;
	v18 =	vld [tilespmem:s26+$0xFFFFFFF0];
	v12 =	vadd.f32 v15, v12  }
0x655: {  	v15 =	vld [tilespmem:s21+$0x0]  }
0x656: {  	v11 =	vadd.f32 v14, v11;
	v14 =	vld [tilespmem:s26+$0x0]  }
0x657: {  	v13 =	vmul.f32 v13, v17;
	v17 =	vld [tilespmem:s21+$0x10]  }
0x658: {  	v19 =	vld [tilespmem:s26+$0x10]  }
0x659: {  	v16 =	vmul.f32 v18, v16;
	v18 =	vld [tilespmem:s21+$0x20]  }
0x65a: {  	v20 =	vld [tilespmem:s26+$0x20]  }
0x65b: {  	v13 =	vadd.f32 v16, v13;
	v14 =	vmul.f32 v14, v15;
	v15 =	vld [tilespmem:s21+$0x30]  }
0x65c: {  	s29 =	sadd.s32 $0x1C4, s0;
	v16 =	vld [tilespmem:s26+$0x30]  }
0x65d: {  	v11 =	vadd.f32 v13, v11;
	v13 =	vmul.f32 v19, v17;
	v17 =	vld [tilespmem:s21+$0x40];
	v19 =	vmov s29;
	s29 =	sadd.s32 $0x1C5, s0  }
0x65e: {  	v21 =	vld [tilespmem:s26+$0x40];
	v19 =	vand.u32 $0xFFFFFFFC, v19;
	v22 =	vmov s29  }
0x65f: {  	s29 =	sadd.s32 $0x1C6, s0;
	s0 =	smov.u32 s31;
	v11 =	vadd.f32 v11, v12;
	v12 =	vmul.f32 v20, v18;
	v18 =	vld [tilespmem:s21+$0x50];
	v13 =	vadd.f32 v13, v14  }
0x660: {  	v19 =	vbroadcast v19, $0x0;
	v14 =	vand.u32 $0xFFFFFFFD, v22;
	v22 =	vmov s29;
	v20 =	vld [tilespmem:s26+$0x50]  }
0x661: {  	v22 =	vand.u32 $0xFFFFFFFE, v22;
	v23 =	vperm.xlane v11, v2;
	v15 =	vmul.f32 v16, v15;
	v16 =	vld [tilespmem:s21+$0x60]  }
0x662: {  	v25 =	vbroadcast v14, $0x0;
	v22 =	vbroadcast v22, $0x0;
	v24 =	vld [tilespmem:s26+$0x60]  }
0x663: {  	v23 =	vadd.f32 v11, v23;
	v17 =	vmul.f32 v21, v17;
	v21 =	vld [tilespmem:s21+$0x70];
	v11 =	vadd.f32 v15, v12  }
0x664: {  	v15 =	vld [tilespmem:s26+$0x70]  }
.Ltmp7:
0x665: {  	v14 =	vld [tilespmem:s21+$0xFFFFFF00];
	v12 =	vperm.xlane v23, v0;
	v18 =	vmul.f32 v20, v18;
	v11 =	vadd.f32 v11, v13;
	(pc) =	sbr.rel @p0 .LBB2_16-.Ltmp7, $4  }
0x666: {  	[tilespmem:v19+s24+$0x0] =	vst.idx.add.f32.msk $0x1, v10  }
0x667: {  	v10 =	vadd.f32 v23, v12;
	v13 =	vmul.f32 v24, v16;
	v12 =	vadd.f32 v18, v17  }
0x668: {  	[tilespmem:v25+s24+$0x0] =	vst.idx.add.f32.msk $0x1, v4  }
0x669: {  	s21 =	sadd.s32 $0x200, s21;
	v4 =	vperm.xlane v10, v1;
	v15 =	vmul.f32 v15, v21;
	[tilespmem:v22+s24+$0x0] =	vst.idx.add.f32.msk $0x1, v9  }
0x66a: {  	v5 =	vmul.f32 v5, v14  }
0x66b: {  	v54 =	vadd.f32 v15, v13  }
0x66c: {  	v5 =	vadd.f32 v6, v5  }
0x66d: {  	v6 =	vadd.f32 v54, v12  }
0x66e: {  	v5 =	vadd.f32 v7, v5  }
0x66f: {  	v6 =	vadd.f32 v6, v11  }
0x670: {  	v5 =	vadd.f32 v8, v5  }
0x671: {  	v56 =	vperm.xlane v6, v2  }
0x672: {  	v55 =	vperm.xlane v5, v2  }
0x673: {  	v6 =	vadd.f32 v6, v56  }
0x674: {  	v5 =	vadd.f32 v5, v55  }
0x675: {  	v8 =	vperm.xlane v6, v0  }
0x676: {  	s17 =	sadd.s32 $0x1C4, s0;
	s29 =	sadd.s32 $0x1C5, s0;
	v7 =	vperm.xlane v5, v0  }
0x677: {  	s31 =	sadd.s32 $0x1C6, s0;
	v9 =	vmov s17;
	v58 =	vmov s29;
	v6 =	vadd.f32 v6, v8  }
0x678: {  	v59 =	vmov s31;
	v4 =	vadd.f32 v10, v4;
	v5 =	vadd.f32 v5, v7  }
0x679: {  	v57 =	vand.u32 $0xFFFFFFFC, v9;
	v9 =	vand.u32 $0xFFFFFFFD, v58;
	v8 =	vperm.xlane v6, v1  }
0x67a: {  	v60 =	vand.u32 $0xFFFFFFFE, v59;
	v9 =	vbroadcast v9, $0x0;
	v7 =	vperm.xlane v5, v1  }
0x67b: {  	v10 =	vbroadcast v60, $0x0;
	v6 =	vadd.f32 v6, v8  }
0x67c: {  	v62 =	vperm.xlane v4, v3;
	v5 =	vadd.f32 v5, v7;
	v7 =	vbroadcast v57, $0x0  }
0x67d: {  	v63 =	vperm.xlane v6, v3  }
0x67e: {  	v4 =	vadd.f32 v4, v62;
	v61 =	vperm.xlane v5, v3  }
0x67f: {  	v6 =	vadd.f32 v6, v63  }
0x680: {  	s25 =	sadd.s32 $0x1, s25;
	[tilespmem:v9+s24+$0x0] =	vst.idx.add.f32.msk $0x1, v4;
	v5 =	vadd.f32 v5, v61  }
0x681: {  	p0 =	sne.s32 s25, s10;
	[tilespmem:v10+s24+$0x0] =	vst.idx.add.f32.msk $0x1, v6  }
.Ltmp8:
0x682: {  	[tilespmem:v7+s24+$0x0] =	vst.idx.add.f32.msk $0x1, v5;
	(pc) =	sbr.rel @p0 .LBB2_1-.Ltmp8, $4  }
0x683: {  	[hbm4b:s9+s5] =	stream.linear.scatter [tilespmem:s24], [sflag:$0x3], $0x200, $0x38;
	[tilespmem:$0x8A00] =	vst v63  }
0x684: {  	_ =	swait.ge [sflag:s11], $0x200  }
0x685: {  	[sflag:s11] =	ssyncset.done $0x0  }
0x686: {  	[sflag:s11] =	ssyncadd.s32 $0xFFFFFE00  }
0x687: {  	_ =	sfence.sel $0x180000  }
0x688: {  	[bflag:$0x0] =	sbarrier.arrive $0xFFFF  }
0x689: {  	_ =	strace $0x90000047  }
0x68a: {  	s0 =	stileid.u32;
	[bflag:$0x2] =	sbarrier.arrive $0xFFFF  }
0x68b: {  	p0 =	sne.s32 s0, $0x0;
	s0 =	rddreg [dreg:$0x6]  }
0x68c: {  	s0 =	sadd.s32 @!p0 $0x100000, s0  }
0x68d: {  	[sflag:s0] =	ssyncadd.tile.s32 @!p0 $0x1;
	_ =	shalt  }
.Lfunc_end2:
_tile_overlayer_lowered:
.L_overlay_start_2:
0x68e: {  	(tag) =	ssettag $0x2  }
0x68f: {  	s0 =	rddreg [dreg:$0x0];
	s2 =	stileid.u32  }
0x690: {  	s1 =	rddreg [dreg:$0x1];
	p0 =	sne.s32 s2, $0x0  }
0x691: {  	s3 =	rddreg [dreg:$0x2];
	[bflag:$0x3] =	sbarrier.arrive $0xFFFF;
	s2 =	simm.s32 @!p0 $0x1C03  }
0x692: {  	[timem:s3], [sflag:s2] =	dma.local @!p0 [hbm:s0], s1  }
0x693: {  	s0 =	simm.s32 @!p0 $0x3  }
0x694: {  	_ =	swait.ge @!p0 [sflag:s0], s1  }
0x695: {  	s1 =	ssub.s32 @!p0 $0x0, s1;
	[sflag:s0] =	ssyncset.done @!p0 $0x0  }
0x696: {  	[sflag:s0] =	ssyncadd.s32 @!p0 s1  }
0x697: {  	[bflag:$0x3] =	sbarrier.arrive $0xFFFF  }
0x698: {  	_ =	shalt  }

</sc_bundles>
